<compile_context>
chip_gen: v7x
topology: tpu7x:2x2x1
jax: 0.10.2.dev20260603
libtpu: 0.0.44.dev20260713+nightly
codegen_flags: <defaults>
</compile_context>

<pallas_src>
import functools

import jax
import jax.numpy as jnp
from jax import lax
from jax.experimental import pallas as pl
from jax.experimental.pallas import tpu as pltpu
from jax.experimental.pallas import tpu_sc as plsc

N = 10000
E = 320000
D = 128
H = 64

NP = 10240
RPT = NP // 16
K = 128
NW = 32
ET = E + N
CPT = 84
ETP = NW * K * CPT
NCHUNK = ETP // K
ZR = 64

_mesh = plsc.VectorSubcoreMesh(core_axis_name="c", subcore_axis_name="s")



@functools.partial(
    pl.kernel,
    out_type=jax.ShapeDtypeStruct((2, NP, H), jnp.float32),
    mesh=_mesh,
    compiler_params=pltpu.CompilerParams(use_tc_tiling_on_sc=False),
    scratch_types=[
        pltpu.VMEM((2 * CPT, K), jnp.int32),
        pltpu.VMEM((K, H), jnp.float32),
        pltpu.VMEM((K, H), jnp.float32),
        pltpu.VMEM((K, H), jnp.float32),
        pltpu.VMEM((K, H), jnp.float32),
        pltpu.VMEM((ZR, H), jnp.float32),
        pltpu.VMEM_SHARED((NP, H), jnp.float32),
        pltpu.SemaphoreType.DMA,
        pltpu.SemaphoreType.DMA,
        pltpu.SemaphoreType.DMA,
        pltpu.SemaphoreType.DMA,
        pltpu.SemaphoreType.DMA,
        pltpu.SemaphoreType.DMA,
        pltpu.SemaphoreType.DMA,
        pltpu.SemaphoreType.DMA,
    ],
)
def _sc_scatter(g_hbm, edges_hbm, out_hbm, idx_all, r0, r1, r2, r3, zbuf, acc,
                sg0, sg1, sg2, sg3, ss0, ss1, ss2, ss3):
    c = lax.axis_index("c")
    s = lax.axis_index("s")
    wid = s * 2 + c
    rows = (r0, r1, r2, r3)
    sg = (sg0, sg1, sg2, sg3)
    ss = (ss0, ss1, ss2, ss3)

    pltpu.sync_copy(edges_hbm.at[pl.ds(wid * 2 * CPT, 2 * CPT)], idx_all)

    def _zrow(i, carry):
        for j in range(H // 16):
            zbuf[i, pl.ds(j * 16, 16)] = jnp.zeros((16,), jnp.float32)
        return carry

    lax.fori_loop(0, ZR, _zrow, 0)
    for k in range(RPT // ZR):
        pltpu.sync_copy(zbuf, acc.at[pl.ds(s * RPT + k * ZR, ZR)])
    plsc.subcore_barrier()

    pltpu.async_copy(g_hbm.at[idx_all.at[0]], r0, sg0)
    pltpu.async_copy(g_hbm.at[idx_all.at[2]], r1, sg1)

    def _outer(t, carry):
        for b in range(4):
            i = t * 4 + b
            b2 = (b + 2) % 4
            pltpu.make_async_copy(g_hbm.at[idx_all.at[2 * i]],
                                  rows[b], sg[b]).wait()
            pltpu.async_copy(rows[b], acc.at[idx_all.at[2 * i + 1]],
                             ss[b], add=True)

            @pl.when(i >= 2)
            def _drain():
                pltpu.make_async_copy(
                    rows[b2], acc.at[idx_all.at[2 * (i - 2) + 1]],
                    ss[b2]).wait()

            @pl.when(i + 2 < CPT)
            def _next():
                pltpu.async_copy(g_hbm.at[idx_all.at[2 * (i + 2)]],
                                 rows[b2], sg[b2])
        return carry

    lax.fori_loop(0, CPT // 4, _outer, 0)
    pltpu.make_async_copy(rows[(CPT - 2) % 4],
                          acc.at[idx_all.at[2 * (CPT - 2) + 1]],
                          ss[(CPT - 2) % 4]).wait()
    pltpu.make_async_copy(rows[(CPT - 1) % 4],
                          acc.at[idx_all.at[2 * (CPT - 1) + 1]],
                          ss[(CPT - 1) % 4]).wait()
    plsc.subcore_barrier()
    pltpu.sync_copy(acc.at[pl.ds(s * RPT, RPT)],
                    out_hbm.at[c, pl.ds(s * RPT, RPT)])


@functools.partial(
    pl.kernel,
    out_type=jax.ShapeDtypeStruct((2, NP, 16), jnp.float32),
    mesh=_mesh,
    compiler_params=pltpu.CompilerParams(use_tc_tiling_on_sc=False),
    scratch_types=[
        pltpu.VMEM((2 * CPT, K), jnp.int32),
        pltpu.VMEM((K, 16), jnp.float32),
        pltpu.VMEM((ZR, 16), jnp.float32),
        pltpu.VMEM_SHARED((NP, 16), jnp.float32),
        pltpu.SemaphoreType.DMA,
    ],
)
def _sc_degree(edges_hbm, out_hbm, idx_all, ones_v, zbuf, deg, sem):
    c = lax.axis_index("c")
    s = lax.axis_index("s")
    wid = s * 2 + c
    Q = 8

    pltpu.sync_copy(edges_hbm.at[pl.ds(wid * 2 * CPT, 2 * CPT)], idx_all)

    def _fill(i, carry):
        ones_v[i, :] = jnp.ones((16,), jnp.float32)
        return carry

    lax.fori_loop(0, K, _fill, 0)

    def _zrow(i, carry):
        zbuf[i, :] = jnp.zeros((16,), jnp.float32)
        return carry

    lax.fori_loop(0, ZR, _zrow, 0)
    for k in range(RPT // ZR):
        pltpu.sync_copy(zbuf, deg.at[pl.ds(s * RPT + k * ZR, ZR)])
    plsc.subcore_barrier()

    def _edges(i, carry):
        pltpu.async_copy(ones_v, deg.at[idx_all.at[2 * i + 1]], sem, add=True)

        @pl.when(i >= Q)
        def _drain():
            pltpu.make_async_copy(ones_v, deg.at[idx_all.at[2 * (i - Q) + 1]],
                                  sem).wait()

        return carry

    lax.fori_loop(0, CPT, _edges, 0)
    for j in range(Q):
        pltpu.make_async_copy(ones_v, deg.at[idx_all.at[2 * (CPT - Q + j) + 1]],
                              sem).wait()
    plsc.subcore_barrier()
    pltpu.sync_copy(deg.at[pl.ds(s * RPT, RPT)],
                    out_hbm.at[c, pl.ds(s * RPT, RPT)])



BR = 512
GRID = NP // BR


def _dinv_of(deg_ref):
    d = deg_ref[0, :, 0:1] + deg_ref[1, :, 0:1]
    return lax.rsqrt(jnp.maximum(d, 1.0))


def _mm_body(x_ref, w_ref, o_ref):
    o_ref[...] = lax.dot_general(
        x_ref[...], w_ref[...], (((1,), (0,)), ((), ())),
        preferred_element_type=jnp.float32)


_mm = pl.pallas_call(
    _mm_body,
    grid=(GRID,),
    in_specs=[pl.BlockSpec((BR, D), lambda i: (i, 0)),
              pl.BlockSpec((D, H), lambda i: (0, 0))],
    out_specs=pl.BlockSpec((BR, H), lambda i: (i, 0)),
    out_shape=jax.ShapeDtypeStruct((NP, H), jnp.float32),
)


def _scale_body(deg_ref, m_ref, o_ref):
    o_ref[...] = _dinv_of(deg_ref) * m_ref[...]


_scale = pl.pallas_call(
    _scale_body,
    grid=(GRID,),
    in_specs=[pl.BlockSpec((2, BR, 16), lambda i: (0, i, 0)),
              pl.BlockSpec((BR, H), lambda i: (i, 0))],
    out_specs=pl.BlockSpec((BR, H), lambda i: (i, 0)),
    out_shape=jax.ShapeDtypeStruct((NP, H), jnp.float32),
)


def _layer_body(acc_ref, deg_ref, b_ref, w_ref, o_ref):
    dinv = _dinv_of(deg_ref)
    h = jnp.maximum(dinv * (acc_ref[0] + acc_ref[1]) + b_ref[...], 0.0)
    o_ref[...] = dinv * lax.dot_general(
        h, w_ref[...], (((1,), (0,)), ((), ())),
        preferred_element_type=jnp.float32)


_layer = pl.pallas_call(
    _layer_body,
    grid=(GRID,),
    in_specs=[pl.BlockSpec((2, BR, H), lambda i: (0, i, 0)),
              pl.BlockSpec((2, BR, 16), lambda i: (0, i, 0)),
              pl.BlockSpec((1, H), lambda i: (0, 0)),
              pl.BlockSpec((H, H), lambda i: (0, 0))],
    out_specs=pl.BlockSpec((BR, H), lambda i: (i, 0)),
    out_shape=jax.ShapeDtypeStruct((NP, H), jnp.float32),
)


def _head_body(acc_ref, deg_ref, lab_ref, b3_ref, l1w_ref, l1b_ref,
               l2w_ref, l2b_ref, p_ref, loss_ref, s_acc):
    i = pl.program_id(0)

    @pl.when(i == 0)
    def _init():
        s_acc[0] = 0.0
        s_acc[1] = 0.0
        s_acc[2] = 0.0

    dinv = _dinv_of(deg_ref)
    h = jnp.maximum(dinv * (acc_ref[0] + acc_ref[1]) + b3_ref[...], 0.0)
    t = jnp.maximum(
        lax.dot_general(h, l1w_ref[...], (((1,), (0,)), ((), ())),
                        preferred_element_type=jnp.float32) + l1b_ref[...],
        0.0)
    z = lax.dot_general(t, l2w_ref[...], (((1,), (0,)), ((), ())),
                        preferred_element_type=jnp.float32) + l2b_ref[...]
    p = 1.0 / (1.0 + jnp.exp(-z))
    p_ref[...] = p

    row = i * BR + lax.broadcasted_iota(jnp.int32, (BR, 1), 0)
    valid = row < N
    lab = jnp.where(valid, lab_ref[...], 0.0)
    pc = jnp.clip(p, 1e-7, 1.0 - 1e-7)
    bce = -(lab * jnp.log(pc) + (1.0 - lab) * jnp.log(1.0 - pc))
    bce = jnp.where(valid, bce, 0.0)
    s_acc[0] += jnp.sum(lab)
    s_acc[1] += jnp.sum(lab * bce)
    s_acc[2] += jnp.sum((1.0 - lab) * bce)

    pos = s_acc[0]
    cw = (jnp.float32(N) - pos) / jnp.maximum(pos, 1.0)
    loss_ref[...] = jnp.reshape((s_acc[2] + cw * s_acc[1]) / jnp.float32(N),
                                (1, 1))


_head = pl.pallas_call(
    _head_body,
    grid=(GRID,),
    in_specs=[pl.BlockSpec((2, BR, H), lambda i: (0, i, 0)),
              pl.BlockSpec((2, BR, 16), lambda i: (0, i, 0)),
              pl.BlockSpec((BR, 1), lambda i: (i, 0)),
              pl.BlockSpec((1, H), lambda i: (0, 0)),
              pl.BlockSpec((H, 128), lambda i: (0, 0)),
              pl.BlockSpec((1, 128), lambda i: (0, 0)),
              pl.BlockSpec((128, 1), lambda i: (0, 0)),
              pl.BlockSpec((1, 1), lambda i: (0, 0))],
    out_specs=[pl.BlockSpec((BR, 1), lambda i: (i, 0)),
               pl.BlockSpec((1, 1), lambda i: (0, 0))],
    out_shape=[jax.ShapeDtypeStruct((NP, 1), jnp.float32),
               jax.ShapeDtypeStruct((1, 1), jnp.float32)],
    scratch_shapes=[pltpu.SMEM((3,), jnp.float32)],
)



def kernel(x, edge_index, labels, W1, b1, W2, b2, W3, b3,
           lin1_W, lin1_b, lin2_W, lin2_b):
    loops = jnp.arange(N, dtype=jnp.int32)
    npad = ETP - ET
    pad_row = N + (jnp.arange(npad, dtype=jnp.int32) % (NP - N))
    src = jnp.concatenate([edge_index[0], loops, pad_row])
    dst = jnp.concatenate([edge_index[1], loops, pad_row])
    edges_packed = (jnp.stack([src, dst], 0)
                    .reshape(2, NCHUNK, K).transpose(1, 0, 2)
                    .reshape(2 * NCHUNK, K))

    x_pad = jnp.pad(x, ((0, NP - N), (0, 0)))
    lab_pad = jnp.pad(labels, ((0, NP - N), (0, 0)))
    b1r = b1.reshape(1, H)
    b2r = b2.reshape(1, H)
    b3r = b3.reshape(1, H)
    l1w = jnp.zeros((H, 128), jnp.float32).at[:, :8].set(lin1_W)
    l1b = jnp.zeros((1, 128), jnp.float32).at[0, :8].set(lin1_b)
    l2w = jnp.zeros((128, 1), jnp.float32).at[:8, :].set(lin2_W)
    l2b = lin2_b.reshape(1, 1)

    degp = _sc_degree(edges_packed)
    mm1 = _mm(x_pad, W1)
    g1 = _scale(degp, mm1)
    acc1 = _sc_scatter(g1, edges_packed)
    g2 = _layer(acc1, degp, b1r, W2)
    acc2 = _sc_scatter(g2, edges_packed)
    g3 = _layer(acc2, degp, b2r, W3)
    acc3 = _sc_scatter(g3, edges_packed)
    p_pad, loss2 = _head(acc3, degp, lab_pad, b3r, l1w, l1b, l2w, l2b)
    return (loss2[0, 0], p_pad[:N])

# --- scband reference (transcript-rebuilt; emitter-appended) ---
"""Pipeline reference for scband-basic-net-3221225472394 (READ-ONLY COPY).

The authoritative reference and input builder live on the scoring server;
editing this copy changes nothing except your own understanding.
"""

import jax, jax.numpy as jnp
import numpy as np

N = 10000
E = 320000
D = 128
H = 64


def setup_inputs(seed: int = 0):
    key = jax.random.key(seed)
    ks = jax.random.split(key, 12)
    x = jax.random.normal(ks[0], (N, D), dtype=jnp.float32)
    edge_index = jax.random.randint(ks[1], (2, E), 0, N, dtype=jnp.int32)
    labels = jax.random.randint(ks[2], (N, 1), 0, 2).astype(jnp.float32)
    W1 = jax.random.normal(ks[3], (D, H), dtype=jnp.float32) * (1.0 / np.sqrt(D))
    b1 = jnp.zeros((H,), dtype=jnp.float32)
    W2 = jax.random.normal(ks[4], (H, H), dtype=jnp.float32) * (1.0 / np.sqrt(H))
    b2 = jnp.zeros((H,), dtype=jnp.float32)
    W3 = jax.random.normal(ks[5], (H, H), dtype=jnp.float32) * (1.0 / np.sqrt(H))
    b3 = jnp.zeros((H,), dtype=jnp.float32)
    lin1_W = jax.random.normal(ks[6], (H, 8), dtype=jnp.float32) * (1.0 / np.sqrt(H))
    lin1_b = jnp.zeros((8,), dtype=jnp.float32)
    lin2_W = jax.random.normal(ks[7], (8, 1), dtype=jnp.float32) * (1.0 / np.sqrt(8))
    lin2_b = jnp.zeros((1,), dtype=jnp.float32)
    return {"x": x, "edge_index": edge_index, "labels": labels,
            "W1": W1, "b1": b1, "W2": W2, "b2": b2, "W3": W3, "b3": b3,
            "lin1_W": lin1_W, "lin1_b": lin1_b, "lin2_W": lin2_W, "lin2_b": lin2_b}


def generate_weights(labels):
    # class-balance weights: positive examples up-weighted by neg/pos ratio
    pos = jnp.sum(labels)
    neg = labels.size - pos
    return jnp.where(labels == 1.0, neg / jnp.maximum(pos, 1.0), 1.0)


def reference(x, edge_index, labels, W1, b1, W2, b2, W3, b3, lin1_W, lin1_b, lin2_W, lin2_b):
    n = x.shape[0]
    loops = jnp.arange(n, dtype=edge_index.dtype)
    src = jnp.concatenate([edge_index[0], loops])
    dst = jnp.concatenate([edge_index[1], loops])
    deg = jnp.zeros((n,), dtype=jnp.float32).at[dst].add(1.0)
    dinv = jax.lax.rsqrt(jnp.maximum(deg, 1.0))
    norm = (dinv[src] * dinv[dst])[:, None]

    def gcn_conv(h, W, b):
        h = h @ W
        msg = h[src] * norm
        out = jnp.zeros((n, W.shape[1]), dtype=h.dtype).at[dst].add(msg)
        return out + b

    h = jax.nn.relu(gcn_conv(x, W1, b1))
    # dropout is identity in eval mode
    h = jax.nn.relu(gcn_conv(h, W2, b2))
    h = jax.nn.relu(gcn_conv(h, W3, b3))
    h = jax.nn.relu(h @ lin1_W + lin1_b)
    p = jax.nn.sigmoid(h @ lin2_W + lin2_b)

    w = generate_weights(labels)
    pc = jnp.clip(p, 1e-7, 1.0 - 1e-7)
    bce = -(labels * jnp.log(pc) + (1.0 - labels) * jnp.log(1.0 - pc))
    loss = jnp.mean(w * bce)
    return (loss, p)

if __name__ == "__main__":
    import jax
    _d = setup_inputs()
    print(jax.jit(kernel)(*tuple(_d.values())))

</pallas_src>

<mosaic_0001>
#map = affine_map<(d0, d1) -> (0, 0)>
#map1 = affine_map<(d0, d1) -> (0, 0, 0)>
module attributes {stable_mosaic.version = 14 : i64} {
  func.func @_sc_scatter(%arg0: i32, %arg1: i32, %arg2: memref<10240x64xf32, #tpu.memory_space<hbm>>, %arg3: memref<5376x128xi32, #tpu.memory_space<hbm>>, %arg4: memref<2x10240x64xf32, #tpu.memory_space<hbm>>, %arg5: memref<168x128xi32, #tpu.memory_space<vmem>>, %arg6: memref<128x64xf32, #tpu.memory_space<vmem>>, %arg7: memref<128x64xf32, #tpu.memory_space<vmem>>, %arg8: memref<128x64xf32, #tpu.memory_space<vmem>>, %arg9: memref<128x64xf32, #tpu.memory_space<vmem>>, %arg10: memref<64x64xf32, #tpu.memory_space<vmem>>, %arg11: memref<10240x64xf32, #tpu.memory_space<vmem_shared>>, %arg12: memref<!tpu.dma_semaphore, #tpu.memory_space<semaphore_mem>>, %arg13: memref<!tpu.dma_semaphore, #tpu.memory_space<semaphore_mem>>, %arg14: memref<!tpu.dma_semaphore, #tpu.memory_space<semaphore_mem>>, %arg15: memref<!tpu.dma_semaphore, #tpu.memory_space<semaphore_mem>>, %arg16: memref<!tpu.dma_semaphore, #tpu.memory_space<semaphore_mem>>, %arg17: memref<!tpu.dma_semaphore, #tpu.memory_space<semaphore_mem>>, %arg18: memref<!tpu.dma_semaphore, #tpu.memory_space<semaphore_mem>>, %arg19: memref<!tpu.dma_semaphore, #tpu.memory_space<semaphore_mem>>) attributes {dimension_semantics = [#tpu.dimension_semantics<core_parallel>, #tpu.dimension_semantics<subcore_parallel>], iteration_bounds = array<i64: 2, 16>, scalar_prefetch = 0 : i64, scratch_operands = 15 : i64, tpu.core_type = #tpu.core_type<sc_vector_subcore>, window_params = [{transform_indices = #map}, {transform_indices = #map}, {transform_indices = #map1}]} {
    %mul3A = arith.constant 2 : i32
    %mul3A_0 = arith.muli %arg1, %mul3A : i32
    %add3A = arith.addi %mul3A_0, %arg0 : i32
    %mul3A_1 = arith.constant 2 : i32
    %mul3A_2 = arith.muli %add3A, %mul3A_1 : i32
    %mul3A_3 = arith.constant 84 : i32
    %mul3A_4 = arith.muli %mul3A_2, %mul3A_3 : i32
    "tpu.region"() ({
      %run_scoped3A = tpu.sem_alloc : memref<!tpu.dma_semaphore, #tpu.memory_space<semaphore_mem>>
      %dma_start3A_87 = arith.constant 0 : i32
      %dma_start3A_88 = tpu.memref_slice %arg3[%mul3A_4, %dma_start3A_87] : memref<5376x128xi32, #tpu.memory_space<hbm>> -> memref<168x128xi32, #tpu.memory_space<hbm>>
      %dma_start3A_89 = arith.constant 0 : i32
      %dma_start3A_90 = tpu.memref_slice %arg3[%mul3A_4, %dma_start3A_89] : memref<5376x128xi32, #tpu.memory_space<hbm>> -> memref<168x128xi32, #tpu.memory_space<hbm>>
      tpu.enqueue_dma source(%dma_start3A_90 : memref<168x128xi32, #tpu.memory_space<hbm>>) target(%arg5 : memref<168x128xi32, #tpu.memory_space<vmem>>) target_semaphore(%run_scoped3A : memref<!tpu.dma_semaphore, #tpu.memory_space<semaphore_mem>>)
      %dma_wait3A_91 = arith.constant 0 : i32
      %dma_wait3A_92 = tpu.memref_slice %arg3[%mul3A_4, %dma_wait3A_91] : memref<5376x128xi32, #tpu.memory_space<hbm>> -> memref<168x128xi32, #tpu.memory_space<hbm>>
      %dma_wait3A_93 = arith.constant 0 : i32
      %dma_wait3A_94 = tpu.memref_slice %arg3[%mul3A_4, %dma_wait3A_93] : memref<5376x128xi32, #tpu.memory_space<hbm>> -> memref<168x128xi32, #tpu.memory_space<hbm>>
      tpu.wait_dma2 semaphore(%run_scoped3A : memref<!tpu.dma_semaphore, #tpu.memory_space<semaphore_mem>>) src(%dma_wait3A_94 : memref<168x128xi32, #tpu.memory_space<hbm>>) dst(%arg5 : memref<168x128xi32, #tpu.memory_space<vmem>>)
      tpu.yield
    }) : () -> ()
    %scan3A = arith.constant 0 : i32
    %scan3A_5 = arith.constant 0 : i32
    %scan3A_6 = arith.constant 64 : i32
    %scan3A_7 = arith.addi %scan3A_5, %scan3A_6 : i32
    %scan3A_8 = arith.constant 1 : i32
    scf.for %scan3A_87 = %scan3A_5 to %scan3A_7 step %scan3A_8  : i32 {
      %broadcast_in_dim3A = arith.constant 0.000000e+00 : f32
      %broadcast_in_dim3A_88 = vector.broadcast %broadcast_in_dim3A : f32 to vector<16xf32>
      %swap3A = arith.index_cast %scan3A_87 : i32 to index
      %swap3A_89 = arith.constant 0 : index
      %swap3A_90 = tpu.vector_load %arg10[%swap3A, %swap3A_89] {strides = array<i32>} : memref<64x64xf32, #tpu.memory_space<vmem>>, vector<1x16xf32>,
      %swap3A_91 = vector.shape_cast %swap3A_90 : vector<1x16xf32> to vector<16xf32>
      %swap3A_92 = vector.shape_cast %broadcast_in_dim3A_88 : vector<16xf32> to vector<1x16xf32>
      tpu.vector_store %arg10[%swap3A, %swap3A_89], %swap3A_92 {strides = array<i32>} : memref<64x64xf32, #tpu.memory_space<vmem>>, vector<1x16xf32>,
      %broadcast_in_dim3A_93 = arith.constant 0.000000e+00 : f32
      %broadcast_in_dim3A_94 = vector.broadcast %broadcast_in_dim3A_93 : f32 to vector<16xf32>
      %swap3A_95 = arith.index_cast %scan3A_87 : i32 to index
      %swap3A_96 = arith.constant 16 : index
      %swap3A_97 = tpu.vector_load %arg10[%swap3A_95, %swap3A_96] {strides = array<i32>} : memref<64x64xf32, #tpu.memory_space<vmem>>, vector<1x16xf32>,
      %swap3A_98 = vector.shape_cast %swap3A_97 : vector<1x16xf32> to vector<16xf32>
      %swap3A_99 = vector.shape_cast %broadcast_in_dim3A_94 : vector<16xf32> to vector<1x16xf32>
      tpu.vector_store %arg10[%swap3A_95, %swap3A_96], %swap3A_99 {strides = array<i32>} : memref<64x64xf32, #tpu.memory_space<vmem>>, vector<1x16xf32>,
      %broadcast_in_dim3A_100 = arith.constant 0.000000e+00 : f32
      %broadcast_in_dim3A_101 = vector.broadcast %broadcast_in_dim3A_100 : f32 to vector<16xf32>
      %swap3A_102 = arith.index_cast %scan3A_87 : i32 to index
      %swap3A_103 = arith.constant 32 : index
      %swap3A_104 = tpu.vector_load %arg10[%swap3A_102, %swap3A_103] {strides = array<i32>} : memref<64x64xf32, #tpu.memory_space<vmem>>, vector<1x16xf32>,
      %swap3A_105 = vector.shape_cast %swap3A_104 : vector<1x16xf32> to vector<16xf32>
      %swap3A_106 = vector.shape_cast %broadcast_in_dim3A_101 : vector<16xf32> to vector<1x16xf32>
      tpu.vector_store %arg10[%swap3A_102, %swap3A_103], %swap3A_106 {strides = array<i32>} : memref<64x64xf32, #tpu.memory_space<vmem>>, vector<1x16xf32>,
      %broadcast_in_dim3A_107 = arith.constant 0.000000e+00 : f32
      %broadcast_in_dim3A_108 = vector.broadcast %broadcast_in_dim3A_107 : f32 to vector<16xf32>
      %swap3A_109 = arith.index_cast %scan3A_87 : i32 to index
      %swap3A_110 = arith.constant 48 : index
      %swap3A_111 = tpu.vector_load %arg10[%swap3A_109, %swap3A_110] {strides = array<i32>} : memref<64x64xf32, #tpu.memory_space<vmem>>, vector<1x16xf32>,
      %swap3A_112 = vector.shape_cast %swap3A_111 : vector<1x16xf32> to vector<16xf32>
      %swap3A_113 = vector.shape_cast %broadcast_in_dim3A_108 : vector<16xf32> to vector<1x16xf32>
      tpu.vector_store %arg10[%swap3A_109, %swap3A_110], %swap3A_113 {strides = array<i32>} : memref<64x64xf32, #tpu.memory_space<vmem>>, vector<1x16xf32>,
    }
    %scan3A_9 = arith.constant 64 : i32
    %mul3A_10 = arith.constant 640 : i32
    %mul3A_11 = arith.muli %arg1, %mul3A_10 : i32
    %add3A_12 = arith.constant 0 : i32
    %add3A_13 = arith.addi %mul3A_11, %add3A_12 : i32
    "tpu.region"() ({
      %run_scoped3A = tpu.sem_alloc : memref<!tpu.dma_semaphore, #tpu.memory_space<semaphore_mem>>
      %dma_start3A_87 = arith.constant 0 : i32
      %dma_start3A_88 = tpu.memref_slice %arg11[%add3A_13, %dma_start3A_87] : memref<10240x64xf32, #tpu.memory_space<vmem_shared>> -> memref<64x64xf32, #tpu.memory_space<vmem_shared>>
      %dma_start3A_89 = arith.constant 0 : i32
      %dma_start3A_90 = tpu.memref_slice %arg11[%add3A_13, %dma_start3A_89] : memref<10240x64xf32, #tpu.memory_space<vmem_shared>> -> memref<64x64xf32, #tpu.memory_space<vmem_shared>>
      tpu.enqueue_dma source(%arg10 : memref<64x64xf32, #tpu.memory_space<vmem>>) target(%dma_start3A_90 : memref<64x64xf32, #tpu.memory_space<vmem_shared>>) target_semaphore(%run_scoped3A : memref<!tpu.dma_semaphore, #tpu.memory_space<semaphore_mem>>)
      %dma_wait3A_91 = arith.constant 0 : i32
      %dma_wait3A_92 = tpu.memref_slice %arg11[%add3A_13, %dma_wait3A_91] : memref<10240x64xf32, #tpu.memory_space<vmem_shared>> -> memref<64x64xf32, #tpu.memory_space<vmem_shared>>
      %dma_wait3A_93 = arith.constant 0 : i32
      %dma_wait3A_94 = tpu.memref_slice %arg11[%add3A_13, %dma_wait3A_93] : memref<10240x64xf32, #tpu.memory_space<vmem_shared>> -> memref<64x64xf32, #tpu.memory_space<vmem_shared>>
      tpu.wait_dma2 semaphore(%run_scoped3A : memref<!tpu.dma_semaphore, #tpu.memory_space<semaphore_mem>>) src(%arg10 : memref<64x64xf32, #tpu.memory_space<vmem>>) dst(%dma_wait3A_94 : memref<64x64xf32, #tpu.memory_space<vmem_shared>>)
      tpu.yield
    }) : () -> ()
    %mul3A_14 = arith.constant 640 : i32
    %mul3A_15 = arith.muli %arg1, %mul3A_14 : i32
    %add3A_16 = arith.constant 64 : i32
    %add3A_17 = arith.addi %mul3A_15, %add3A_16 : i32
    "tpu.region"() ({
      %run_scoped3A = tpu.sem_alloc : memref<!tpu.dma_semaphore, #tpu.memory_space<semaphore_mem>>
      %dma_start3A_87 = arith.constant 0 : i32
      %dma_start3A_88 = tpu.memref_slice %arg11[%add3A_17, %dma_start3A_87] : memref<10240x64xf32, #tpu.memory_space<vmem_shared>> -> memref<64x64xf32, #tpu.memory_space<vmem_shared>>
      %dma_start3A_89 = arith.constant 0 : i32
      %dma_start3A_90 = tpu.memref_slice %arg11[%add3A_17, %dma_start3A_89] : memref<10240x64xf32, #tpu.memory_space<vmem_shared>> -> memref<64x64xf32, #tpu.memory_space<vmem_shared>>
      tpu.enqueue_dma source(%arg10 : memref<64x64xf32, #tpu.memory_space<vmem>>) target(%dma_start3A_90 : memref<64x64xf32, #tpu.memory_space<vmem_shared>>) target_semaphore(%run_scoped3A : memref<!tpu.dma_semaphore, #tpu.memory_space<semaphore_mem>>)
      %dma_wait3A_91 = arith.constant 0 : i32
      %dma_wait3A_92 = tpu.memref_slice %arg11[%add3A_17, %dma_wait3A_91] : memref<10240x64xf32, #tpu.memory_space<vmem_shared>> -> memref<64x64xf32, #tpu.memory_space<vmem_shared>>
      %dma_wait3A_93 = arith.constant 0 : i32
      %dma_wait3A_94 = tpu.memref_slice %arg11[%add3A_17, %dma_wait3A_93] : memref<10240x64xf32, #tpu.memory_space<vmem_shared>> -> memref<64x64xf32, #tpu.memory_space<vmem_shared>>
      tpu.wait_dma2 semaphore(%run_scoped3A : memref<!tpu.dma_semaphore, #tpu.memory_space<semaphore_mem>>) src(%arg10 : memref<64x64xf32, #tpu.memory_space<vmem>>) dst(%dma_wait3A_94 : memref<64x64xf32, #tpu.memory_space<vmem_shared>>)
      tpu.yield
    }) : () -> ()
    %mul3A_18 = arith.constant 640 : i32
    %mul3A_19 = arith.muli %arg1, %mul3A_18 : i32
    %add3A_20 = arith.constant 128 : i32
    %add3A_21 = arith.addi %mul3A_19, %add3A_20 : i32
    "tpu.region"() ({
      %run_scoped3A = tpu.sem_alloc : memref<!tpu.dma_semaphore, #tpu.memory_space<semaphore_mem>>
      %dma_start3A_87 = arith.constant 0 : i32
      %dma_start3A_88 = tpu.memref_slice %arg11[%add3A_21, %dma_start3A_87] : memref<10240x64xf32, #tpu.memory_space<vmem_shared>> -> memref<64x64xf32, #tpu.memory_space<vmem_shared>>
      %dma_start3A_89 = arith.constant 0 : i32
      %dma_start3A_90 = tpu.memref_slice %arg11[%add3A_21, %dma_start3A_89] : memref<10240x64xf32, #tpu.memory_space<vmem_shared>> -> memref<64x64xf32, #tpu.memory_space<vmem_shared>>
      tpu.enqueue_dma source(%arg10 : memref<64x64xf32, #tpu.memory_space<vmem>>) target(%dma_start3A_90 : memref<64x64xf32, #tpu.memory_space<vmem_shared>>) target_semaphore(%run_scoped3A : memref<!tpu.dma_semaphore, #tpu.memory_space<semaphore_mem>>)
      %dma_wait3A_91 = arith.constant 0 : i32
      %dma_wait3A_92 = tpu.memref_slice %arg11[%add3A_21, %dma_wait3A_91] : memref<10240x64xf32, #tpu.memory_space<vmem_shared>> -> memref<64x64xf32, #tpu.memory_space<vmem_shared>>
      %dma_wait3A_93 = arith.constant 0 : i32
      %dma_wait3A_94 = tpu.memref_slice %arg11[%add3A_21, %dma_wait3A_93] : memref<10240x64xf32, #tpu.memory_space<vmem_shared>> -> memref<64x64xf32, #tpu.memory_space<vmem_shared>>
      tpu.wait_dma2 semaphore(%run_scoped3A : memref<!tpu.dma_semaphore, #tpu.memory_space<semaphore_mem>>) src(%arg10 : memref<64x64xf32, #tpu.memory_space<vmem>>) dst(%dma_wait3A_94 : memref<64x64xf32, #tpu.memory_space<vmem_shared>>)
      tpu.yield
    }) : () -> ()
    %mul3A_22 = arith.constant 640 : i32
    %mul3A_23 = arith.muli %arg1, %mul3A_22 : i32
    %add3A_24 = arith.constant 192 : i32
    %add3A_25 = arith.addi %mul3A_23, %add3A_24 : i32
    "tpu.region"() ({
      %run_scoped3A = tpu.sem_alloc : memref<!tpu.dma_semaphore, #tpu.memory_space<semaphore_mem>>
      %dma_start3A_87 = arith.constant 0 : i32
      %dma_start3A_88 = tpu.memref_slice %arg11[%add3A_25, %dma_start3A_87] : memref<10240x64xf32, #tpu.memory_space<vmem_shared>> -> memref<64x64xf32, #tpu.memory_space<vmem_shared>>
      %dma_start3A_89 = arith.constant 0 : i32
      %dma_start3A_90 = tpu.memref_slice %arg11[%add3A_25, %dma_start3A_89] : memref<10240x64xf32, #tpu.memory_space<vmem_shared>> -> memref<64x64xf32, #tpu.memory_space<vmem_shared>>
      tpu.enqueue_dma source(%arg10 : memref<64x64xf32, #tpu.memory_space<vmem>>) target(%dma_start3A_90 : memref<64x64xf32, #tpu.memory_space<vmem_shared>>) target_semaphore(%run_scoped3A : memref<!tpu.dma_semaphore, #tpu.memory_space<semaphore_mem>>)
      %dma_wait3A_91 = arith.constant 0 : i32
      %dma_wait3A_92 = tpu.memref_slice %arg11[%add3A_25, %dma_wait3A_91] : memref<10240x64xf32, #tpu.memory_space<vmem_shared>> -> memref<64x64xf32, #tpu.memory_space<vmem_shared>>
      %dma_wait3A_93 = arith.constant 0 : i32
      %dma_wait3A_94 = tpu.memref_slice %arg11[%add3A_25, %dma_wait3A_93] : memref<10240x64xf32, #tpu.memory_space<vmem_shared>> -> memref<64x64xf32, #tpu.memory_space<vmem_shared>>
      tpu.wait_dma2 semaphore(%run_scoped3A : memref<!tpu.dma_semaphore, #tpu.memory_space<semaphore_mem>>) src(%arg10 : memref<64x64xf32, #tpu.memory_space<vmem>>) dst(%dma_wait3A_94 : memref<64x64xf32, #tpu.memory_space<vmem_shared>>)
      tpu.yield
    }) : () -> ()
    %mul3A_26 = arith.constant 640 : i32
    %mul3A_27 = arith.muli %arg1, %mul3A_26 : i32
    %add3A_28 = arith.constant 256 : i32
    %add3A_29 = arith.addi %mul3A_27, %add3A_28 : i32
    "tpu.region"() ({
      %run_scoped3A = tpu.sem_alloc : memref<!tpu.dma_semaphore, #tpu.memory_space<semaphore_mem>>
      %dma_start3A_87 = arith.constant 0 : i32
      %dma_start3A_88 = tpu.memref_slice %arg11[%add3A_29, %dma_start3A_87] : memref<10240x64xf32, #tpu.memory_space<vmem_shared>> -> memref<64x64xf32, #tpu.memory_space<vmem_shared>>
      %dma_start3A_89 = arith.constant 0 : i32
      %dma_start3A_90 = tpu.memref_slice %arg11[%add3A_29, %dma_start3A_89] : memref<10240x64xf32, #tpu.memory_space<vmem_shared>> -> memref<64x64xf32, #tpu.memory_space<vmem_shared>>
      tpu.enqueue_dma source(%arg10 : memref<64x64xf32, #tpu.memory_space<vmem>>) target(%dma_start3A_90 : memref<64x64xf32, #tpu.memory_space<vmem_shared>>) target_semaphore(%run_scoped3A : memref<!tpu.dma_semaphore, #tpu.memory_space<semaphore_mem>>)
      %dma_wait3A_91 = arith.constant 0 : i32
      %dma_wait3A_92 = tpu.memref_slice %arg11[%add3A_29, %dma_wait3A_91] : memref<10240x64xf32, #tpu.memory_space<vmem_shared>> -> memref<64x64xf32, #tpu.memory_space<vmem_shared>>
      %dma_wait3A_93 = arith.constant 0 : i32
      %dma_wait3A_94 = tpu.memref_slice %arg11[%add3A_29, %dma_wait3A_93] : memref<10240x64xf32, #tpu.memory_space<vmem_shared>> -> memref<64x64xf32, #tpu.memory_space<vmem_shared>>
      tpu.wait_dma2 semaphore(%run_scoped3A : memref<!tpu.dma_semaphore, #tpu.memory_space<semaphore_mem>>) src(%arg10 : memref<64x64xf32, #tpu.memory_space<vmem>>) dst(%dma_wait3A_94 : memref<64x64xf32, #tpu.memory_space<vmem_shared>>)
      tpu.yield
    }) : () -> ()
    %mul3A_30 = arith.constant 640 : i32
    %mul3A_31 = arith.muli %arg1, %mul3A_30 : i32
    %add3A_32 = arith.constant 320 : i32
    %add3A_33 = arith.addi %mul3A_31, %add3A_32 : i32
    "tpu.region"() ({
      %run_scoped3A = tpu.sem_alloc : memref<!tpu.dma_semaphore, #tpu.memory_space<semaphore_mem>>
      %dma_start3A_87 = arith.constant 0 : i32
      %dma_start3A_88 = tpu.memref_slice %arg11[%add3A_33, %dma_start3A_87] : memref<10240x64xf32, #tpu.memory_space<vmem_shared>> -> memref<64x64xf32, #tpu.memory_space<vmem_shared>>
      %dma_start3A_89 = arith.constant 0 : i32
      %dma_start3A_90 = tpu.memref_slice %arg11[%add3A_33, %dma_start3A_89] : memref<10240x64xf32, #tpu.memory_space<vmem_shared>> -> memref<64x64xf32, #tpu.memory_space<vmem_shared>>
      tpu.enqueue_dma source(%arg10 : memref<64x64xf32, #tpu.memory_space<vmem>>) target(%dma_start3A_90 : memref<64x64xf32, #tpu.memory_space<vmem_shared>>) target_semaphore(%run_scoped3A : memref<!tpu.dma_semaphore, #tpu.memory_space<semaphore_mem>>)
      %dma_wait3A_91 = arith.constant 0 : i32
      %dma_wait3A_92 = tpu.memref_slice %arg11[%add3A_33, %dma_wait3A_91] : memref<10240x64xf32, #tpu.memory_space<vmem_shared>> -> memref<64x64xf32, #tpu.memory_space<vmem_shared>>
      %dma_wait3A_93 = arith.constant 0 : i32
      %dma_wait3A_94 = tpu.memref_slice %arg11[%add3A_33, %dma_wait3A_93] : memref<10240x64xf32, #tpu.memory_space<vmem_shared>> -> memref<64x64xf32, #tpu.memory_space<vmem_shared>>
      tpu.wait_dma2 semaphore(%run_scoped3A : memref<!tpu.dma_semaphore, #tpu.memory_space<semaphore_mem>>) src(%arg10 : memref<64x64xf32, #tpu.memory_space<vmem>>) dst(%dma_wait3A_94 : memref<64x64xf32, #tpu.memory_space<vmem_shared>>)
      tpu.yield
    }) : () -> ()
    %mul3A_34 = arith.constant 640 : i32
    %mul3A_35 = arith.muli %arg1, %mul3A_34 : i32
    %add3A_36 = arith.constant 384 : i32
    %add3A_37 = arith.addi %mul3A_35, %add3A_36 : i32
    "tpu.region"() ({
      %run_scoped3A = tpu.sem_alloc : memref<!tpu.dma_semaphore, #tpu.memory_space<semaphore_mem>>
      %dma_start3A_87 = arith.constant 0 : i32
      %dma_start3A_88 = tpu.memref_slice %arg11[%add3A_37, %dma_start3A_87] : memref<10240x64xf32, #tpu.memory_space<vmem_shared>> -> memref<64x64xf32, #tpu.memory_space<vmem_shared>>
      %dma_start3A_89 = arith.constant 0 : i32
      %dma_start3A_90 = tpu.memref_slice %arg11[%add3A_37, %dma_start3A_89] : memref<10240x64xf32, #tpu.memory_space<vmem_shared>> -> memref<64x64xf32, #tpu.memory_space<vmem_shared>>
      tpu.enqueue_dma source(%arg10 : memref<64x64xf32, #tpu.memory_space<vmem>>) target(%dma_start3A_90 : memref<64x64xf32, #tpu.memory_space<vmem_shared>>) target_semaphore(%run_scoped3A : memref<!tpu.dma_semaphore, #tpu.memory_space<semaphore_mem>>)
      %dma_wait3A_91 = arith.constant 0 : i32
      %dma_wait3A_92 = tpu.memref_slice %arg11[%add3A_37, %dma_wait3A_91] : memref<10240x64xf32, #tpu.memory_space<vmem_shared>> -> memref<64x64xf32, #tpu.memory_space<vmem_shared>>
      %dma_wait3A_93 = arith.constant 0 : i32
      %dma_wait3A_94 = tpu.memref_slice %arg11[%add3A_37, %dma_wait3A_93] : memref<10240x64xf32, #tpu.memory_space<vmem_shared>> -> memref<64x64xf32, #tpu.memory_space<vmem_shared>>
      tpu.wait_dma2 semaphore(%run_scoped3A : memref<!tpu.dma_semaphore, #tpu.memory_space<semaphore_mem>>) src(%arg10 : memref<64x64xf32, #tpu.memory_space<vmem>>) dst(%dma_wait3A_94 : memref<64x64xf32, #tpu.memory_space<vmem_shared>>)
      tpu.yield
    }) : () -> ()
    %mul3A_38 = arith.constant 640 : i32
    %mul3A_39 = arith.muli %arg1, %mul3A_38 : i32
    %add3A_40 = arith.constant 448 : i32
    %add3A_41 = arith.addi %mul3A_39, %add3A_40 : i32
    "tpu.region"() ({
      %run_scoped3A = tpu.sem_alloc : memref<!tpu.dma_semaphore, #tpu.memory_space<semaphore_mem>>
      %dma_start3A_87 = arith.constant 0 : i32
      %dma_start3A_88 = tpu.memref_slice %arg11[%add3A_41, %dma_start3A_87] : memref<10240x64xf32, #tpu.memory_space<vmem_shared>> -> memref<64x64xf32, #tpu.memory_space<vmem_shared>>
      %dma_start3A_89 = arith.constant 0 : i32
      %dma_start3A_90 = tpu.memref_slice %arg11[%add3A_41, %dma_start3A_89] : memref<10240x64xf32, #tpu.memory_space<vmem_shared>> -> memref<64x64xf32, #tpu.memory_space<vmem_shared>>
      tpu.enqueue_dma source(%arg10 : memref<64x64xf32, #tpu.memory_space<vmem>>) target(%dma_start3A_90 : memref<64x64xf32, #tpu.memory_space<vmem_shared>>) target_semaphore(%run_scoped3A : memref<!tpu.dma_semaphore, #tpu.memory_space<semaphore_mem>>)
      %dma_wait3A_91 = arith.constant 0 : i32
      %dma_wait3A_92 = tpu.memref_slice %arg11[%add3A_41, %dma_wait3A_91] : memref<10240x64xf32, #tpu.memory_space<vmem_shared>> -> memref<64x64xf32, #tpu.memory_space<vmem_shared>>
      %dma_wait3A_93 = arith.constant 0 : i32
      %dma_wait3A_94 = tpu.memref_slice %arg11[%add3A_41, %dma_wait3A_93] : memref<10240x64xf32, #tpu.memory_space<vmem_shared>> -> memref<64x64xf32, #tpu.memory_space<vmem_shared>>
      tpu.wait_dma2 semaphore(%run_scoped3A : memref<!tpu.dma_semaphore, #tpu.memory_space<semaphore_mem>>) src(%arg10 : memref<64x64xf32, #tpu.memory_space<vmem>>) dst(%dma_wait3A_94 : memref<64x64xf32, #tpu.memory_space<vmem_shared>>)
      tpu.yield
    }) : () -> ()
    %mul3A_42 = arith.constant 640 : i32
    %mul3A_43 = arith.muli %arg1, %mul3A_42 : i32
    %add3A_44 = arith.constant 512 : i32
    %add3A_45 = arith.addi %mul3A_43, %add3A_44 : i32
    "tpu.region"() ({
      %run_scoped3A = tpu.sem_alloc : memref<!tpu.dma_semaphore, #tpu.memory_space<semaphore_mem>>
      %dma_start3A_87 = arith.constant 0 : i32
      %dma_start3A_88 = tpu.memref_slice %arg11[%add3A_45, %dma_start3A_87] : memref<10240x64xf32, #tpu.memory_space<vmem_shared>> -> memref<64x64xf32, #tpu.memory_space<vmem_shared>>
      %dma_start3A_89 = arith.constant 0 : i32
      %dma_start3A_90 = tpu.memref_slice %arg11[%add3A_45, %dma_start3A_89] : memref<10240x64xf32, #tpu.memory_space<vmem_shared>> -> memref<64x64xf32, #tpu.memory_space<vmem_shared>>
      tpu.enqueue_dma source(%arg10 : memref<64x64xf32, #tpu.memory_space<vmem>>) target(%dma_start3A_90 : memref<64x64xf32, #tpu.memory_space<vmem_shared>>) target_semaphore(%run_scoped3A : memref<!tpu.dma_semaphore, #tpu.memory_space<semaphore_mem>>)
      %dma_wait3A_91 = arith.constant 0 : i32
      %dma_wait3A_92 = tpu.memref_slice %arg11[%add3A_45, %dma_wait3A_91] : memref<10240x64xf32, #tpu.memory_space<vmem_shared>> -> memref<64x64xf32, #tpu.memory_space<vmem_shared>>
      %dma_wait3A_93 = arith.constant 0 : i32
      %dma_wait3A_94 = tpu.memref_slice %arg11[%add3A_45, %dma_wait3A_93] : memref<10240x64xf32, #tpu.memory_space<vmem_shared>> -> memref<64x64xf32, #tpu.memory_space<vmem_shared>>
      tpu.wait_dma2 semaphore(%run_scoped3A : memref<!tpu.dma_semaphore, #tpu.memory_space<semaphore_mem>>) src(%arg10 : memref<64x64xf32, #tpu.memory_space<vmem>>) dst(%dma_wait3A_94 : memref<64x64xf32, #tpu.memory_space<vmem_shared>>)
      tpu.yield
    }) : () -> ()
    %mul3A_46 = arith.constant 640 : i32
    %mul3A_47 = arith.muli %arg1, %mul3A_46 : i32
    %add3A_48 = arith.constant 576 : i32
    %add3A_49 = arith.addi %mul3A_47, %add3A_48 : i32
    "tpu.region"() ({
      %run_scoped3A = tpu.sem_alloc : memref<!tpu.dma_semaphore, #tpu.memory_space<semaphore_mem>>
      %dma_start3A_87 = arith.constant 0 : i32
      %dma_start3A_88 = tpu.memref_slice %arg11[%add3A_49, %dma_start3A_87] : memref<10240x64xf32, #tpu.memory_space<vmem_shared>> -> memref<64x64xf32, #tpu.memory_space<vmem_shared>>
      %dma_start3A_89 = arith.constant 0 : i32
      %dma_start3A_90 = tpu.memref_slice %arg11[%add3A_49, %dma_start3A_89] : memref<10240x64xf32, #tpu.memory_space<vmem_shared>> -> memref<64x64xf32, #tpu.memory_space<vmem_shared>>
      tpu.enqueue_dma source(%arg10 : memref<64x64xf32, #tpu.memory_space<vmem>>) target(%dma_start3A_90 : memref<64x64xf32, #tpu.memory_space<vmem_shared>>) target_semaphore(%run_scoped3A : memref<!tpu.dma_semaphore, #tpu.memory_space<semaphore_mem>>)
      %dma_wait3A_91 = arith.constant 0 : i32
      %dma_wait3A_92 = tpu.memref_slice %arg11[%add3A_49, %dma_wait3A_91] : memref<10240x64xf32, #tpu.memory_space<vmem_shared>> -> memref<64x64xf32, #tpu.memory_space<vmem_shared>>
      %dma_wait3A_93 = arith.constant 0 : i32
      %dma_wait3A_94 = tpu.memref_slice %arg11[%add3A_49, %dma_wait3A_93] : memref<10240x64xf32, #tpu.memory_space<vmem_shared>> -> memref<64x64xf32, #tpu.memory_space<vmem_shared>>
      tpu.wait_dma2 semaphore(%run_scoped3A : memref<!tpu.dma_semaphore, #tpu.memory_space<semaphore_mem>>) src(%arg10 : memref<64x64xf32, #tpu.memory_space<vmem>>) dst(%dma_wait3A_94 : memref<64x64xf32, #tpu.memory_space<vmem_shared>>)
      tpu.yield
    }) : () -> ()
    %barrier3A = arith.constant 0 : index
    tpu.barrier barrier_id(%barrier3A)
    %dma_start3A = arith.constant 0 : i32
    %dma_start3A_50 = arith.constant 0 : i32
    %dma_start3A_51 = tpu.memref_slice %arg5[%dma_start3A, %dma_start3A_50] : memref<168x128xi32, #tpu.memory_space<vmem>> -> memref<1x128xi32, #tpu.memory_space<vmem>>
    %dma_start3A_52 = tpu.memref_squeeze %dma_start3A_51 : memref<1x128xi32, #tpu.memory_space<vmem>> -> memref<128xi32, #tpu.memory_space<vmem>>
    %dma_start3A_53 = arith.constant 0 : i32
    %dma_start3A_54 = arith.constant 0 : i32
    %dma_start3A_55 = tpu.memref_slice %arg2[%dma_start3A_53, %dma_start3A_54] : memref<10240x64xf32, #tpu.memory_space<hbm>> -> memref<10240x64xf32, #tpu.memory_space<hbm>>
    tpu.enqueue_indirect_dma source(%dma_start3A_55 : memref<10240x64xf32, #tpu.memory_space<hbm>>) target(%arg6 : memref<128x64xf32, #tpu.memory_space<vmem>>) offsets(%dma_start3A_52 : memref<128xi32, #tpu.memory_space<vmem>>) semaphore(%arg12 : memref<!tpu.dma_semaphore, #tpu.memory_space<semaphore_mem>>)
    %dma_start3A_56 = arith.constant 2 : i32
    %dma_start3A_57 = arith.constant 0 : i32
    %dma_start3A_58 = tpu.memref_slice %arg5[%dma_start3A_56, %dma_start3A_57] : memref<168x128xi32, #tpu.memory_space<vmem>> -> memref<1x128xi32, #tpu.memory_space<vmem>>
    %dma_start3A_59 = tpu.memref_squeeze %dma_start3A_58 : memref<1x128xi32, #tpu.memory_space<vmem>> -> memref<128xi32, #tpu.memory_space<vmem>>
    %dma_start3A_60 = arith.constant 0 : i32
    %dma_start3A_61 = arith.constant 0 : i32
    %dma_start3A_62 = tpu.memref_slice %arg2[%dma_start3A_60, %dma_start3A_61] : memref<10240x64xf32, #tpu.memory_space<hbm>> -> memref<10240x64xf32, #tpu.memory_space<hbm>>
    tpu.enqueue_indirect_dma source(%dma_start3A_62 : memref<10240x64xf32, #tpu.memory_space<hbm>>) target(%arg7 : memref<128x64xf32, #tpu.memory_space<vmem>>) offsets(%dma_start3A_59 : memref<128xi32, #tpu.memory_space<vmem>>) semaphore(%arg13 : memref<!tpu.dma_semaphore, #tpu.memory_space<semaphore_mem>>)
    %scan3A_63 = arith.constant 0 : i32
    %scan3A_64 = arith.constant 0 : i32
    %scan3A_65 = arith.constant 21 : i32
    %scan3A_66 = arith.addi %scan3A_64, %scan3A_65 : i32
    %scan3A_67 = arith.constant 1 : i32
    scf.for %scan3A_87 = %scan3A_64 to %scan3A_66 step %scan3A_67  : i32 {
      %mul3A_88 = arith.constant 4 : i32
      %mul3A_89 = arith.muli %scan3A_87, %mul3A_88 : i32
      %add3A_90 = arith.constant 0 : i32
      %add3A_91 = arith.addi %mul3A_89, %add3A_90 : i32
      %mul3A_92 = arith.constant 2 : i32
      %mul3A_93 = arith.muli %mul3A_92, %add3A_91 : i32
      %dma_wait3A_94 = arith.constant 0 : i32
      %dma_wait3A_95 = tpu.memref_slice %arg5[%mul3A_93, %dma_wait3A_94] : memref<168x128xi32, #tpu.memory_space<vmem>> -> memref<1x128xi32, #tpu.memory_space<vmem>>
      %dma_wait3A_96 = tpu.memref_squeeze %dma_wait3A_95 : memref<1x128xi32, #tpu.memory_space<vmem>> -> memref<128xi32, #tpu.memory_space<vmem>>
      %dma_wait3A_97 = arith.constant 0 : i32
      %dma_wait3A_98 = arith.constant 0 : i32
      %dma_wait3A_99 = tpu.memref_slice %arg2[%dma_wait3A_97, %dma_wait3A_98] : memref<10240x64xf32, #tpu.memory_space<hbm>> -> memref<10240x64xf32, #tpu.memory_space<hbm>>
      tpu.wait_indirect_dma semaphore(%arg12 : memref<!tpu.dma_semaphore, #tpu.memory_space<semaphore_mem>>) src(%dma_wait3A_99 : memref<10240x64xf32, #tpu.memory_space<hbm>>) dst(%arg6 : memref<128x64xf32, #tpu.memory_space<vmem>>)
      %mul3A_100 = arith.constant 2 : i32
      %mul3A_101 = arith.muli %mul3A_100, %add3A_91 : i32
      %add3A_102 = arith.constant 1 : i32
      %add3A_103 = arith.addi %mul3A_101, %add3A_102 : i32
      %dma_start3A_104 = arith.constant 0 : i32
      %dma_start3A_105 = tpu.memref_slice %arg5[%add3A_103, %dma_start3A_104] : memref<168x128xi32, #tpu.memory_space<vmem>> -> memref<1x128xi32, #tpu.memory_space<vmem>>
      %dma_start3A_106 = tpu.memref_squeeze %dma_start3A_105 : memref<1x128xi32, #tpu.memory_space<vmem>> -> memref<128xi32, #tpu.memory_space<vmem>>
      %dma_start3A_107 = arith.constant 0 : i32
      %dma_start3A_108 = arith.constant 0 : i32
      %dma_start3A_109 = tpu.memref_slice %arg11[%dma_start3A_107, %dma_start3A_108] : memref<10240x64xf32, #tpu.memory_space<vmem_shared>> -> memref<10240x64xf32, #tpu.memory_space<vmem_shared>>
      tpu.enqueue_indirect_dma source(%arg6 : memref<128x64xf32, #tpu.memory_space<vmem>>) target(%dma_start3A_109 : memref<10240x64xf32, #tpu.memory_space<vmem_shared>>) offsets(%dma_start3A_106 : memref<128xi32, #tpu.memory_space<vmem>>) semaphore(%arg16 : memref<!tpu.dma_semaphore, #tpu.memory_space<semaphore_mem>>) {add = true}
      %ge3A = arith.constant 2 : i32
      %ge3A_110 = arith.cmpi sge, %add3A_91, %ge3A : i32
      %convert_element_type3A = arith.extui %ge3A_110 : i1 to i32
      %cond3A = arith.constant 0 : i32
      %cond3A_111 = arith.cmpi ne, %convert_element_type3A, %cond3A : i32
      scf.if %cond3A_111 {
        %sub3A = arith.constant 2 : i32
        %sub3A_220 = arith.subi %add3A_91, %sub3A : i32
        %mul3A_221 = arith.constant 2 : i32
        %mul3A_222 = arith.muli %mul3A_221, %sub3A_220 : i32
        %add3A_223 = arith.constant 1 : i32
        %add3A_224 = arith.addi %mul3A_222, %add3A_223 : i32
        %dma_wait3A_225 = arith.constant 0 : i32
        %dma_wait3A_226 = tpu.memref_slice %arg5[%add3A_224, %dma_wait3A_225] : memref<168x128xi32, #tpu.memory_space<vmem>> -> memref<1x128xi32, #tpu.memory_space<vmem>>
        %dma_wait3A_227 = tpu.memref_squeeze %dma_wait3A_226 : memref<1x128xi32, #tpu.memory_space<vmem>> -> memref<128xi32, #tpu.memory_space<vmem>>
        %dma_wait3A_228 = arith.constant 0 : i32
        %dma_wait3A_229 = arith.constant 0 : i32
        %dma_wait3A_230 = tpu.memref_slice %arg11[%dma_wait3A_228, %dma_wait3A_229] : memref<10240x64xf32, #tpu.memory_space<vmem_shared>> -> memref<10240x64xf32, #tpu.memory_space<vmem_shared>>
        tpu.wait_indirect_dma semaphore(%arg18 : memref<!tpu.dma_semaphore, #tpu.memory_space<semaphore_mem>>) src(%arg8 : memref<128x64xf32, #tpu.memory_space<vmem>>) dst(%dma_wait3A_230 : memref<10240x64xf32, #tpu.memory_space<vmem_shared>>)
      } else {
      }
      %add3A_112 = arith.constant 2 : i32
      %add3A_113 = arith.addi %add3A_91, %add3A_112 : i32
      %lt3A = arith.constant 84 : i32
      %lt3A_114 = arith.cmpi slt, %add3A_113, %lt3A : i32
      %convert_element_type3A_115 = arith.extui %lt3A_114 : i1 to i32
      %cond3A_116 = arith.constant 0 : i32
      %cond3A_117 = arith.cmpi ne, %convert_element_type3A_115, %cond3A_116 : i32
      scf.if %cond3A_117 {
        %add3A_220 = arith.constant 2 : i32
        %add3A_221 = arith.addi %add3A_91, %add3A_220 : i32
        %mul3A_222 = arith.constant 2 : i32
        %mul3A_223 = arith.muli %mul3A_222, %add3A_221 : i32
        %dma_start3A_224 = arith.constant 0 : i32
        %dma_start3A_225 = tpu.memref_slice %arg5[%mul3A_223, %dma_start3A_224] : memref<168x128xi32, #tpu.memory_space<vmem>> -> memref<1x128xi32, #tpu.memory_space<vmem>>
        %dma_start3A_226 = tpu.memref_squeeze %dma_start3A_225 : memref<1x128xi32, #tpu.memory_space<vmem>> -> memref<128xi32, #tpu.memory_space<vmem>>
        %dma_start3A_227 = arith.constant 0 : i32
        %dma_start3A_228 = arith.constant 0 : i32
        %dma_start3A_229 = tpu.memref_slice %arg2[%dma_start3A_227, %dma_start3A_228] : memref<10240x64xf32, #tpu.memory_space<hbm>> -> memref<10240x64xf32, #tpu.memory_space<hbm>>
        tpu.enqueue_indirect_dma source(%dma_start3A_229 : memref<10240x64xf32, #tpu.memory_space<hbm>>) target(%arg8 : memref<128x64xf32, #tpu.memory_space<vmem>>) offsets(%dma_start3A_226 : memref<128xi32, #tpu.memory_space<vmem>>) semaphore(%arg14 : memref<!tpu.dma_semaphore, #tpu.memory_space<semaphore_mem>>)
      } else {
      }
      %mul3A_118 = arith.constant 4 : i32
      %mul3A_119 = arith.muli %scan3A_87, %mul3A_118 : i32
      %add3A_120 = arith.constant 1 : i32
      %add3A_121 = arith.addi %mul3A_119, %add3A_120 : i32
      %mul3A_122 = arith.constant 2 : i32
      %mul3A_123 = arith.muli %mul3A_122, %add3A_121 : i32
      %dma_wait3A_124 = arith.constant 0 : i32
      %dma_wait3A_125 = tpu.memref_slice %arg5[%mul3A_123, %dma_wait3A_124] : memref<168x128xi32, #tpu.memory_space<vmem>> -> memref<1x128xi32, #tpu.memory_space<vmem>>
      %dma_wait3A_126 = tpu.memref_squeeze %dma_wait3A_125 : memref<1x128xi32, #tpu.memory_space<vmem>> -> memref<128xi32, #tpu.memory_space<vmem>>
      %dma_wait3A_127 = arith.constant 0 : i32
      %dma_wait3A_128 = arith.constant 0 : i32
      %dma_wait3A_129 = tpu.memref_slice %arg2[%dma_wait3A_127, %dma_wait3A_128] : memref<10240x64xf32, #tpu.memory_space<hbm>> -> memref<10240x64xf32, #tpu.memory_space<hbm>>
      tpu.wait_indirect_dma semaphore(%arg13 : memref<!tpu.dma_semaphore, #tpu.memory_space<semaphore_mem>>) src(%dma_wait3A_129 : memref<10240x64xf32, #tpu.memory_space<hbm>>) dst(%arg7 : memref<128x64xf32, #tpu.memory_space<vmem>>)
      %mul3A_130 = arith.constant 2 : i32
      %mul3A_131 = arith.muli %mul3A_130, %add3A_121 : i32
      %add3A_132 = arith.constant 1 : i32
      %add3A_133 = arith.addi %mul3A_131, %add3A_132 : i32
      %dma_start3A_134 = arith.constant 0 : i32
      %dma_start3A_135 = tpu.memref_slice %arg5[%add3A_133, %dma_start3A_134] : memref<168x128xi32, #tpu.memory_space<vmem>> -> memref<1x128xi32, #tpu.memory_space<vmem>>
      %dma_start3A_136 = tpu.memref_squeeze %dma_start3A_135 : memref<1x128xi32, #tpu.memory_space<vmem>> -> memref<128xi32, #tpu.memory_space<vmem>>
      %dma_start3A_137 = arith.constant 0 : i32
      %dma_start3A_138 = arith.constant 0 : i32
      %dma_start3A_139 = tpu.memref_slice %arg11[%dma_start3A_137, %dma_start3A_138] : memref<10240x64xf32, #tpu.memory_space<vmem_shared>> -> memref<10240x64xf32, #tpu.memory_space<vmem_shared>>
      tpu.enqueue_indirect_dma source(%arg7 : memref<128x64xf32, #tpu.memory_space<vmem>>) target(%dma_start3A_139 : memref<10240x64xf32, #tpu.memory_space<vmem_shared>>) offsets(%dma_start3A_136 : memref<128xi32, #tpu.memory_space<vmem>>) semaphore(%arg17 : memref<!tpu.dma_semaphore, #tpu.memory_space<semaphore_mem>>) {add = true}
      %ge3A_140 = arith.constant 2 : i32
      %ge3A_141 = arith.cmpi sge, %add3A_121, %ge3A_140 : i32
      %convert_element_type3A_142 = arith.extui %ge3A_141 : i1 to i32
      %cond3A_143 = arith.constant 0 : i32
      %cond3A_144 = arith.cmpi ne, %convert_element_type3A_142, %cond3A_143 : i32
      scf.if %cond3A_144 {
        %sub3A = arith.constant 2 : i32
        %sub3A_220 = arith.subi %add3A_121, %sub3A : i32
        %mul3A_221 = arith.constant 2 : i32
        %mul3A_222 = arith.muli %mul3A_221, %sub3A_220 : i32
        %add3A_223 = arith.constant 1 : i32
        %add3A_224 = arith.addi %mul3A_222, %add3A_223 : i32
        %dma_wait3A_225 = arith.constant 0 : i32
        %dma_wait3A_226 = tpu.memref_slice %arg5[%add3A_224, %dma_wait3A_225] : memref<168x128xi32, #tpu.memory_space<vmem>> -> memref<1x128xi32, #tpu.memory_space<vmem>>
        %dma_wait3A_227 = tpu.memref_squeeze %dma_wait3A_226 : memref<1x128xi32, #tpu.memory_space<vmem>> -> memref<128xi32, #tpu.memory_space<vmem>>
        %dma_wait3A_228 = arith.constant 0 : i32
        %dma_wait3A_229 = arith.constant 0 : i32
        %dma_wait3A_230 = tpu.memref_slice %arg11[%dma_wait3A_228, %dma_wait3A_229] : memref<10240x64xf32, #tpu.memory_space<vmem_shared>> -> memref<10240x64xf32, #tpu.memory_space<vmem_shared>>
        tpu.wait_indirect_dma semaphore(%arg19 : memref<!tpu.dma_semaphore, #tpu.memory_space<semaphore_mem>>) src(%arg9 : memref<128x64xf32, #tpu.memory_space<vmem>>) dst(%dma_wait3A_230 : memref<10240x64xf32, #tpu.memory_space<vmem_shared>>)
      } else {
      }
      %add3A_145 = arith.constant 2 : i32
      %add3A_146 = arith.addi %add3A_121, %add3A_145 : i32
      %lt3A_147 = arith.constant 84 : i32
      %lt3A_148 = arith.cmpi slt, %add3A_146, %lt3A_147 : i32
      %convert_element_type3A_149 = arith.extui %lt3A_148 : i1 to i32
      %cond3A_150 = arith.constant 0 : i32
      %cond3A_151 = arith.cmpi ne, %convert_element_type3A_149, %cond3A_150 : i32
      scf.if %cond3A_151 {
        %add3A_220 = arith.constant 2 : i32
        %add3A_221 = arith.addi %add3A_121, %add3A_220 : i32
        %mul3A_222 = arith.constant 2 : i32
        %mul3A_223 = arith.muli %mul3A_222, %add3A_221 : i32
        %dma_start3A_224 = arith.constant 0 : i32
        %dma_start3A_225 = tpu.memref_slice %arg5[%mul3A_223, %dma_start3A_224] : memref<168x128xi32, #tpu.memory_space<vmem>> -> memref<1x128xi32, #tpu.memory_space<vmem>>
        %dma_start3A_226 = tpu.memref_squeeze %dma_start3A_225 : memref<1x128xi32, #tpu.memory_space<vmem>> -> memref<128xi32, #tpu.memory_space<vmem>>
        %dma_start3A_227 = arith.constant 0 : i32
        %dma_start3A_228 = arith.constant 0 : i32
        %dma_start3A_229 = tpu.memref_slice %arg2[%dma_start3A_227, %dma_start3A_228] : memref<10240x64xf32, #tpu.memory_space<hbm>> -> memref<10240x64xf32, #tpu.memory_space<hbm>>
        tpu.enqueue_indirect_dma source(%dma_start3A_229 : memref<10240x64xf32, #tpu.memory_space<hbm>>) target(%arg9 : memref<128x64xf32, #tpu.memory_space<vmem>>) offsets(%dma_start3A_226 : memref<128xi32, #tpu.memory_space<vmem>>) semaphore(%arg15 : memref<!tpu.dma_semaphore, #tpu.memory_space<semaphore_mem>>)
      } else {
      }
      %mul3A_152 = arith.constant 4 : i32
      %mul3A_153 = arith.muli %scan3A_87, %mul3A_152 : i32
      %add3A_154 = arith.constant 2 : i32
      %add3A_155 = arith.addi %mul3A_153, %add3A_154 : i32
      %mul3A_156 = arith.constant 2 : i32
      %mul3A_157 = arith.muli %mul3A_156, %add3A_155 : i32
      %dma_wait3A_158 = arith.constant 0 : i32
      %dma_wait3A_159 = tpu.memref_slice %arg5[%mul3A_157, %dma_wait3A_158] : memref<168x128xi32, #tpu.memory_space<vmem>> -> memref<1x128xi32, #tpu.memory_space<vmem>>
      %dma_wait3A_160 = tpu.memref_squeeze %dma_wait3A_159 : memref<1x128xi32, #tpu.memory_space<vmem>> -> memref<128xi32, #tpu.memory_space<vmem>>
      %dma_wait3A_161 = arith.constant 0 : i32
      %dma_wait3A_162 = arith.constant 0 : i32
      %dma_wait3A_163 = tpu.memref_slice %arg2[%dma_wait3A_161, %dma_wait3A_162] : memref<10240x64xf32, #tpu.memory_space<hbm>> -> memref<10240x64xf32, #tpu.memory_space<hbm>>
      tpu.wait_indirect_dma semaphore(%arg14 : memref<!tpu.dma_semaphore, #tpu.memory_space<semaphore_mem>>) src(%dma_wait3A_163 : memref<10240x64xf32, #tpu.memory_space<hbm>>) dst(%arg8 : memref<128x64xf32, #tpu.memory_space<vmem>>)
      %mul3A_164 = arith.constant 2 : i32
      %mul3A_165 = arith.muli %mul3A_164, %add3A_155 : i32
      %add3A_166 = arith.constant 1 : i32
      %add3A_167 = arith.addi %mul3A_165, %add3A_166 : i32
      %dma_start3A_168 = arith.constant 0 : i32
      %dma_start3A_169 = tpu.memref_slice %arg5[%add3A_167, %dma_start3A_168] : memref<168x128xi32, #tpu.memory_space<vmem>> -> memref<1x128xi32, #tpu.memory_space<vmem>>
      %dma_start3A_170 = tpu.memref_squeeze %dma_start3A_169 : memref<1x128xi32, #tpu.memory_space<vmem>> -> memref<128xi32, #tpu.memory_space<vmem>>
      %dma_start3A_171 = arith.constant 0 : i32
      %dma_start3A_172 = arith.constant 0 : i32
      %dma_start3A_173 = tpu.memref_slice %arg11[%dma_start3A_171, %dma_start3A_172] : memref<10240x64xf32, #tpu.memory_space<vmem_shared>> -> memref<10240x64xf32, #tpu.memory_space<vmem_shared>>
      tpu.enqueue_indirect_dma source(%arg8 : memref<128x64xf32, #tpu.memory_space<vmem>>) target(%dma_start3A_173 : memref<10240x64xf32, #tpu.memory_space<vmem_shared>>) offsets(%dma_start3A_170 : memref<128xi32, #tpu.memory_space<vmem>>) semaphore(%arg18 : memref<!tpu.dma_semaphore, #tpu.memory_space<semaphore_mem>>) {add = true}
      %ge3A_174 = arith.constant 2 : i32
      %ge3A_175 = arith.cmpi sge, %add3A_155, %ge3A_174 : i32
      %convert_element_type3A_176 = arith.extui %ge3A_175 : i1 to i32
      %cond3A_177 = arith.constant 0 : i32
      %cond3A_178 = arith.cmpi ne, %convert_element_type3A_176, %cond3A_177 : i32
      scf.if %cond3A_178 {
        %sub3A = arith.constant 2 : i32
        %sub3A_220 = arith.subi %add3A_155, %sub3A : i32
        %mul3A_221 = arith.constant 2 : i32
        %mul3A_222 = arith.muli %mul3A_221, %sub3A_220 : i32
        %add3A_223 = arith.constant 1 : i32
        %add3A_224 = arith.addi %mul3A_222, %add3A_223 : i32
        %dma_wait3A_225 = arith.constant 0 : i32
        %dma_wait3A_226 = tpu.memref_slice %arg5[%add3A_224, %dma_wait3A_225] : memref<168x128xi32, #tpu.memory_space<vmem>> -> memref<1x128xi32, #tpu.memory_space<vmem>>
        %dma_wait3A_227 = tpu.memref_squeeze %dma_wait3A_226 : memref<1x128xi32, #tpu.memory_space<vmem>> -> memref<128xi32, #tpu.memory_space<vmem>>
        %dma_wait3A_228 = arith.constant 0 : i32
        %dma_wait3A_229 = arith.constant 0 : i32
        %dma_wait3A_230 = tpu.memref_slice %arg11[%dma_wait3A_228, %dma_wait3A_229] : memref<10240x64xf32, #tpu.memory_space<vmem_shared>> -> memref<10240x64xf32, #tpu.memory_space<vmem_shared>>
        tpu.wait_indirect_dma semaphore(%arg16 : memref<!tpu.dma_semaphore, #tpu.memory_space<semaphore_mem>>) src(%arg6 : memref<128x64xf32, #tpu.memory_space<vmem>>) dst(%dma_wait3A_230 : memref<10240x64xf32, #tpu.memory_space<vmem_shared>>)
      } else {
      }
      %add3A_179 = arith.constant 2 : i32
      %add3A_180 = arith.addi %add3A_155, %add3A_179 : i32
      %lt3A_181 = arith.constant 84 : i32
      %lt3A_182 = arith.cmpi slt, %add3A_180, %lt3A_181 : i32
      %convert_element_type3A_183 = arith.extui %lt3A_182 : i1 to i32
      %cond3A_184 = arith.constant 0 : i32
      %cond3A_185 = arith.cmpi ne, %convert_element_type3A_183, %cond3A_184 : i32
      scf.if %cond3A_185 {
        %add3A_220 = arith.constant 2 : i32
        %add3A_221 = arith.addi %add3A_155, %add3A_220 : i32
        %mul3A_222 = arith.constant 2 : i32
        %mul3A_223 = arith.muli %mul3A_222, %add3A_221 : i32
        %dma_start3A_224 = arith.constant 0 : i32
        %dma_start3A_225 = tpu.memref_slice %arg5[%mul3A_223, %dma_start3A_224] : memref<168x128xi32, #tpu.memory_space<vmem>> -> memref<1x128xi32, #tpu.memory_space<vmem>>
        %dma_start3A_226 = tpu.memref_squeeze %dma_start3A_225 : memref<1x128xi32, #tpu.memory_space<vmem>> -> memref<128xi32, #tpu.memory_space<vmem>>
        %dma_start3A_227 = arith.constant 0 : i32
        %dma_start3A_228 = arith.constant 0 : i32
        %dma_start3A_229 = tpu.memref_slice %arg2[%dma_start3A_227, %dma_start3A_228] : memref<10240x64xf32, #tpu.memory_space<hbm>> -> memref<10240x64xf32, #tpu.memory_space<hbm>>
        tpu.enqueue_indirect_dma source(%dma_start3A_229 : memref<10240x64xf32, #tpu.memory_space<hbm>>) target(%arg6 : memref<128x64xf32, #tpu.memory_space<vmem>>) offsets(%dma_start3A_226 : memref<128xi32, #tpu.memory_space<vmem>>) semaphore(%arg12 : memref<!tpu.dma_semaphore, #tpu.memory_space<semaphore_mem>>)
      } else {
      }
      %mul3A_186 = arith.constant 4 : i32
      %mul3A_187 = arith.muli %scan3A_87, %mul3A_186 : i32
      %add3A_188 = arith.constant 3 : i32
      %add3A_189 = arith.addi %mul3A_187, %add3A_188 : i32
      %mul3A_190 = arith.constant 2 : i32
      %mul3A_191 = arith.muli %mul3A_190, %add3A_189 : i32
      %dma_wait3A_192 = arith.constant 0 : i32
      %dma_wait3A_193 = tpu.memref_slice %arg5[%mul3A_191, %dma_wait3A_192] : memref<168x128xi32, #tpu.memory_space<vmem>> -> memref<1x128xi32, #tpu.memory_space<vmem>>
      %dma_wait3A_194 = tpu.memref_squeeze %dma_wait3A_193 : memref<1x128xi32, #tpu.memory_space<vmem>> -> memref<128xi32, #tpu.memory_space<vmem>>
      %dma_wait3A_195 = arith.constant 0 : i32
      %dma_wait3A_196 = arith.constant 0 : i32
      %dma_wait3A_197 = tpu.memref_slice %arg2[%dma_wait3A_195, %dma_wait3A_196] : memref<10240x64xf32, #tpu.memory_space<hbm>> -> memref<10240x64xf32, #tpu.memory_space<hbm>>
      tpu.wait_indirect_dma semaphore(%arg15 : memref<!tpu.dma_semaphore, #tpu.memory_space<semaphore_mem>>) src(%dma_wait3A_197 : memref<10240x64xf32, #tpu.memory_space<hbm>>) dst(%arg9 : memref<128x64xf32, #tpu.memory_space<vmem>>)
      %mul3A_198 = arith.constant 2 : i32
      %mul3A_199 = arith.muli %mul3A_198, %add3A_189 : i32
      %add3A_200 = arith.constant 1 : i32
      %add3A_201 = arith.addi %mul3A_199, %add3A_200 : i32
      %dma_start3A_202 = arith.constant 0 : i32
      %dma_start3A_203 = tpu.memref_slice %arg5[%add3A_201, %dma_start3A_202] : memref<168x128xi32, #tpu.memory_space<vmem>> -> memref<1x128xi32, #tpu.memory_space<vmem>>
      %dma_start3A_204 = tpu.memref_squeeze %dma_start3A_203 : memref<1x128xi32, #tpu.memory_space<vmem>> -> memref<128xi32, #tpu.memory_space<vmem>>
      %dma_start3A_205 = arith.constant 0 : i32
      %dma_start3A_206 = arith.constant 0 : i32
      %dma_start3A_207 = tpu.memref_slice %arg11[%dma_start3A_205, %dma_start3A_206] : memref<10240x64xf32, #tpu.memory_space<vmem_shared>> -> memref<10240x64xf32, #tpu.memory_space<vmem_shared>>
      tpu.enqueue_indirect_dma source(%arg9 : memref<128x64xf32, #tpu.memory_space<vmem>>) target(%dma_start3A_207 : memref<10240x64xf32, #tpu.memory_space<vmem_shared>>) offsets(%dma_start3A_204 : memref<128xi32, #tpu.memory_space<vmem>>) semaphore(%arg19 : memref<!tpu.dma_semaphore, #tpu.memory_space<semaphore_mem>>) {add = true}
      %ge3A_208 = arith.constant 2 : i32
      %ge3A_209 = arith.cmpi sge, %add3A_189, %ge3A_208 : i32
      %convert_element_type3A_210 = arith.extui %ge3A_209 : i1 to i32
      %cond3A_211 = arith.constant 0 : i32
      %cond3A_212 = arith.cmpi ne, %convert_element_type3A_210, %cond3A_211 : i32
      scf.if %cond3A_212 {
        %sub3A = arith.constant 2 : i32
        %sub3A_220 = arith.subi %add3A_189, %sub3A : i32
        %mul3A_221 = arith.constant 2 : i32
        %mul3A_222 = arith.muli %mul3A_221, %sub3A_220 : i32
        %add3A_223 = arith.constant 1 : i32
        %add3A_224 = arith.addi %mul3A_222, %add3A_223 : i32
        %dma_wait3A_225 = arith.constant 0 : i32
        %dma_wait3A_226 = tpu.memref_slice %arg5[%add3A_224, %dma_wait3A_225] : memref<168x128xi32, #tpu.memory_space<vmem>> -> memref<1x128xi32, #tpu.memory_space<vmem>>
        %dma_wait3A_227 = tpu.memref_squeeze %dma_wait3A_226 : memref<1x128xi32, #tpu.memory_space<vmem>> -> memref<128xi32, #tpu.memory_space<vmem>>
        %dma_wait3A_228 = arith.constant 0 : i32
        %dma_wait3A_229 = arith.constant 0 : i32
        %dma_wait3A_230 = tpu.memref_slice %arg11[%dma_wait3A_228, %dma_wait3A_229] : memref<10240x64xf32, #tpu.memory_space<vmem_shared>> -> memref<10240x64xf32, #tpu.memory_space<vmem_shared>>
        tpu.wait_indirect_dma semaphore(%arg17 : memref<!tpu.dma_semaphore, #tpu.memory_space<semaphore_mem>>) src(%arg7 : memref<128x64xf32, #tpu.memory_space<vmem>>) dst(%dma_wait3A_230 : memref<10240x64xf32, #tpu.memory_space<vmem_shared>>)
      } else {
      }
      %add3A_213 = arith.constant 2 : i32
      %add3A_214 = arith.addi %add3A_189, %add3A_213 : i32
      %lt3A_215 = arith.constant 84 : i32
      %lt3A_216 = arith.cmpi slt, %add3A_214, %lt3A_215 : i32
      %convert_element_type3A_217 = arith.extui %lt3A_216 : i1 to i32
      %cond3A_218 = arith.constant 0 : i32
      %cond3A_219 = arith.cmpi ne, %convert_element_type3A_217, %cond3A_218 : i32
      scf.if %cond3A_219 {
        %add3A_220 = arith.constant 2 : i32
        %add3A_221 = arith.addi %add3A_189, %add3A_220 : i32
        %mul3A_222 = arith.constant 2 : i32
        %mul3A_223 = arith.muli %mul3A_222, %add3A_221 : i32
        %dma_start3A_224 = arith.constant 0 : i32
        %dma_start3A_225 = tpu.memref_slice %arg5[%mul3A_223, %dma_start3A_224] : memref<168x128xi32, #tpu.memory_space<vmem>> -> memref<1x128xi32, #tpu.memory_space<vmem>>
        %dma_start3A_226 = tpu.memref_squeeze %dma_start3A_225 : memref<1x128xi32, #tpu.memory_space<vmem>> -> memref<128xi32, #tpu.memory_space<vmem>>
        %dma_start3A_227 = arith.constant 0 : i32
        %dma_start3A_228 = arith.constant 0 : i32
        %dma_start3A_229 = tpu.memref_slice %arg2[%dma_start3A_227, %dma_start3A_228] : memref<10240x64xf32, #tpu.memory_space<hbm>> -> memref<10240x64xf32, #tpu.memory_space<hbm>>
        tpu.enqueue_indirect_dma source(%dma_start3A_229 : memref<10240x64xf32, #tpu.memory_space<hbm>>) target(%arg7 : memref<128x64xf32, #tpu.memory_space<vmem>>) offsets(%dma_start3A_226 : memref<128xi32, #tpu.memory_space<vmem>>) semaphore(%arg13 : memref<!tpu.dma_semaphore, #tpu.memory_space<semaphore_mem>>)
      } else {
      }
    }
    %scan3A_68 = arith.constant 21 : i32
    %dma_wait3A = arith.constant 165 : i32
    %dma_wait3A_69 = arith.constant 0 : i32
    %dma_wait3A_70 = tpu.memref_slice %arg5[%dma_wait3A, %dma_wait3A_69] : memref<168x128xi32, #tpu.memory_space<vmem>> -> memref<1x128xi32, #tpu.memory_space<vmem>>
    %dma_wait3A_71 = tpu.memref_squeeze %dma_wait3A_70 : memref<1x128xi32, #tpu.memory_space<vmem>> -> memref<128xi32, #tpu.memory_space<vmem>>
    %dma_wait3A_72 = arith.constant 0 : i32
    %dma_wait3A_73 = arith.constant 0 : i32
    %dma_wait3A_74 = tpu.memref_slice %arg11[%dma_wait3A_72, %dma_wait3A_73] : memref<10240x64xf32, #tpu.memory_space<vmem_shared>> -> memref<10240x64xf32, #tpu.memory_space<vmem_shared>>
    tpu.wait_indirect_dma semaphore(%arg18 : memref<!tpu.dma_semaphore, #tpu.memory_space<semaphore_mem>>) src(%arg8 : memref<128x64xf32, #tpu.memory_space<vmem>>) dst(%dma_wait3A_74 : memref<10240x64xf32, #tpu.memory_space<vmem_shared>>)
    %dma_wait3A_75 = arith.constant 167 : i32
    %dma_wait3A_76 = arith.constant 0 : i32
    %dma_wait3A_77 = tpu.memref_slice %arg5[%dma_wait3A_75, %dma_wait3A_76] : memref<168x128xi32, #tpu.memory_space<vmem>> -> memref<1x128xi32, #tpu.memory_space<vmem>>
    %dma_wait3A_78 = tpu.memref_squeeze %dma_wait3A_77 : memref<1x128xi32, #tpu.memory_space<vmem>> -> memref<128xi32, #tpu.memory_space<vmem>>
    %dma_wait3A_79 = arith.constant 0 : i32
    %dma_wait3A_80 = arith.constant 0 : i32
    %dma_wait3A_81 = tpu.memref_slice %arg11[%dma_wait3A_79, %dma_wait3A_80] : memref<10240x64xf32, #tpu.memory_space<vmem_shared>> -> memref<10240x64xf32, #tpu.memory_space<vmem_shared>>
    tpu.wait_indirect_dma semaphore(%arg19 : memref<!tpu.dma_semaphore, #tpu.memory_space<semaphore_mem>>) src(%arg9 : memref<128x64xf32, #tpu.memory_space<vmem>>) dst(%dma_wait3A_81 : memref<10240x64xf32, #tpu.memory_space<vmem_shared>>)
    %barrier3A_82 = arith.constant 0 : index
    tpu.barrier barrier_id(%barrier3A_82)
    %mul3A_83 = arith.constant 640 : i32
    %mul3A_84 = arith.muli %arg1, %mul3A_83 : i32
    %mul3A_85 = arith.constant 640 : i32
    %mul3A_86 = arith.muli %arg1, %mul3A_85 : i32
    "tpu.region"() ({
      %run_scoped3A = tpu.sem_alloc : memref<!tpu.dma_semaphore, #tpu.memory_space<semaphore_mem>>
      %dma_start3A_87 = arith.constant 0 : i32
      %dma_start3A_88 = tpu.memref_slice %arg4[%arg0, %mul3A_86, %dma_start3A_87] : memref<2x10240x64xf32, #tpu.memory_space<hbm>> -> memref<1x640x64xf32, #tpu.memory_space<hbm>>
      %dma_start3A_89 = tpu.memref_squeeze %dma_start3A_88 : memref<1x640x64xf32, #tpu.memory_space<hbm>> -> memref<640x64xf32, #tpu.memory_space<hbm>>
      %dma_start3A_90 = arith.constant 0 : i32
      %dma_start3A_91 = tpu.memref_slice %arg11[%mul3A_84, %dma_start3A_90] : memref<10240x64xf32, #tpu.memory_space<vmem_shared>> -> memref<640x64xf32, #tpu.memory_space<vmem_shared>>
      tpu.enqueue_dma source(%dma_start3A_91 : memref<640x64xf32, #tpu.memory_space<vmem_shared>>) target(%dma_start3A_89 : memref<640x64xf32, #tpu.memory_space<hbm>>) target_semaphore(%run_scoped3A : memref<!tpu.dma_semaphore, #tpu.memory_space<semaphore_mem>>)
      %dma_wait3A_92 = arith.constant 0 : i32
      %dma_wait3A_93 = tpu.memref_slice %arg4[%arg0, %mul3A_86, %dma_wait3A_92] : memref<2x10240x64xf32, #tpu.memory_space<hbm>> -> memref<1x640x64xf32, #tpu.memory_space<hbm>>
      %dma_wait3A_94 = tpu.memref_squeeze %dma_wait3A_93 : memref<1x640x64xf32, #tpu.memory_space<hbm>> -> memref<640x64xf32, #tpu.memory_space<hbm>>
      %dma_wait3A_95 = arith.constant 0 : i32
      %dma_wait3A_96 = tpu.memref_slice %arg11[%mul3A_84, %dma_wait3A_95] : memref<10240x64xf32, #tpu.memory_space<vmem_shared>> -> memref<640x64xf32, #tpu.memory_space<vmem_shared>>
      tpu.wait_dma2 semaphore(%run_scoped3A : memref<!tpu.dma_semaphore, #tpu.memory_space<semaphore_mem>>) src(%dma_wait3A_96 : memref<640x64xf32, #tpu.memory_space<vmem_shared>>) dst(%dma_wait3A_94 : memref<640x64xf32, #tpu.memory_space<hbm>>)
      tpu.yield
    }) : () -> ()
    return
  }
}

#map = affine_map<(d0, d1) -> (0, 0)>
#map1 = affine_map<(d0, d1) -> (0, 0, 0)>
module attributes {stable_mosaic.version = 14 : i64} {
  func.func @_sc_scatter(%arg0: i32, %arg1: i32, %arg2: memref<10240x64xf32, #tpu.memory_space<hbm>>, %arg3: memref<5376x128xi32, #tpu.memory_space<hbm>>, %arg4: memref<2x10240x64xf32, #tpu.memory_space<hbm>>, %arg5: memref<168x128xi32, #tpu.memory_space<vmem>>, %arg6: memref<128x64xf32, #tpu.memory_space<vmem>>, %arg7: memref<128x64xf32, #tpu.memory_space<vmem>>, %arg8: memref<128x64xf32, #tpu.memory_space<vmem>>, %arg9: memref<128x64xf32, #tpu.memory_space<vmem>>, %arg10: memref<64x64xf32, #tpu.memory_space<vmem>>, %arg11: memref<10240x64xf32, #tpu.memory_space<vmem_shared>>, %arg12: memref<!tpu.dma_semaphore, #tpu.memory_space<semaphore_mem>>, %arg13: memref<!tpu.dma_semaphore, #tpu.memory_space<semaphore_mem>>, %arg14: memref<!tpu.dma_semaphore, #tpu.memory_space<semaphore_mem>>, %arg15: memref<!tpu.dma_semaphore, #tpu.memory_space<semaphore_mem>>, %arg16: memref<!tpu.dma_semaphore, #tpu.memory_space<semaphore_mem>>, %arg17: memref<!tpu.dma_semaphore, #tpu.memory_space<semaphore_mem>>, %arg18: memref<!tpu.dma_semaphore, #tpu.memory_space<semaphore_mem>>, %arg19: memref<!tpu.dma_semaphore, #tpu.memory_space<semaphore_mem>>) attributes {dimension_semantics = [#tpu.dimension_semantics<core_parallel>, #tpu.dimension_semantics<subcore_parallel>], iteration_bounds = array<i64: 2, 16>, scalar_prefetch = 0 : i64, scratch_operands = 15 : i64, tpu.core_type = #tpu.core_type<sc_vector_subcore>, window_params = [{transform_indices = #map}, {transform_indices = #map}, {transform_indices = #map1}]} {
    %mul3A = arith.constant 2 : i32
    %mul3A_0 = arith.muli %arg1, %mul3A : i32
    %add3A = arith.addi %mul3A_0, %arg0 : i32
    %mul3A_1 = arith.constant 2 : i32
    %mul3A_2 = arith.muli %add3A, %mul3A_1 : i32
    %mul3A_3 = arith.constant 84 : i32
    %mul3A_4 = arith.muli %mul3A_2, %mul3A_3 : i32
    "tpu.region"() ({
      %run_scoped3A = tpu.sem_alloc : memref<!tpu.dma_semaphore, #tpu.memory_space<semaphore_mem>>
      %dma_start3A_87 = arith.constant 0 : i32
      %dma_start3A_88 = tpu.memref_slice %arg3[%mul3A_4, %dma_start3A_87] : memref<5376x128xi32, #tpu.memory_space<hbm>> -> memref<168x128xi32, #tpu.memory_space<hbm>>
      %dma_start3A_89 = arith.constant 0 : i32
      %dma_start3A_90 = tpu.memref_slice %arg3[%mul3A_4, %dma_start3A_89] : memref<5376x128xi32, #tpu.memory_space<hbm>> -> memref<168x128xi32, #tpu.memory_space<hbm>>
      tpu.enqueue_dma source(%dma_start3A_90 : memref<168x128xi32, #tpu.memory_space<hbm>>) target(%arg5 : memref<168x128xi32, #tpu.memory_space<vmem>>) target_semaphore(%run_scoped3A : memref<!tpu.dma_semaphore, #tpu.memory_space<semaphore_mem>>)
      %dma_wait3A_91 = arith.constant 0 : i32
      %dma_wait3A_92 = tpu.memref_slice %arg3[%mul3A_4, %dma_wait3A_91] : memref<5376x128xi32, #tpu.memory_space<hbm>> -> memref<168x128xi32, #tpu.memory_space<hbm>>
      %dma_wait3A_93 = arith.constant 0 : i32
      %dma_wait3A_94 = tpu.memref_slice %arg3[%mul3A_4, %dma_wait3A_93] : memref<5376x128xi32, #tpu.memory_space<hbm>> -> memref<168x128xi32, #tpu.memory_space<hbm>>
      tpu.wait_dma2 semaphore(%run_scoped3A : memref<!tpu.dma_semaphore, #tpu.memory_space<semaphore_mem>>) src(%dma_wait3A_94 : memref<168x128xi32, #tpu.memory_space<hbm>>) dst(%arg5 : memref<168x128xi32, #tpu.memory_space<vmem>>)
      tpu.yield
    }) : () -> ()
    %scan3A = arith.constant 0 : i32
    %scan3A_5 = arith.constant 0 : i32
    %scan3A_6 = arith.constant 64 : i32
    %scan3A_7 = arith.addi %scan3A_5, %scan3A_6 : i32
    %scan3A_8 = arith.constant 1 : i32
    scf.for %scan3A_87 = %scan3A_5 to %scan3A_7 step %scan3A_8  : i32 {
      %broadcast_in_dim3A = arith.constant 0.000000e+00 : f32
      %broadcast_in_dim3A_88 = vector.broadcast %broadcast_in_dim3A : f32 to vector<16xf32>
      %swap3A = arith.index_cast %scan3A_87 : i32 to index
      %swap3A_89 = arith.constant 0 : index
      %swap3A_90 = tpu.vector_load %arg10[%swap3A, %swap3A_89] {strides = array<i32>} : memref<64x64xf32, #tpu.memory_space<vmem>>, vector<1x16xf32>,
      %swap3A_91 = vector.shape_cast %swap3A_90 : vector<1x16xf32> to vector<16xf32>
      %swap3A_92 = vector.shape_cast %broadcast_in_dim3A_88 : vector<16xf32> to vector<1x16xf32>
      tpu.vector_store %arg10[%swap3A, %swap3A_89], %swap3A_92 {strides = array<i32>} : memref<64x64xf32, #tpu.memory_space<vmem>>, vector<1x16xf32>,
      %broadcast_in_dim3A_93 = arith.constant 0.000000e+00 : f32
      %broadcast_in_dim3A_94 = vector.broadcast %broadcast_in_dim3A_93 : f32 to vector<16xf32>
      %swap3A_95 = arith.index_cast %scan3A_87 : i32 to index
      %swap3A_96 = arith.constant 16 : index
      %swap3A_97 = tpu.vector_load %arg10[%swap3A_95, %swap3A_96] {strides = array<i32>} : memref<64x64xf32, #tpu.memory_space<vmem>>, vector<1x16xf32>,
      %swap3A_98 = vector.shape_cast %swap3A_97 : vector<1x16xf32> to vector<16xf32>
      %swap3A_99 = vector.shape_cast %broadcast_in_dim3A_94 : vector<16xf32> to vector<1x16xf32>
      tpu.vector_store %arg10[%swap3A_95, %swap3A_96], %swap3A_99 {strides = array<i32>} : memref<64x64xf32, #tpu.memory_space<vmem>>, vector<1x16xf32>,
      %broadcast_in_dim3A_100 = arith.constant 0.000000e+00 : f32
      %broadcast_in_dim3A_101 = vector.broadcast %broadcast_in_dim3A_100 : f32 to vector<16xf32>
      %swap3A_102 = arith.index_cast %scan3A_87 : i32 to index
      %swap3A_103 = arith.constant 32 : index
      %swap3A_104 = tpu.vector_load %arg10[%swap3A_102, %swap3A_103] {strides = array<i32>} : memref<64x64xf32, #tpu.memory_space<vmem>>, vector<1x16xf32>,
      %swap3A_105 = vector.shape_cast %swap3A_104 : vector<1x16xf32> to vector<16xf32>
      %swap3A_106 = vector.shape_cast %broadcast_in_dim3A_101 : vector<16xf32> to vector<1x16xf32>
      tpu.vector_store %arg10[%swap3A_102, %swap3A_103], %swap3A_106 {strides = array<i32>} : memref<64x64xf32, #tpu.memory_space<vmem>>, vector<1x16xf32>,
      %broadcast_in_dim3A_107 = arith.constant 0.000000e+00 : f32
      %broadcast_in_dim3A_108 = vector.broadcast %broadcast_in_dim3A_107 : f32 to vector<16xf32>
      %swap3A_109 = arith.index_cast %scan3A_87 : i32 to index
      %swap3A_110 = arith.constant 48 : index
      %swap3A_111 = tpu.vector_load %arg10[%swap3A_109, %swap3A_110] {strides = array<i32>} : memref<64x64xf32, #tpu.memory_space<vmem>>, vector<1x16xf32>,
      %swap3A_112 = vector.shape_cast %swap3A_111 : vector<1x16xf32> to vector<16xf32>
      %swap3A_113 = vector.shape_cast %broadcast_in_dim3A_108 : vector<16xf32> to vector<1x16xf32>
      tpu.vector_store %arg10[%swap3A_109, %swap3A_110], %swap3A_113 {strides = array<i32>} : memref<64x64xf32, #tpu.memory_space<vmem>>, vector<1x16xf32>,
    }
    %scan3A_9 = arith.constant 64 : i32
    %mul3A_10 = arith.constant 640 : i32
    %mul3A_11 = arith.muli %arg1, %mul3A_10 : i32
    %add3A_12 = arith.constant 0 : i32
    %add3A_13 = arith.addi %mul3A_11, %add3A_12 : i32
    "tpu.region"() ({
      %run_scoped3A = tpu.sem_alloc : memref<!tpu.dma_semaphore, #tpu.memory_space<semaphore_mem>>
      %dma_start3A_87 = arith.constant 0 : i32
      %dma_start3A_88 = tpu.memref_slice %arg11[%add3A_13, %dma_start3A_87] : memref<10240x64xf32, #tpu.memory_space<vmem_shared>> -> memref<64x64xf32, #tpu.memory_space<vmem_shared>>
      %dma_start3A_89 = arith.constant 0 : i32
      %dma_start3A_90 = tpu.memref_slice %arg11[%add3A_13, %dma_start3A_89] : memref<10240x64xf32, #tpu.memory_space<vmem_shared>> -> memref<64x64xf32, #tpu.memory_space<vmem_shared>>
      tpu.enqueue_dma source(%arg10 : memref<64x64xf32, #tpu.memory_space<vmem>>) target(%dma_start3A_90 : memref<64x64xf32, #tpu.memory_space<vmem_shared>>) target_semaphore(%run_scoped3A : memref<!tpu.dma_semaphore, #tpu.memory_space<semaphore_mem>>)
      %dma_wait3A_91 = arith.constant 0 : i32
      %dma_wait3A_92 = tpu.memref_slice %arg11[%add3A_13, %dma_wait3A_91] : memref<10240x64xf32, #tpu.memory_space<vmem_shared>> -> memref<64x64xf32, #tpu.memory_space<vmem_shared>>
      %dma_wait3A_93 = arith.constant 0 : i32
      %dma_wait3A_94 = tpu.memref_slice %arg11[%add3A_13, %dma_wait3A_93] : memref<10240x64xf32, #tpu.memory_space<vmem_shared>> -> memref<64x64xf32, #tpu.memory_space<vmem_shared>>
      tpu.wait_dma2 semaphore(%run_scoped3A : memref<!tpu.dma_semaphore, #tpu.memory_space<semaphore_mem>>) src(%arg10 : memref<64x64xf32, #tpu.memory_space<vmem>>) dst(%dma_wait3A_94 : memref<64x64xf32, #tpu.memory_space<vmem_shared>>)
      tpu.yield
    }) : () -> ()
    %mul3A_14 = arith.constant 640 : i32
    %mul3A_15 = arith.muli %arg1, %mul3A_14 : i32
    %add3A_16 = arith.constant 64 : i32
    %add3A_17 = arith.addi %mul3A_15, %add3A_16 : i32
    "tpu.region"() ({
      %run_scoped3A = tpu.sem_alloc : memref<!tpu.dma_semaphore, #tpu.memory_space<semaphore_mem>>
      %dma_start3A_87 = arith.constant 0 : i32
      %dma_start3A_88 = tpu.memref_slice %arg11[%add3A_17, %dma_start3A_87] : memref<10240x64xf32, #tpu.memory_space<vmem_shared>> -> memref<64x64xf32, #tpu.memory_space<vmem_shared>>
      %dma_start3A_89 = arith.constant 0 : i32
      %dma_start3A_90 = tpu.memref_slice %arg11[%add3A_17, %dma_start3A_89] : memref<10240x64xf32, #tpu.memory_space<vmem_shared>> -> memref<64x64xf32, #tpu.memory_space<vmem_shared>>
      tpu.enqueue_dma source(%arg10 : memref<64x64xf32, #tpu.memory_space<vmem>>) target(%dma_start3A_90 : memref<64x64xf32, #tpu.memory_space<vmem_shared>>) target_semaphore(%run_scoped3A : memref<!tpu.dma_semaphore, #tpu.memory_space<semaphore_mem>>)
      %dma_wait3A_91 = arith.constant 0 : i32
      %dma_wait3A_92 = tpu.memref_slice %arg11[%add3A_17, %dma_wait3A_91] : memref<10240x64xf32, #tpu.memory_space<vmem_shared>> -> memref<64x64xf32, #tpu.memory_space<vmem_shared>>
      %dma_wait3A_93 = arith.constant 0 : i32
      %dma_wait3A_94 = tpu.memref_slice %arg11[%add3A_17, %dma_wait3A_93] : memref<10240x64xf32, #tpu.memory_space<vmem_shared>> -> memref<64x64xf32, #tpu.memory_space<vmem_shared>>
      tpu.wait_dma2 semaphore(%run_scoped3A : memref<!tpu.dma_semaphore, #tpu.memory_space<semaphore_mem>>) src(%arg10 : memref<64x64xf32, #tpu.memory_space<vmem>>) dst(%dma_wait3A_94 : memref<64x64xf32, #tpu.memory_space<vmem_shared>>)
      tpu.yield
    }) : () -> ()
    %mul3A_18 = arith.constant 640 : i32
    %mul3A_19 = arith.muli %arg1, %mul3A_18 : i32
    %add3A_20 = arith.constant 128 : i32
    %add3A_21 = arith.addi %mul3A_19, %add3A_20 : i32
    "tpu.region"() ({
      %run_scoped3A = tpu.sem_alloc : memref<!tpu.dma_semaphore, #tpu.memory_space<semaphore_mem>>
      %dma_start3A_87 = arith.constant 0 : i32
      %dma_start3A_88 = tpu.memref_slice %arg11[%add3A_21, %dma_start3A_87] : memref<10240x64xf32, #tpu.memory_space<vmem_shared>> -> memref<64x64xf32, #tpu.memory_space<vmem_shared>>
      %dma_start3A_89 = arith.constant 0 : i32
      %dma_start3A_90 = tpu.memref_slice %arg11[%add3A_21, %dma_start3A_89] : memref<10240x64xf32, #tpu.memory_space<vmem_shared>> -> memref<64x64xf32, #tpu.memory_space<vmem_shared>>
      tpu.enqueue_dma source(%arg10 : memref<64x64xf32, #tpu.memory_space<vmem>>) target(%dma_start3A_90 : memref<64x64xf32, #tpu.memory_space<vmem_shared>>) target_semaphore(%run_scoped3A : memref<!tpu.dma_semaphore, #tpu.memory_space<semaphore_mem>>)
      %dma_wait3A_91 = arith.constant 0 : i32
      %dma_wait3A_92 = tpu.memref_slice %arg11[%add3A_21, %dma_wait3A_91] : memref<10240x64xf32, #tpu.memory_space<vmem_shared>> -> memref<64x64xf32, #tpu.memory_space<vmem_shared>>
      %dma_wait3A_93 = arith.constant 0 : i32
      %dma_wait3A_94 = tpu.memref_slice %arg11[%add3A_21, %dma_wait3A_93] : memref<10240x64xf32, #tpu.memory_space<vmem_shared>> -> memref<64x64xf32, #tpu.memory_space<vmem_shared>>
      tpu.wait_dma2 semaphore(%run_scoped3A : memref<!tpu.dma_semaphore, #tpu.memory_space<semaphore_mem>>) src(%arg10 : memref<64x64xf32, #tpu.memory_space<vmem>>) dst(%dma_wait3A_94 : memref<64x64xf32, #tpu.memory_space<vmem_shared>>)
      tpu.yield
    }) : () -> ()
    %mul3A_22 = arith.constant 640 : i32
    %mul3A_23 = arith.muli %arg1, %mul3A_22 : i32
    %add3A_24 = arith.constant 192 : i32
    %add3A_25 = arith.addi %mul3A_23, %add3A_24 : i32
    "tpu.region"() ({
      %run_scoped3A = tpu.sem_alloc : memref<!tpu.dma_semaphore, #tpu.memory_space<semaphore_mem>>
      %dma_start3A_87 = arith.constant 0 : i32
      %dma_start3A_88 = tpu.memref_slice %arg11[%add3A_25, %dma_start3A_87] : memref<10240x64xf32, #tpu.memory_space<vmem_shared>> -> memref<64x64xf32, #tpu.memory_space<vmem_shared>>
      %dma_start3A_89 = arith.constant 0 : i32
      %dma_start3A_90 = tpu.memref_slice %arg11[%add3A_25, %dma_start3A_89] : memref<10240x64xf32, #tpu.memory_space<vmem_shared>> -> memref<64x64xf32, #tpu.memory_space<vmem_shared>>
      tpu.enqueue_dma source(%arg10 : memref<64x64xf32, #tpu.memory_space<vmem>>) target(%dma_start3A_90 : memref<64x64xf32, #tpu.memory_space<vmem_shared>>) target_semaphore(%run_scoped3A : memref<!tpu.dma_semaphore, #tpu.memory_space<semaphore_mem>>)
      %dma_wait3A_91 = arith.constant 0 : i32
      %dma_wait3A_92 = tpu.memref_slice %arg11[%add3A_25, %dma_wait3A_91] : memref<10240x64xf32, #tpu.memory_space<vmem_shared>> -> memref<64x64xf32, #tpu.memory_space<vmem_shared>>
      %dma_wait3A_93 = arith.constant 0 : i32
      %dma_wait3A_94 = tpu.memref_slice %arg11[%add3A_25, %dma_wait3A_93] : memref<10240x64xf32, #tpu.memory_space<vmem_shared>> -> memref<64x64xf32, #tpu.memory_space<vmem_shared>>
      tpu.wait_dma2 semaphore(%run_scoped3A : memref<!tpu.dma_semaphore, #tpu.memory_space<semaphore_mem>>) src(%arg10 : memref<64x64xf32, #tpu.memory_space<vmem>>) dst(%dma_wait3A_94 : memref<64x64xf32, #tpu.memory_space<vmem_shared>>)
      tpu.yield
    }) : () -> ()
    %mul3A_26 = arith.constant 640 : i32
    %mul3A_27 = arith.muli %arg1, %mul3A_26 : i32
    %add3A_28 = arith.constant 256 : i32
    %add3A_29 = arith.addi %mul3A_27, %add3A_28 : i32
    "tpu.region"() ({
      %run_scoped3A = tpu.sem_alloc : memref<!tpu.dma_semaphore, #tpu.memory_space<semaphore_mem>>
      %dma_start3A_87 = arith.constant 0 : i32
      %dma_start3A_88 = tpu.memref_slice %arg11[%add3A_29, %dma_start3A_87] : memref<10240x64xf32, #tpu.memory_space<vmem_shared>> -> memref<64x64xf32, #tpu.memory_space<vmem_shared>>
      %dma_start3A_89 = arith.constant 0 : i32
      %dma_start3A_90 = tpu.memref_slice %arg11[%add3A_29, %dma_start3A_89] : memref<10240x64xf32, #tpu.memory_space<vmem_shared>> -> memref<64x64xf32, #tpu.memory_space<vmem_shared>>
      tpu.enqueue_dma source(%arg10 : memref<64x64xf32, #tpu.memory_space<vmem>>) target(%dma_start3A_90 : memref<64x64xf32, #tpu.memory_space<vmem_shared>>) target_semaphore(%run_scoped3A : memref<!tpu.dma_semaphore, #tpu.memory_space<semaphore_mem>>)
      %dma_wait3A_91 = arith.constant 0 : i32
      %dma_wait3A_92 = tpu.memref_slice %arg11[%add3A_29, %dma_wait3A_91] : memref<10240x64xf32, #tpu.memory_space<vmem_shared>> -> memref<64x64xf32, #tpu.memory_space<vmem_shared>>
      %dma_wait3A_93 = arith.constant 0 : i32
      %dma_wait3A_94 = tpu.memref_slice %arg11[%add3A_29, %dma_wait3A_93] : memref<10240x64xf32, #tpu.memory_space<vmem_shared>> -> memref<64x64xf32, #tpu.memory_space<vmem_shared>>
      tpu.wait_dma2 semaphore(%run_scoped3A : memref<!tpu.dma_semaphore, #tpu.memory_space<semaphore_mem>>) src(%arg10 : memref<64x64xf32, #tpu.memory_space<vmem>>) dst(%dma_wait3A_94 : memref<64x64xf32, #tpu.memory_space<vmem_shared>>)
      tpu.yield
    }) : () -> ()
    %mul3A_30 = arith.constant 640 : i32
    %mul3A_31 = arith.muli %arg1, %mul3A_30 : i32
    %add3A_32 = arith.constant 320 : i32
    %add3A_33 = arith.addi %mul3A_31, %add3A_32 : i32
    "tpu.region"() ({
      %run_scoped3A = tpu.sem_alloc : memref<!tpu.dma_semaphore, #tpu.memory_space<semaphore_mem>>
      %dma_start3A_87 = arith.constant 0 : i32
      %dma_start3A_88 = tpu.memref_slice %arg11[%add3A_33, %dma_start3A_87] : memref<10240x64xf32, #tpu.memory_space<vmem_shared>> -> memref<64x64xf32, #tpu.memory_space<vmem_shared>>
      %dma_start3A_89 = arith.constant 0 : i32
      %dma_start3A_90 = tpu.memref_slice %arg11[%add3A_33, %dma_start3A_89] : memref<10240x64xf32, #tpu.memory_space<vmem_shared>> -> memref<64x64xf32, #tpu.memory_space<vmem_shared>>
      tpu.enqueue_dma source(%arg10 : memref<64x64xf32, #tpu.memory_space<vmem>>) target(%dma_start3A_90 : memref<64x64xf32, #tpu.memory_space<vmem_shared>>) target_semaphore(%run_scoped3A : memref<!tpu.dma_semaphore, #tpu.memory_space<semaphore_mem>>)
      %dma_wait3A_91 = arith.constant 0 : i32
      %dma_wait3A_92 = tpu.memref_slice %arg11[%add3A_33, %dma_wait3A_91] : memref<10240x64xf32, #tpu.memory_space<vmem_shared>> -> memref<64x64xf32, #tpu.memory_space<vmem_shared>>
      %dma_wait3A_93 = arith.constant 0 : i32
      %dma_wait3A_94 = tpu.memref_slice %arg11[%add3A_33, %dma_wait3A_93] : memref<10240x64xf32, #tpu.memory_space<vmem_shared>> -> memref<64x64xf32, #tpu.memory_space<vmem_shared>>
      tpu.wait_dma2 semaphore(%run_scoped3A : memref<!tpu.dma_semaphore, #tpu.memory_space<semaphore_mem>>) src(%arg10 : memref<64x64xf32, #tpu.memory_space<vmem>>) dst(%dma_wait3A_94 : memref<64x64xf32, #tpu.memory_space<vmem_shared>>)
      tpu.yield
    }) : () -> ()
    %mul3A_34 = arith.constant 640 : i32
    %mul3A_35 = arith.muli %arg1, %mul3A_34 : i32
    %add3A_36 = arith.constant 384 : i32
    %add3A_37 = arith.addi %mul3A_35, %add3A_36 : i32
    "tpu.region"() ({
      %run_scoped3A = tpu.sem_alloc : memref<!tpu.dma_semaphore, #tpu.memory_space<semaphore_mem>>
      %dma_start3A_87 = arith.constant 0 : i32
      %dma_start3A_88 = tpu.memref_slice %arg11[%add3A_37, %dma_start3A_87] : memref<10240x64xf32, #tpu.memory_space<vmem_shared>> -> memref<64x64xf32, #tpu.memory_space<vmem_shared>>
      %dma_start3A_89 = arith.constant 0 : i32
      %dma_start3A_90 = tpu.memref_slice %arg11[%add3A_37, %dma_start3A_89] : memref<10240x64xf32, #tpu.memory_space<vmem_shared>> -> memref<64x64xf32, #tpu.memory_space<vmem_shared>>
      tpu.enqueue_dma source(%arg10 : memref<64x64xf32, #tpu.memory_space<vmem>>) target(%dma_start3A_90 : memref<64x64xf32, #tpu.memory_space<vmem_shared>>) target_semaphore(%run_scoped3A : memref<!tpu.dma_semaphore, #tpu.memory_space<semaphore_mem>>)
      %dma_wait3A_91 = arith.constant 0 : i32
      %dma_wait3A_92 = tpu.memref_slice %arg11[%add3A_37, %dma_wait3A_91] : memref<10240x64xf32, #tpu.memory_space<vmem_shared>> -> memref<64x64xf32, #tpu.memory_space<vmem_shared>>
      %dma_wait3A_93 = arith.constant 0 : i32
      %dma_wait3A_94 = tpu.memref_slice %arg11[%add3A_37, %dma_wait3A_93] : memref<10240x64xf32, #tpu.memory_space<vmem_shared>> -> memref<64x64xf32, #tpu.memory_space<vmem_shared>>
      tpu.wait_dma2 semaphore(%run_scoped3A : memref<!tpu.dma_semaphore, #tpu.memory_space<semaphore_mem>>) src(%arg10 : memref<64x64xf32, #tpu.memory_space<vmem>>) dst(%dma_wait3A_94 : memref<64x64xf32, #tpu.memory_space<vmem_shared>>)
      tpu.yield
    }) : () -> ()
    %mul3A_38 = arith.constant 640 : i32
    %mul3A_39 = arith.muli %arg1, %mul3A_38 : i32
    %add3A_40 = arith.constant 448 : i32
    %add3A_41 = arith.addi %mul3A_39, %add3A_40 : i32
    "tpu.region"() ({
      %run_scoped3A = tpu.sem_alloc : memref<!tpu.dma_semaphore, #tpu.memory_space<semaphore_mem>>
      %dma_start3A_87 = arith.constant 0 : i32
      %dma_start3A_88 = tpu.memref_slice %arg11[%add3A_41, %dma_start3A_87] : memref<10240x64xf32, #tpu.memory_space<vmem_shared>> -> memref<64x64xf32, #tpu.memory_space<vmem_shared>>
      %dma_start3A_89 = arith.constant 0 : i32
      %dma_start3A_90 = tpu.memref_slice %arg11[%add3A_41, %dma_start3A_89] : memref<10240x64xf32, #tpu.memory_space<vmem_shared>> -> memref<64x64xf32, #tpu.memory_space<vmem_shared>>
      tpu.enqueue_dma source(%arg10 : memref<64x64xf32, #tpu.memory_space<vmem>>) target(%dma_start3A_90 : memref<64x64xf32, #tpu.memory_space<vmem_shared>>) target_semaphore(%run_scoped3A : memref<!tpu.dma_semaphore, #tpu.memory_space<semaphore_mem>>)
      %dma_wait3A_91 = arith.constant 0 : i32
      %dma_wait3A_92 = tpu.memref_slice %arg11[%add3A_41, %dma_wait3A_91] : memref<10240x64xf32, #tpu.memory_space<vmem_shared>> -> memref<64x64xf32, #tpu.memory_space<vmem_shared>>
      %dma_wait3A_93 = arith.constant 0 : i32
      %dma_wait3A_94 = tpu.memref_slice %arg11[%add3A_41, %dma_wait3A_93] : memref<10240x64xf32, #tpu.memory_space<vmem_shared>> -> memref<64x64xf32, #tpu.memory_space<vmem_shared>>
      tpu.wait_dma2 semaphore(%run_scoped3A : memref<!tpu.dma_semaphore, #tpu.memory_space<semaphore_mem>>) src(%arg10 : memref<64x64xf32, #tpu.memory_space<vmem>>) dst(%dma_wait3A_94 : memref<64x64xf32, #tpu.memory_space<vmem_shared>>)
      tpu.yield
    }) : () -> ()
    %mul3A_42 = arith.constant 640 : i32
    %mul3A_43 = arith.muli %arg1, %mul3A_42 : i32
    %add3A_44 = arith.constant 512 : i32
    %add3A_45 = arith.addi %mul3A_43, %add3A_44 : i32
    "tpu.region"() ({
      %run_scoped3A = tpu.sem_alloc : memref<!tpu.dma_semaphore, #tpu.memory_space<semaphore_mem>>
      %dma_start3A_87 = arith.constant 0 : i32
      %dma_start3A_88 = tpu.memref_slice %arg11[%add3A_45, %dma_start3A_87] : memref<10240x64xf32, #tpu.memory_space<vmem_shared>> -> memref<64x64xf32, #tpu.memory_space<vmem_shared>>
      %dma_start3A_89 = arith.constant 0 : i32
      %dma_start3A_90 = tpu.memref_slice %arg11[%add3A_45, %dma_start3A_89] : memref<10240x64xf32, #tpu.memory_space<vmem_shared>> -> memref<64x64xf32, #tpu.memory_space<vmem_shared>>
      tpu.enqueue_dma source(%arg10 : memref<64x64xf32, #tpu.memory_space<vmem>>) target(%dma_start3A_90 : memref<64x64xf32, #tpu.memory_space<vmem_shared>>) target_semaphore(%run_scoped3A : memref<!tpu.dma_semaphore, #tpu.memory_space<semaphore_mem>>)
      %dma_wait3A_91 = arith.constant 0 : i32
      %dma_wait3A_92 = tpu.memref_slice %arg11[%add3A_45, %dma_wait3A_91] : memref<10240x64xf32, #tpu.memory_space<vmem_shared>> -> memref<64x64xf32, #tpu.memory_space<vmem_shared>>
      %dma_wait3A_93 = arith.constant 0 : i32
      %dma_wait3A_94 = tpu.memref_slice %arg11[%add3A_45, %dma_wait3A_93] : memref<10240x64xf32, #tpu.memory_space<vmem_shared>> -> memref<64x64xf32, #tpu.memory_space<vmem_shared>>
      tpu.wait_dma2 semaphore(%run_scoped3A : memref<!tpu.dma_semaphore, #tpu.memory_space<semaphore_mem>>) src(%arg10 : memref<64x64xf32, #tpu.memory_space<vmem>>) dst(%dma_wait3A_94 : memref<64x64xf32, #tpu.memory_space<vmem_shared>>)
      tpu.yield
    }) : () -> ()
    %mul3A_46 = arith.constant 640 : i32
    %mul3A_47 = arith.muli %arg1, %mul3A_46 : i32
    %add3A_48 = arith.constant 576 : i32
    %add3A_49 = arith.addi %mul3A_47, %add3A_48 : i32
    "tpu.region"() ({
      %run_scoped3A = tpu.sem_alloc : memref<!tpu.dma_semaphore, #tpu.memory_space<semaphore_mem>>
      %dma_start3A_87 = arith.constant 0 : i32
      %dma_start3A_88 = tpu.memref_slice %arg11[%add3A_49, %dma_start3A_87] : memref<10240x64xf32, #tpu.memory_space<vmem_shared>> -> memref<64x64xf32, #tpu.memory_space<vmem_shared>>
      %dma_start3A_89 = arith.constant 0 : i32
      %dma_start3A_90 = tpu.memref_slice %arg11[%add3A_49, %dma_start3A_89] : memref<10240x64xf32, #tpu.memory_space<vmem_shared>> -> memref<64x64xf32, #tpu.memory_space<vmem_shared>>
      tpu.enqueue_dma source(%arg10 : memref<64x64xf32, #tpu.memory_space<vmem>>) target(%dma_start3A_90 : memref<64x64xf32, #tpu.memory_space<vmem_shared>>) target_semaphore(%run_scoped3A : memref<!tpu.dma_semaphore, #tpu.memory_space<semaphore_mem>>)
      %dma_wait3A_91 = arith.constant 0 : i32
      %dma_wait3A_92 = tpu.memref_slice %arg11[%add3A_49, %dma_wait3A_91] : memref<10240x64xf32, #tpu.memory_space<vmem_shared>> -> memref<64x64xf32, #tpu.memory_space<vmem_shared>>
      %dma_wait3A_93 = arith.constant 0 : i32
      %dma_wait3A_94 = tpu.memref_slice %arg11[%add3A_49, %dma_wait3A_93] : memref<10240x64xf32, #tpu.memory_space<vmem_shared>> -> memref<64x64xf32, #tpu.memory_space<vmem_shared>>
      tpu.wait_dma2 semaphore(%run_scoped3A : memref<!tpu.dma_semaphore, #tpu.memory_space<semaphore_mem>>) src(%arg10 : memref<64x64xf32, #tpu.memory_space<vmem>>) dst(%dma_wait3A_94 : memref<64x64xf32, #tpu.memory_space<vmem_shared>>)
      tpu.yield
    }) : () -> ()
    %barrier3A = arith.constant 0 : index
    tpu.barrier barrier_id(%barrier3A)
    %dma_start3A = arith.constant 0 : i32
    %dma_start3A_50 = arith.constant 0 : i32
    %dma_start3A_51 = tpu.memref_slice %arg5[%dma_start3A, %dma_start3A_50] : memref<168x128xi32, #tpu.memory_space<vmem>> -> memref<1x128xi32, #tpu.memory_space<vmem>>
    %dma_start3A_52 = tpu.memref_squeeze %dma_start3A_51 : memref<1x128xi32, #tpu.memory_space<vmem>> -> memref<128xi32, #tpu.memory_space<vmem>>
    %dma_start3A_53 = arith.constant 0 : i32
    %dma_start3A_54 = arith.constant 0 : i32
    %dma_start3A_55 = tpu.memref_slice %arg2[%dma_start3A_53, %dma_start3A_54] : memref<10240x64xf32, #tpu.memory_space<hbm>> -> memref<10240x64xf32, #tpu.memory_space<hbm>>
    tpu.enqueue_indirect_dma source(%dma_start3A_55 : memref<10240x64xf32, #tpu.memory_space<hbm>>) target(%arg6 : memref<128x64xf32, #tpu.memory_space<vmem>>) offsets(%dma_start3A_52 : memref<128xi32, #tpu.memory_space<vmem>>) semaphore(%arg12 : memref<!tpu.dma_semaphore, #tpu.memory_space<semaphore_mem>>)
    %dma_start3A_56 = arith.constant 2 : i32
    %dma_start3A_57 = arith.constant 0 : i32
    %dma_start3A_58 = tpu.memref_slice %arg5[%dma_start3A_56, %dma_start3A_57] : memref<168x128xi32, #tpu.memory_space<vmem>> -> memref<1x128xi32, #tpu.memory_space<vmem>>
    %dma_start3A_59 = tpu.memref_squeeze %dma_start3A_58 : memref<1x128xi32, #tpu.memory_space<vmem>> -> memref<128xi32, #tpu.memory_space<vmem>>
    %dma_start3A_60 = arith.constant 0 : i32
    %dma_start3A_61 = arith.constant 0 : i32
    %dma_start3A_62 = tpu.memref_slice %arg2[%dma_start3A_60, %dma_start3A_61] : memref<10240x64xf32, #tpu.memory_space<hbm>> -> memref<10240x64xf32, #tpu.memory_space<hbm>>
    tpu.enqueue_indirect_dma source(%dma_start3A_62 : memref<10240x64xf32, #tpu.memory_space<hbm>>) target(%arg7 : memref<128x64xf32, #tpu.memory_space<vmem>>) offsets(%dma_start3A_59 : memref<128xi32, #tpu.memory_space<vmem>>) semaphore(%arg13 : memref<!tpu.dma_semaphore, #tpu.memory_space<semaphore_mem>>)
    %scan3A_63 = arith.constant 0 : i32
    %scan3A_64 = arith.constant 0 : i32
    %scan3A_65 = arith.constant 21 : i32
    %scan3A_66 = arith.addi %scan3A_64, %scan3A_65 : i32
    %scan3A_67 = arith.constant 1 : i32
    scf.for %scan3A_87 = %scan3A_64 to %scan3A_66 step %scan3A_67  : i32 {
      %mul3A_88 = arith.constant 4 : i32
      %mul3A_89 = arith.muli %scan3A_87, %mul3A_88 : i32
      %add3A_90 = arith.constant 0 : i32
      %add3A_91 = arith.addi %mul3A_89, %add3A_90 : i32
      %mul3A_92 = arith.constant 2 : i32
      %mul3A_93 = arith.muli %mul3A_92, %add3A_91 : i32
      %dma_wait3A_94 = arith.constant 0 : i32
      %dma_wait3A_95 = tpu.memref_slice %arg5[%mul3A_93, %dma_wait3A_94] : memref<168x128xi32, #tpu.memory_space<vmem>> -> memref<1x128xi32, #tpu.memory_space<vmem>>
      %dma_wait3A_96 = tpu.memref_squeeze %dma_wait3A_95 : memref<1x128xi32, #tpu.memory_space<vmem>> -> memref<128xi32, #tpu.memory_space<vmem>>
      %dma_wait3A_97 = arith.constant 0 : i32
      %dma_wait3A_98 = arith.constant 0 : i32
      %dma_wait3A_99 = tpu.memref_slice %arg2[%dma_wait3A_97, %dma_wait3A_98] : memref<10240x64xf32, #tpu.memory_space<hbm>> -> memref<10240x64xf32, #tpu.memory_space<hbm>>
      tpu.wait_indirect_dma semaphore(%arg12 : memref<!tpu.dma_semaphore, #tpu.memory_space<semaphore_mem>>) src(%dma_wait3A_99 : memref<10240x64xf32, #tpu.memory_space<hbm>>) dst(%arg6 : memref<128x64xf32, #tpu.memory_space<vmem>>)
      %mul3A_100 = arith.constant 2 : i32
      %mul3A_101 = arith.muli %mul3A_100, %add3A_91 : i32
      %add3A_102 = arith.constant 1 : i32
      %add3A_103 = arith.addi %mul3A_101, %add3A_102 : i32
      %dma_start3A_104 = arith.constant 0 : i32
      %dma_start3A_105 = tpu.memref_slice %arg5[%add3A_103, %dma_start3A_104] : memref<168x128xi32, #tpu.memory_space<vmem>> -> memref<1x128xi32, #tpu.memory_space<vmem>>
      %dma_start3A_106 = tpu.memref_squeeze %dma_start3A_105 : memref<1x128xi32, #tpu.memory_space<vmem>> -> memref<128xi32, #tpu.memory_space<vmem>>
      %dma_start3A_107 = arith.constant 0 : i32
      %dma_start3A_108 = arith.constant 0 : i32
      %dma_start3A_109 = tpu.memref_slice %arg11[%dma_start3A_107, %dma_start3A_108] : memref<10240x64xf32, #tpu.memory_space<vmem_shared>> -> memref<10240x64xf32, #tpu.memory_space<vmem_shared>>
      tpu.enqueue_indirect_dma source(%arg6 : memref<128x64xf32, #tpu.memory_space<vmem>>) target(%dma_start3A_109 : memref<10240x64xf32, #tpu.memory_space<vmem_shared>>) offsets(%dma_start3A_106 : memref<128xi32, #tpu.memory_space<vmem>>) semaphore(%arg16 : memref<!tpu.dma_semaphore, #tpu.memory_space<semaphore_mem>>) {add = true}
      %ge3A = arith.constant 2 : i32
      %ge3A_110 = arith.cmpi sge, %add3A_91, %ge3A : i32
      %convert_element_type3A = arith.extui %ge3A_110 : i1 to i32
      %cond3A = arith.constant 0 : i32
      %cond3A_111 = arith.cmpi ne, %convert_element_type3A, %cond3A : i32
      scf.if %cond3A_111 {
        %sub3A = arith.constant 2 : i32
        %sub3A_220 = arith.subi %add3A_91, %sub3A : i32
        %mul3A_221 = arith.constant 2 : i32
        %mul3A_222 = arith.muli %mul3A_221, %sub3A_220 : i32
        %add3A_223 = arith.constant 1 : i32
        %add3A_224 = arith.addi %mul3A_222, %add3A_223 : i32
        %dma_wait3A_225 = arith.constant 0 : i32
        %dma_wait3A_226 = tpu.memref_slice %arg5[%add3A_224, %dma_wait3A_225] : memref<168x128xi32, #tpu.memory_space<vmem>> -> memref<1x128xi32, #tpu.memory_space<vmem>>
        %dma_wait3A_227 = tpu.memref_squeeze %dma_wait3A_226 : memref<1x128xi32, #tpu.memory_space<vmem>> -> memref<128xi32, #tpu.memory_space<vmem>>
        %dma_wait3A_228 = arith.constant 0 : i32
        %dma_wait3A_229 = arith.constant 0 : i32
        %dma_wait3A_230 = tpu.memref_slice %arg11[%dma_wait3A_228, %dma_wait3A_229] : memref<10240x64xf32, #tpu.memory_space<vmem_shared>> -> memref<10240x64xf32, #tpu.memory_space<vmem_shared>>
        tpu.wait_indirect_dma semaphore(%arg18 : memref<!tpu.dma_semaphore, #tpu.memory_space<semaphore_mem>>) src(%arg8 : memref<128x64xf32, #tpu.memory_space<vmem>>) dst(%dma_wait3A_230 : memref<10240x64xf32, #tpu.memory_space<vmem_shared>>)
      } else {
      }
      %add3A_112 = arith.constant 2 : i32
      %add3A_113 = arith.addi %add3A_91, %add3A_112 : i32
      %lt3A = arith.constant 84 : i32
      %lt3A_114 = arith.cmpi slt, %add3A_113, %lt3A : i32
      %convert_element_type3A_115 = arith.extui %lt3A_114 : i1 to i32
      %cond3A_116 = arith.constant 0 : i32
      %cond3A_117 = arith.cmpi ne, %convert_element_type3A_115, %cond3A_116 : i32
      scf.if %cond3A_117 {
        %add3A_220 = arith.constant 2 : i32
        %add3A_221 = arith.addi %add3A_91, %add3A_220 : i32
        %mul3A_222 = arith.constant 2 : i32
        %mul3A_223 = arith.muli %mul3A_222, %add3A_221 : i32
        %dma_start3A_224 = arith.constant 0 : i32
        %dma_start3A_225 = tpu.memref_slice %arg5[%mul3A_223, %dma_start3A_224] : memref<168x128xi32, #tpu.memory_space<vmem>> -> memref<1x128xi32, #tpu.memory_space<vmem>>
        %dma_start3A_226 = tpu.memref_squeeze %dma_start3A_225 : memref<1x128xi32, #tpu.memory_space<vmem>> -> memref<128xi32, #tpu.memory_space<vmem>>
        %dma_start3A_227 = arith.constant 0 : i32
        %dma_start3A_228 = arith.constant 0 : i32
        %dma_start3A_229 = tpu.memref_slice %arg2[%dma_start3A_227, %dma_start3A_228] : memref<10240x64xf32, #tpu.memory_space<hbm>> -> memref<10240x64xf32, #tpu.memory_space<hbm>>
        tpu.enqueue_indirect_dma source(%dma_start3A_229 : memref<10240x64xf32, #tpu.memory_space<hbm>>) target(%arg8 : memref<128x64xf32, #tpu.memory_space<vmem>>) offsets(%dma_start3A_226 : memref<128xi32, #tpu.memory_space<vmem>>) semaphore(%arg14 : memref<!tpu.dma_semaphore, #tpu.memory_space<semaphore_mem>>)
      } else {
      }
      %mul3A_118 = arith.constant 4 : i32
      %mul3A_119 = arith.muli %scan3A_87, %mul3A_118 : i32
      %add3A_120 = arith.constant 1 : i32
      %add3A_121 = arith.addi %mul3A_119, %add3A_120 : i32
      %mul3A_122 = arith.constant 2 : i32
      %mul3A_123 = arith.muli %mul3A_122, %add3A_121 : i32
      %dma_wait3A_124 = arith.constant 0 : i32
      %dma_wait3A_125 = tpu.memref_slice %arg5[%mul3A_123, %dma_wait3A_124] : memref<168x128xi32, #tpu.memory_space<vmem>> -> memref<1x128xi32, #tpu.memory_space<vmem>>
      %dma_wait3A_126 = tpu.memref_squeeze %dma_wait3A_125 : memref<1x128xi32, #tpu.memory_space<vmem>> -> memref<128xi32, #tpu.memory_space<vmem>>
      %dma_wait3A_127 = arith.constant 0 : i32
      %dma_wait3A_128 = arith.constant 0 : i32
      %dma_wait3A_129 = tpu.memref_slice %arg2[%dma_wait3A_127, %dma_wait3A_128] : memref<10240x64xf32, #tpu.memory_space<hbm>> -> memref<10240x64xf32, #tpu.memory_space<hbm>>
      tpu.wait_indirect_dma semaphore(%arg13 : memref<!tpu.dma_semaphore, #tpu.memory_space<semaphore_mem>>) src(%dma_wait3A_129 : memref<10240x64xf32, #tpu.memory_space<hbm>>) dst(%arg7 : memref<128x64xf32, #tpu.memory_space<vmem>>)
      %mul3A_130 = arith.constant 2 : i32
      %mul3A_131 = arith.muli %mul3A_130, %add3A_121 : i32
      %add3A_132 = arith.constant 1 : i32
      %add3A_133 = arith.addi %mul3A_131, %add3A_132 : i32
      %dma_start3A_134 = arith.constant 0 : i32
      %dma_start3A_135 = tpu.memref_slice %arg5[%add3A_133, %dma_start3A_134] : memref<168x128xi32, #tpu.memory_space<vmem>> -> memref<1x128xi32, #tpu.memory_space<vmem>>
      %dma_start3A_136 = tpu.memref_squeeze %dma_start3A_135 : memref<1x128xi32, #tpu.memory_space<vmem>> -> memref<128xi32, #tpu.memory_space<vmem>>
      %dma_start3A_137 = arith.constant 0 : i32
      %dma_start3A_138 = arith.constant 0 : i32
      %dma_start3A_139 = tpu.memref_slice %arg11[%dma_start3A_137, %dma_start3A_138] : memref<10240x64xf32, #tpu.memory_space<vmem_shared>> -> memref<10240x64xf32, #tpu.memory_space<vmem_shared>>
      tpu.enqueue_indirect_dma source(%arg7 : memref<128x64xf32, #tpu.memory_space<vmem>>) target(%dma_start3A_139 : memref<10240x64xf32, #tpu.memory_space<vmem_shared>>) offsets(%dma_start3A_136 : memref<128xi32, #tpu.memory_space<vmem>>) semaphore(%arg17 : memref<!tpu.dma_semaphore, #tpu.memory_space<semaphore_mem>>) {add = true}
      %ge3A_140 = arith.constant 2 : i32
      %ge3A_141 = arith.cmpi sge, %add3A_121, %ge3A_140 : i32
      %convert_element_type3A_142 = arith.extui %ge3A_141 : i1 to i32
      %cond3A_143 = arith.constant 0 : i32
      %cond3A_144 = arith.cmpi ne, %convert_element_type3A_142, %cond3A_143 : i32
      scf.if %cond3A_144 {
        %sub3A = arith.constant 2 : i32
        %sub3A_220 = arith.subi %add3A_121, %sub3A : i32
        %mul3A_221 = arith.constant 2 : i32
        %mul3A_222 = arith.muli %mul3A_221, %sub3A_220 : i32
        %add3A_223 = arith.constant 1 : i32
        %add3A_224 = arith.addi %mul3A_222, %add3A_223 : i32
        %dma_wait3A_225 = arith.constant 0 : i32
        %dma_wait3A_226 = tpu.memref_slice %arg5[%add3A_224, %dma_wait3A_225] : memref<168x128xi32, #tpu.memory_space<vmem>> -> memref<1x128xi32, #tpu.memory_space<vmem>>
        %dma_wait3A_227 = tpu.memref_squeeze %dma_wait3A_226 : memref<1x128xi32, #tpu.memory_space<vmem>> -> memref<128xi32, #tpu.memory_space<vmem>>
        %dma_wait3A_228 = arith.constant 0 : i32
        %dma_wait3A_229 = arith.constant 0 : i32
        %dma_wait3A_230 = tpu.memref_slice %arg11[%dma_wait3A_228, %dma_wait3A_229] : memref<10240x64xf32, #tpu.memory_space<vmem_shared>> -> memref<10240x64xf32, #tpu.memory_space<vmem_shared>>
        tpu.wait_indirect_dma semaphore(%arg19 : memref<!tpu.dma_semaphore, #tpu.memory_space<semaphore_mem>>) src(%arg9 : memref<128x64xf32, #tpu.memory_space<vmem>>) dst(%dma_wait3A_230 : memref<10240x64xf32, #tpu.memory_space<vmem_shared>>)
      } else {
      }
      %add3A_145 = arith.constant 2 : i32
      %add3A_146 = arith.addi %add3A_121, %add3A_145 : i32
      %lt3A_147 = arith.constant 84 : i32
      %lt3A_148 = arith.cmpi slt, %add3A_146, %lt3A_147 : i32
      %convert_element_type3A_149 = arith.extui %lt3A_148 : i1 to i32
      %cond3A_150 = arith.constant 0 : i32
      %cond3A_151 = arith.cmpi ne, %convert_element_type3A_149, %cond3A_150 : i32
      scf.if %cond3A_151 {
        %add3A_220 = arith.constant 2 : i32
        %add3A_221 = arith.addi %add3A_121, %add3A_220 : i32
        %mul3A_222 = arith.constant 2 : i32
        %mul3A_223 = arith.muli %mul3A_222, %add3A_221 : i32
        %dma_start3A_224 = arith.constant 0 : i32
        %dma_start3A_225 = tpu.memref_slice %arg5[%mul3A_223, %dma_start3A_224] : memref<168x128xi32, #tpu.memory_space<vmem>> -> memref<1x128xi32, #tpu.memory_space<vmem>>
        %dma_start3A_226 = tpu.memref_squeeze %dma_start3A_225 : memref<1x128xi32, #tpu.memory_space<vmem>> -> memref<128xi32, #tpu.memory_space<vmem>>
        %dma_start3A_227 = arith.constant 0 : i32
        %dma_start3A_228 = arith.constant 0 : i32
        %dma_start3A_229 = tpu.memref_slice %arg2[%dma_start3A_227, %dma_start3A_228] : memref<10240x64xf32, #tpu.memory_space<hbm>> -> memref<10240x64xf32, #tpu.memory_space<hbm>>
        tpu.enqueue_indirect_dma source(%dma_start3A_229 : memref<10240x64xf32, #tpu.memory_space<hbm>>) target(%arg9 : memref<128x64xf32, #tpu.memory_space<vmem>>) offsets(%dma_start3A_226 : memref<128xi32, #tpu.memory_space<vmem>>) semaphore(%arg15 : memref<!tpu.dma_semaphore, #tpu.memory_space<semaphore_mem>>)
      } else {
      }
      %mul3A_152 = arith.constant 4 : i32
      %mul3A_153 = arith.muli %scan3A_87, %mul3A_152 : i32
      %add3A_154 = arith.constant 2 : i32
      %add3A_155 = arith.addi %mul3A_153, %add3A_154 : i32
      %mul3A_156 = arith.constant 2 : i32
      %mul3A_157 = arith.muli %mul3A_156, %add3A_155 : i32
      %dma_wait3A_158 = arith.constant 0 : i32
      %dma_wait3A_159 = tpu.memref_slice %arg5[%mul3A_157, %dma_wait3A_158] : memref<168x128xi32, #tpu.memory_space<vmem>> -> memref<1x128xi32, #tpu.memory_space<vmem>>
      %dma_wait3A_160 = tpu.memref_squeeze %dma_wait3A_159 : memref<1x128xi32, #tpu.memory_space<vmem>> -> memref<128xi32, #tpu.memory_space<vmem>>
      %dma_wait3A_161 = arith.constant 0 : i32
      %dma_wait3A_162 = arith.constant 0 : i32
      %dma_wait3A_163 = tpu.memref_slice %arg2[%dma_wait3A_161, %dma_wait3A_162] : memref<10240x64xf32, #tpu.memory_space<hbm>> -> memref<10240x64xf32, #tpu.memory_space<hbm>>
      tpu.wait_indirect_dma semaphore(%arg14 : memref<!tpu.dma_semaphore, #tpu.memory_space<semaphore_mem>>) src(%dma_wait3A_163 : memref<10240x64xf32, #tpu.memory_space<hbm>>) dst(%arg8 : memref<128x64xf32, #tpu.memory_space<vmem>>)
      %mul3A_164 = arith.constant 2 : i32
      %mul3A_165 = arith.muli %mul3A_164, %add3A_155 : i32
      %add3A_166 = arith.constant 1 : i32
      %add3A_167 = arith.addi %mul3A_165, %add3A_166 : i32
      %dma_start3A_168 = arith.constant 0 : i32
      %dma_start3A_169 = tpu.memref_slice %arg5[%add3A_167, %dma_start3A_168] : memref<168x128xi32, #tpu.memory_space<vmem>> -> memref<1x128xi32, #tpu.memory_space<vmem>>
      %dma_start3A_170 = tpu.memref_squeeze %dma_start3A_169 : memref<1x128xi32, #tpu.memory_space<vmem>> -> memref<128xi32, #tpu.memory_space<vmem>>
      %dma_start3A_171 = arith.constant 0 : i32
      %dma_start3A_172 = arith.constant 0 : i32
      %dma_start3A_173 = tpu.memref_slice %arg11[%dma_start3A_171, %dma_start3A_172] : memref<10240x64xf32, #tpu.memory_space<vmem_shared>> -> memref<10240x64xf32, #tpu.memory_space<vmem_shared>>
      tpu.enqueue_indirect_dma source(%arg8 : memref<128x64xf32, #tpu.memory_space<vmem>>) target(%dma_start3A_173 : memref<10240x64xf32, #tpu.memory_space<vmem_shared>>) offsets(%dma_start3A_170 : memref<128xi32, #tpu.memory_space<vmem>>) semaphore(%arg18 : memref<!tpu.dma_semaphore, #tpu.memory_space<semaphore_mem>>) {add = true}
      %ge3A_174 = arith.constant 2 : i32
      %ge3A_175 = arith.cmpi sge, %add3A_155, %ge3A_174 : i32
      %convert_element_type3A_176 = arith.extui %ge3A_175 : i1 to i32
      %cond3A_177 = arith.constant 0 : i32
      %cond3A_178 = arith.cmpi ne, %convert_element_type3A_176, %cond3A_177 : i32
      scf.if %cond3A_178 {
        %sub3A = arith.constant 2 : i32
        %sub3A_220 = arith.subi %add3A_155, %sub3A : i32
        %mul3A_221 = arith.constant 2 : i32
        %mul3A_222 = arith.muli %mul3A_221, %sub3A_220 : i32
        %add3A_223 = arith.constant 1 : i32
        %add3A_224 = arith.addi %mul3A_222, %add3A_223 : i32
        %dma_wait3A_225 = arith.constant 0 : i32
        %dma_wait3A_226 = tpu.memref_slice %arg5[%add3A_224, %dma_wait3A_225] : memref<168x128xi32, #tpu.memory_space<vmem>> -> memref<1x128xi32, #tpu.memory_space<vmem>>
        %dma_wait3A_227 = tpu.memref_squeeze %dma_wait3A_226 : memref<1x128xi32, #tpu.memory_space<vmem>> -> memref<128xi32, #tpu.memory_space<vmem>>
        %dma_wait3A_228 = arith.constant 0 : i32
        %dma_wait3A_229 = arith.constant 0 : i32
        %dma_wait3A_230 = tpu.memref_slice %arg11[%dma_wait3A_228, %dma_wait3A_229] : memref<10240x64xf32, #tpu.memory_space<vmem_shared>> -> memref<10240x64xf32, #tpu.memory_space<vmem_shared>>
        tpu.wait_indirect_dma semaphore(%arg16 : memref<!tpu.dma_semaphore, #tpu.memory_space<semaphore_mem>>) src(%arg6 : memref<128x64xf32, #tpu.memory_space<vmem>>) dst(%dma_wait3A_230 : memref<10240x64xf32, #tpu.memory_space<vmem_shared>>)
      } else {
      }
      %add3A_179 = arith.constant 2 : i32
      %add3A_180 = arith.addi %add3A_155, %add3A_179 : i32
      %lt3A_181 = arith.constant 84 : i32
      %lt3A_182 = arith.cmpi slt, %add3A_180, %lt3A_181 : i32
      %convert_element_type3A_183 = arith.extui %lt3A_182 : i1 to i32
      %cond3A_184 = arith.constant 0 : i32
      %cond3A_185 = arith.cmpi ne, %convert_element_type3A_183, %cond3A_184 : i32
      scf.if %cond3A_185 {
        %add3A_220 = arith.constant 2 : i32
        %add3A_221 = arith.addi %add3A_155, %add3A_220 : i32
        %mul3A_222 = arith.constant 2 : i32
        %mul3A_223 = arith.muli %mul3A_222, %add3A_221 : i32
        %dma_start3A_224 = arith.constant 0 : i32
        %dma_start3A_225 = tpu.memref_slice %arg5[%mul3A_223, %dma_start3A_224] : memref<168x128xi32, #tpu.memory_space<vmem>> -> memref<1x128xi32, #tpu.memory_space<vmem>>
        %dma_start3A_226 = tpu.memref_squeeze %dma_start3A_225 : memref<1x128xi32, #tpu.memory_space<vmem>> -> memref<128xi32, #tpu.memory_space<vmem>>
        %dma_start3A_227 = arith.constant 0 : i32
        %dma_start3A_228 = arith.constant 0 : i32
        %dma_start3A_229 = tpu.memref_slice %arg2[%dma_start3A_227, %dma_start3A_228] : memref<10240x64xf32, #tpu.memory_space<hbm>> -> memref<10240x64xf32, #tpu.memory_space<hbm>>
        tpu.enqueue_indirect_dma source(%dma_start3A_229 : memref<10240x64xf32, #tpu.memory_space<hbm>>) target(%arg6 : memref<128x64xf32, #tpu.memory_space<vmem>>) offsets(%dma_start3A_226 : memref<128xi32, #tpu.memory_space<vmem>>) semaphore(%arg12 : memref<!tpu.dma_semaphore, #tpu.memory_space<semaphore_mem>>)
      } else {
      }
      %mul3A_186 = arith.constant 4 : i32
      %mul3A_187 = arith.muli %scan3A_87, %mul3A_186 : i32
      %add3A_188 = arith.constant 3 : i32
      %add3A_189 = arith.addi %mul3A_187, %add3A_188 : i32
      %mul3A_190 = arith.constant 2 : i32
      %mul3A_191 = arith.muli %mul3A_190, %add3A_189 : i32
      %dma_wait3A_192 = arith.constant 0 : i32
      %dma_wait3A_193 = tpu.memref_slice %arg5[%mul3A_191, %dma_wait3A_192] : memref<168x128xi32, #tpu.memory_space<vmem>> -> memref<1x128xi32, #tpu.memory_space<vmem>>
      %dma_wait3A_194 = tpu.memref_squeeze %dma_wait3A_193 : memref<1x128xi32, #tpu.memory_space<vmem>> -> memref<128xi32, #tpu.memory_space<vmem>>
      %dma_wait3A_195 = arith.constant 0 : i32
      %dma_wait3A_196 = arith.constant 0 : i32
      %dma_wait3A_197 = tpu.memref_slice %arg2[%dma_wait3A_195, %dma_wait3A_196] : memref<10240x64xf32, #tpu.memory_space<hbm>> -> memref<10240x64xf32, #tpu.memory_space<hbm>>
      tpu.wait_indirect_dma semaphore(%arg15 : memref<!tpu.dma_semaphore, #tpu.memory_space<semaphore_mem>>) src(%dma_wait3A_197 : memref<10240x64xf32, #tpu.memory_space<hbm>>) dst(%arg9 : memref<128x64xf32, #tpu.memory_space<vmem>>)
      %mul3A_198 = arith.constant 2 : i32
      %mul3A_199 = arith.muli %mul3A_198, %add3A_189 : i32
      %add3A_200 = arith.constant 1 : i32
      %add3A_201 = arith.addi %mul3A_199, %add3A_200 : i32
      %dma_start3A_202 = arith.constant 0 : i32
      %dma_start3A_203 = tpu.memref_slice %arg5[%add3A_201, %dma_start3A_202] : memref<168x128xi32, #tpu.memory_space<vmem>> -> memref<1x128xi32, #tpu.memory_space<vmem>>
      %dma_start3A_204 = tpu.memref_squeeze %dma_start3A_203 : memref<1x128xi32, #tpu.memory_space<vmem>> -> memref<128xi32, #tpu.memory_space<vmem>>
      %dma_start3A_205 = arith.constant 0 : i32
      %dma_start3A_206 = arith.constant 0 : i32
      %dma_start3A_207 = tpu.memref_slice %arg11[%dma_start3A_205, %dma_start3A_206] : memref<10240x64xf32, #tpu.memory_space<vmem_shared>> -> memref<10240x64xf32, #tpu.memory_space<vmem_shared>>
      tpu.enqueue_indirect_dma source(%arg9 : memref<128x64xf32, #tpu.memory_space<vmem>>) target(%dma_start3A_207 : memref<10240x64xf32, #tpu.memory_space<vmem_shared>>) offsets(%dma_start3A_204 : memref<128xi32, #tpu.memory_space<vmem>>) semaphore(%arg19 : memref<!tpu.dma_semaphore, #tpu.memory_space<semaphore_mem>>) {add = true}
      %ge3A_208 = arith.constant 2 : i32
      %ge3A_209 = arith.cmpi sge, %add3A_189, %ge3A_208 : i32
      %convert_element_type3A_210 = arith.extui %ge3A_209 : i1 to i32
      %cond3A_211 = arith.constant 0 : i32
      %cond3A_212 = arith.cmpi ne, %convert_element_type3A_210, %cond3A_211 : i32
      scf.if %cond3A_212 {
        %sub3A = arith.constant 2 : i32
        %sub3A_220 = arith.subi %add3A_189, %sub3A : i32
        %mul3A_221 = arith.constant 2 : i32
        %mul3A_222 = arith.muli %mul3A_221, %sub3A_220 : i32
        %add3A_223 = arith.constant 1 : i32
        %add3A_224 = arith.addi %mul3A_222, %add3A_223 : i32
        %dma_wait3A_225 = arith.constant 0 : i32
        %dma_wait3A_226 = tpu.memref_slice %arg5[%add3A_224, %dma_wait3A_225] : memref<168x128xi32, #tpu.memory_space<vmem>> -> memref<1x128xi32, #tpu.memory_space<vmem>>
        %dma_wait3A_227 = tpu.memref_squeeze %dma_wait3A_226 : memref<1x128xi32, #tpu.memory_space<vmem>> -> memref<128xi32, #tpu.memory_space<vmem>>
        %dma_wait3A_228 = arith.constant 0 : i32
        %dma_wait3A_229 = arith.constant 0 : i32
        %dma_wait3A_230 = tpu.memref_slice %arg11[%dma_wait3A_228, %dma_wait3A_229] : memref<10240x64xf32, #tpu.memory_space<vmem_shared>> -> memref<10240x64xf32, #tpu.memory_space<vmem_shared>>
        tpu.wait_indirect_dma semaphore(%arg17 : memref<!tpu.dma_semaphore, #tpu.memory_space<semaphore_mem>>) src(%arg7 : memref<128x64xf32, #tpu.memory_space<vmem>>) dst(%dma_wait3A_230 : memref<10240x64xf32, #tpu.memory_space<vmem_shared>>)
      } else {
      }
      %add3A_213 = arith.constant 2 : i32
      %add3A_214 = arith.addi %add3A_189, %add3A_213 : i32
      %lt3A_215 = arith.constant 84 : i32
      %lt3A_216 = arith.cmpi slt, %add3A_214, %lt3A_215 : i32
      %convert_element_type3A_217 = arith.extui %lt3A_216 : i1 to i32
      %cond3A_218 = arith.constant 0 : i32
      %cond3A_219 = arith.cmpi ne, %convert_element_type3A_217, %cond3A_218 : i32
      scf.if %cond3A_219 {
        %add3A_220 = arith.constant 2 : i32
        %add3A_221 = arith.addi %add3A_189, %add3A_220 : i32
        %mul3A_222 = arith.constant 2 : i32
        %mul3A_223 = arith.muli %mul3A_222, %add3A_221 : i32
        %dma_start3A_224 = arith.constant 0 : i32
        %dma_start3A_225 = tpu.memref_slice %arg5[%mul3A_223, %dma_start3A_224] : memref<168x128xi32, #tpu.memory_space<vmem>> -> memref<1x128xi32, #tpu.memory_space<vmem>>
        %dma_start3A_226 = tpu.memref_squeeze %dma_start3A_225 : memref<1x128xi32, #tpu.memory_space<vmem>> -> memref<128xi32, #tpu.memory_space<vmem>>
        %dma_start3A_227 = arith.constant 0 : i32
        %dma_start3A_228 = arith.constant 0 : i32
        %dma_start3A_229 = tpu.memref_slice %arg2[%dma_start3A_227, %dma_start3A_228] : memref<10240x64xf32, #tpu.memory_space<hbm>> -> memref<10240x64xf32, #tpu.memory_space<hbm>>
        tpu.enqueue_indirect_dma source(%dma_start3A_229 : memref<10240x64xf32, #tpu.memory_space<hbm>>) target(%arg7 : memref<128x64xf32, #tpu.memory_space<vmem>>) offsets(%dma_start3A_226 : memref<128xi32, #tpu.memory_space<vmem>>) semaphore(%arg13 : memref<!tpu.dma_semaphore, #tpu.memory_space<semaphore_mem>>)
      } else {
      }
    }
    %scan3A_68 = arith.constant 21 : i32
    %dma_wait3A = arith.constant 165 : i32
    %dma_wait3A_69 = arith.constant 0 : i32
    %dma_wait3A_70 = tpu.memref_slice %arg5[%dma_wait3A, %dma_wait3A_69] : memref<168x128xi32, #tpu.memory_space<vmem>> -> memref<1x128xi32, #tpu.memory_space<vmem>>
    %dma_wait3A_71 = tpu.memref_squeeze %dma_wait3A_70 : memref<1x128xi32, #tpu.memory_space<vmem>> -> memref<128xi32, #tpu.memory_space<vmem>>
    %dma_wait3A_72 = arith.constant 0 : i32
    %dma_wait3A_73 = arith.constant 0 : i32
    %dma_wait3A_74 = tpu.memref_slice %arg11[%dma_wait3A_72, %dma_wait3A_73] : memref<10240x64xf32, #tpu.memory_space<vmem_shared>> -> memref<10240x64xf32, #tpu.memory_space<vmem_shared>>
    tpu.wait_indirect_dma semaphore(%arg18 : memref<!tpu.dma_semaphore, #tpu.memory_space<semaphore_mem>>) src(%arg8 : memref<128x64xf32, #tpu.memory_space<vmem>>) dst(%dma_wait3A_74 : memref<10240x64xf32, #tpu.memory_space<vmem_shared>>)
    %dma_wait3A_75 = arith.constant 167 : i32
    %dma_wait3A_76 = arith.constant 0 : i32
    %dma_wait3A_77 = tpu.memref_slice %arg5[%dma_wait3A_75, %dma_wait3A_76] : memref<168x128xi32, #tpu.memory_space<vmem>> -> memref<1x128xi32, #tpu.memory_space<vmem>>
    %dma_wait3A_78 = tpu.memref_squeeze %dma_wait3A_77 : memref<1x128xi32, #tpu.memory_space<vmem>> -> memref<128xi32, #tpu.memory_space<vmem>>
    %dma_wait3A_79 = arith.constant 0 : i32
    %dma_wait3A_80 = arith.constant 0 : i32
    %dma_wait3A_81 = tpu.memref_slice %arg11[%dma_wait3A_79, %dma_wait3A_80] : memref<10240x64xf32, #tpu.memory_space<vmem_shared>> -> memref<10240x64xf32, #tpu.memory_space<vmem_shared>>
    tpu.wait_indirect_dma semaphore(%arg19 : memref<!tpu.dma_semaphore, #tpu.memory_space<semaphore_mem>>) src(%arg9 : memref<128x64xf32, #tpu.memory_space<vmem>>) dst(%dma_wait3A_81 : memref<10240x64xf32, #tpu.memory_space<vmem_shared>>)
    %barrier3A_82 = arith.constant 0 : index
    tpu.barrier barrier_id(%barrier3A_82)
    %mul3A_83 = arith.constant 640 : i32
    %mul3A_84 = arith.muli %arg1, %mul3A_83 : i32
    %mul3A_85 = arith.constant 640 : i32
    %mul3A_86 = arith.muli %arg1, %mul3A_85 : i32
    "tpu.region"() ({
      %run_scoped3A = tpu.sem_alloc : memref<!tpu.dma_semaphore, #tpu.memory_space<semaphore_mem>>
      %dma_start3A_87 = arith.constant 0 : i32
      %dma_start3A_88 = tpu.memref_slice %arg4[%arg0, %mul3A_86, %dma_start3A_87] : memref<2x10240x64xf32, #tpu.memory_space<hbm>> -> memref<1x640x64xf32, #tpu.memory_space<hbm>>
      %dma_start3A_89 = tpu.memref_squeeze %dma_start3A_88 : memref<1x640x64xf32, #tpu.memory_space<hbm>> -> memref<640x64xf32, #tpu.memory_space<hbm>>
      %dma_start3A_90 = arith.constant 0 : i32
      %dma_start3A_91 = tpu.memref_slice %arg11[%mul3A_84, %dma_start3A_90] : memref<10240x64xf32, #tpu.memory_space<vmem_shared>> -> memref<640x64xf32, #tpu.memory_space<vmem_shared>>
      tpu.enqueue_dma source(%dma_start3A_91 : memref<640x64xf32, #tpu.memory_space<vmem_shared>>) target(%dma_start3A_89 : memref<640x64xf32, #tpu.memory_space<hbm>>) target_semaphore(%run_scoped3A : memref<!tpu.dma_semaphore, #tpu.memory_space<semaphore_mem>>)
      %dma_wait3A_92 = arith.constant 0 : i32
      %dma_wait3A_93 = tpu.memref_slice %arg4[%arg0, %mul3A_86, %dma_wait3A_92] : memref<2x10240x64xf32, #tpu.memory_space<hbm>> -> memref<1x640x64xf32, #tpu.memory_space<hbm>>
      %dma_wait3A_94 = tpu.memref_squeeze %dma_wait3A_93 : memref<1x640x64xf32, #tpu.memory_space<hbm>> -> memref<640x64xf32, #tpu.memory_space<hbm>>
      %dma_wait3A_95 = arith.constant 0 : i32
      %dma_wait3A_96 = tpu.memref_slice %arg11[%mul3A_84, %dma_wait3A_95] : memref<10240x64xf32, #tpu.memory_space<vmem_shared>> -> memref<640x64xf32, #tpu.memory_space<vmem_shared>>
      tpu.wait_dma2 semaphore(%run_scoped3A : memref<!tpu.dma_semaphore, #tpu.memory_space<semaphore_mem>>) src(%dma_wait3A_96 : memref<640x64xf32, #tpu.memory_space<vmem_shared>>) dst(%dma_wait3A_94 : memref<640x64xf32, #tpu.memory_space<hbm>>)
      tpu.yield
    }) : () -> ()
    return
  }
}

#map = affine_map<(d0, d1) -> (0, 0)>
#map1 = affine_map<(d0, d1) -> (0, 0, 0)>
module attributes {stable_mosaic.version = 14 : i64} {
  func.func @_sc_degree(%arg0: i32, %arg1: i32, %arg2: memref<5376x128xi32, #tpu.memory_space<hbm>>, %arg3: memref<2x10240x16xf32, #tpu.memory_space<hbm>>, %arg4: memref<168x128xi32, #tpu.memory_space<vmem>>, %arg5: memref<128x16xf32, #tpu.memory_space<vmem>>, %arg6: memref<64x16xf32, #tpu.memory_space<vmem>>, %arg7: memref<10240x16xf32, #tpu.memory_space<vmem_shared>>, %arg8: memref<!tpu.dma_semaphore, #tpu.memory_space<semaphore_mem>>) attributes {dimension_semantics = [#tpu.dimension_semantics<core_parallel>, #tpu.dimension_semantics<subcore_parallel>], iteration_bounds = array<i64: 2, 16>, scalar_prefetch = 0 : i64, scratch_operands = 5 : i64, tpu.core_type = #tpu.core_type<sc_vector_subcore>, window_params = [{transform_indices = #map}, {transform_indices = #map1}]} {
    %mul3A = arith.constant 2 : i32
    %mul3A_0 = arith.muli %arg1, %mul3A : i32
    %add3A = arith.addi %mul3A_0, %arg0 : i32
    %mul3A_1 = arith.constant 2 : i32
    %mul3A_2 = arith.muli %add3A, %mul3A_1 : i32
    %mul3A_3 = arith.constant 84 : i32
    %mul3A_4 = arith.muli %mul3A_2, %mul3A_3 : i32
    "tpu.region"() ({
      %run_scoped3A = tpu.sem_alloc : memref<!tpu.dma_semaphore, #tpu.memory_space<semaphore_mem>>
      %dma_start3A = arith.constant 0 : i32
      %dma_start3A_122 = tpu.memref_slice %arg2[%mul3A_4, %dma_start3A] : memref<5376x128xi32, #tpu.memory_space<hbm>> -> memref<168x128xi32, #tpu.memory_space<hbm>>
      %dma_start3A_123 = arith.constant 0 : i32
      %dma_start3A_124 = tpu.memref_slice %arg2[%mul3A_4, %dma_start3A_123] : memref<5376x128xi32, #tpu.memory_space<hbm>> -> memref<168x128xi32, #tpu.memory_space<hbm>>
      tpu.enqueue_dma source(%dma_start3A_124 : memref<168x128xi32, #tpu.memory_space<hbm>>) target(%arg4 : memref<168x128xi32, #tpu.memory_space<vmem>>) target_semaphore(%run_scoped3A : memref<!tpu.dma_semaphore, #tpu.memory_space<semaphore_mem>>)
      %dma_wait3A_125 = arith.constant 0 : i32
      %dma_wait3A_126 = tpu.memref_slice %arg2[%mul3A_4, %dma_wait3A_125] : memref<5376x128xi32, #tpu.memory_space<hbm>> -> memref<168x128xi32, #tpu.memory_space<hbm>>
      %dma_wait3A_127 = arith.constant 0 : i32
      %dma_wait3A_128 = tpu.memref_slice %arg2[%mul3A_4, %dma_wait3A_127] : memref<5376x128xi32, #tpu.memory_space<hbm>> -> memref<168x128xi32, #tpu.memory_space<hbm>>
      tpu.wait_dma2 semaphore(%run_scoped3A : memref<!tpu.dma_semaphore, #tpu.memory_space<semaphore_mem>>) src(%dma_wait3A_128 : memref<168x128xi32, #tpu.memory_space<hbm>>) dst(%arg4 : memref<168x128xi32, #tpu.memory_space<vmem>>)
      tpu.yield
    }) : () -> ()
    %scan3A = arith.constant 0 : i32
    %scan3A_5 = arith.constant 0 : i32
    %scan3A_6 = arith.constant 128 : i32
    %scan3A_7 = arith.addi %scan3A_5, %scan3A_6 : i32
    %scan3A_8 = arith.constant 1 : i32
    scf.for %scan3A_122 = %scan3A_5 to %scan3A_7 step %scan3A_8  : i32 {
      %broadcast_in_dim3A = arith.constant 1.000000e+00 : f32
      %broadcast_in_dim3A_123 = vector.broadcast %broadcast_in_dim3A : f32 to vector<16xf32>
      %swap3A = arith.index_cast %scan3A_122 : i32 to index
      %swap3A_124 = arith.constant 0 : index
      %swap3A_125 = tpu.vector_load %arg5[%swap3A, %swap3A_124] {strides = array<i32>} : memref<128x16xf32, #tpu.memory_space<vmem>>, vector<1x16xf32>,
      %swap3A_126 = vector.shape_cast %swap3A_125 : vector<1x16xf32> to vector<16xf32>
      %swap3A_127 = vector.shape_cast %broadcast_in_dim3A_123 : vector<16xf32> to vector<1x16xf32>
      tpu.vector_store %arg5[%swap3A, %swap3A_124], %swap3A_127 {strides = array<i32>} : memref<128x16xf32, #tpu.memory_space<vmem>>, vector<1x16xf32>,
    }
    %scan3A_9 = arith.constant 128 : i32
    %scan3A_10 = arith.constant 0 : i32
    %scan3A_11 = arith.constant 0 : i32
    %scan3A_12 = arith.constant 64 : i32
    %scan3A_13 = arith.addi %scan3A_11, %scan3A_12 : i32
    %scan3A_14 = arith.constant 1 : i32
    scf.for %scan3A_122 = %scan3A_11 to %scan3A_13 step %scan3A_14  : i32 {
      %broadcast_in_dim3A = arith.constant 0.000000e+00 : f32
      %broadcast_in_dim3A_123 = vector.broadcast %broadcast_in_dim3A : f32 to vector<16xf32>
      %swap3A = arith.index_cast %scan3A_122 : i32 to index
      %swap3A_124 = arith.constant 0 : index
      %swap3A_125 = tpu.vector_load %arg6[%swap3A, %swap3A_124] {strides = array<i32>} : memref<64x16xf32, #tpu.memory_space<vmem>>, vector<1x16xf32>,
      %swap3A_126 = vector.shape_cast %swap3A_125 : vector<1x16xf32> to vector<16xf32>
      %swap3A_127 = vector.shape_cast %broadcast_in_dim3A_123 : vector<16xf32> to vector<1x16xf32>
      tpu.vector_store %arg6[%swap3A, %swap3A_124], %swap3A_127 {strides = array<i32>} : memref<64x16xf32, #tpu.memory_space<vmem>>, vector<1x16xf32>,
    }
    %scan3A_15 = arith.constant 64 : i32
    %mul3A_16 = arith.constant 640 : i32
    %mul3A_17 = arith.muli %arg1, %mul3A_16 : i32
    %add3A_18 = arith.constant 0 : i32
    %add3A_19 = arith.addi %mul3A_17, %add3A_18 : i32
    "tpu.region"() ({
      %run_scoped3A = tpu.sem_alloc : memref<!tpu.dma_semaphore, #tpu.memory_space<semaphore_mem>>
      %dma_start3A = arith.constant 0 : i32
      %dma_start3A_122 = tpu.memref_slice %arg7[%add3A_19, %dma_start3A] : memref<10240x16xf32, #tpu.memory_space<vmem_shared>> -> memref<64x16xf32, #tpu.memory_space<vmem_shared>>
      %dma_start3A_123 = arith.constant 0 : i32
      %dma_start3A_124 = tpu.memref_slice %arg7[%add3A_19, %dma_start3A_123] : memref<10240x16xf32, #tpu.memory_space<vmem_shared>> -> memref<64x16xf32, #tpu.memory_space<vmem_shared>>
      tpu.enqueue_dma source(%arg6 : memref<64x16xf32, #tpu.memory_space<vmem>>) target(%dma_start3A_124 : memref<64x16xf32, #tpu.memory_space<vmem_shared>>) target_semaphore(%run_scoped3A : memref<!tpu.dma_semaphore, #tpu.memory_space<semaphore_mem>>)
      %dma_wait3A_125 = arith.constant 0 : i32
      %dma_wait3A_126 = tpu.memref_slice %arg7[%add3A_19, %dma_wait3A_125] : memref<10240x16xf32, #tpu.memory_space<vmem_shared>> -> memref<64x16xf32, #tpu.memory_space<vmem_shared>>
      %dma_wait3A_127 = arith.constant 0 : i32
      %dma_wait3A_128 = tpu.memref_slice %arg7[%add3A_19, %dma_wait3A_127] : memref<10240x16xf32, #tpu.memory_space<vmem_shared>> -> memref<64x16xf32, #tpu.memory_space<vmem_shared>>
      tpu.wait_dma2 semaphore(%run_scoped3A : memref<!tpu.dma_semaphore, #tpu.memory_space<semaphore_mem>>) src(%arg6 : memref<64x16xf32, #tpu.memory_space<vmem>>) dst(%dma_wait3A_128 : memref<64x16xf32, #tpu.memory_space<vmem_shared>>)
      tpu.yield
    }) : () -> ()
    %mul3A_20 = arith.constant 640 : i32
    %mul3A_21 = arith.muli %arg1, %mul3A_20 : i32
    %add3A_22 = arith.constant 64 : i32
    %add3A_23 = arith.addi %mul3A_21, %add3A_22 : i32
    "tpu.region"() ({
      %run_scoped3A = tpu.sem_alloc : memref<!tpu.dma_semaphore, #tpu.memory_space<semaphore_mem>>
      %dma_start3A = arith.constant 0 : i32
      %dma_start3A_122 = tpu.memref_slice %arg7[%add3A_23, %dma_start3A] : memref<10240x16xf32, #tpu.memory_space<vmem_shared>> -> memref<64x16xf32, #tpu.memory_space<vmem_shared>>
      %dma_start3A_123 = arith.constant 0 : i32
      %dma_start3A_124 = tpu.memref_slice %arg7[%add3A_23, %dma_start3A_123] : memref<10240x16xf32, #tpu.memory_space<vmem_shared>> -> memref<64x16xf32, #tpu.memory_space<vmem_shared>>
      tpu.enqueue_dma source(%arg6 : memref<64x16xf32, #tpu.memory_space<vmem>>) target(%dma_start3A_124 : memref<64x16xf32, #tpu.memory_space<vmem_shared>>) target_semaphore(%run_scoped3A : memref<!tpu.dma_semaphore, #tpu.memory_space<semaphore_mem>>)
      %dma_wait3A_125 = arith.constant 0 : i32
      %dma_wait3A_126 = tpu.memref_slice %arg7[%add3A_23, %dma_wait3A_125] : memref<10240x16xf32, #tpu.memory_space<vmem_shared>> -> memref<64x16xf32, #tpu.memory_space<vmem_shared>>
      %dma_wait3A_127 = arith.constant 0 : i32
      %dma_wait3A_128 = tpu.memref_slice %arg7[%add3A_23, %dma_wait3A_127] : memref<10240x16xf32, #tpu.memory_space<vmem_shared>> -> memref<64x16xf32, #tpu.memory_space<vmem_shared>>
      tpu.wait_dma2 semaphore(%run_scoped3A : memref<!tpu.dma_semaphore, #tpu.memory_space<semaphore_mem>>) src(%arg6 : memref<64x16xf32, #tpu.memory_space<vmem>>) dst(%dma_wait3A_128 : memref<64x16xf32, #tpu.memory_space<vmem_shared>>)
      tpu.yield
    }) : () -> ()
    %mul3A_24 = arith.constant 640 : i32
    %mul3A_25 = arith.muli %arg1, %mul3A_24 : i32
    %add3A_26 = arith.constant 128 : i32
    %add3A_27 = arith.addi %mul3A_25, %add3A_26 : i32
    "tpu.region"() ({
      %run_scoped3A = tpu.sem_alloc : memref<!tpu.dma_semaphore, #tpu.memory_space<semaphore_mem>>
      %dma_start3A = arith.constant 0 : i32
      %dma_start3A_122 = tpu.memref_slice %arg7[%add3A_27, %dma_start3A] : memref<10240x16xf32, #tpu.memory_space<vmem_shared>> -> memref<64x16xf32, #tpu.memory_space<vmem_shared>>
      %dma_start3A_123 = arith.constant 0 : i32
      %dma_start3A_124 = tpu.memref_slice %arg7[%add3A_27, %dma_start3A_123] : memref<10240x16xf32, #tpu.memory_space<vmem_shared>> -> memref<64x16xf32, #tpu.memory_space<vmem_shared>>
      tpu.enqueue_dma source(%arg6 : memref<64x16xf32, #tpu.memory_space<vmem>>) target(%dma_start3A_124 : memref<64x16xf32, #tpu.memory_space<vmem_shared>>) target_semaphore(%run_scoped3A : memref<!tpu.dma_semaphore, #tpu.memory_space<semaphore_mem>>)
      %dma_wait3A_125 = arith.constant 0 : i32
      %dma_wait3A_126 = tpu.memref_slice %arg7[%add3A_27, %dma_wait3A_125] : memref<10240x16xf32, #tpu.memory_space<vmem_shared>> -> memref<64x16xf32, #tpu.memory_space<vmem_shared>>
      %dma_wait3A_127 = arith.constant 0 : i32
      %dma_wait3A_128 = tpu.memref_slice %arg7[%add3A_27, %dma_wait3A_127] : memref<10240x16xf32, #tpu.memory_space<vmem_shared>> -> memref<64x16xf32, #tpu.memory_space<vmem_shared>>
      tpu.wait_dma2 semaphore(%run_scoped3A : memref<!tpu.dma_semaphore, #tpu.memory_space<semaphore_mem>>) src(%arg6 : memref<64x16xf32, #tpu.memory_space<vmem>>) dst(%dma_wait3A_128 : memref<64x16xf32, #tpu.memory_space<vmem_shared>>)
      tpu.yield
    }) : () -> ()
    %mul3A_28 = arith.constant 640 : i32
    %mul3A_29 = arith.muli %arg1, %mul3A_28 : i32
    %add3A_30 = arith.constant 192 : i32
    %add3A_31 = arith.addi %mul3A_29, %add3A_30 : i32
    "tpu.region"() ({
      %run_scoped3A = tpu.sem_alloc : memref<!tpu.dma_semaphore, #tpu.memory_space<semaphore_mem>>
      %dma_start3A = arith.constant 0 : i32
      %dma_start3A_122 = tpu.memref_slice %arg7[%add3A_31, %dma_start3A] : memref<10240x16xf32, #tpu.memory_space<vmem_shared>> -> memref<64x16xf32, #tpu.memory_space<vmem_shared>>
      %dma_start3A_123 = arith.constant 0 : i32
      %dma_start3A_124 = tpu.memref_slice %arg7[%add3A_31, %dma_start3A_123] : memref<10240x16xf32, #tpu.memory_space<vmem_shared>> -> memref<64x16xf32, #tpu.memory_space<vmem_shared>>
      tpu.enqueue_dma source(%arg6 : memref<64x16xf32, #tpu.memory_space<vmem>>) target(%dma_start3A_124 : memref<64x16xf32, #tpu.memory_space<vmem_shared>>) target_semaphore(%run_scoped3A : memref<!tpu.dma_semaphore, #tpu.memory_space<semaphore_mem>>)
      %dma_wait3A_125 = arith.constant 0 : i32
      %dma_wait3A_126 = tpu.memref_slice %arg7[%add3A_31, %dma_wait3A_125] : memref<10240x16xf32, #tpu.memory_space<vmem_shared>> -> memref<64x16xf32, #tpu.memory_space<vmem_shared>>
      %dma_wait3A_127 = arith.constant 0 : i32
      %dma_wait3A_128 = tpu.memref_slice %arg7[%add3A_31, %dma_wait3A_127] : memref<10240x16xf32, #tpu.memory_space<vmem_shared>> -> memref<64x16xf32, #tpu.memory_space<vmem_shared>>
      tpu.wait_dma2 semaphore(%run_scoped3A : memref<!tpu.dma_semaphore, #tpu.memory_space<semaphore_mem>>) src(%arg6 : memref<64x16xf32, #tpu.memory_space<vmem>>) dst(%dma_wait3A_128 : memref<64x16xf32, #tpu.memory_space<vmem_shared>>)
      tpu.yield
    }) : () -> ()
    %mul3A_32 = arith.constant 640 : i32
    %mul3A_33 = arith.muli %arg1, %mul3A_32 : i32
    %add3A_34 = arith.constant 256 : i32
    %add3A_35 = arith.addi %mul3A_33, %add3A_34 : i32
    "tpu.region"() ({
      %run_scoped3A = tpu.sem_alloc : memref<!tpu.dma_semaphore, #tpu.memory_space<semaphore_mem>>
      %dma_start3A = arith.constant 0 : i32
      %dma_start3A_122 = tpu.memref_slice %arg7[%add3A_35, %dma_start3A] : memref<10240x16xf32, #tpu.memory_space<vmem_shared>> -> memref<64x16xf32, #tpu.memory_space<vmem_shared>>
      %dma_start3A_123 = arith.constant 0 : i32
      %dma_start3A_124 = tpu.memref_slice %arg7[%add3A_35, %dma_start3A_123] : memref<10240x16xf32, #tpu.memory_space<vmem_shared>> -> memref<64x16xf32, #tpu.memory_space<vmem_shared>>
      tpu.enqueue_dma source(%arg6 : memref<64x16xf32, #tpu.memory_space<vmem>>) target(%dma_start3A_124 : memref<64x16xf32, #tpu.memory_space<vmem_shared>>) target_semaphore(%run_scoped3A : memref<!tpu.dma_semaphore, #tpu.memory_space<semaphore_mem>>)
      %dma_wait3A_125 = arith.constant 0 : i32
      %dma_wait3A_126 = tpu.memref_slice %arg7[%add3A_35, %dma_wait3A_125] : memref<10240x16xf32, #tpu.memory_space<vmem_shared>> -> memref<64x16xf32, #tpu.memory_space<vmem_shared>>
      %dma_wait3A_127 = arith.constant 0 : i32
      %dma_wait3A_128 = tpu.memref_slice %arg7[%add3A_35, %dma_wait3A_127] : memref<10240x16xf32, #tpu.memory_space<vmem_shared>> -> memref<64x16xf32, #tpu.memory_space<vmem_shared>>
      tpu.wait_dma2 semaphore(%run_scoped3A : memref<!tpu.dma_semaphore, #tpu.memory_space<semaphore_mem>>) src(%arg6 : memref<64x16xf32, #tpu.memory_space<vmem>>) dst(%dma_wait3A_128 : memref<64x16xf32, #tpu.memory_space<vmem_shared>>)
      tpu.yield
    }) : () -> ()
    %mul3A_36 = arith.constant 640 : i32
    %mul3A_37 = arith.muli %arg1, %mul3A_36 : i32
    %add3A_38 = arith.constant 320 : i32
    %add3A_39 = arith.addi %mul3A_37, %add3A_38 : i32
    "tpu.region"() ({
      %run_scoped3A = tpu.sem_alloc : memref<!tpu.dma_semaphore, #tpu.memory_space<semaphore_mem>>
      %dma_start3A = arith.constant 0 : i32
      %dma_start3A_122 = tpu.memref_slice %arg7[%add3A_39, %dma_start3A] : memref<10240x16xf32, #tpu.memory_space<vmem_shared>> -> memref<64x16xf32, #tpu.memory_space<vmem_shared>>
      %dma_start3A_123 = arith.constant 0 : i32
      %dma_start3A_124 = tpu.memref_slice %arg7[%add3A_39, %dma_start3A_123] : memref<10240x16xf32, #tpu.memory_space<vmem_shared>> -> memref<64x16xf32, #tpu.memory_space<vmem_shared>>
      tpu.enqueue_dma source(%arg6 : memref<64x16xf32, #tpu.memory_space<vmem>>) target(%dma_start3A_124 : memref<64x16xf32, #tpu.memory_space<vmem_shared>>) target_semaphore(%run_scoped3A : memref<!tpu.dma_semaphore, #tpu.memory_space<semaphore_mem>>)
      %dma_wait3A_125 = arith.constant 0 : i32
      %dma_wait3A_126 = tpu.memref_slice %arg7[%add3A_39, %dma_wait3A_125] : memref<10240x16xf32, #tpu.memory_space<vmem_shared>> -> memref<64x16xf32, #tpu.memory_space<vmem_shared>>
      %dma_wait3A_127 = arith.constant 0 : i32
      %dma_wait3A_128 = tpu.memref_slice %arg7[%add3A_39, %dma_wait3A_127] : memref<10240x16xf32, #tpu.memory_space<vmem_shared>> -> memref<64x16xf32, #tpu.memory_space<vmem_shared>>
      tpu.wait_dma2 semaphore(%run_scoped3A : memref<!tpu.dma_semaphore, #tpu.memory_space<semaphore_mem>>) src(%arg6 : memref<64x16xf32, #tpu.memory_space<vmem>>) dst(%dma_wait3A_128 : memref<64x16xf32, #tpu.memory_space<vmem_shared>>)
      tpu.yield
    }) : () -> ()
    %mul3A_40 = arith.constant 640 : i32
    %mul3A_41 = arith.muli %arg1, %mul3A_40 : i32
    %add3A_42 = arith.constant 384 : i32
    %add3A_43 = arith.addi %mul3A_41, %add3A_42 : i32
    "tpu.region"() ({
      %run_scoped3A = tpu.sem_alloc : memref<!tpu.dma_semaphore, #tpu.memory_space<semaphore_mem>>
      %dma_start3A = arith.constant 0 : i32
      %dma_start3A_122 = tpu.memref_slice %arg7[%add3A_43, %dma_start3A] : memref<10240x16xf32, #tpu.memory_space<vmem_shared>> -> memref<64x16xf32, #tpu.memory_space<vmem_shared>>
      %dma_start3A_123 = arith.constant 0 : i32
      %dma_start3A_124 = tpu.memref_slice %arg7[%add3A_43, %dma_start3A_123] : memref<10240x16xf32, #tpu.memory_space<vmem_shared>> -> memref<64x16xf32, #tpu.memory_space<vmem_shared>>
      tpu.enqueue_dma source(%arg6 : memref<64x16xf32, #tpu.memory_space<vmem>>) target(%dma_start3A_124 : memref<64x16xf32, #tpu.memory_space<vmem_shared>>) target_semaphore(%run_scoped3A : memref<!tpu.dma_semaphore, #tpu.memory_space<semaphore_mem>>)
      %dma_wait3A_125 = arith.constant 0 : i32
      %dma_wait3A_126 = tpu.memref_slice %arg7[%add3A_43, %dma_wait3A_125] : memref<10240x16xf32, #tpu.memory_space<vmem_shared>> -> memref<64x16xf32, #tpu.memory_space<vmem_shared>>
      %dma_wait3A_127 = arith.constant 0 : i32
      %dma_wait3A_128 = tpu.memref_slice %arg7[%add3A_43, %dma_wait3A_127] : memref<10240x16xf32, #tpu.memory_space<vmem_shared>> -> memref<64x16xf32, #tpu.memory_space<vmem_shared>>
      tpu.wait_dma2 semaphore(%run_scoped3A : memref<!tpu.dma_semaphore, #tpu.memory_space<semaphore_mem>>) src(%arg6 : memref<64x16xf32, #tpu.memory_space<vmem>>) dst(%dma_wait3A_128 : memref<64x16xf32, #tpu.memory_space<vmem_shared>>)
      tpu.yield
    }) : () -> ()
    %mul3A_44 = arith.constant 640 : i32
    %mul3A_45 = arith.muli %arg1, %mul3A_44 : i32
    %add3A_46 = arith.constant 448 : i32
    %add3A_47 = arith.addi %mul3A_45, %add3A_46 : i32
    "tpu.region"() ({
      %run_scoped3A = tpu.sem_alloc : memref<!tpu.dma_semaphore, #tpu.memory_space<semaphore_mem>>
      %dma_start3A = arith.constant 0 : i32
      %dma_start3A_122 = tpu.memref_slice %arg7[%add3A_47, %dma_start3A] : memref<10240x16xf32, #tpu.memory_space<vmem_shared>> -> memref<64x16xf32, #tpu.memory_space<vmem_shared>>
      %dma_start3A_123 = arith.constant 0 : i32
      %dma_start3A_124 = tpu.memref_slice %arg7[%add3A_47, %dma_start3A_123] : memref<10240x16xf32, #tpu.memory_space<vmem_shared>> -> memref<64x16xf32, #tpu.memory_space<vmem_shared>>
      tpu.enqueue_dma source(%arg6 : memref<64x16xf32, #tpu.memory_space<vmem>>) target(%dma_start3A_124 : memref<64x16xf32, #tpu.memory_space<vmem_shared>>) target_semaphore(%run_scoped3A : memref<!tpu.dma_semaphore, #tpu.memory_space<semaphore_mem>>)
      %dma_wait3A_125 = arith.constant 0 : i32
      %dma_wait3A_126 = tpu.memref_slice %arg7[%add3A_47, %dma_wait3A_125] : memref<10240x16xf32, #tpu.memory_space<vmem_shared>> -> memref<64x16xf32, #tpu.memory_space<vmem_shared>>
      %dma_wait3A_127 = arith.constant 0 : i32
      %dma_wait3A_128 = tpu.memref_slice %arg7[%add3A_47, %dma_wait3A_127] : memref<10240x16xf32, #tpu.memory_space<vmem_shared>> -> memref<64x16xf32, #tpu.memory_space<vmem_shared>>
      tpu.wait_dma2 semaphore(%run_scoped3A : memref<!tpu.dma_semaphore, #tpu.memory_space<semaphore_mem>>) src(%arg6 : memref<64x16xf32, #tpu.memory_space<vmem>>) dst(%dma_wait3A_128 : memref<64x16xf32, #tpu.memory_space<vmem_shared>>)
      tpu.yield
    }) : () -> ()
    %mul3A_48 = arith.constant 640 : i32
    %mul3A_49 = arith.muli %arg1, %mul3A_48 : i32
    %add3A_50 = arith.constant 512 : i32
    %add3A_51 = arith.addi %mul3A_49, %add3A_50 : i32
    "tpu.region"() ({
      %run_scoped3A = tpu.sem_alloc : memref<!tpu.dma_semaphore, #tpu.memory_space<semaphore_mem>>
      %dma_start3A = arith.constant 0 : i32
      %dma_start3A_122 = tpu.memref_slice %arg7[%add3A_51, %dma_start3A] : memref<10240x16xf32, #tpu.memory_space<vmem_shared>> -> memref<64x16xf32, #tpu.memory_space<vmem_shared>>
      %dma_start3A_123 = arith.constant 0 : i32
      %dma_start3A_124 = tpu.memref_slice %arg7[%add3A_51, %dma_start3A_123] : memref<10240x16xf32, #tpu.memory_space<vmem_shared>> -> memref<64x16xf32, #tpu.memory_space<vmem_shared>>
      tpu.enqueue_dma source(%arg6 : memref<64x16xf32, #tpu.memory_space<vmem>>) target(%dma_start3A_124 : memref<64x16xf32, #tpu.memory_space<vmem_shared>>) target_semaphore(%run_scoped3A : memref<!tpu.dma_semaphore, #tpu.memory_space<semaphore_mem>>)
      %dma_wait3A_125 = arith.constant 0 : i32
      %dma_wait3A_126 = tpu.memref_slice %arg7[%add3A_51, %dma_wait3A_125] : memref<10240x16xf32, #tpu.memory_space<vmem_shared>> -> memref<64x16xf32, #tpu.memory_space<vmem_shared>>
      %dma_wait3A_127 = arith.constant 0 : i32
      %dma_wait3A_128 = tpu.memref_slice %arg7[%add3A_51, %dma_wait3A_127] : memref<10240x16xf32, #tpu.memory_space<vmem_shared>> -> memref<64x16xf32, #tpu.memory_space<vmem_shared>>
      tpu.wait_dma2 semaphore(%run_scoped3A : memref<!tpu.dma_semaphore, #tpu.memory_space<semaphore_mem>>) src(%arg6 : memref<64x16xf32, #tpu.memory_space<vmem>>) dst(%dma_wait3A_128 : memref<64x16xf32, #tpu.memory_space<vmem_shared>>)
      tpu.yield
    }) : () -> ()
    %mul3A_52 = arith.constant 640 : i32
    %mul3A_53 = arith.muli %arg1, %mul3A_52 : i32
    %add3A_54 = arith.constant 576 : i32
    %add3A_55 = arith.addi %mul3A_53, %add3A_54 : i32
    "tpu.region"() ({
      %run_scoped3A = tpu.sem_alloc : memref<!tpu.dma_semaphore, #tpu.memory_space<semaphore_mem>>
      %dma_start3A = arith.constant 0 : i32
      %dma_start3A_122 = tpu.memref_slice %arg7[%add3A_55, %dma_start3A] : memref<10240x16xf32, #tpu.memory_space<vmem_shared>> -> memref<64x16xf32, #tpu.memory_space<vmem_shared>>
      %dma_start3A_123 = arith.constant 0 : i32
      %dma_start3A_124 = tpu.memref_slice %arg7[%add3A_55, %dma_start3A_123] : memref<10240x16xf32, #tpu.memory_space<vmem_shared>> -> memref<64x16xf32, #tpu.memory_space<vmem_shared>>
      tpu.enqueue_dma source(%arg6 : memref<64x16xf32, #tpu.memory_space<vmem>>) target(%dma_start3A_124 : memref<64x16xf32, #tpu.memory_space<vmem_shared>>) target_semaphore(%run_scoped3A : memref<!tpu.dma_semaphore, #tpu.memory_space<semaphore_mem>>)
      %dma_wait3A_125 = arith.constant 0 : i32
      %dma_wait3A_126 = tpu.memref_slice %arg7[%add3A_55, %dma_wait3A_125] : memref<10240x16xf32, #tpu.memory_space<vmem_shared>> -> memref<64x16xf32, #tpu.memory_space<vmem_shared>>
      %dma_wait3A_127 = arith.constant 0 : i32
      %dma_wait3A_128 = tpu.memref_slice %arg7[%add3A_55, %dma_wait3A_127] : memref<10240x16xf32, #tpu.memory_space<vmem_shared>> -> memref<64x16xf32, #tpu.memory_space<vmem_shared>>
      tpu.wait_dma2 semaphore(%run_scoped3A : memref<!tpu.dma_semaphore, #tpu.memory_space<semaphore_mem>>) src(%arg6 : memref<64x16xf32, #tpu.memory_space<vmem>>) dst(%dma_wait3A_128 : memref<64x16xf32, #tpu.memory_space<vmem_shared>>)
      tpu.yield
    }) : () -> ()
    %barrier3A = arith.constant 0 : index
    tpu.barrier barrier_id(%barrier3A)
    %scan3A_56 = arith.constant 0 : i32
    %scan3A_57 = arith.constant 0 : i32
    %scan3A_58 = arith.constant 84 : i32
    %scan3A_59 = arith.addi %scan3A_57, %scan3A_58 : i32
    %scan3A_60 = arith.constant 1 : i32
    scf.for %scan3A_122 = %scan3A_57 to %scan3A_59 step %scan3A_60  : i32 {
      %mul3A_123 = arith.constant 2 : i32
      %mul3A_124 = arith.muli %mul3A_123, %scan3A_122 : i32
      %add3A_125 = arith.constant 1 : i32
      %add3A_126 = arith.addi %mul3A_124, %add3A_125 : i32
      %dma_start3A = arith.constant 0 : i32
      %dma_start3A_127 = tpu.memref_slice %arg4[%add3A_126, %dma_start3A] : memref<168x128xi32, #tpu.memory_space<vmem>> -> memref<1x128xi32, #tpu.memory_space<vmem>>
      %dma_start3A_128 = tpu.memref_squeeze %dma_start3A_127 : memref<1x128xi32, #tpu.memory_space<vmem>> -> memref<128xi32, #tpu.memory_space<vmem>>
      %dma_start3A_129 = arith.constant 0 : i32
      %dma_start3A_130 = arith.constant 0 : i32
      %dma_start3A_131 = tpu.memref_slice %arg7[%dma_start3A_129, %dma_start3A_130] : memref<10240x16xf32, #tpu.memory_space<vmem_shared>> -> memref<10240x16xf32, #tpu.memory_space<vmem_shared>>
      tpu.enqueue_indirect_dma source(%arg5 : memref<128x16xf32, #tpu.memory_space<vmem>>) target(%dma_start3A_131 : memref<10240x16xf32, #tpu.memory_space<vmem_shared>>) offsets(%dma_start3A_128 : memref<128xi32, #tpu.memory_space<vmem>>) semaphore(%arg8 : memref<!tpu.dma_semaphore, #tpu.memory_space<semaphore_mem>>) {add = true}
      %ge3A = arith.constant 8 : i32
      %ge3A_132 = arith.cmpi sge, %scan3A_122, %ge3A : i32
      %convert_element_type3A = arith.extui %ge3A_132 : i1 to i32
      %cond3A = arith.constant 0 : i32
      %cond3A_133 = arith.cmpi ne, %convert_element_type3A, %cond3A : i32
      scf.if %cond3A_133 {
        %sub3A = arith.constant 8 : i32
        %sub3A_134 = arith.subi %scan3A_122, %sub3A : i32
        %mul3A_135 = arith.constant 2 : i32
        %mul3A_136 = arith.muli %mul3A_135, %sub3A_134 : i32
        %add3A_137 = arith.constant 1 : i32
        %add3A_138 = arith.addi %mul3A_136, %add3A_137 : i32
        %dma_wait3A_139 = arith.constant 0 : i32
        %dma_wait3A_140 = tpu.memref_slice %arg4[%add3A_138, %dma_wait3A_139] : memref<168x128xi32, #tpu.memory_space<vmem>> -> memref<1x128xi32, #tpu.memory_space<vmem>>
        %dma_wait3A_141 = tpu.memref_squeeze %dma_wait3A_140 : memref<1x128xi32, #tpu.memory_space<vmem>> -> memref<128xi32, #tpu.memory_space<vmem>>
        %dma_wait3A_142 = arith.constant 0 : i32
        %dma_wait3A_143 = arith.constant 0 : i32
        %dma_wait3A_144 = tpu.memref_slice %arg7[%dma_wait3A_142, %dma_wait3A_143] : memref<10240x16xf32, #tpu.memory_space<vmem_shared>> -> memref<10240x16xf32, #tpu.memory_space<vmem_shared>>
        tpu.wait_indirect_dma semaphore(%arg8 : memref<!tpu.dma_semaphore, #tpu.memory_space<semaphore_mem>>) src(%arg5 : memref<128x16xf32, #tpu.memory_space<vmem>>) dst(%dma_wait3A_144 : memref<10240x16xf32, #tpu.memory_space<vmem_shared>>)
      } else {
      }
    }
    %scan3A_61 = arith.constant 84 : i32
    %dma_wait3A = arith.constant 153 : i32
    %dma_wait3A_62 = arith.constant 0 : i32
    %dma_wait3A_63 = tpu.memref_slice %arg4[%dma_wait3A, %dma_wait3A_62] : memref<168x128xi32, #tpu.memory_space<vmem>> -> memref<1x128xi32, #tpu.memory_space<vmem>>
    %dma_wait3A_64 = tpu.memref_squeeze %dma_wait3A_63 : memref<1x128xi32, #tpu.memory_space<vmem>> -> memref<128xi32, #tpu.memory_space<vmem>>
    %dma_wait3A_65 = arith.constant 0 : i32
    %dma_wait3A_66 = arith.constant 0 : i32
    %dma_wait3A_67 = tpu.memref_slice %arg7[%dma_wait3A_65, %dma_wait3A_66] : memref<10240x16xf32, #tpu.memory_space<vmem_shared>> -> memref<10240x16xf32, #tpu.memory_space<vmem_shared>>
    tpu.wait_indirect_dma semaphore(%arg8 : memref<!tpu.dma_semaphore, #tpu.memory_space<semaphore_mem>>) src(%arg5 : memref<128x16xf32, #tpu.memory_space<vmem>>) dst(%dma_wait3A_67 : memref<10240x16xf32, #tpu.memory_space<vmem_shared>>)
    %dma_wait3A_68 = arith.constant 155 : i32
    %dma_wait3A_69 = arith.constant 0 : i32
    %dma_wait3A_70 = tpu.memref_slice %arg4[%dma_wait3A_68, %dma_wait3A_69] : memref<168x128xi32, #tpu.memory_space<vmem>> -> memref<1x128xi32, #tpu.memory_space<vmem>>
    %dma_wait3A_71 = tpu.memref_squeeze %dma_wait3A_70 : memref<1x128xi32, #tpu.memory_space<vmem>> -> memref<128xi32, #tpu.memory_space<vmem>>
    %dma_wait3A_72 = arith.constant 0 : i32
    %dma_wait3A_73 = arith.constant 0 : i32
    %dma_wait3A_74 = tpu.memref_slice %arg7[%dma_wait3A_72, %dma_wait3A_73] : memref<10240x16xf32, #tpu.memory_space<vmem_shared>> -> memref<10240x16xf32, #tpu.memory_space<vmem_shared>>
    tpu.wait_indirect_dma semaphore(%arg8 : memref<!tpu.dma_semaphore, #tpu.memory_space<semaphore_mem>>) src(%arg5 : memref<128x16xf32, #tpu.memory_space<vmem>>) dst(%dma_wait3A_74 : memref<10240x16xf32, #tpu.memory_space<vmem_shared>>)
    %dma_wait3A_75 = arith.constant 157 : i32
    %dma_wait3A_76 = arith.constant 0 : i32
    %dma_wait3A_77 = tpu.memref_slice %arg4[%dma_wait3A_75, %dma_wait3A_76] : memref<168x128xi32, #tpu.memory_space<vmem>> -> memref<1x128xi32, #tpu.memory_space<vmem>>
    %dma_wait3A_78 = tpu.memref_squeeze %dma_wait3A_77 : memref<1x128xi32, #tpu.memory_space<vmem>> -> memref<128xi32, #tpu.memory_space<vmem>>
    %dma_wait3A_79 = arith.constant 0 : i32
    %dma_wait3A_80 = arith.constant 0 : i32
    %dma_wait3A_81 = tpu.memref_slice %arg7[%dma_wait3A_79, %dma_wait3A_80] : memref<10240x16xf32, #tpu.memory_space<vmem_shared>> -> memref<10240x16xf32, #tpu.memory_space<vmem_shared>>
    tpu.wait_indirect_dma semaphore(%arg8 : memref<!tpu.dma_semaphore, #tpu.memory_space<semaphore_mem>>) src(%arg5 : memref<128x16xf32, #tpu.memory_space<vmem>>) dst(%dma_wait3A_81 : memref<10240x16xf32, #tpu.memory_space<vmem_shared>>)
    %dma_wait3A_82 = arith.constant 159 : i32
    %dma_wait3A_83 = arith.constant 0 : i32
    %dma_wait3A_84 = tpu.memref_slice %arg4[%dma_wait3A_82, %dma_wait3A_83] : memref<168x128xi32, #tpu.memory_space<vmem>> -> memref<1x128xi32, #tpu.memory_space<vmem>>
    %dma_wait3A_85 = tpu.memref_squeeze %dma_wait3A_84 : memref<1x128xi32, #tpu.memory_space<vmem>> -> memref<128xi32, #tpu.memory_space<vmem>>
    %dma_wait3A_86 = arith.constant 0 : i32
    %dma_wait3A_87 = arith.constant 0 : i32
    %dma_wait3A_88 = tpu.memref_slice %arg7[%dma_wait3A_86, %dma_wait3A_87] : memref<10240x16xf32, #tpu.memory_space<vmem_shared>> -> memref<10240x16xf32, #tpu.memory_space<vmem_shared>>
    tpu.wait_indirect_dma semaphore(%arg8 : memref<!tpu.dma_semaphore, #tpu.memory_space<semaphore_mem>>) src(%arg5 : memref<128x16xf32, #tpu.memory_space<vmem>>) dst(%dma_wait3A_88 : memref<10240x16xf32, #tpu.memory_space<vmem_shared>>)
    %dma_wait3A_89 = arith.constant 161 : i32
    %dma_wait3A_90 = arith.constant 0 : i32
    %dma_wait3A_91 = tpu.memref_slice %arg4[%dma_wait3A_89, %dma_wait3A_90] : memref<168x128xi32, #tpu.memory_space<vmem>> -> memref<1x128xi32, #tpu.memory_space<vmem>>
    %dma_wait3A_92 = tpu.memref_squeeze %dma_wait3A_91 : memref<1x128xi32, #tpu.memory_space<vmem>> -> memref<128xi32, #tpu.memory_space<vmem>>
    %dma_wait3A_93 = arith.constant 0 : i32
    %dma_wait3A_94 = arith.constant 0 : i32
    %dma_wait3A_95 = tpu.memref_slice %arg7[%dma_wait3A_93, %dma_wait3A_94] : memref<10240x16xf32, #tpu.memory_space<vmem_shared>> -> memref<10240x16xf32, #tpu.memory_space<vmem_shared>>
    tpu.wait_indirect_dma semaphore(%arg8 : memref<!tpu.dma_semaphore, #tpu.memory_space<semaphore_mem>>) src(%arg5 : memref<128x16xf32, #tpu.memory_space<vmem>>) dst(%dma_wait3A_95 : memref<10240x16xf32, #tpu.memory_space<vmem_shared>>)
    %dma_wait3A_96 = arith.constant 163 : i32
    %dma_wait3A_97 = arith.constant 0 : i32
    %dma_wait3A_98 = tpu.memref_slice %arg4[%dma_wait3A_96, %dma_wait3A_97] : memref<168x128xi32, #tpu.memory_space<vmem>> -> memref<1x128xi32, #tpu.memory_space<vmem>>
    %dma_wait3A_99 = tpu.memref_squeeze %dma_wait3A_98 : memref<1x128xi32, #tpu.memory_space<vmem>> -> memref<128xi32, #tpu.memory_space<vmem>>
    %dma_wait3A_100 = arith.constant 0 : i32
    %dma_wait3A_101 = arith.constant 0 : i32
    %dma_wait3A_102 = tpu.memref_slice %arg7[%dma_wait3A_100, %dma_wait3A_101] : memref<10240x16xf32, #tpu.memory_space<vmem_shared>> -> memref<10240x16xf32, #tpu.memory_space<vmem_shared>>
    tpu.wait_indirect_dma semaphore(%arg8 : memref<!tpu.dma_semaphore, #tpu.memory_space<semaphore_mem>>) src(%arg5 : memref<128x16xf32, #tpu.memory_space<vmem>>) dst(%dma_wait3A_102 : memref<10240x16xf32, #tpu.memory_space<vmem_shared>>)
    %dma_wait3A_103 = arith.constant 165 : i32
    %dma_wait3A_104 = arith.constant 0 : i32
    %dma_wait3A_105 = tpu.memref_slice %arg4[%dma_wait3A_103, %dma_wait3A_104] : memref<168x128xi32, #tpu.memory_space<vmem>> -> memref<1x128xi32, #tpu.memory_space<vmem>>
    %dma_wait3A_106 = tpu.memref_squeeze %dma_wait3A_105 : memref<1x128xi32, #tpu.memory_space<vmem>> -> memref<128xi32, #tpu.memory_space<vmem>>
    %dma_wait3A_107 = arith.constant 0 : i32
    %dma_wait3A_108 = arith.constant 0 : i32
    %dma_wait3A_109 = tpu.memref_slice %arg7[%dma_wait3A_107, %dma_wait3A_108] : memref<10240x16xf32, #tpu.memory_space<vmem_shared>> -> memref<10240x16xf32, #tpu.memory_space<vmem_shared>>
    tpu.wait_indirect_dma semaphore(%arg8 : memref<!tpu.dma_semaphore, #tpu.memory_space<semaphore_mem>>) src(%arg5 : memref<128x16xf32, #tpu.memory_space<vmem>>) dst(%dma_wait3A_109 : memref<10240x16xf32, #tpu.memory_space<vmem_shared>>)
    %dma_wait3A_110 = arith.constant 167 : i32
    %dma_wait3A_111 = arith.constant 0 : i32
    %dma_wait3A_112 = tpu.memref_slice %arg4[%dma_wait3A_110, %dma_wait3A_111] : memref<168x128xi32, #tpu.memory_space<vmem>> -> memref<1x128xi32, #tpu.memory_space<vmem>>
    %dma_wait3A_113 = tpu.memref_squeeze %dma_wait3A_112 : memref<1x128xi32, #tpu.memory_space<vmem>> -> memref<128xi32, #tpu.memory_space<vmem>>
    %dma_wait3A_114 = arith.constant 0 : i32
    %dma_wait3A_115 = arith.constant 0 : i32
    %dma_wait3A_116 = tpu.memref_slice %arg7[%dma_wait3A_114, %dma_wait3A_115] : memref<10240x16xf32, #tpu.memory_space<vmem_shared>> -> memref<10240x16xf32, #tpu.memory_space<vmem_shared>>
    tpu.wait_indirect_dma semaphore(%arg8 : memref<!tpu.dma_semaphore, #tpu.memory_space<semaphore_mem>>) src(%arg5 : memref<128x16xf32, #tpu.memory_space<vmem>>) dst(%dma_wait3A_116 : memref<10240x16xf32, #tpu.memory_space<vmem_shared>>)
    %barrier3A_117 = arith.constant 0 : index
    tpu.barrier barrier_id(%barrier3A_117)
    %mul3A_118 = arith.constant 640 : i32
    %mul3A_119 = arith.muli %arg1, %mul3A_118 : i32
    %mul3A_120 = arith.constant 640 : i32
    %mul3A_121 = arith.muli %arg1, %mul3A_120 : i32
    "tpu.region"() ({
      %run_scoped3A = tpu.sem_alloc : memref<!tpu.dma_semaphore, #tpu.memory_space<semaphore_mem>>
      %dma_start3A = arith.constant 0 : i32
      %dma_start3A_122 = tpu.memref_slice %arg3[%arg0, %mul3A_121, %dma_start3A] : memref<2x10240x16xf32, #tpu.memory_space<hbm>> -> memref<1x640x16xf32, #tpu.memory_space<hbm>>
      %dma_start3A_123 = tpu.memref_squeeze %dma_start3A_122 : memref<1x640x16xf32, #tpu.memory_space<hbm>> -> memref<640x16xf32, #tpu.memory_space<hbm>>
      %dma_start3A_124 = arith.constant 0 : i32
      %dma_start3A_125 = tpu.memref_slice %arg7[%mul3A_119, %dma_start3A_124] : memref<10240x16xf32, #tpu.memory_space<vmem_shared>> -> memref<640x16xf32, #tpu.memory_space<vmem_shared>>
      tpu.enqueue_dma source(%dma_start3A_125 : memref<640x16xf32, #tpu.memory_space<vmem_shared>>) target(%dma_start3A_123 : memref<640x16xf32, #tpu.memory_space<hbm>>) target_semaphore(%run_scoped3A : memref<!tpu.dma_semaphore, #tpu.memory_space<semaphore_mem>>)
      %dma_wait3A_126 = arith.constant 0 : i32
      %dma_wait3A_127 = tpu.memref_slice %arg3[%arg0, %mul3A_121, %dma_wait3A_126] : memref<2x10240x16xf32, #tpu.memory_space<hbm>> -> memref<1x640x16xf32, #tpu.memory_space<hbm>>
      %dma_wait3A_128 = tpu.memref_squeeze %dma_wait3A_127 : memref<1x640x16xf32, #tpu.memory_space<hbm>> -> memref<640x16xf32, #tpu.memory_space<hbm>>
      %dma_wait3A_129 = arith.constant 0 : i32
      %dma_wait3A_130 = tpu.memref_slice %arg7[%mul3A_119, %dma_wait3A_129] : memref<10240x16xf32, #tpu.memory_space<vmem_shared>> -> memref<640x16xf32, #tpu.memory_space<vmem_shared>>
      tpu.wait_dma2 semaphore(%run_scoped3A : memref<!tpu.dma_semaphore, #tpu.memory_space<semaphore_mem>>) src(%dma_wait3A_130 : memref<640x16xf32, #tpu.memory_space<vmem_shared>>) dst(%dma_wait3A_128 : memref<640x16xf32, #tpu.memory_space<hbm>>)
      tpu.yield
    }) : () -> ()
    return
  }
}

#map = affine_map<(d0, d1) -> (0, 0)>
#map1 = affine_map<(d0, d1) -> (0, 0, 0)>
module attributes {stable_mosaic.version = 14 : i64} {
  func.func @_sc_scatter(%arg0: i32, %arg1: i32, %arg2: memref<10240x64xf32, #tpu.memory_space<hbm>>, %arg3: memref<5376x128xi32, #tpu.memory_space<hbm>>, %arg4: memref<2x10240x64xf32, #tpu.memory_space<hbm>>, %arg5: memref<168x128xi32, #tpu.memory_space<vmem>>, %arg6: memref<128x64xf32, #tpu.memory_space<vmem>>, %arg7: memref<128x64xf32, #tpu.memory_space<vmem>>, %arg8: memref<128x64xf32, #tpu.memory_space<vmem>>, %arg9: memref<128x64xf32, #tpu.memory_space<vmem>>, %arg10: memref<64x64xf32, #tpu.memory_space<vmem>>, %arg11: memref<10240x64xf32, #tpu.memory_space<vmem_shared>>, %arg12: memref<!tpu.dma_semaphore, #tpu.memory_space<semaphore_mem>>, %arg13: memref<!tpu.dma_semaphore, #tpu.memory_space<semaphore_mem>>, %arg14: memref<!tpu.dma_semaphore, #tpu.memory_space<semaphore_mem>>, %arg15: memref<!tpu.dma_semaphore, #tpu.memory_space<semaphore_mem>>, %arg16: memref<!tpu.dma_semaphore, #tpu.memory_space<semaphore_mem>>, %arg17: memref<!tpu.dma_semaphore, #tpu.memory_space<semaphore_mem>>, %arg18: memref<!tpu.dma_semaphore, #tpu.memory_space<semaphore_mem>>, %arg19: memref<!tpu.dma_semaphore, #tpu.memory_space<semaphore_mem>>) attributes {dimension_semantics = [#tpu.dimension_semantics<core_parallel>, #tpu.dimension_semantics<subcore_parallel>], iteration_bounds = array<i64: 2, 16>, scalar_prefetch = 0 : i64, scratch_operands = 15 : i64, tpu.core_type = #tpu.core_type<sc_vector_subcore>, window_params = [{transform_indices = #map}, {transform_indices = #map}, {transform_indices = #map1}]} {
    %mul3A = arith.constant 2 : i32
    %mul3A_0 = arith.muli %arg1, %mul3A : i32
    %add3A = arith.addi %mul3A_0, %arg0 : i32
    %mul3A_1 = arith.constant 2 : i32
    %mul3A_2 = arith.muli %add3A, %mul3A_1 : i32
    %mul3A_3 = arith.constant 84 : i32
    %mul3A_4 = arith.muli %mul3A_2, %mul3A_3 : i32
    "tpu.region"() ({
      %run_scoped3A = tpu.sem_alloc : memref<!tpu.dma_semaphore, #tpu.memory_space<semaphore_mem>>
      %dma_start3A_87 = arith.constant 0 : i32
      %dma_start3A_88 = tpu.memref_slice %arg3[%mul3A_4, %dma_start3A_87] : memref<5376x128xi32, #tpu.memory_space<hbm>> -> memref<168x128xi32, #tpu.memory_space<hbm>>
      %dma_start3A_89 = arith.constant 0 : i32
      %dma_start3A_90 = tpu.memref_slice %arg3[%mul3A_4, %dma_start3A_89] : memref<5376x128xi32, #tpu.memory_space<hbm>> -> memref<168x128xi32, #tpu.memory_space<hbm>>
      tpu.enqueue_dma source(%dma_start3A_90 : memref<168x128xi32, #tpu.memory_space<hbm>>) target(%arg5 : memref<168x128xi32, #tpu.memory_space<vmem>>) target_semaphore(%run_scoped3A : memref<!tpu.dma_semaphore, #tpu.memory_space<semaphore_mem>>)
      %dma_wait3A_91 = arith.constant 0 : i32
      %dma_wait3A_92 = tpu.memref_slice %arg3[%mul3A_4, %dma_wait3A_91] : memref<5376x128xi32, #tpu.memory_space<hbm>> -> memref<168x128xi32, #tpu.memory_space<hbm>>
      %dma_wait3A_93 = arith.constant 0 : i32
      %dma_wait3A_94 = tpu.memref_slice %arg3[%mul3A_4, %dma_wait3A_93] : memref<5376x128xi32, #tpu.memory_space<hbm>> -> memref<168x128xi32, #tpu.memory_space<hbm>>
      tpu.wait_dma2 semaphore(%run_scoped3A : memref<!tpu.dma_semaphore, #tpu.memory_space<semaphore_mem>>) src(%dma_wait3A_94 : memref<168x128xi32, #tpu.memory_space<hbm>>) dst(%arg5 : memref<168x128xi32, #tpu.memory_space<vmem>>)
      tpu.yield
    }) : () -> ()
    %scan3A = arith.constant 0 : i32
    %scan3A_5 = arith.constant 0 : i32
    %scan3A_6 = arith.constant 64 : i32
    %scan3A_7 = arith.addi %scan3A_5, %scan3A_6 : i32
    %scan3A_8 = arith.constant 1 : i32
    scf.for %scan3A_87 = %scan3A_5 to %scan3A_7 step %scan3A_8  : i32 {
      %broadcast_in_dim3A = arith.constant 0.000000e+00 : f32
      %broadcast_in_dim3A_88 = vector.broadcast %broadcast_in_dim3A : f32 to vector<16xf32>
      %swap3A = arith.index_cast %scan3A_87 : i32 to index
      %swap3A_89 = arith.constant 0 : index
      %swap3A_90 = tpu.vector_load %arg10[%swap3A, %swap3A_89] {strides = array<i32>} : memref<64x64xf32, #tpu.memory_space<vmem>>, vector<1x16xf32>,
      %swap3A_91 = vector.shape_cast %swap3A_90 : vector<1x16xf32> to vector<16xf32>
      %swap3A_92 = vector.shape_cast %broadcast_in_dim3A_88 : vector<16xf32> to vector<1x16xf32>
      tpu.vector_store %arg10[%swap3A, %swap3A_89], %swap3A_92 {strides = array<i32>} : memref<64x64xf32, #tpu.memory_space<vmem>>, vector<1x16xf32>,
      %broadcast_in_dim3A_93 = arith.constant 0.000000e+00 : f32
      %broadcast_in_dim3A_94 = vector.broadcast %broadcast_in_dim3A_93 : f32 to vector<16xf32>
      %swap3A_95 = arith.index_cast %scan3A_87 : i32 to index
      %swap3A_96 = arith.constant 16 : index
      %swap3A_97 = tpu.vector_load %arg10[%swap3A_95, %swap3A_96] {strides = array<i32>} : memref<64x64xf32, #tpu.memory_space<vmem>>, vector<1x16xf32>,
      %swap3A_98 = vector.shape_cast %swap3A_97 : vector<1x16xf32> to vector<16xf32>
      %swap3A_99 = vector.shape_cast %broadcast_in_dim3A_94 : vector<16xf32> to vector<1x16xf32>
      tpu.vector_store %arg10[%swap3A_95, %swap3A_96], %swap3A_99 {strides = array<i32>} : memref<64x64xf32, #tpu.memory_space<vmem>>, vector<1x16xf32>,
      %broadcast_in_dim3A_100 = arith.constant 0.000000e+00 : f32
      %broadcast_in_dim3A_101 = vector.broadcast %broadcast_in_dim3A_100 : f32 to vector<16xf32>
      %swap3A_102 = arith.index_cast %scan3A_87 : i32 to index
      %swap3A_103 = arith.constant 32 : index
      %swap3A_104 = tpu.vector_load %arg10[%swap3A_102, %swap3A_103] {strides = array<i32>} : memref<64x64xf32, #tpu.memory_space<vmem>>, vector<1x16xf32>,
      %swap3A_105 = vector.shape_cast %swap3A_104 : vector<1x16xf32> to vector<16xf32>
      %swap3A_106 = vector.shape_cast %broadcast_in_dim3A_101 : vector<16xf32> to vector<1x16xf32>
      tpu.vector_store %arg10[%swap3A_102, %swap3A_103], %swap3A_106 {strides = array<i32>} : memref<64x64xf32, #tpu.memory_space<vmem>>, vector<1x16xf32>,
      %broadcast_in_dim3A_107 = arith.constant 0.000000e+00 : f32
      %broadcast_in_dim3A_108 = vector.broadcast %broadcast_in_dim3A_107 : f32 to vector<16xf32>
      %swap3A_109 = arith.index_cast %scan3A_87 : i32 to index
      %swap3A_110 = arith.constant 48 : index
      %swap3A_111 = tpu.vector_load %arg10[%swap3A_109, %swap3A_110] {strides = array<i32>} : memref<64x64xf32, #tpu.memory_space<vmem>>, vector<1x16xf32>,
      %swap3A_112 = vector.shape_cast %swap3A_111 : vector<1x16xf32> to vector<16xf32>
      %swap3A_113 = vector.shape_cast %broadcast_in_dim3A_108 : vector<16xf32> to vector<1x16xf32>
      tpu.vector_store %arg10[%swap3A_109, %swap3A_110], %swap3A_113 {strides = array<i32>} : memref<64x64xf32, #tpu.memory_space<vmem>>, vector<1x16xf32>,
    }
    %scan3A_9 = arith.constant 64 : i32
    %mul3A_10 = arith.constant 640 : i32
    %mul3A_11 = arith.muli %arg1, %mul3A_10 : i32
    %add3A_12 = arith.constant 0 : i32
    %add3A_13 = arith.addi %mul3A_11, %add3A_12 : i32
    "tpu.region"() ({
      %run_scoped3A = tpu.sem_alloc : memref<!tpu.dma_semaphore, #tpu.memory_space<semaphore_mem>>
      %dma_start3A_87 = arith.constant 0 : i32
      %dma_start3A_88 = tpu.memref_slice %arg11[%add3A_13, %dma_start3A_87] : memref<10240x64xf32, #tpu.memory_space<vmem_shared>> -> memref<64x64xf32, #tpu.memory_space<vmem_shared>>
      %dma_start3A_89 = arith.constant 0 : i32
      %dma_start3A_90 = tpu.memref_slice %arg11[%add3A_13, %dma_start3A_89] : memref<10240x64xf32, #tpu.memory_space<vmem_shared>> -> memref<64x64xf32, #tpu.memory_space<vmem_shared>>
      tpu.enqueue_dma source(%arg10 : memref<64x64xf32, #tpu.memory_space<vmem>>) target(%dma_start3A_90 : memref<64x64xf32, #tpu.memory_space<vmem_shared>>) target_semaphore(%run_scoped3A : memref<!tpu.dma_semaphore, #tpu.memory_space<semaphore_mem>>)
      %dma_wait3A_91 = arith.constant 0 : i32
      %dma_wait3A_92 = tpu.memref_slice %arg11[%add3A_13, %dma_wait3A_91] : memref<10240x64xf32, #tpu.memory_space<vmem_shared>> -> memref<64x64xf32, #tpu.memory_space<vmem_shared>>
      %dma_wait3A_93 = arith.constant 0 : i32
      %dma_wait3A_94 = tpu.memref_slice %arg11[%add3A_13, %dma_wait3A_93] : memref<10240x64xf32, #tpu.memory_space<vmem_shared>> -> memref<64x64xf32, #tpu.memory_space<vmem_shared>>
      tpu.wait_dma2 semaphore(%run_scoped3A : memref<!tpu.dma_semaphore, #tpu.memory_space<semaphore_mem>>) src(%arg10 : memref<64x64xf32, #tpu.memory_space<vmem>>) dst(%dma_wait3A_94 : memref<64x64xf32, #tpu.memory_space<vmem_shared>>)
      tpu.yield
    }) : () -> ()
    %mul3A_14 = arith.constant 640 : i32
    %mul3A_15 = arith.muli %arg1, %mul3A_14 : i32
    %add3A_16 = arith.constant 64 : i32
    %add3A_17 = arith.addi %mul3A_15, %add3A_16 : i32
    "tpu.region"() ({
      %run_scoped3A = tpu.sem_alloc : memref<!tpu.dma_semaphore, #tpu.memory_space<semaphore_mem>>
      %dma_start3A_87 = arith.constant 0 : i32
      %dma_start3A_88 = tpu.memref_slice %arg11[%add3A_17, %dma_start3A_87] : memref<10240x64xf32, #tpu.memory_space<vmem_shared>> -> memref<64x64xf32, #tpu.memory_space<vmem_shared>>
      %dma_start3A_89 = arith.constant 0 : i32
      %dma_start3A_90 = tpu.memref_slice %arg11[%add3A_17, %dma_start3A_89] : memref<10240x64xf32, #tpu.memory_space<vmem_shared>> -> memref<64x64xf32, #tpu.memory_space<vmem_shared>>
      tpu.enqueue_dma source(%arg10 : memref<64x64xf32, #tpu.memory_space<vmem>>) target(%dma_start3A_90 : memref<64x64xf32, #tpu.memory_space<vmem_shared>>) target_semaphore(%run_scoped3A : memref<!tpu.dma_semaphore, #tpu.memory_space<semaphore_mem>>)
      %dma_wait3A_91 = arith.constant 0 : i32
      %dma_wait3A_92 = tpu.memref_slice %arg11[%add3A_17, %dma_wait3A_91] : memref<10240x64xf32, #tpu.memory_space<vmem_shared>> -> memref<64x64xf32, #tpu.memory_space<vmem_shared>>
      %dma_wait3A_93 = arith.constant 0 : i32
      %dma_wait3A_94 = tpu.memref_slice %arg11[%add3A_17, %dma_wait3A_93] : memref<10240x64xf32, #tpu.memory_space<vmem_shared>> -> memref<64x64xf32, #tpu.memory_space<vmem_shared>>
      tpu.wait_dma2 semaphore(%run_scoped3A : memref<!tpu.dma_semaphore, #tpu.memory_space<semaphore_mem>>) src(%arg10 : memref<64x64xf32, #tpu.memory_space<vmem>>) dst(%dma_wait3A_94 : memref<64x64xf32, #tpu.memory_space<vmem_shared>>)
      tpu.yield
    }) : () -> ()
    %mul3A_18 = arith.constant 640 : i32
    %mul3A_19 = arith.muli %arg1, %mul3A_18 : i32
    %add3A_20 = arith.constant 128 : i32
    %add3A_21 = arith.addi %mul3A_19, %add3A_20 : i32
    "tpu.region"() ({
      %run_scoped3A = tpu.sem_alloc : memref<!tpu.dma_semaphore, #tpu.memory_space<semaphore_mem>>
      %dma_start3A_87 = arith.constant 0 : i32
      %dma_start3A_88 = tpu.memref_slice %arg11[%add3A_21, %dma_start3A_87] : memref<10240x64xf32, #tpu.memory_space<vmem_shared>> -> memref<64x64xf32, #tpu.memory_space<vmem_shared>>
      %dma_start3A_89 = arith.constant 0 : i32
      %dma_start3A_90 = tpu.memref_slice %arg11[%add3A_21, %dma_start3A_89] : memref<10240x64xf32, #tpu.memory_space<vmem_shared>> -> memref<64x64xf32, #tpu.memory_space<vmem_shared>>
      tpu.enqueue_dma source(%arg10 : memref<64x64xf32, #tpu.memory_space<vmem>>) target(%dma_start3A_90 : memref<64x64xf32, #tpu.memory_space<vmem_shared>>) target_semaphore(%run_scoped3A : memref<!tpu.dma_semaphore, #tpu.memory_space<semaphore_mem>>)
      %dma_wait3A_91 = arith.constant 0 : i32
      %dma_wait3A_92 = tpu.memref_slice %arg11[%add3A_21, %dma_wait3A_91] : memref<10240x64xf32, #tpu.memory_space<vmem_shared>> -> memref<64x64xf32, #tpu.memory_space<vmem_shared>>
      %dma_wait3A_93 = arith.constant 0 : i32
      %dma_wait3A_94 = tpu.memref_slice %arg11[%add3A_21, %dma_wait3A_93] : memref<10240x64xf32, #tpu.memory_space<vmem_shared>> -> memref<64x64xf32, #tpu.memory_space<vmem_shared>>
      tpu.wait_dma2 semaphore(%run_scoped3A : memref<!tpu.dma_semaphore, #tpu.memory_space<semaphore_mem>>) src(%arg10 : memref<64x64xf32, #tpu.memory_space<vmem>>) dst(%dma_wait3A_94 : memref<64x64xf32, #tpu.memory_space<vmem_shared>>)
      tpu.yield
    }) : () -> ()
    %mul3A_22 = arith.constant 640 : i32
    %mul3A_23 = arith.muli %arg1, %mul3A_22 : i32
    %add3A_24 = arith.constant 192 : i32
    %add3A_25 = arith.addi %mul3A_23, %add3A_24 : i32
    "tpu.region"() ({
      %run_scoped3A = tpu.sem_alloc : memref<!tpu.dma_semaphore, #tpu.memory_space<semaphore_mem>>
      %dma_start3A_87 = arith.constant 0 : i32
      %dma_start3A_88 = tpu.memref_slice %arg11[%add3A_25, %dma_start3A_87] : memref<10240x64xf32, #tpu.memory_space<vmem_shared>> -> memref<64x64xf32, #tpu.memory_space<vmem_shared>>
      %dma_start3A_89 = arith.constant 0 : i32
      %dma_start3A_90 = tpu.memref_slice %arg11[%add3A_25, %dma_start3A_89] : memref<10240x64xf32, #tpu.memory_space<vmem_shared>> -> memref<64x64xf32, #tpu.memory_space<vmem_shared>>
      tpu.enqueue_dma source(%arg10 : memref<64x64xf32, #tpu.memory_space<vmem>>) target(%dma_start3A_90 : memref<64x64xf32, #tpu.memory_space<vmem_shared>>) target_semaphore(%run_scoped3A : memref<!tpu.dma_semaphore, #tpu.memory_space<semaphore_mem>>)
      %dma_wait3A_91 = arith.constant 0 : i32
      %dma_wait3A_92 = tpu.memref_slice %arg11[%add3A_25, %dma_wait3A_91] : memref<10240x64xf32, #tpu.memory_space<vmem_shared>> -> memref<64x64xf32, #tpu.memory_space<vmem_shared>>
      %dma_wait3A_93 = arith.constant 0 : i32
      %dma_wait3A_94 = tpu.memref_slice %arg11[%add3A_25, %dma_wait3A_93] : memref<10240x64xf32, #tpu.memory_space<vmem_shared>> -> memref<64x64xf32, #tpu.memory_space<vmem_shared>>
      tpu.wait_dma2 semaphore(%run_scoped3A : memref<!tpu.dma_semaphore, #tpu.memory_space<semaphore_mem>>) src(%arg10 : memref<64x64xf32, #tpu.memory_space<vmem>>) dst(%dma_wait3A_94 : memref<64x64xf32, #tpu.memory_space<vmem_shared>>)
      tpu.yield
    }) : () -> ()
    %mul3A_26 = arith.constant 640 : i32
    %mul3A_27 = arith.muli %arg1, %mul3A_26 : i32
    %add3A_28 = arith.constant 256 : i32
    %add3A_29 = arith.addi %mul3A_27, %add3A_28 : i32
    "tpu.region"() ({
      %run_scoped3A = tpu.sem_alloc : memref<!tpu.dma_semaphore, #tpu.memory_space<semaphore_mem>>
      %dma_start3A_87 = arith.constant 0 : i32
      %dma_start3A_88 = tpu.memref_slice %arg11[%add3A_29, %dma_start3A_87] : memref<10240x64xf32, #tpu.memory_space<vmem_shared>> -> memref<64x64xf32, #tpu.memory_space<vmem_shared>>
      %dma_start3A_89 = arith.constant 0 : i32
      %dma_start3A_90 = tpu.memref_slice %arg11[%add3A_29, %dma_start3A_89] : memref<10240x64xf32, #tpu.memory_space<vmem_shared>> -> memref<64x64xf32, #tpu.memory_space<vmem_shared>>
      tpu.enqueue_dma source(%arg10 : memref<64x64xf32, #tpu.memory_space<vmem>>) target(%dma_start3A_90 : memref<64x64xf32, #tpu.memory_space<vmem_shared>>) target_semaphore(%run_scoped3A : memref<!tpu.dma_semaphore, #tpu.memory_space<semaphore_mem>>)
      %dma_wait3A_91 = arith.constant 0 : i32
      %dma_wait3A_92 = tpu.memref_slice %arg11[%add3A_29, %dma_wait3A_91] : memref<10240x64xf32, #tpu.memory_space<vmem_shared>> -> memref<64x64xf32, #tpu.memory_space<vmem_shared>>
      %dma_wait3A_93 = arith.constant 0 : i32
      %dma_wait3A_94 = tpu.memref_slice %arg11[%add3A_29, %dma_wait3A_93] : memref<10240x64xf32, #tpu.memory_space<vmem_shared>> -> memref<64x64xf32, #tpu.memory_space<vmem_shared>>
      tpu.wait_dma2 semaphore(%run_scoped3A : memref<!tpu.dma_semaphore, #tpu.memory_space<semaphore_mem>>) src(%arg10 : memref<64x64xf32, #tpu.memory_space<vmem>>) dst(%dma_wait3A_94 : memref<64x64xf32, #tpu.memory_space<vmem_shared>>)
      tpu.yield
    }) : () -> ()
    %mul3A_30 = arith.constant 640 : i32
    %mul3A_31 = arith.muli %arg1, %mul3A_30 : i32
    %add3A_32 = arith.constant 320 : i32
    %add3A_33 = arith.addi %mul3A_31, %add3A_32 : i32
    "tpu.region"() ({
      %run_scoped3A = tpu.sem_alloc : memref<!tpu.dma_semaphore, #tpu.memory_space<semaphore_mem>>
      %dma_start3A_87 = arith.constant 0 : i32
      %dma_start3A_88 = tpu.memref_slice %arg11[%add3A_33, %dma_start3A_87] : memref<10240x64xf32, #tpu.memory_space<vmem_shared>> -> memref<64x64xf32, #tpu.memory_space<vmem_shared>>
      %dma_start3A_89 = arith.constant 0 : i32
      %dma_start3A_90 = tpu.memref_slice %arg11[%add3A_33, %dma_start3A_89] : memref<10240x64xf32, #tpu.memory_space<vmem_shared>> -> memref<64x64xf32, #tpu.memory_space<vmem_shared>>
      tpu.enqueue_dma source(%arg10 : memref<64x64xf32, #tpu.memory_space<vmem>>) target(%dma_start3A_90 : memref<64x64xf32, #tpu.memory_space<vmem_shared>>) target_semaphore(%run_scoped3A : memref<!tpu.dma_semaphore, #tpu.memory_space<semaphore_mem>>)
      %dma_wait3A_91 = arith.constant 0 : i32
      %dma_wait3A_92 = tpu.memref_slice %arg11[%add3A_33, %dma_wait3A_91] : memref<10240x64xf32, #tpu.memory_space<vmem_shared>> -> memref<64x64xf32, #tpu.memory_space<vmem_shared>>
      %dma_wait3A_93 = arith.constant 0 : i32
      %dma_wait3A_94 = tpu.memref_slice %arg11[%add3A_33, %dma_wait3A_93] : memref<10240x64xf32, #tpu.memory_space<vmem_shared>> -> memref<64x64xf32, #tpu.memory_space<vmem_shared>>
      tpu.wait_dma2 semaphore(%run_scoped3A : memref<!tpu.dma_semaphore, #tpu.memory_space<semaphore_mem>>) src(%arg10 : memref<64x64xf32, #tpu.memory_space<vmem>>) dst(%dma_wait3A_94 : memref<64x64xf32, #tpu.memory_space<vmem_shared>>)
      tpu.yield
    }) : () -> ()
    %mul3A_34 = arith.constant 640 : i32
    %mul3A_35 = arith.muli %arg1, %mul3A_34 : i32
    %add3A_36 = arith.constant 384 : i32
    %add3A_37 = arith.addi %mul3A_35, %add3A_36 : i32
    "tpu.region"() ({
      %run_scoped3A = tpu.sem_alloc : memref<!tpu.dma_semaphore, #tpu.memory_space<semaphore_mem>>
      %dma_start3A_87 = arith.constant 0 : i32
      %dma_start3A_88 = tpu.memref_slice %arg11[%add3A_37, %dma_start3A_87] : memref<10240x64xf32, #tpu.memory_space<vmem_shared>> -> memref<64x64xf32, #tpu.memory_space<vmem_shared>>
      %dma_start3A_89 = arith.constant 0 : i32
      %dma_start3A_90 = tpu.memref_slice %arg11[%add3A_37, %dma_start3A_89] : memref<10240x64xf32, #tpu.memory_space<vmem_shared>> -> memref<64x64xf32, #tpu.memory_space<vmem_shared>>
      tpu.enqueue_dma source(%arg10 : memref<64x64xf32, #tpu.memory_space<vmem>>) target(%dma_start3A_90 : memref<64x64xf32, #tpu.memory_space<vmem_shared>>) target_semaphore(%run_scoped3A : memref<!tpu.dma_semaphore, #tpu.memory_space<semaphore_mem>>)
      %dma_wait3A_91 = arith.constant 0 : i32
      %dma_wait3A_92 = tpu.memref_slice %arg11[%add3A_37, %dma_wait3A_91] : memref<10240x64xf32, #tpu.memory_space<vmem_shared>> -> memref<64x64xf32, #tpu.memory_space<vmem_shared>>
      %dma_wait3A_93 = arith.constant 0 : i32
      %dma_wait3A_94 = tpu.memref_slice %arg11[%add3A_37, %dma_wait3A_93] : memref<10240x64xf32, #tpu.memory_space<vmem_shared>> -> memref<64x64xf32, #tpu.memory_space<vmem_shared>>
      tpu.wait_dma2 semaphore(%run_scoped3A : memref<!tpu.dma_semaphore, #tpu.memory_space<semaphore_mem>>) src(%arg10 : memref<64x64xf32, #tpu.memory_space<vmem>>) dst(%dma_wait3A_94 : memref<64x64xf32, #tpu.memory_space<vmem_shared>>)
      tpu.yield
    }) : () -> ()
    %mul3A_38 = arith.constant 640 : i32
    %mul3A_39 = arith.muli %arg1, %mul3A_38 : i32
    %add3A_40 = arith.constant 448 : i32
    %add3A_41 = arith.addi %mul3A_39, %add3A_40 : i32
    "tpu.region"() ({
      %run_scoped3A = tpu.sem_alloc : memref<!tpu.dma_semaphore, #tpu.memory_space<semaphore_mem>>
      %dma_start3A_87 = arith.constant 0 : i32
      %dma_start3A_88 = tpu.memref_slice %arg11[%add3A_41, %dma_start3A_87] : memref<10240x64xf32, #tpu.memory_space<vmem_shared>> -> memref<64x64xf32, #tpu.memory_space<vmem_shared>>
      %dma_start3A_89 = arith.constant 0 : i32
      %dma_start3A_90 = tpu.memref_slice %arg11[%add3A_41, %dma_start3A_89] : memref<10240x64xf32, #tpu.memory_space<vmem_shared>> -> memref<64x64xf32, #tpu.memory_space<vmem_shared>>
      tpu.enqueue_dma source(%arg10 : memref<64x64xf32, #tpu.memory_space<vmem>>) target(%dma_start3A_90 : memref<64x64xf32, #tpu.memory_space<vmem_shared>>) target_semaphore(%run_scoped3A : memref<!tpu.dma_semaphore, #tpu.memory_space<semaphore_mem>>)
      %dma_wait3A_91 = arith.constant 0 : i32
      %dma_wait3A_92 = tpu.memref_slice %arg11[%add3A_41, %dma_wait3A_91] : memref<10240x64xf32, #tpu.memory_space<vmem_shared>> -> memref<64x64xf32, #tpu.memory_space<vmem_shared>>
      %dma_wait3A_93 = arith.constant 0 : i32
      %dma_wait3A_94 = tpu.memref_slice %arg11[%add3A_41, %dma_wait3A_93] : memref<10240x64xf32, #tpu.memory_space<vmem_shared>> -> memref<64x64xf32, #tpu.memory_space<vmem_shared>>
      tpu.wait_dma2 semaphore(%run_scoped3A : memref<!tpu.dma_semaphore, #tpu.memory_space<semaphore_mem>>) src(%arg10 : memref<64x64xf32, #tpu.memory_space<vmem>>) dst(%dma_wait3A_94 : memref<64x64xf32, #tpu.memory_space<vmem_shared>>)
      tpu.yield
    }) : () -> ()
    %mul3A_42 = arith.constant 640 : i32
    %mul3A_43 = arith.muli %arg1, %mul3A_42 : i32
    %add3A_44 = arith.constant 512 : i32
    %add3A_45 = arith.addi %mul3A_43, %add3A_44 : i32
    "tpu.region"() ({
      %run_scoped3A = tpu.sem_alloc : memref<!tpu.dma_semaphore, #tpu.memory_space<semaphore_mem>>
      %dma_start3A_87 = arith.constant 0 : i32
      %dma_start3A_88 = tpu.memref_slice %arg11[%add3A_45, %dma_start3A_87] : memref<10240x64xf32, #tpu.memory_space<vmem_shared>> -> memref<64x64xf32, #tpu.memory_space<vmem_shared>>
      %dma_start3A_89 = arith.constant 0 : i32
      %dma_start3A_90 = tpu.memref_slice %arg11[%add3A_45, %dma_start3A_89] : memref<10240x64xf32, #tpu.memory_space<vmem_shared>> -> memref<64x64xf32, #tpu.memory_space<vmem_shared>>
      tpu.enqueue_dma source(%arg10 : memref<64x64xf32, #tpu.memory_space<vmem>>) target(%dma_start3A_90 : memref<64x64xf32, #tpu.memory_space<vmem_shared>>) target_semaphore(%run_scoped3A : memref<!tpu.dma_semaphore, #tpu.memory_space<semaphore_mem>>)
      %dma_wait3A_91 = arith.constant 0 : i32
      %dma_wait3A_92 = tpu.memref_slice %arg11[%add3A_45, %dma_wait3A_91] : memref<10240x64xf32, #tpu.memory_space<vmem_shared>> -> memref<64x64xf32, #tpu.memory_space<vmem_shared>>
      %dma_wait3A_93 = arith.constant 0 : i32
      %dma_wait3A_94 = tpu.memref_slice %arg11[%add3A_45, %dma_wait3A_93] : memref<10240x64xf32, #tpu.memory_space<vmem_shared>> -> memref<64x64xf32, #tpu.memory_space<vmem_shared>>
      tpu.wait_dma2 semaphore(%run_scoped3A : memref<!tpu.dma_semaphore, #tpu.memory_space<semaphore_mem>>) src(%arg10 : memref<64x64xf32, #tpu.memory_space<vmem>>) dst(%dma_wait3A_94 : memref<64x64xf32, #tpu.memory_space<vmem_shared>>)
      tpu.yield
    }) : () -> ()
    %mul3A_46 = arith.constant 640 : i32
    %mul3A_47 = arith.muli %arg1, %mul3A_46 : i32
    %add3A_48 = arith.constant 576 : i32
    %add3A_49 = arith.addi %mul3A_47, %add3A_48 : i32
    "tpu.region"() ({
      %run_scoped3A = tpu.sem_alloc : memref<!tpu.dma_semaphore, #tpu.memory_space<semaphore_mem>>
      %dma_start3A_87 = arith.constant 0 : i32
      %dma_start3A_88 = tpu.memref_slice %arg11[%add3A_49, %dma_start3A_87] : memref<10240x64xf32, #tpu.memory_space<vmem_shared>> -> memref<64x64xf32, #tpu.memory_space<vmem_shared>>
      %dma_start3A_89 = arith.constant 0 : i32
      %dma_start3A_90 = tpu.memref_slice %arg11[%add3A_49, %dma_start3A_89] : memref<10240x64xf32, #tpu.memory_space<vmem_shared>> -> memref<64x64xf32, #tpu.memory_space<vmem_shared>>
      tpu.enqueue_dma source(%arg10 : memref<64x64xf32, #tpu.memory_space<vmem>>) target(%dma_start3A_90 : memref<64x64xf32, #tpu.memory_space<vmem_shared>>) target_semaphore(%run_scoped3A : memref<!tpu.dma_semaphore, #tpu.memory_space<semaphore_mem>>)
      %dma_wait3A_91 = arith.constant 0 : i32
      %dma_wait3A_92 = tpu.memref_slice %arg11[%add3A_49, %dma_wait3A_91] : memref<10240x64xf32, #tpu.memory_space<vmem_shared>> -> memref<64x64xf32, #tpu.memory_space<vmem_shared>>
      %dma_wait3A_93 = arith.constant 0 : i32
      %dma_wait3A_94 = tpu.memref_slice %arg11[%add3A_49, %dma_wait3A_93] : memref<10240x64xf32, #tpu.memory_space<vmem_shared>> -> memref<64x64xf32, #tpu.memory_space<vmem_shared>>
      tpu.wait_dma2 semaphore(%run_scoped3A : memref<!tpu.dma_semaphore, #tpu.memory_space<semaphore_mem>>) src(%arg10 : memref<64x64xf32, #tpu.memory_space<vmem>>) dst(%dma_wait3A_94 : memref<64x64xf32, #tpu.memory_space<vmem_shared>>)
      tpu.yield
    }) : () -> ()
    %barrier3A = arith.constant 0 : index
    tpu.barrier barrier_id(%barrier3A)
    %dma_start3A = arith.constant 0 : i32
    %dma_start3A_50 = arith.constant 0 : i32
    %dma_start3A_51 = tpu.memref_slice %arg5[%dma_start3A, %dma_start3A_50] : memref<168x128xi32, #tpu.memory_space<vmem>> -> memref<1x128xi32, #tpu.memory_space<vmem>>
    %dma_start3A_52 = tpu.memref_squeeze %dma_start3A_51 : memref<1x128xi32, #tpu.memory_space<vmem>> -> memref<128xi32, #tpu.memory_space<vmem>>
    %dma_start3A_53 = arith.constant 0 : i32
    %dma_start3A_54 = arith.constant 0 : i32
    %dma_start3A_55 = tpu.memref_slice %arg2[%dma_start3A_53, %dma_start3A_54] : memref<10240x64xf32, #tpu.memory_space<hbm>> -> memref<10240x64xf32, #tpu.memory_space<hbm>>
    tpu.enqueue_indirect_dma source(%dma_start3A_55 : memref<10240x64xf32, #tpu.memory_space<hbm>>) target(%arg6 : memref<128x64xf32, #tpu.memory_space<vmem>>) offsets(%dma_start3A_52 : memref<128xi32, #tpu.memory_space<vmem>>) semaphore(%arg12 : memref<!tpu.dma_semaphore, #tpu.memory_space<semaphore_mem>>)
    %dma_start3A_56 = arith.constant 2 : i32
    %dma_start3A_57 = arith.constant 0 : i32
    %dma_start3A_58 = tpu.memref_slice %arg5[%dma_start3A_56, %dma_start3A_57] : memref<168x128xi32, #tpu.memory_space<vmem>> -> memref<1x128xi32, #tpu.memory_space<vmem>>
    %dma_start3A_59 = tpu.memref_squeeze %dma_start3A_58 : memref<1x128xi32, #tpu.memory_space<vmem>> -> memref<128xi32, #tpu.memory_space<vmem>>
    %dma_start3A_60 = arith.constant 0 : i32
    %dma_start3A_61 = arith.constant 0 : i32
    %dma_start3A_62 = tpu.memref_slice %arg2[%dma_start3A_60, %dma_start3A_61] : memref<10240x64xf32, #tpu.memory_space<hbm>> -> memref<10240x64xf32, #tpu.memory_space<hbm>>
    tpu.enqueue_indirect_dma source(%dma_start3A_62 : memref<10240x64xf32, #tpu.memory_space<hbm>>) target(%arg7 : memref<128x64xf32, #tpu.memory_space<vmem>>) offsets(%dma_start3A_59 : memref<128xi32, #tpu.memory_space<vmem>>) semaphore(%arg13 : memref<!tpu.dma_semaphore, #tpu.memory_space<semaphore_mem>>)
    %scan3A_63 = arith.constant 0 : i32
    %scan3A_64 = arith.constant 0 : i32
    %scan3A_65 = arith.constant 21 : i32
    %scan3A_66 = arith.addi %scan3A_64, %scan3A_65 : i32
    %scan3A_67 = arith.constant 1 : i32
    scf.for %scan3A_87 = %scan3A_64 to %scan3A_66 step %scan3A_67  : i32 {
      %mul3A_88 = arith.constant 4 : i32
      %mul3A_89 = arith.muli %scan3A_87, %mul3A_88 : i32
      %add3A_90 = arith.constant 0 : i32
      %add3A_91 = arith.addi %mul3A_89, %add3A_90 : i32
      %mul3A_92 = arith.constant 2 : i32
      %mul3A_93 = arith.muli %mul3A_92, %add3A_91 : i32
      %dma_wait3A_94 = arith.constant 0 : i32
      %dma_wait3A_95 = tpu.memref_slice %arg5[%mul3A_93, %dma_wait3A_94] : memref<168x128xi32, #tpu.memory_space<vmem>> -> memref<1x128xi32, #tpu.memory_space<vmem>>
      %dma_wait3A_96 = tpu.memref_squeeze %dma_wait3A_95 : memref<1x128xi32, #tpu.memory_space<vmem>> -> memref<128xi32, #tpu.memory_space<vmem>>
      %dma_wait3A_97 = arith.constant 0 : i32
      %dma_wait3A_98 = arith.constant 0 : i32
      %dma_wait3A_99 = tpu.memref_slice %arg2[%dma_wait3A_97, %dma_wait3A_98] : memref<10240x64xf32, #tpu.memory_space<hbm>> -> memref<10240x64xf32, #tpu.memory_space<hbm>>
      tpu.wait_indirect_dma semaphore(%arg12 : memref<!tpu.dma_semaphore, #tpu.memory_space<semaphore_mem>>) src(%dma_wait3A_99 : memref<10240x64xf32, #tpu.memory_space<hbm>>) dst(%arg6 : memref<128x64xf32, #tpu.memory_space<vmem>>)
      %mul3A_100 = arith.constant 2 : i32
      %mul3A_101 = arith.muli %mul3A_100, %add3A_91 : i32
      %add3A_102 = arith.constant 1 : i32
      %add3A_103 = arith.addi %mul3A_101, %add3A_102 : i32
      %dma_start3A_104 = arith.constant 0 : i32
      %dma_start3A_105 = tpu.memref_slice %arg5[%add3A_103, %dma_start3A_104] : memref<168x128xi32, #tpu.memory_space<vmem>> -> memref<1x128xi32, #tpu.memory_space<vmem>>
      %dma_start3A_106 = tpu.memref_squeeze %dma_start3A_105 : memref<1x128xi32, #tpu.memory_space<vmem>> -> memref<128xi32, #tpu.memory_space<vmem>>
      %dma_start3A_107 = arith.constant 0 : i32
      %dma_start3A_108 = arith.constant 0 : i32
      %dma_start3A_109 = tpu.memref_slice %arg11[%dma_start3A_107, %dma_start3A_108] : memref<10240x64xf32, #tpu.memory_space<vmem_shared>> -> memref<10240x64xf32, #tpu.memory_space<vmem_shared>>
      tpu.enqueue_indirect_dma source(%arg6 : memref<128x64xf32, #tpu.memory_space<vmem>>) target(%dma_start3A_109 : memref<10240x64xf32, #tpu.memory_space<vmem_shared>>) offsets(%dma_start3A_106 : memref<128xi32, #tpu.memory_space<vmem>>) semaphore(%arg16 : memref<!tpu.dma_semaphore, #tpu.memory_space<semaphore_mem>>) {add = true}
      %ge3A = arith.constant 2 : i32
      %ge3A_110 = arith.cmpi sge, %add3A_91, %ge3A : i32
      %convert_element_type3A = arith.extui %ge3A_110 : i1 to i32
      %cond3A = arith.constant 0 : i32
      %cond3A_111 = arith.cmpi ne, %convert_element_type3A, %cond3A : i32
      scf.if %cond3A_111 {
        %sub3A = arith.constant 2 : i32
        %sub3A_220 = arith.subi %add3A_91, %sub3A : i32
        %mul3A_221 = arith.constant 2 : i32
        %mul3A_222 = arith.muli %mul3A_221, %sub3A_220 : i32
        %add3A_223 = arith.constant 1 : i32
        %add3A_224 = arith.addi %mul3A_222, %add3A_223 : i32
        %dma_wait3A_225 = arith.constant 0 : i32
        %dma_wait3A_226 = tpu.memref_slice %arg5[%add3A_224, %dma_wait3A_225] : memref<168x128xi32, #tpu.memory_space<vmem>> -> memref<1x128xi32, #tpu.memory_space<vmem>>
        %dma_wait3A_227 = tpu.memref_squeeze %dma_wait3A_226 : memref<1x128xi32, #tpu.memory_space<vmem>> -> memref<128xi32, #tpu.memory_space<vmem>>
        %dma_wait3A_228 = arith.constant 0 : i32
        %dma_wait3A_229 = arith.constant 0 : i32
        %dma_wait3A_230 = tpu.memref_slice %arg11[%dma_wait3A_228, %dma_wait3A_229] : memref<10240x64xf32, #tpu.memory_space<vmem_shared>> -> memref<10240x64xf32, #tpu.memory_space<vmem_shared>>
        tpu.wait_indirect_dma semaphore(%arg18 : memref<!tpu.dma_semaphore, #tpu.memory_space<semaphore_mem>>) src(%arg8 : memref<128x64xf32, #tpu.memory_space<vmem>>) dst(%dma_wait3A_230 : memref<10240x64xf32, #tpu.memory_space<vmem_shared>>)
      } else {
      }
      %add3A_112 = arith.constant 2 : i32
      %add3A_113 = arith.addi %add3A_91, %add3A_112 : i32
      %lt3A = arith.constant 84 : i32
      %lt3A_114 = arith.cmpi slt, %add3A_113, %lt3A : i32
      %convert_element_type3A_115 = arith.extui %lt3A_114 : i1 to i32
      %cond3A_116 = arith.constant 0 : i32
      %cond3A_117 = arith.cmpi ne, %convert_element_type3A_115, %cond3A_116 : i32
      scf.if %cond3A_117 {
        %add3A_220 = arith.constant 2 : i32
        %add3A_221 = arith.addi %add3A_91, %add3A_220 : i32
        %mul3A_222 = arith.constant 2 : i32
        %mul3A_223 = arith.muli %mul3A_222, %add3A_221 : i32
        %dma_start3A_224 = arith.constant 0 : i32
        %dma_start3A_225 = tpu.memref_slice %arg5[%mul3A_223, %dma_start3A_224] : memref<168x128xi32, #tpu.memory_space<vmem>> -> memref<1x128xi32, #tpu.memory_space<vmem>>
        %dma_start3A_226 = tpu.memref_squeeze %dma_start3A_225 : memref<1x128xi32, #tpu.memory_space<vmem>> -> memref<128xi32, #tpu.memory_space<vmem>>
        %dma_start3A_227 = arith.constant 0 : i32
        %dma_start3A_228 = arith.constant 0 : i32
        %dma_start3A_229 = tpu.memref_slice %arg2[%dma_start3A_227, %dma_start3A_228] : memref<10240x64xf32, #tpu.memory_space<hbm>> -> memref<10240x64xf32, #tpu.memory_space<hbm>>
        tpu.enqueue_indirect_dma source(%dma_start3A_229 : memref<10240x64xf32, #tpu.memory_space<hbm>>) target(%arg8 : memref<128x64xf32, #tpu.memory_space<vmem>>) offsets(%dma_start3A_226 : memref<128xi32, #tpu.memory_space<vmem>>) semaphore(%arg14 : memref<!tpu.dma_semaphore, #tpu.memory_space<semaphore_mem>>)
      } else {
      }
      %mul3A_118 = arith.constant 4 : i32
      %mul3A_119 = arith.muli %scan3A_87, %mul3A_118 : i32
      %add3A_120 = arith.constant 1 : i32
      %add3A_121 = arith.addi %mul3A_119, %add3A_120 : i32
      %mul3A_122 = arith.constant 2 : i32
      %mul3A_123 = arith.muli %mul3A_122, %add3A_121 : i32
      %dma_wait3A_124 = arith.constant 0 : i32
      %dma_wait3A_125 = tpu.memref_slice %arg5[%mul3A_123, %dma_wait3A_124] : memref<168x128xi32, #tpu.memory_space<vmem>> -> memref<1x128xi32, #tpu.memory_space<vmem>>
      %dma_wait3A_126 = tpu.memref_squeeze %dma_wait3A_125 : memref<1x128xi32, #tpu.memory_space<vmem>> -> memref<128xi32, #tpu.memory_space<vmem>>
      %dma_wait3A_127 = arith.constant 0 : i32
      %dma_wait3A_128 = arith.constant 0 : i32
      %dma_wait3A_129 = tpu.memref_slice %arg2[%dma_wait3A_127, %dma_wait3A_128] : memref<10240x64xf32, #tpu.memory_space<hbm>> -> memref<10240x64xf32, #tpu.memory_space<hbm>>
      tpu.wait_indirect_dma semaphore(%arg13 : memref<!tpu.dma_semaphore, #tpu.memory_space<semaphore_mem>>) src(%dma_wait3A_129 : memref<10240x64xf32, #tpu.memory_space<hbm>>) dst(%arg7 : memref<128x64xf32, #tpu.memory_space<vmem>>)
      %mul3A_130 = arith.constant 2 : i32
      %mul3A_131 = arith.muli %mul3A_130, %add3A_121 : i32
      %add3A_132 = arith.constant 1 : i32
      %add3A_133 = arith.addi %mul3A_131, %add3A_132 : i32
      %dma_start3A_134 = arith.constant 0 : i32
      %dma_start3A_135 = tpu.memref_slice %arg5[%add3A_133, %dma_start3A_134] : memref<168x128xi32, #tpu.memory_space<vmem>> -> memref<1x128xi32, #tpu.memory_space<vmem>>
      %dma_start3A_136 = tpu.memref_squeeze %dma_start3A_135 : memref<1x128xi32, #tpu.memory_space<vmem>> -> memref<128xi32, #tpu.memory_space<vmem>>
      %dma_start3A_137 = arith.constant 0 : i32
      %dma_start3A_138 = arith.constant 0 : i32
      %dma_start3A_139 = tpu.memref_slice %arg11[%dma_start3A_137, %dma_start3A_138] : memref<10240x64xf32, #tpu.memory_space<vmem_shared>> -> memref<10240x64xf32, #tpu.memory_space<vmem_shared>>
      tpu.enqueue_indirect_dma source(%arg7 : memref<128x64xf32, #tpu.memory_space<vmem>>) target(%dma_start3A_139 : memref<10240x64xf32, #tpu.memory_space<vmem_shared>>) offsets(%dma_start3A_136 : memref<128xi32, #tpu.memory_space<vmem>>) semaphore(%arg17 : memref<!tpu.dma_semaphore, #tpu.memory_space<semaphore_mem>>) {add = true}
      %ge3A_140 = arith.constant 2 : i32
      %ge3A_141 = arith.cmpi sge, %add3A_121, %ge3A_140 : i32
      %convert_element_type3A_142 = arith.extui %ge3A_141 : i1 to i32
      %cond3A_143 = arith.constant 0 : i32
      %cond3A_144 = arith.cmpi ne, %convert_element_type3A_142, %cond3A_143 : i32
      scf.if %cond3A_144 {
        %sub3A = arith.constant 2 : i32
        %sub3A_220 = arith.subi %add3A_121, %sub3A : i32
        %mul3A_221 = arith.constant 2 : i32
        %mul3A_222 = arith.muli %mul3A_221, %sub3A_220 : i32
        %add3A_223 = arith.constant 1 : i32
        %add3A_224 = arith.addi %mul3A_222, %add3A_223 : i32
        %dma_wait3A_225 = arith.constant 0 : i32
        %dma_wait3A_226 = tpu.memref_slice %arg5[%add3A_224, %dma_wait3A_225] : memref<168x128xi32, #tpu.memory_space<vmem>> -> memref<1x128xi32, #tpu.memory_space<vmem>>
        %dma_wait3A_227 = tpu.memref_squeeze %dma_wait3A_226 : memref<1x128xi32, #tpu.memory_space<vmem>> -> memref<128xi32, #tpu.memory_space<vmem>>
        %dma_wait3A_228 = arith.constant 0 : i32
        %dma_wait3A_229 = arith.constant 0 : i32
        %dma_wait3A_230 = tpu.memref_slice %arg11[%dma_wait3A_228, %dma_wait3A_229] : memref<10240x64xf32, #tpu.memory_space<vmem_shared>> -> memref<10240x64xf32, #tpu.memory_space<vmem_shared>>
        tpu.wait_indirect_dma semaphore(%arg19 : memref<!tpu.dma_semaphore, #tpu.memory_space<semaphore_mem>>) src(%arg9 : memref<128x64xf32, #tpu.memory_space<vmem>>) dst(%dma_wait3A_230 : memref<10240x64xf32, #tpu.memory_space<vmem_shared>>)
      } else {
      }
      %add3A_145 = arith.constant 2 : i32
      %add3A_146 = arith.addi %add3A_121, %add3A_145 : i32
      %lt3A_147 = arith.constant 84 : i32
      %lt3A_148 = arith.cmpi slt, %add3A_146, %lt3A_147 : i32
      %convert_element_type3A_149 = arith.extui %lt3A_148 : i1 to i32
      %cond3A_150 = arith.constant 0 : i32
      %cond3A_151 = arith.cmpi ne, %convert_element_type3A_149, %cond3A_150 : i32
      scf.if %cond3A_151 {
        %add3A_220 = arith.constant 2 : i32
        %add3A_221 = arith.addi %add3A_121, %add3A_220 : i32
        %mul3A_222 = arith.constant 2 : i32
        %mul3A_223 = arith.muli %mul3A_222, %add3A_221 : i32
        %dma_start3A_224 = arith.constant 0 : i32
        %dma_start3A_225 = tpu.memref_slice %arg5[%mul3A_223, %dma_start3A_224] : memref<168x128xi32, #tpu.memory_space<vmem>> -> memref<1x128xi32, #tpu.memory_space<vmem>>
        %dma_start3A_226 = tpu.memref_squeeze %dma_start3A_225 : memref<1x128xi32, #tpu.memory_space<vmem>> -> memref<128xi32, #tpu.memory_space<vmem>>
        %dma_start3A_227 = arith.constant 0 : i32
        %dma_start3A_228 = arith.constant 0 : i32
        %dma_start3A_229 = tpu.memref_slice %arg2[%dma_start3A_227, %dma_start3A_228] : memref<10240x64xf32, #tpu.memory_space<hbm>> -> memref<10240x64xf32, #tpu.memory_space<hbm>>
        tpu.enqueue_indirect_dma source(%dma_start3A_229 : memref<10240x64xf32, #tpu.memory_space<hbm>>) target(%arg9 : memref<128x64xf32, #tpu.memory_space<vmem>>) offsets(%dma_start3A_226 : memref<128xi32, #tpu.memory_space<vmem>>) semaphore(%arg15 : memref<!tpu.dma_semaphore, #tpu.memory_space<semaphore_mem>>)
      } else {
      }
      %mul3A_152 = arith.constant 4 : i32
      %mul3A_153 = arith.muli %scan3A_87, %mul3A_152 : i32
      %add3A_154 = arith.constant 2 : i32
      %add3A_155 = arith.addi %mul3A_153, %add3A_154 : i32
      %mul3A_156 = arith.constant 2 : i32
      %mul3A_157 = arith.muli %mul3A_156, %add3A_155 : i32
      %dma_wait3A_158 = arith.constant 0 : i32
      %dma_wait3A_159 = tpu.memref_slice %arg5[%mul3A_157, %dma_wait3A_158] : memref<168x128xi32, #tpu.memory_space<vmem>> -> memref<1x128xi32, #tpu.memory_space<vmem>>
      %dma_wait3A_160 = tpu.memref_squeeze %dma_wait3A_159 : memref<1x128xi32, #tpu.memory_space<vmem>> -> memref<128xi32, #tpu.memory_space<vmem>>
      %dma_wait3A_161 = arith.constant 0 : i32
      %dma_wait3A_162 = arith.constant 0 : i32
      %dma_wait3A_163 = tpu.memref_slice %arg2[%dma_wait3A_161, %dma_wait3A_162] : memref<10240x64xf32, #tpu.memory_space<hbm>> -> memref<10240x64xf32, #tpu.memory_space<hbm>>
      tpu.wait_indirect_dma semaphore(%arg14 : memref<!tpu.dma_semaphore, #tpu.memory_space<semaphore_mem>>) src(%dma_wait3A_163 : memref<10240x64xf32, #tpu.memory_space<hbm>>) dst(%arg8 : memref<128x64xf32, #tpu.memory_space<vmem>>)
      %mul3A_164 = arith.constant 2 : i32
      %mul3A_165 = arith.muli %mul3A_164, %add3A_155 : i32
      %add3A_166 = arith.constant 1 : i32
      %add3A_167 = arith.addi %mul3A_165, %add3A_166 : i32
      %dma_start3A_168 = arith.constant 0 : i32
      %dma_start3A_169 = tpu.memref_slice %arg5[%add3A_167, %dma_start3A_168] : memref<168x128xi32, #tpu.memory_space<vmem>> -> memref<1x128xi32, #tpu.memory_space<vmem>>
      %dma_start3A_170 = tpu.memref_squeeze %dma_start3A_169 : memref<1x128xi32, #tpu.memory_space<vmem>> -> memref<128xi32, #tpu.memory_space<vmem>>
      %dma_start3A_171 = arith.constant 0 : i32
      %dma_start3A_172 = arith.constant 0 : i32
      %dma_start3A_173 = tpu.memref_slice %arg11[%dma_start3A_171, %dma_start3A_172] : memref<10240x64xf32, #tpu.memory_space<vmem_shared>> -> memref<10240x64xf32, #tpu.memory_space<vmem_shared>>
      tpu.enqueue_indirect_dma source(%arg8 : memref<128x64xf32, #tpu.memory_space<vmem>>) target(%dma_start3A_173 : memref<10240x64xf32, #tpu.memory_space<vmem_shared>>) offsets(%dma_start3A_170 : memref<128xi32, #tpu.memory_space<vmem>>) semaphore(%arg18 : memref<!tpu.dma_semaphore, #tpu.memory_space<semaphore_mem>>) {add = true}
      %ge3A_174 = arith.constant 2 : i32
      %ge3A_175 = arith.cmpi sge, %add3A_155, %ge3A_174 : i32
      %convert_element_type3A_176 = arith.extui %ge3A_175 : i1 to i32
      %cond3A_177 = arith.constant 0 : i32
      %cond3A_178 = arith.cmpi ne, %convert_element_type3A_176, %cond3A_177 : i32
      scf.if %cond3A_178 {
        %sub3A = arith.constant 2 : i32
        %sub3A_220 = arith.subi %add3A_155, %sub3A : i32
        %mul3A_221 = arith.constant 2 : i32
        %mul3A_222 = arith.muli %mul3A_221, %sub3A_220 : i32
        %add3A_223 = arith.constant 1 : i32
        %add3A_224 = arith.addi %mul3A_222, %add3A_223 : i32
        %dma_wait3A_225 = arith.constant 0 : i32
        %dma_wait3A_226 = tpu.memref_slice %arg5[%add3A_224, %dma_wait3A_225] : memref<168x128xi32, #tpu.memory_space<vmem>> -> memref<1x128xi32, #tpu.memory_space<vmem>>
        %dma_wait3A_227 = tpu.memref_squeeze %dma_wait3A_226 : memref<1x128xi32, #tpu.memory_space<vmem>> -> memref<128xi32, #tpu.memory_space<vmem>>
        %dma_wait3A_228 = arith.constant 0 : i32
        %dma_wait3A_229 = arith.constant 0 : i32
        %dma_wait3A_230 = tpu.memref_slice %arg11[%dma_wait3A_228, %dma_wait3A_229] : memref<10240x64xf32, #tpu.memory_space<vmem_shared>> -> memref<10240x64xf32, #tpu.memory_space<vmem_shared>>
        tpu.wait_indirect_dma semaphore(%arg16 : memref<!tpu.dma_semaphore, #tpu.memory_space<semaphore_mem>>) src(%arg6 : memref<128x64xf32, #tpu.memory_space<vmem>>) dst(%dma_wait3A_230 : memref<10240x64xf32, #tpu.memory_space<vmem_shared>>)
      } else {
      }
      %add3A_179 = arith.constant 2 : i32
      %add3A_180 = arith.addi %add3A_155, %add3A_179 : i32
      %lt3A_181 = arith.constant 84 : i32
      %lt3A_182 = arith.cmpi slt, %add3A_180, %lt3A_181 : i32
      %convert_element_type3A_183 = arith.extui %lt3A_182 : i1 to i32
      %cond3A_184 = arith.constant 0 : i32
      %cond3A_185 = arith.cmpi ne, %convert_element_type3A_183, %cond3A_184 : i32
      scf.if %cond3A_185 {
        %add3A_220 = arith.constant 2 : i32
        %add3A_221 = arith.addi %add3A_155, %add3A_220 : i32
        %mul3A_222 = arith.constant 2 : i32
        %mul3A_223 = arith.muli %mul3A_222, %add3A_221 : i32
        %dma_start3A_224 = arith.constant 0 : i32
        %dma_start3A_225 = tpu.memref_slice %arg5[%mul3A_223, %dma_start3A_224] : memref<168x128xi32, #tpu.memory_space<vmem>> -> memref<1x128xi32, #tpu.memory_space<vmem>>
        %dma_start3A_226 = tpu.memref_squeeze %dma_start3A_225 : memref<1x128xi32, #tpu.memory_space<vmem>> -> memref<128xi32, #tpu.memory_space<vmem>>
        %dma_start3A_227 = arith.constant 0 : i32
        %dma_start3A_228 = arith.constant 0 : i32
        %dma_start3A_229 = tpu.memref_slice %arg2[%dma_start3A_227, %dma_start3A_228] : memref<10240x64xf32, #tpu.memory_space<hbm>> -> memref<10240x64xf32, #tpu.memory_space<hbm>>
        tpu.enqueue_indirect_dma source(%dma_start3A_229 : memref<10240x64xf32, #tpu.memory_space<hbm>>) target(%arg6 : memref<128x64xf32, #tpu.memory_space<vmem>>) offsets(%dma_start3A_226 : memref<128xi32, #tpu.memory_space<vmem>>) semaphore(%arg12 : memref<!tpu.dma_semaphore, #tpu.memory_space<semaphore_mem>>)
      } else {
      }
      %mul3A_186 = arith.constant 4 : i32
      %mul3A_187 = arith.muli %scan3A_87, %mul3A_186 : i32
      %add3A_188 = arith.constant 3 : i32
      %add3A_189 = arith.addi %mul3A_187, %add3A_188 : i32
      %mul3A_190 = arith.constant 2 : i32
      %mul3A_191 = arith.muli %mul3A_190, %add3A_189 : i32
      %dma_wait3A_192 = arith.constant 0 : i32
      %dma_wait3A_193 = tpu.memref_slice %arg5[%mul3A_191, %dma_wait3A_192] : memref<168x128xi32, #tpu.memory_space<vmem>> -> memref<1x128xi32, #tpu.memory_space<vmem>>
      %dma_wait3A_194 = tpu.memref_squeeze %dma_wait3A_193 : memref<1x128xi32, #tpu.memory_space<vmem>> -> memref<128xi32, #tpu.memory_space<vmem>>
      %dma_wait3A_195 = arith.constant 0 : i32
      %dma_wait3A_196 = arith.constant 0 : i32
      %dma_wait3A_197 = tpu.memref_slice %arg2[%dma_wait3A_195, %dma_wait3A_196] : memref<10240x64xf32, #tpu.memory_space<hbm>> -> memref<10240x64xf32, #tpu.memory_space<hbm>>
      tpu.wait_indirect_dma semaphore(%arg15 : memref<!tpu.dma_semaphore, #tpu.memory_space<semaphore_mem>>) src(%dma_wait3A_197 : memref<10240x64xf32, #tpu.memory_space<hbm>>) dst(%arg9 : memref<128x64xf32, #tpu.memory_space<vmem>>)
      %mul3A_198 = arith.constant 2 : i32
      %mul3A_199 = arith.muli %mul3A_198, %add3A_189 : i32
      %add3A_200 = arith.constant 1 : i32
      %add3A_201 = arith.addi %mul3A_199, %add3A_200 : i32
      %dma_start3A_202 = arith.constant 0 : i32
      %dma_start3A_203 = tpu.memref_slice %arg5[%add3A_201, %dma_start3A_202] : memref<168x128xi32, #tpu.memory_space<vmem>> -> memref<1x128xi32, #tpu.memory_space<vmem>>
      %dma_start3A_204 = tpu.memref_squeeze %dma_start3A_203 : memref<1x128xi32, #tpu.memory_space<vmem>> -> memref<128xi32, #tpu.memory_space<vmem>>
      %dma_start3A_205 = arith.constant 0 : i32
      %dma_start3A_206 = arith.constant 0 : i32
      %dma_start3A_207 = tpu.memref_slice %arg11[%dma_start3A_205, %dma_start3A_206] : memref<10240x64xf32, #tpu.memory_space<vmem_shared>> -> memref<10240x64xf32, #tpu.memory_space<vmem_shared>>
      tpu.enqueue_indirect_dma source(%arg9 : memref<128x64xf32, #tpu.memory_space<vmem>>) target(%dma_start3A_207 : memref<10240x64xf32, #tpu.memory_space<vmem_shared>>) offsets(%dma_start3A_204 : memref<128xi32, #tpu.memory_space<vmem>>) semaphore(%arg19 : memref<!tpu.dma_semaphore, #tpu.memory_space<semaphore_mem>>) {add = true}
      %ge3A_208 = arith.constant 2 : i32
      %ge3A_209 = arith.cmpi sge, %add3A_189, %ge3A_208 : i32
      %convert_element_type3A_210 = arith.extui %ge3A_209 : i1 to i32
      %cond3A_211 = arith.constant 0 : i32
      %cond3A_212 = arith.cmpi ne, %convert_element_type3A_210, %cond3A_211 : i32
      scf.if %cond3A_212 {
        %sub3A = arith.constant 2 : i32
        %sub3A_220 = arith.subi %add3A_189, %sub3A : i32
        %mul3A_221 = arith.constant 2 : i32
        %mul3A_222 = arith.muli %mul3A_221, %sub3A_220 : i32
        %add3A_223 = arith.constant 1 : i32
        %add3A_224 = arith.addi %mul3A_222, %add3A_223 : i32
        %dma_wait3A_225 = arith.constant 0 : i32
        %dma_wait3A_226 = tpu.memref_slice %arg5[%add3A_224, %dma_wait3A_225] : memref<168x128xi32, #tpu.memory_space<vmem>> -> memref<1x128xi32, #tpu.memory_space<vmem>>
        %dma_wait3A_227 = tpu.memref_squeeze %dma_wait3A_226 : memref<1x128xi32, #tpu.memory_space<vmem>> -> memref<128xi32, #tpu.memory_space<vmem>>
        %dma_wait3A_228 = arith.constant 0 : i32
        %dma_wait3A_229 = arith.constant 0 : i32
        %dma_wait3A_230 = tpu.memref_slice %arg11[%dma_wait3A_228, %dma_wait3A_229] : memref<10240x64xf32, #tpu.memory_space<vmem_shared>> -> memref<10240x64xf32, #tpu.memory_space<vmem_shared>>
        tpu.wait_indirect_dma semaphore(%arg17 : memref<!tpu.dma_semaphore, #tpu.memory_space<semaphore_mem>>) src(%arg7 : memref<128x64xf32, #tpu.memory_space<vmem>>) dst(%dma_wait3A_230 : memref<10240x64xf32, #tpu.memory_space<vmem_shared>>)
      } else {
      }
      %add3A_213 = arith.constant 2 : i32
      %add3A_214 = arith.addi %add3A_189, %add3A_213 : i32
      %lt3A_215 = arith.constant 84 : i32
      %lt3A_216 = arith.cmpi slt, %add3A_214, %lt3A_215 : i32
      %convert_element_type3A_217 = arith.extui %lt3A_216 : i1 to i32
      %cond3A_218 = arith.constant 0 : i32
      %cond3A_219 = arith.cmpi ne, %convert_element_type3A_217, %cond3A_218 : i32
      scf.if %cond3A_219 {
        %add3A_220 = arith.constant 2 : i32
        %add3A_221 = arith.addi %add3A_189, %add3A_220 : i32
        %mul3A_222 = arith.constant 2 : i32
        %mul3A_223 = arith.muli %mul3A_222, %add3A_221 : i32
        %dma_start3A_224 = arith.constant 0 : i32
        %dma_start3A_225 = tpu.memref_slice %arg5[%mul3A_223, %dma_start3A_224] : memref<168x128xi32, #tpu.memory_space<vmem>> -> memref<1x128xi32, #tpu.memory_space<vmem>>
        %dma_start3A_226 = tpu.memref_squeeze %dma_start3A_225 : memref<1x128xi32, #tpu.memory_space<vmem>> -> memref<128xi32, #tpu.memory_space<vmem>>
        %dma_start3A_227 = arith.constant 0 : i32
        %dma_start3A_228 = arith.constant 0 : i32
        %dma_start3A_229 = tpu.memref_slice %arg2[%dma_start3A_227, %dma_start3A_228] : memref<10240x64xf32, #tpu.memory_space<hbm>> -> memref<10240x64xf32, #tpu.memory_space<hbm>>
        tpu.enqueue_indirect_dma source(%dma_start3A_229 : memref<10240x64xf32, #tpu.memory_space<hbm>>) target(%arg7 : memref<128x64xf32, #tpu.memory_space<vmem>>) offsets(%dma_start3A_226 : memref<128xi32, #tpu.memory_space<vmem>>) semaphore(%arg13 : memref<!tpu.dma_semaphore, #tpu.memory_space<semaphore_mem>>)
      } else {
      }
    }
    %scan3A_68 = arith.constant 21 : i32
    %dma_wait3A = arith.constant 165 : i32
    %dma_wait3A_69 = arith.constant 0 : i32
    %dma_wait3A_70 = tpu.memref_slice %arg5[%dma_wait3A, %dma_wait3A_69] : memref<168x128xi32, #tpu.memory_space<vmem>> -> memref<1x128xi32, #tpu.memory_space<vmem>>
    %dma_wait3A_71 = tpu.memref_squeeze %dma_wait3A_70 : memref<1x128xi32, #tpu.memory_space<vmem>> -> memref<128xi32, #tpu.memory_space<vmem>>
    %dma_wait3A_72 = arith.constant 0 : i32
    %dma_wait3A_73 = arith.constant 0 : i32
    %dma_wait3A_74 = tpu.memref_slice %arg11[%dma_wait3A_72, %dma_wait3A_73] : memref<10240x64xf32, #tpu.memory_space<vmem_shared>> -> memref<10240x64xf32, #tpu.memory_space<vmem_shared>>
    tpu.wait_indirect_dma semaphore(%arg18 : memref<!tpu.dma_semaphore, #tpu.memory_space<semaphore_mem>>) src(%arg8 : memref<128x64xf32, #tpu.memory_space<vmem>>) dst(%dma_wait3A_74 : memref<10240x64xf32, #tpu.memory_space<vmem_shared>>)
    %dma_wait3A_75 = arith.constant 167 : i32
    %dma_wait3A_76 = arith.constant 0 : i32
    %dma_wait3A_77 = tpu.memref_slice %arg5[%dma_wait3A_75, %dma_wait3A_76] : memref<168x128xi32, #tpu.memory_space<vmem>> -> memref<1x128xi32, #tpu.memory_space<vmem>>
    %dma_wait3A_78 = tpu.memref_squeeze %dma_wait3A_77 : memref<1x128xi32, #tpu.memory_space<vmem>> -> memref<128xi32, #tpu.memory_space<vmem>>
    %dma_wait3A_79 = arith.constant 0 : i32
    %dma_wait3A_80 = arith.constant 0 : i32
    %dma_wait3A_81 = tpu.memref_slice %arg11[%dma_wait3A_79, %dma_wait3A_80] : memref<10240x64xf32, #tpu.memory_space<vmem_shared>> -> memref<10240x64xf32, #tpu.memory_space<vmem_shared>>
    tpu.wait_indirect_dma semaphore(%arg19 : memref<!tpu.dma_semaphore, #tpu.memory_space<semaphore_mem>>) src(%arg9 : memref<128x64xf32, #tpu.memory_space<vmem>>) dst(%dma_wait3A_81 : memref<10240x64xf32, #tpu.memory_space<vmem_shared>>)
    %barrier3A_82 = arith.constant 0 : index
    tpu.barrier barrier_id(%barrier3A_82)
    %mul3A_83 = arith.constant 640 : i32
    %mul3A_84 = arith.muli %arg1, %mul3A_83 : i32
    %mul3A_85 = arith.constant 640 : i32
    %mul3A_86 = arith.muli %arg1, %mul3A_85 : i32
    "tpu.region"() ({
      %run_scoped3A = tpu.sem_alloc : memref<!tpu.dma_semaphore, #tpu.memory_space<semaphore_mem>>
      %dma_start3A_87 = arith.constant 0 : i32
      %dma_start3A_88 = tpu.memref_slice %arg4[%arg0, %mul3A_86, %dma_start3A_87] : memref<2x10240x64xf32, #tpu.memory_space<hbm>> -> memref<1x640x64xf32, #tpu.memory_space<hbm>>
      %dma_start3A_89 = tpu.memref_squeeze %dma_start3A_88 : memref<1x640x64xf32, #tpu.memory_space<hbm>> -> memref<640x64xf32, #tpu.memory_space<hbm>>
      %dma_start3A_90 = arith.constant 0 : i32
      %dma_start3A_91 = tpu.memref_slice %arg11[%mul3A_84, %dma_start3A_90] : memref<10240x64xf32, #tpu.memory_space<vmem_shared>> -> memref<640x64xf32, #tpu.memory_space<vmem_shared>>
      tpu.enqueue_dma source(%dma_start3A_91 : memref<640x64xf32, #tpu.memory_space<vmem_shared>>) target(%dma_start3A_89 : memref<640x64xf32, #tpu.memory_space<hbm>>) target_semaphore(%run_scoped3A : memref<!tpu.dma_semaphore, #tpu.memory_space<semaphore_mem>>)
      %dma_wait3A_92 = arith.constant 0 : i32
      %dma_wait3A_93 = tpu.memref_slice %arg4[%arg0, %mul3A_86, %dma_wait3A_92] : memref<2x10240x64xf32, #tpu.memory_space<hbm>> -> memref<1x640x64xf32, #tpu.memory_space<hbm>>
      %dma_wait3A_94 = tpu.memref_squeeze %dma_wait3A_93 : memref<1x640x64xf32, #tpu.memory_space<hbm>> -> memref<640x64xf32, #tpu.memory_space<hbm>>
      %dma_wait3A_95 = arith.constant 0 : i32
      %dma_wait3A_96 = tpu.memref_slice %arg11[%mul3A_84, %dma_wait3A_95] : memref<10240x64xf32, #tpu.memory_space<vmem_shared>> -> memref<640x64xf32, #tpu.memory_space<vmem_shared>>
      tpu.wait_dma2 semaphore(%run_scoped3A : memref<!tpu.dma_semaphore, #tpu.memory_space<semaphore_mem>>) src(%dma_wait3A_96 : memref<640x64xf32, #tpu.memory_space<vmem_shared>>) dst(%dma_wait3A_94 : memref<640x64xf32, #tpu.memory_space<hbm>>)
      tpu.yield
    }) : () -> ()
    return
  }
}

module attributes {stable_mosaic.version = 14 : i64} {
  func.func @_mm_body(%arg0: i32, %arg1: memref<512x128xf32, #tpu.memory_space<vmem>>, %arg2: memref<128x64xf32, #tpu.memory_space<vmem>>, %arg3: memref<512x64xf32, #tpu.memory_space<vmem>>) attributes {dimension_semantics = [#tpu.dimension_semantics<arbitrary>], iteration_bounds = array<i64: 20>, scalar_prefetch = 0 : i64, scratch_operands = 0 : i64, tpu.core_type = #tpu.core_type<tc>, window_params = [{transform_indices = @transform_0, window_bounds = array<i64: 512, 128>}, {pipeline_mode = #tpu.pipeline_mode<synchronous>, transform_indices = @transform_1, window_bounds = array<i64: 128, 64>}, {transform_indices = @transform_2, window_bounds = array<i64: 512, 64>}]} {
    %get3A = arith.constant 0 : index
    %get3A_0 = arith.constant 0 : index
    %get3A_1 = vector.load %arg1[%get3A, %get3A_0] : memref<512x128xf32, #tpu.memory_space<vmem>>, vector<512x128xf32>
    %get3A_2 = arith.constant 0 : index
    %get3A_3 = arith.constant 0 : index
    %get3A_4 = vector.load %arg2[%get3A_2, %get3A_3] : memref<128x64xf32, #tpu.memory_space<vmem>>, vector<128x64xf32>
    %dot_general3A = arith.constant dense<0.000000e+00> : vector<512x64xf32>
    %dot_general3A_5 = tpu.matmul %get3A_1, %get3A_4, %dot_general3A {dimension_numbers = #tpu.dot_dimension_numbers<[1], [0], [0], [1], [0, 0, 1, 1], [], []>, transpose_lhs_hint = false} : vector<512x128xf32>, vector<128x64xf32>, vector<512x64xf32> -> vector<512x64xf32>
    %swap3A = arith.constant 0 : index
    %swap3A_6 = arith.constant 0 : index
    %swap3A_7 = vector.load %arg3[%swap3A, %swap3A_6] : memref<512x64xf32, #tpu.memory_space<vmem>>, vector<512x64xf32>
    tpu.vector_store %arg3[%swap3A, %swap3A_6], %dot_general3A_5 {strides = array<i32>} : memref<512x64xf32, #tpu.memory_space<vmem>>, vector<512x64xf32>,
    return
  }
  func.func @transform_0(%arg0: i32) -> (i32, i32) {
    %c0_i32 = arith.constant 0 : i32
    %c0_i32_0 = arith.constant 0 : i32
    return %arg0, %c0_i32 : i32, i32
  }
  func.func @transform_1(%arg0: i32) -> (i32, i32) {
    %c0_i32 = arith.constant 0 : i32
    %c0_i32_0 = arith.constant 0 : i32
    %c0_i32_1 = arith.constant 0 : i32
    return %c0_i32, %c0_i32_0 : i32, i32
  }
  func.func @transform_2(%arg0: i32) -> (i32, i32) {
    %c0_i32 = arith.constant 0 : i32
    %c0_i32_0 = arith.constant 0 : i32
    return %arg0, %c0_i32 : i32, i32
  }
}

module attributes {stable_mosaic.version = 14 : i64} {
  func.func @_scale_body(%arg0: i32, %arg1: memref<2x512x16xf32, #tpu.memory_space<vmem>>, %arg2: memref<512x64xf32, #tpu.memory_space<vmem>>, %arg3: memref<512x64xf32, #tpu.memory_space<vmem>>) attributes {dimension_semantics = [#tpu.dimension_semantics<arbitrary>], iteration_bounds = array<i64: 20>, scalar_prefetch = 0 : i64, scratch_operands = 0 : i64, tpu.core_type = #tpu.core_type<tc>, window_params = [{transform_indices = @transform_0, window_bounds = array<i64: 2, 512, 16>}, {transform_indices = @transform_1, window_bounds = array<i64: 512, 64>}, {transform_indices = @transform_2, window_bounds = array<i64: 512, 64>}]} {
    %get3A = arith.constant 0 : index
    %get3A_0 = arith.constant 0 : index
    %get3A_1 = arith.constant 0 : index
    %get3A_2 = vector.load %arg1[%get3A, %get3A_0, %get3A_1] : memref<2x512x16xf32, #tpu.memory_space<vmem>>, vector<1x512x1xf32>
    %get3A_3 = vector.shape_cast %get3A_2 : vector<1x512x1xf32> to vector<512x1xf32>
    %get3A_4 = arith.constant 1 : index
    %get3A_5 = arith.constant 0 : index
    %get3A_6 = arith.constant 0 : index
    %get3A_7 = vector.load %arg1[%get3A_4, %get3A_5, %get3A_6] : memref<2x512x16xf32, #tpu.memory_space<vmem>>, vector<1x512x1xf32>
    %get3A_8 = vector.shape_cast %get3A_7 : vector<1x512x1xf32> to vector<512x1xf32>
    %add3A = arith.addf %get3A_3, %get3A_8 : vector<512x1xf32>
    %max3A = arith.constant 1.000000e+00 : f32
    %max3A_9 = vector.broadcast %max3A : f32 to vector<512x1xf32>
    %max3A_10 = arith.maximumf %add3A, %max3A_9 : vector<512x1xf32>
    %rsqrt3A = math.rsqrt %max3A_10 : vector<512x1xf32>
    %get3A_11 = arith.constant 0 : index
    %get3A_12 = arith.constant 0 : index
    %get3A_13 = vector.load %arg2[%get3A_11, %get3A_12] : memref<512x64xf32, #tpu.memory_space<vmem>>, vector<512x64xf32>
    %mul3A = vector.broadcast %rsqrt3A : vector<512x1xf32> to vector<512x64xf32>
    %mul3A_14 = arith.mulf %mul3A, %get3A_13 : vector<512x64xf32>
    %swap3A = arith.constant 0 : index
    %swap3A_15 = arith.constant 0 : index
    %swap3A_16 = vector.load %arg3[%swap3A, %swap3A_15] : memref<512x64xf32, #tpu.memory_space<vmem>>, vector<512x64xf32>
    tpu.vector_store %arg3[%swap3A, %swap3A_15], %mul3A_14 {strides = array<i32>} : memref<512x64xf32, #tpu.memory_space<vmem>>, vector<512x64xf32>,
    return
  }
  func.func @transform_0(%arg0: i32) -> (i32, i32, i32) {
    %c0_i32 = arith.constant 0 : i32
    %c0_i32_0 = arith.constant 0 : i32
    %c0_i32_1 = arith.constant 0 : i32
    return %c0_i32, %arg0, %c0_i32_0 : i32, i32, i32
  }
  func.func @transform_1(%arg0: i32) -> (i32, i32) {
    %c0_i32 = arith.constant 0 : i32
    %c0_i32_0 = arith.constant 0 : i32
    return %arg0, %c0_i32 : i32, i32
  }
  func.func @transform_2(%arg0: i32) -> (i32, i32) {
    %c0_i32 = arith.constant 0 : i32
    %c0_i32_0 = arith.constant 0 : i32
    return %arg0, %c0_i32 : i32, i32
  }
}

module attributes {stable_mosaic.version = 14 : i64} {
  func.func @_layer_body(%arg0: i32, %arg1: memref<2x512x64xf32, #tpu.memory_space<vmem>>, %arg2: memref<2x512x16xf32, #tpu.memory_space<vmem>>, %arg3: memref<1x64xf32, #tpu.memory_space<vmem>>, %arg4: memref<64x64xf32, #tpu.memory_space<vmem>>, %arg5: memref<512x64xf32, #tpu.memory_space<vmem>>) attributes {dimension_semantics = [#tpu.dimension_semantics<arbitrary>], iteration_bounds = array<i64: 20>, scalar_prefetch = 0 : i64, scratch_operands = 0 : i64, tpu.core_type = #tpu.core_type<tc>, window_params = [{transform_indices = @transform_0, window_bounds = array<i64: 2, 512, 64>}, {transform_indices = @transform_1, window_bounds = array<i64: 2, 512, 16>}, {pipeline_mode = #tpu.pipeline_mode<synchronous>, transform_indices = @transform_2, window_bounds = array<i64: 1, 64>}, {pipeline_mode = #tpu.pipeline_mode<synchronous>, transform_indices = @transform_3, window_bounds = array<i64: 64, 64>}, {transform_indices = @transform_4, window_bounds = array<i64: 512, 64>}]} {
    %get3A = arith.constant 0 : index
    %get3A_0 = arith.constant 0 : index
    %get3A_1 = arith.constant 0 : index
    %get3A_2 = vector.load %arg2[%get3A, %get3A_0, %get3A_1] : memref<2x512x16xf32, #tpu.memory_space<vmem>>, vector<1x512x1xf32>
    %get3A_3 = vector.shape_cast %get3A_2 : vector<1x512x1xf32> to vector<512x1xf32>
    %get3A_4 = arith.constant 1 : index
    %get3A_5 = arith.constant 0 : index
    %get3A_6 = arith.constant 0 : index
    %get3A_7 = vector.load %arg2[%get3A_4, %get3A_5, %get3A_6] : memref<2x512x16xf32, #tpu.memory_space<vmem>>, vector<1x512x1xf32>
    %get3A_8 = vector.shape_cast %get3A_7 : vector<1x512x1xf32> to vector<512x1xf32>
    %add3A = arith.addf %get3A_3, %get3A_8 : vector<512x1xf32>
    %max3A = arith.constant 1.000000e+00 : f32
    %max3A_9 = vector.broadcast %max3A : f32 to vector<512x1xf32>
    %max3A_10 = arith.maximumf %add3A, %max3A_9 : vector<512x1xf32>
    %rsqrt3A = math.rsqrt %max3A_10 : vector<512x1xf32>
    %get3A_11 = arith.constant 0 : index
    %get3A_12 = arith.constant 0 : index
    %get3A_13 = arith.constant 0 : index
    %get3A_14 = vector.load %arg1[%get3A_11, %get3A_12, %get3A_13] : memref<2x512x64xf32, #tpu.memory_space<vmem>>, vector<1x512x64xf32>
    %get3A_15 = vector.shape_cast %get3A_14 : vector<1x512x64xf32> to vector<512x64xf32>
    %get3A_16 = arith.constant 1 : index
    %get3A_17 = arith.constant 0 : index
    %get3A_18 = arith.constant 0 : index
    %get3A_19 = vector.load %arg1[%get3A_16, %get3A_17, %get3A_18] : memref<2x512x64xf32, #tpu.memory_space<vmem>>, vector<1x512x64xf32>
    %get3A_20 = vector.shape_cast %get3A_19 : vector<1x512x64xf32> to vector<512x64xf32>
    %add3A_21 = arith.addf %get3A_15, %get3A_20 : vector<512x64xf32>
    %mul3A = vector.broadcast %rsqrt3A : vector<512x1xf32> to vector<512x64xf32>
    %mul3A_22 = arith.mulf %mul3A, %add3A_21 : vector<512x64xf32>
    %get3A_23 = arith.constant 0 : index
    %get3A_24 = arith.constant 0 : index
    %get3A_25 = vector.load %arg3[%get3A_23, %get3A_24] : memref<1x64xf32, #tpu.memory_space<vmem>>, vector<1x64xf32>
    %add3A_26 = vector.broadcast %get3A_25 : vector<1x64xf32> to vector<512x64xf32>
    %add3A_27 = arith.addf %mul3A_22, %add3A_26 : vector<512x64xf32>
    %max3A_28 = arith.constant 0.000000e+00 : f32
    %max3A_29 = vector.broadcast %max3A_28 : f32 to vector<512x64xf32>
    %max3A_30 = arith.maximumf %add3A_27, %max3A_29 : vector<512x64xf32>
    %get3A_31 = arith.constant 0 : index
    %get3A_32 = arith.constant 0 : index
    %get3A_33 = vector.load %arg4[%get3A_31, %get3A_32] : memref<64x64xf32, #tpu.memory_space<vmem>>, vector<64x64xf32>
    %dot_general3A = arith.constant dense<0.000000e+00> : vector<512x64xf32>
    %dot_general3A_34 = tpu.matmul %max3A_30, %get3A_33, %dot_general3A {dimension_numbers = #tpu.dot_dimension_numbers<[1], [0], [0], [1], [0, 0, 1, 1], [], []>, transpose_lhs_hint = false} : vector<512x64xf32>, vector<64x64xf32>, vector<512x64xf32> -> vector<512x64xf32>
    %mul3A_35 = vector.broadcast %rsqrt3A : vector<512x1xf32> to vector<512x64xf32>
    %mul3A_36 = arith.mulf %mul3A_35, %dot_general3A_34 : vector<512x64xf32>
    %swap3A = arith.constant 0 : index
    %swap3A_37 = arith.constant 0 : index
    %swap3A_38 = vector.load %arg5[%swap3A, %swap3A_37] : memref<512x64xf32, #tpu.memory_space<vmem>>, vector<512x64xf32>
    tpu.vector_store %arg5[%swap3A, %swap3A_37], %mul3A_36 {strides = array<i32>} : memref<512x64xf32, #tpu.memory_space<vmem>>, vector<512x64xf32>,
    return
  }
  func.func @transform_0(%arg0: i32) -> (i32, i32, i32) {
    %c0_i32 = arith.constant 0 : i32
    %c0_i32_0 = arith.constant 0 : i32
    %c0_i32_1 = arith.constant 0 : i32
    return %c0_i32, %arg0, %c0_i32_0 : i32, i32, i32
  }
  func.func @transform_1(%arg0: i32) -> (i32, i32, i32) {
    %c0_i32 = arith.constant 0 : i32
    %c0_i32_0 = arith.constant 0 : i32
    %c0_i32_1 = arith.constant 0 : i32
    return %c0_i32, %arg0, %c0_i32_0 : i32, i32, i32
  }
  func.func @transform_2(%arg0: i32) -> (i32, i32) {
    %c0_i32 = arith.constant 0 : i32
    %c0_i32_0 = arith.constant 0 : i32
    %c0_i32_1 = arith.constant 0 : i32
    return %c0_i32, %c0_i32_0 : i32, i32
  }
  func.func @transform_3(%arg0: i32) -> (i32, i32) {
    %c0_i32 = arith.constant 0 : i32
    %c0_i32_0 = arith.constant 0 : i32
    %c0_i32_1 = arith.constant 0 : i32
    return %c0_i32, %c0_i32_0 : i32, i32
  }
  func.func @transform_4(%arg0: i32) -> (i32, i32) {
    %c0_i32 = arith.constant 0 : i32
    %c0_i32_0 = arith.constant 0 : i32
    return %arg0, %c0_i32 : i32, i32
  }
}

module attributes {stable_mosaic.version = 14 : i64} {
  func.func @_head_body(%arg0: i32, %arg1: memref<2x512x64xf32, #tpu.memory_space<vmem>>, %arg2: memref<2x512x16xf32, #tpu.memory_space<vmem>>, %arg3: memref<512x1xf32, #tpu.memory_space<vmem>>, %arg4: memref<1x64xf32, #tpu.memory_space<vmem>>, %arg5: memref<64x128xf32, #tpu.memory_space<vmem>>, %arg6: memref<1x128xf32, #tpu.memory_space<vmem>>, %arg7: memref<128x1xf32, #tpu.memory_space<vmem>>, %arg8: memref<1x1xf32, #tpu.memory_space<vmem>>, %arg9: memref<512x1xf32, #tpu.memory_space<vmem>>, %arg10: memref<1x1xf32, #tpu.memory_space<vmem>>, %arg11: memref<3xf32, #tpu.memory_space<smem>>) attributes {dimension_semantics = [#tpu.dimension_semantics<arbitrary>], iteration_bounds = array<i64: 20>, scalar_prefetch = 0 : i64, scratch_operands = 1 : i64, tpu.core_type = #tpu.core_type<tc>, window_params = [{transform_indices = @transform_0, window_bounds = array<i64: 2, 512, 64>}, {transform_indices = @transform_1, window_bounds = array<i64: 2, 512, 16>}, {transform_indices = @transform_2, window_bounds = array<i64: 512, 1>}, {pipeline_mode = #tpu.pipeline_mode<synchronous>, transform_indices = @transform_3, window_bounds = array<i64: 1, 64>}, {pipeline_mode = #tpu.pipeline_mode<synchronous>, transform_indices = @transform_4, window_bounds = array<i64: 64, 128>}, {pipeline_mode = #tpu.pipeline_mode<synchronous>, transform_indices = @transform_5, window_bounds = array<i64: 1, 128>}, {pipeline_mode = #tpu.pipeline_mode<synchronous>, transform_indices = @transform_6, window_bounds = array<i64: 128, 1>}, {pipeline_mode = #tpu.pipeline_mode<synchronous>, transform_indices = @transform_7, window_bounds = array<i64: 1, 1>}, {transform_indices = @transform_8, window_bounds = array<i64: 512, 1>}, {pipeline_mode = #tpu.pipeline_mode<synchronous>, transform_indices = @transform_9, window_bounds = array<i64: 1, 1>}]} {
    %eq3A = arith.constant 0 : i32
    %eq3A_0 = arith.cmpi eq, %arg0, %eq3A : i32
    %convert_element_type3A = arith.extui %eq3A_0 : i1 to i32
    %cond3A = arith.constant 0 : i32
    %cond3A_1 = arith.cmpi ne, %convert_element_type3A, %cond3A : i32
    scf.if %cond3A_1 {
      %swap3A_145 = arith.constant 0.000000e+00 : f32
      %swap3A_146 = arith.constant 0 : index
      %swap3A_147 = memref.load %arg11[%swap3A_146] : memref<3xf32, #tpu.memory_space<smem>>
      memref.store %swap3A_145, %arg11[%swap3A_146] : memref<3xf32, #tpu.memory_space<smem>>
      %swap3A_148 = arith.constant 0.000000e+00 : f32
      %swap3A_149 = arith.constant 1 : index
      %swap3A_150 = memref.load %arg11[%swap3A_149] : memref<3xf32, #tpu.memory_space<smem>>
      memref.store %swap3A_148, %arg11[%swap3A_149] : memref<3xf32, #tpu.memory_space<smem>>
      %swap3A_151 = arith.constant 0.000000e+00 : f32
      %swap3A_152 = arith.constant 2 : index
      %swap3A_153 = memref.load %arg11[%swap3A_152] : memref<3xf32, #tpu.memory_space<smem>>
      memref.store %swap3A_151, %arg11[%swap3A_152] : memref<3xf32, #tpu.memory_space<smem>>
    } else {
    }
    %get3A = arith.constant 0 : index
    %get3A_2 = arith.constant 0 : index
    %get3A_3 = arith.constant 0 : index
    %get3A_4 = vector.load %arg2[%get3A, %get3A_2, %get3A_3] : memref<2x512x16xf32, #tpu.memory_space<vmem>>, vector<1x512x1xf32>
    %get3A_5 = vector.shape_cast %get3A_4 : vector<1x512x1xf32> to vector<512x1xf32>
    %get3A_6 = arith.constant 1 : index
    %get3A_7 = arith.constant 0 : index
    %get3A_8 = arith.constant 0 : index
    %get3A_9 = vector.load %arg2[%get3A_6, %get3A_7, %get3A_8] : memref<2x512x16xf32, #tpu.memory_space<vmem>>, vector<1x512x1xf32>
    %get3A_10 = vector.shape_cast %get3A_9 : vector<1x512x1xf32> to vector<512x1xf32>
    %add3A = arith.addf %get3A_5, %get3A_10 : vector<512x1xf32>
    %max3A = arith.constant 1.000000e+00 : f32
    %max3A_11 = vector.broadcast %max3A : f32 to vector<512x1xf32>
    %max3A_12 = arith.maximumf %add3A, %max3A_11 : vector<512x1xf32>
    %rsqrt3A = math.rsqrt %max3A_12 : vector<512x1xf32>
    %get3A_13 = arith.constant 0 : index
    %get3A_14 = arith.constant 0 : index
    %get3A_15 = arith.constant 0 : index
    %get3A_16 = vector.load %arg1[%get3A_13, %get3A_14, %get3A_15] : memref<2x512x64xf32, #tpu.memory_space<vmem>>, vector<1x512x64xf32>
    %get3A_17 = vector.shape_cast %get3A_16 : vector<1x512x64xf32> to vector<512x64xf32>
    %get3A_18 = arith.constant 1 : index
    %get3A_19 = arith.constant 0 : index
    %get3A_20 = arith.constant 0 : index
    %get3A_21 = vector.load %arg1[%get3A_18, %get3A_19, %get3A_20] : memref<2x512x64xf32, #tpu.memory_space<vmem>>, vector<1x512x64xf32>
    %get3A_22 = vector.shape_cast %get3A_21 : vector<1x512x64xf32> to vector<512x64xf32>
    %add3A_23 = arith.addf %get3A_17, %get3A_22 : vector<512x64xf32>
    %mul3A = vector.broadcast %rsqrt3A : vector<512x1xf32> to vector<512x64xf32>
    %mul3A_24 = arith.mulf %mul3A, %add3A_23 : vector<512x64xf32>
    %get3A_25 = arith.constant 0 : index
    %get3A_26 = arith.constant 0 : index
    %get3A_27 = vector.load %arg4[%get3A_25, %get3A_26] : memref<1x64xf32, #tpu.memory_space<vmem>>, vector<1x64xf32>
    %add3A_28 = vector.broadcast %get3A_27 : vector<1x64xf32> to vector<512x64xf32>
    %add3A_29 = arith.addf %mul3A_24, %add3A_28 : vector<512x64xf32>
    %max3A_30 = arith.constant 0.000000e+00 : f32
    %max3A_31 = vector.broadcast %max3A_30 : f32 to vector<512x64xf32>
    %max3A_32 = arith.maximumf %add3A_29, %max3A_31 : vector<512x64xf32>
    %get3A_33 = arith.constant 0 : index
    %get3A_34 = arith.constant 0 : index
    %get3A_35 = vector.load %arg5[%get3A_33, %get3A_34] : memref<64x128xf32, #tpu.memory_space<vmem>>, vector<64x128xf32>
    %dot_general3A = arith.constant dense<0.000000e+00> : vector<512x128xf32>
    %dot_general3A_36 = tpu.matmul %max3A_32, %get3A_35, %dot_general3A {dimension_numbers = #tpu.dot_dimension_numbers<[1], [0], [0], [1], [0, 0, 1, 1], [], []>, transpose_lhs_hint = false} : vector<512x64xf32>, vector<64x128xf32>, vector<512x128xf32> -> vector<512x128xf32>
    %get3A_37 = arith.constant 0 : index
    %get3A_38 = arith.constant 0 : index
    %get3A_39 = vector.load %arg6[%get3A_37, %get3A_38] : memref<1x128xf32, #tpu.memory_space<vmem>>, vector<1x128xf32>
    %add3A_40 = vector.broadcast %get3A_39 : vector<1x128xf32> to vector<512x128xf32>
    %add3A_41 = arith.addf %dot_general3A_36, %add3A_40 : vector<512x128xf32>
    %max3A_42 = arith.constant 0.000000e+00 : f32
    %max3A_43 = vector.broadcast %max3A_42 : f32 to vector<512x128xf32>
    %max3A_44 = arith.maximumf %add3A_41, %max3A_43 : vector<512x128xf32>
    %get3A_45 = arith.constant 0 : index
    %get3A_46 = arith.constant 0 : index
    %get3A_47 = vector.load %arg7[%get3A_45, %get3A_46] : memref<128x1xf32, #tpu.memory_space<vmem>>, vector<128x1xf32>
    %dot_general3A_48 = arith.constant dense<0.000000e+00> : vector<512x1xf32>
    %dot_general3A_49 = tpu.matmul %max3A_44, %get3A_47, %dot_general3A_48 {dimension_numbers = #tpu.dot_dimension_numbers<[1], [0], [0], [1], [0, 0, 1, 1], [], []>, transpose_lhs_hint = false} : vector<512x128xf32>, vector<128x1xf32>, vector<512x1xf32> -> vector<512x1xf32>
    %get3A_50 = arith.constant 0 : index
    %get3A_51 = arith.constant 0 : index
    %get3A_52 = vector.load %arg8[%get3A_50, %get3A_51] : memref<1x1xf32, #tpu.memory_space<vmem>>, vector<1x1xf32>
    %add3A_53 = vector.broadcast %get3A_52 : vector<1x1xf32> to vector<512x1xf32>
    %add3A_54 = arith.addf %dot_general3A_49, %add3A_53 : vector<512x1xf32>
    %neg3A = arith.constant 0.000000e+00 : f32
    %neg3A_55 = vector.broadcast %neg3A : f32 to vector<512x1xf32>
    %neg3A_56 = arith.subf %neg3A_55, %add3A_54 : vector<512x1xf32>
    %exp3A = math.exp %neg3A_56 : vector<512x1xf32>
    %add3A_57 = arith.constant 1.000000e+00 : f32
    %add3A_58 = vector.broadcast %add3A_57 : f32 to vector<512x1xf32>
    %add3A_59 = arith.addf %add3A_58, %exp3A : vector<512x1xf32>
    %div3A = arith.constant 1.000000e+00 : f32
    %div3A_60 = vector.broadcast %div3A : f32 to vector<512x1xf32>
    %div3A_61 = arith.divf %div3A_60, %add3A_59 : vector<512x1xf32>
    %swap3A = arith.constant 0 : index
    %swap3A_62 = arith.constant 0 : index
    %swap3A_63 = vector.load %arg9[%swap3A, %swap3A_62] : memref<512x1xf32, #tpu.memory_space<vmem>>, vector<512x1xf32>
    tpu.vector_store %arg9[%swap3A, %swap3A_62], %div3A_61 {strides = array<i32>} : memref<512x1xf32, #tpu.memory_space<vmem>>, vector<512x1xf32>,
    %mul3A_64 = arith.constant 512 : i32
    %mul3A_65 = arith.muli %arg0, %mul3A_64 : i32
    %iota3A = tpu.iota {dimensions = array<i32: 0>} : vector<512x1xi32>
    %add3A_66 = vector.broadcast %mul3A_65 : i32 to vector<512x1xi32>
    %add3A_67 = arith.addi %add3A_66, %iota3A : vector<512x1xi32>
    %lt3A = arith.constant 10000 : i32
    %lt3A_68 = vector.broadcast %lt3A : i32 to vector<512x1xi32>
    %lt3A_69 = arith.cmpi slt, %add3A_67, %lt3A_68 : vector<512x1xi32>
    %get3A_70 = arith.constant 0 : index
    %get3A_71 = arith.constant 0 : index
    %get3A_72 = vector.load %arg3[%get3A_70, %get3A_71] : memref<512x1xf32, #tpu.memory_space<vmem>>, vector<512x1xf32>
    %jit3A = arith.constant 0.000000e+00 : f32
    %broadcast_in_dim3A = vector.broadcast %jit3A : f32 to vector<512x1xf32>
    %select_n3A = arith.select %lt3A_69, %get3A_72, %broadcast_in_dim3A : vector<512x1xi1>, vector<512x1xf32>
    %jit3A_73 = arith.constant 1.000000e-07 : f32
    %jit3A_74 = arith.constant 0.99999988 : f32
    %max3A_75 = vector.broadcast %jit3A_73 : f32 to vector<512x1xf32>
    %max3A_76 = arith.maximumf %max3A_75, %div3A_61 : vector<512x1xf32>
    %min3A = vector.broadcast %jit3A_74 : f32 to vector<512x1xf32>
    %min3A_77 = arith.minimumf %min3A, %max3A_76 : vector<512x1xf32>
    %log3A = math.log %min3A_77 : vector<512x1xf32>
    %mul3A_78 = arith.mulf %select_n3A, %log3A : vector<512x1xf32>
    %sub3A = arith.constant 1.000000e+00 : f32
    %sub3A_79 = vector.broadcast %sub3A : f32 to vector<512x1xf32>
    %sub3A_80 = arith.subf %sub3A_79, %select_n3A : vector<512x1xf32>
    %sub3A_81 = arith.constant 1.000000e+00 : f32
    %sub3A_82 = vector.broadcast %sub3A_81 : f32 to vector<512x1xf32>
    %sub3A_83 = arith.subf %sub3A_82, %min3A_77 : vector<512x1xf32>
    %log3A_84 = math.log %sub3A_83 : vector<512x1xf32>
    %mul3A_85 = arith.mulf %sub3A_80, %log3A_84 : vector<512x1xf32>
    %add3A_86 = arith.addf %mul3A_78, %mul3A_85 : vector<512x1xf32>
    %neg3A_87 = arith.constant 0.000000e+00 : f32
    %neg3A_88 = vector.broadcast %neg3A_87 : f32 to vector<512x1xf32>
    %neg3A_89 = arith.subf %neg3A_88, %add3A_86 : vector<512x1xf32>
    %jit3A_90 = arith.constant 0.000000e+00 : f32
    %broadcast_in_dim3A_91 = vector.broadcast %jit3A_90 : f32 to vector<512x1xf32>
    %select_n3A_92 = arith.select %lt3A_69, %neg3A_89, %broadcast_in_dim3A_91 : vector<512x1xi1>, vector<512x1xf32>
    %get3A_93 = arith.constant 0 : index
    %get3A_94 = memref.load %arg11[%get3A_93] : memref<3xf32, #tpu.memory_space<smem>>
    %reduce_sum3A = vector.shape_cast %select_n3A : vector<512x1xf32> to vector<1x512x1xf32>
    %reduce_sum3A_95 = arith.constant dense<0.000000e+00> : vector<1xf32>
    %reduce_sum3A_96 = vector.multi_reduction <add>, %reduce_sum3A, %reduce_sum3A_95 [1, 2] : vector<1x512x1xf32> to vector<1xf32>
    %reduce_sum3A_97 = vector.shape_cast %reduce_sum3A_96 : vector<1xf32> to vector<1x1x1xf32>
    %reduce_sum3A_98 = vector.extract %reduce_sum3A_97[0, 0, 0] : f32 from vector<1x1x1xf32>
    %add3A_99 = arith.addf %get3A_94, %reduce_sum3A_98 : f32
    %swap3A_100 = arith.constant 0 : index
    %swap3A_101 = memref.load %arg11[%swap3A_100] : memref<3xf32, #tpu.memory_space<smem>>
    memref.store %add3A_99, %arg11[%swap3A_100] : memref<3xf32, #tpu.memory_space<smem>>
    %get3A_102 = arith.constant 1 : index
    %get3A_103 = memref.load %arg11[%get3A_102] : memref<3xf32, #tpu.memory_space<smem>>
    %mul3A_104 = arith.mulf %select_n3A, %select_n3A_92 : vector<512x1xf32>
    %reduce_sum3A_105 = vector.shape_cast %mul3A_104 : vector<512x1xf32> to vector<1x512x1xf32>
    %reduce_sum3A_106 = arith.constant dense<0.000000e+00> : vector<1xf32>
    %reduce_sum3A_107 = vector.multi_reduction <add>, %reduce_sum3A_105, %reduce_sum3A_106 [1, 2] : vector<1x512x1xf32> to vector<1xf32>
    %reduce_sum3A_108 = vector.shape_cast %reduce_sum3A_107 : vector<1xf32> to vector<1x1x1xf32>
    %reduce_sum3A_109 = vector.extract %reduce_sum3A_108[0, 0, 0] : f32 from vector<1x1x1xf32>
    %add3A_110 = arith.addf %get3A_103, %reduce_sum3A_109 : f32
    %swap3A_111 = arith.constant 1 : index
    %swap3A_112 = memref.load %arg11[%swap3A_111] : memref<3xf32, #tpu.memory_space<smem>>
    memref.store %add3A_110, %arg11[%swap3A_111] : memref<3xf32, #tpu.memory_space<smem>>
    %get3A_113 = arith.constant 2 : index
    %get3A_114 = memref.load %arg11[%get3A_113] : memref<3xf32, #tpu.memory_space<smem>>
    %sub3A_115 = arith.constant 1.000000e+00 : f32
    %sub3A_116 = vector.broadcast %sub3A_115 : f32 to vector<512x1xf32>
    %sub3A_117 = arith.subf %sub3A_116, %select_n3A : vector<512x1xf32>
    %mul3A_118 = arith.mulf %sub3A_117, %select_n3A_92 : vector<512x1xf32>
    %reduce_sum3A_119 = vector.shape_cast %mul3A_118 : vector<512x1xf32> to vector<1x512x1xf32>
    %reduce_sum3A_120 = arith.constant dense<0.000000e+00> : vector<1xf32>
    %reduce_sum3A_121 = vector.multi_reduction <add>, %reduce_sum3A_119, %reduce_sum3A_120 [1, 2] : vector<1x512x1xf32> to vector<1xf32>
    %reduce_sum3A_122 = vector.shape_cast %reduce_sum3A_121 : vector<1xf32> to vector<1x1x1xf32>
    %reduce_sum3A_123 = vector.extract %reduce_sum3A_122[0, 0, 0] : f32 from vector<1x1x1xf32>
    %add3A_124 = arith.addf %get3A_114, %reduce_sum3A_123 : f32
    %swap3A_125 = arith.constant 2 : index
    %swap3A_126 = memref.load %arg11[%swap3A_125] : memref<3xf32, #tpu.memory_space<smem>>
    memref.store %add3A_124, %arg11[%swap3A_125] : memref<3xf32, #tpu.memory_space<smem>>
    %get3A_127 = arith.constant 0 : index
    %get3A_128 = memref.load %arg11[%get3A_127] : memref<3xf32, #tpu.memory_space<smem>>
    %sub3A_129 = arith.constant 1.000000e+04 : f32
    %sub3A_130 = arith.subf %sub3A_129, %get3A_128 : f32
    %max3A_131 = arith.constant 1.000000e+00 : f32
    %max3A_132 = arith.maximumf %get3A_128, %max3A_131 : f32
    %div3A_133 = arith.divf %sub3A_130, %max3A_132 : f32
    %get3A_134 = arith.constant 2 : index
    %get3A_135 = memref.load %arg11[%get3A_134] : memref<3xf32, #tpu.memory_space<smem>>
    %get3A_136 = arith.constant 1 : index
    %get3A_137 = memref.load %arg11[%get3A_136] : memref<3xf32, #tpu.memory_space<smem>>
    %mul3A_138 = arith.mulf %div3A_133, %get3A_137 : f32
    %add3A_139 = arith.addf %get3A_135, %mul3A_138 : f32
    %div3A_140 = arith.constant 1.000000e+04 : f32
    %div3A_141 = arith.divf %add3A_139, %div3A_140 : f32
    %reshape3A = vector.broadcast %div3A_141 : f32 to vector<1x1xf32>
    %swap3A_142 = arith.constant 0 : index
    %swap3A_143 = arith.constant 0 : index
    %swap3A_144 = vector.load %arg10[%swap3A_142, %swap3A_143] : memref<1x1xf32, #tpu.memory_space<vmem>>, vector<1x1xf32>
    tpu.vector_store %arg10[%swap3A_142, %swap3A_143], %reshape3A {strides = array<i32>} : memref<1x1xf32, #tpu.memory_space<vmem>>, vector<1x1xf32>,
    return
  }
  func.func @transform_0(%arg0: i32) -> (i32, i32, i32) {
    %c0_i32 = arith.constant 0 : i32
    %c0_i32_0 = arith.constant 0 : i32
    %c0_i32_1 = arith.constant 0 : i32
    return %c0_i32, %arg0, %c0_i32_0 : i32, i32, i32
  }
  func.func @transform_1(%arg0: i32) -> (i32, i32, i32) {
    %c0_i32 = arith.constant 0 : i32
    %c0_i32_0 = arith.constant 0 : i32
    %c0_i32_1 = arith.constant 0 : i32
    return %c0_i32, %arg0, %c0_i32_0 : i32, i32, i32
  }
  func.func @transform_2(%arg0: i32) -> (i32, i32) {
    %c0_i32 = arith.constant 0 : i32
    %c0_i32_0 = arith.constant 0 : i32
    return %arg0, %c0_i32 : i32, i32
  }
  func.func @transform_3(%arg0: i32) -> (i32, i32) {
    %c0_i32 = arith.constant 0 : i32
    %c0_i32_0 = arith.constant 0 : i32
    %c0_i32_1 = arith.constant 0 : i32
    return %c0_i32, %c0_i32_0 : i32, i32
  }
  func.func @transform_4(%arg0: i32) -> (i32, i32) {
    %c0_i32 = arith.constant 0 : i32
    %c0_i32_0 = arith.constant 0 : i32
    %c0_i32_1 = arith.constant 0 : i32
    return %c0_i32, %c0_i32_0 : i32, i32
  }
  func.func @transform_5(%arg0: i32) -> (i32, i32) {
    %c0_i32 = arith.constant 0 : i32
    %c0_i32_0 = arith.constant 0 : i32
    %c0_i32_1 = arith.constant 0 : i32
    return %c0_i32, %c0_i32_0 : i32, i32
  }
  func.func @transform_6(%arg0: i32) -> (i32, i32) {
    %c0_i32 = arith.constant 0 : i32
    %c0_i32_0 = arith.constant 0 : i32
    %c0_i32_1 = arith.constant 0 : i32
    return %c0_i32, %c0_i32_0 : i32, i32
  }
  func.func @transform_7(%arg0: i32) -> (i32, i32) {
    %c0_i32 = arith.constant 0 : i32
    %c0_i32_0 = arith.constant 0 : i32
    %c0_i32_1 = arith.constant 0 : i32
    return %c0_i32, %c0_i32_0 : i32, i32
  }
  func.func @transform_8(%arg0: i32) -> (i32, i32) {
    %c0_i32 = arith.constant 0 : i32
    %c0_i32_0 = arith.constant 0 : i32
    return %arg0, %c0_i32 : i32, i32
  }
  func.func @transform_9(%arg0: i32) -> (i32, i32) {
    %c0_i32 = arith.constant 0 : i32
    %c0_i32_0 = arith.constant 0 : i32
    %c0_i32_1 = arith.constant 0 : i32
    return %c0_i32, %c0_i32_0 : i32, i32
  }
}

</mosaic_0001>

<sc_bundles>
// kernel: kernel.11.cloned.1.call-start
scs
__scs_entry_jumppad:
0x0: {  	(pc) =	sbr.rel $0x88, $3  }
0x1: {  	(tag) =	ssettag $0x0;
	lr =	simm.s32 $0x1  }
0x2: {  	[smem:$0x3F94] =	sst lr;
	_ =	strace $0xD0000000  }
0x3: {  	_ = 	snop  }
0x4: {  	_ = 	snop  }
0x5: {  	_ = 	snop  }
0x6: {  	_ = 	snop  }
0x7: {  	_ = 	snop  }
__scs_overlays_trampoline_lowered:
0x8: {  	[smem:$0x3FA3] =	sst s0  }
0x9: {  	[smem:$0x3FA4] =	sst s1  }
0xa: {  	[smem:$0x3FA5] =	sst s2  }
0xb: {  	[smem:$0x3FA6] =	sst s3  }
0xc: {  	[smem:$0x3FA7] =	sst s4  }
0xd: {  	[smem:$0x3FA8] =	sst s5  }
0xe: {  	[smem:$0x3FA9] =	sst s6  }
0xf: {  	[smem:$0x3FAA] =	sst s7  }
0x10: {  	[smem:$0x3FAB] =	sst s8  }
0x11: {  	[smem:$0x3FAC] =	sst s9;
	s0 =	simm.s32 @!p0 $0x0  }
0x12: {  	s1 =	sld [smem:$0x3F92];
	s0 =	simm.s32 @p0 $0x1  }
0x13: {  	[smem:$0x3FAD] =	sst s0;
	s0 =	simm.s32 @!p1 $0x0  }
0x14: {  	s2 =	sld [smem:$0x3F91];
	s0 =	simm.s32 @p1 $0x1  }
0x15: {  	[smem:$0x3FAE] =	sst s0;
	s0 =	simm.s32 @!p2 $0x0  }
0x16: {  	s3 =	sld [smem:$0x3FDB];
	s0 =	simm.s32 @p2 $0x1  }
0x17: {  	s4 =	simm.s32 $0x1BF5;
	[smem:$0x3FB0] =	sst s0  }
0x18: {  	s0 =	sld [smem:$0x3F93];
	_ =	swait.ge [sflag:s4], $0x0  }
0x19: {  	s7 =	sld [smem:$0x3F94]  }
0x1a: {  	s8 =	sadd.s32 $0xFFFFE003, lr  }
0x1b: {  	s9 =	sadd.s32 $0xFFFFFEF7, lr;
	s5 =	simm.s32 $0xFFFFFFFF;
	p2 =	slt.u32 s8, $0xFFFFF086  }
0x1c: {  	p1 =	slt.u32 s9, $0xF7A;
	s5 =	simm.s32 @!p2 $0x0  }
0x1d: {  	s5 =	simm.s32 @p1 $0x1;
	p0 =	seq.s32 s7, s2  }
0x1e: {  	s7 =	smul.u32 @!p0 $0xF7A, s2;
	p2 =	seq.s32 @!p0 s5, $0x0  }
0x1f: {  	s9 =	smul.u32 $0xF7A, s1;
	s8 =	simm.s32 @!p0 $0x1BF5;
	p2 =	por !p2, p0  }
0x20: {  	[sflag:s8] =	ssyncset.s32 @!p0 $0xFFFFF086;
	s6 =	sadd.s32 @!p0 s3, s7;
	s7 =	simm.s32 @!p0 $0x108  }
0x21: {  	s3 =	sadd.s32 s3, s9;
	s6 =	sadd.s32 @!p0 $0x88, s6;
	s7 =	simm.s32 @p2 $0x1082  }
0x22: {  	[simem:s7], [sflag:s8] =	dma.local @!p0 [hbm:s6], $0xF7A  }
0x23: {  	s9 =	sor.u32 $0xD0000000, s2;
	s6 =	simm.s32 $0x108;
	_ =	swait.ge @!p0 [sflag:s8], $0x0  }
0x24: {  	s3 =	sadd.s32 $0x88, s3;
	s6 =	simm.s32 @!p1 $0x1082;
	[sflag:s4] =	ssyncset.s32 $0xFFFFF086  }
0x25: {  	[simem:s6], [sflag:s4] =	dma.local [hbm:s3], $0xF7A  }
0x26: {  	[smem:$0x3F94] =	sst s1;
	(tag) =	ssettag s2;
	_ =	strace s9  }
0x27: {  	s1 =	sld [smem:$0x3FA4]  }
0x28: {  	s2 =	sld [smem:$0x3FA5]  }
0x29: {  	s4 =	sld [smem:$0x3FA7]  }
0x2a: {  	p0 =	seq.s32 s5, $0x0;
	s5 =	sld [smem:$0x3FA8]  }
0x2b: {  	s6 =	sld [smem:$0x3FA9]  }
0x2c: {  	s7 =	sld [smem:$0x3FAA]  }
0x2d: {  	s3 =	simm.s32 $0x108;
	s8 =	sld [smem:$0x3FAB]  }
0x2e: {  	s3 =	simm.s32 @!p0 $0x1082;
	s9 =	sld [smem:$0x3FAC]  }
0x2f: {  	lr =	sadd.s32 s0, s3;
	s0 =	sld [smem:$0x3FA3]  }
0x30: {  	s3 =	sld [smem:$0x3FA6]  }
0x31: {  	[smem:$0x3FAF] =	sst s10  }
0x32: {  	s10 =	sld [smem:$0x3FAD];
	_ =	sdelay $0x3  }
0x33: {  	p0 =	seq.s32 s10, $0x1;
	s10 =	sld [smem:$0x3FAF];
	_ =	sdelay $0x3  }
0x34: {  	[smem:$0x3FAF] =	sst s10  }
0x35: {  	s10 =	sld [smem:$0x3FAE];
	_ =	sdelay $0x3  }
0x36: {  	p1 =	seq.s32 s10, $0x1;
	s10 =	sld [smem:$0x3FAF];
	_ =	sdelay $0x3  }
0x37: {  	[smem:$0x3FAF] =	sst s10  }
0x38: {  	s10 =	sld [smem:$0x3FB0]  }
0x39: {  	_ = 	snop;
	(pc) =	sbr.ind lr, $3  }
0x3a: {  	_ = 	snop  }
0x3b: {  	_ = 	snop  }
0x3c: {  	p2 =	seq.s32 s10, $0x1;
	s10 =	sld [smem:$0x3FAF]  }
0x3d: {  	_ =	shalt  }
0x3e: {  	_ =	shalt  }
0x3f: {  	_ =	shalt  }
0x40: {  	_ =	shalt  }
0x41: {  	_ =	shalt  }
0x42: {  	_ =	shalt  }
0x43: {  	_ =	shalt  }
0x44: {  	_ =	shalt  }
0x45: {  	_ =	shalt  }
0x46: {  	_ =	shalt  }
0x47: {  	_ =	shalt  }
0x48: {  	_ =	shalt  }
0x49: {  	_ =	shalt  }
0x4a: {  	_ =	shalt  }
0x4b: {  	_ =	shalt  }
0x4c: {  	_ =	shalt  }
0x4d: {  	_ =	shalt  }
0x4e: {  	_ =	shalt  }
0x4f: {  	_ =	shalt  }
0x50: {  	_ =	shalt  }
0x51: {  	_ =	shalt  }
0x52: {  	_ =	shalt  }
0x53: {  	_ =	shalt  }
0x54: {  	_ =	shalt  }
0x55: {  	_ =	shalt  }
0x56: {  	_ =	shalt  }
0x57: {  	_ =	shalt  }
0x58: {  	_ =	shalt  }
0x59: {  	_ =	shalt  }
0x5a: {  	_ =	shalt  }
0x5b: {  	_ =	shalt  }
0x5c: {  	_ =	shalt  }
0x5d: {  	_ =	shalt  }
0x5e: {  	_ =	shalt  }
0x5f: {  	_ =	shalt  }
0x60: {  	_ =	shalt  }
0x61: {  	_ =	shalt  }
0x62: {  	_ =	shalt  }
0x63: {  	_ =	shalt  }
0x64: {  	_ =	shalt  }
0x65: {  	_ =	shalt  }
0x66: {  	_ =	shalt  }
0x67: {  	_ =	shalt  }
0x68: {  	_ =	shalt  }
0x69: {  	_ =	shalt  }
0x6a: {  	_ =	shalt  }
0x6b: {  	_ =	shalt  }
0x6c: {  	_ =	shalt  }
0x6d: {  	_ =	shalt  }
0x6e: {  	_ =	shalt  }
0x6f: {  	_ =	shalt  }
0x70: {  	_ =	shalt  }
0x71: {  	_ =	shalt  }
0x72: {  	_ =	shalt  }
0x73: {  	_ =	shalt  }
0x74: {  	_ =	shalt  }
0x75: {  	_ =	shalt  }
0x76: {  	_ =	shalt  }
0x77: {  	_ =	shalt  }
0x78: {  	_ =	shalt  }
0x79: {  	_ =	shalt  }
0x7a: {  	_ =	shalt  }
0x7b: {  	_ =	shalt  }
0x7c: {  	_ =	shalt  }
0x7d: {  	_ =	shalt  }
0x7e: {  	_ =	shalt  }
0x7f: {  	_ =	shalt  }
0x80: {  	_ =	shalt  }
0x81: {  	_ =	shalt  }
0x82: {  	_ =	shalt  }
0x83: {  	_ =	shalt  }
0x84: {  	_ =	shalt  }
0x85: {  	_ =	shalt  }
0x86: {  	_ =	shalt  }
0x87: {  	_ =	shalt  }
.Lfunc_end0:
.L_simem_size_0:
called_computation_lowered:
.L_overlay_start_0:
0x88: {  	s2 =	sld [smem:$0x3FD9]  }
0x89: {  	s3 =	sld [smem:$0x3FFE];
	_ =	sdelay $0x1  }
0x8a: {  	s1 =	srdreg.scid  }
0x8b: {  	s0 =	sand.u32 $0x1, s1  }
0x8c: {  	s16 =	sshll.u32 s0, $0xA;
	s2 =	sadd.s32 s3, s2  }
0x8d: {  	s2 =	sadd.s32 s2, s16  }
0x8e: {  	[smem:$0x3FBB] =	sst s2  }
0x8f: {  	_ = 	snop  }
0x90: {  	(tm) =	ssettm $0x1  }
0x91: {  	s17 =	sld [smem:$0x3FFB];
	_ =	sdelay $0x3  }
0x92: {  	_ =	strace s17  }
0x93: {  	s2 =	sld [smem:$0x3FFC];
	_ =	sdelay $0x3  }
0x94: {  	_ =	strace s2  }
0x95: {  	s2 =	sld [smem:$0x3FFD];
	_ =	sdelay $0x3  }
0x96: {  	_ =	strace s2  }
0x97: {  	_ =	strace $0x8FFFFFFF  }
0x98: {  	s18 =	sld [smem:$0x3FDB];
	_ =	sdelay $0x1  }
0x99: {  	s19 =	simm.s32 $_scs_section_size  }
0x9a: {  	s4 =	simm.s32 $_size__tile_overlayer_lowered;
	s5 =	simm.s32 $_tile_overlayer_lowered  }
0x9b: {  	s22 =	simm.s32 $0x1BFF;
	s21 =	sshll.u32 s5, $0x1;
	s2 =	sadd.s32 s19, s18  }
0x9c: {  	s6 =	simm.s32 $0x0;
	s20 =	sshll.u32 s4, $0x1;
	s4 =	sadd.s32 s21, s2  }
0x9d: {  	[timem:s6], [sflag:s22] =	dma.local [hbm:s4], s20  }
0x9e: {  	_ =	swait.ge [sflag:s22], s20  }
0x9f: {  	s3 =	ssub.s32 $0x0, s20;
	[sflag:s22] =	ssyncset.done $0x0  }
0xa0: {  	[sflag:s22] =	ssyncadd.s32 s3;
	_ =	sdelay $0x1  }
0xa1: {  	s23 =	simm.s32 $0x1B8B  }
0xa2: {  	_ =	swait.ge [sflag:s23], $0x1  }
0xa3: {  	[sflag:s23] =	ssyncset.done $0x0  }
0xa4: {  	s25 =	simm.s32 $0x1B8E;
	s24 =	sld [smem:$0x3FFE];
	[sflag:s23] =	ssyncadd.s32 $0xFFFFFFFF  }
0xa5: {  	s26 =	simm.s32 $execute0_lowered;
	[smem:$0x3FD2] =	sst s25  }
0xa6: {  	s4 =	sshll.u32 s26, $0x1;
	_ =	strace $0x80000046;
	[dreg:$0x1] =	wrdreg $0xFFFFFFFF  }
0xa7: {  	s28 =	simm.s32 $_size_execute0_lowered;
	s2 =	sadd.s32 s2, s4;
	[dreg:$0x0] =	wrdreg $0x0  }
0xa8: {  	s4 =	sshll.u32 s28, $0x1;
	[dreg:$0x2] =	wrdreg s2  }
0xa9: {  	[dreg:$0x3] =	wrdreg s4  }
0xaa: {  	[dreg:$0x4] =	wrdreg $0xC0  }
0xab: {  	_ =	task [dreg:s6], $0x5FFFF  }
0xac: {  	[dreg:$0x1] =	wrdreg $0xFFFFFFFF  }
0xad: {  	[dreg:$0x0] =	wrdreg $0x60  }
0xae: {  	[dreg:$0x2] =	wrdreg s24  }
0xaf: {  	[dreg:$0x3] =	wrdreg $0x60000  }
0xb0: {  	[dreg:$0x4] =	wrdreg $0x9  }
0xb1: {  	_ =	task.clear_ibuf [dreg:s6], $0x5FFFF;
	_ =	strace $0x90000046  }
0xb2: {  	s29 =	simm.s32 $0x9;
	_ =	strace $0x80000048  }
0xb3: {  	_ =	swait.ge [sflag:s29], $0x1  }
0xb4: {  	[sflag:s29] =	ssyncadd.s32 $0xFFFFFFFF  }
0xb5: {  	_ =	strace $0x90000048  }
0xb6: {  	_ =	sfence  }
0xb7: {  	s30 =	sld [smem:$0x0];
	_ =	sdelay $0x2  }
0xb8: {  	s31 =	sshll.u32 s1, $0xD;
	s1 =	sshrl.u32 s1, $0x2  }
0xb9: {  	s3 =	sand.u32 $0x4000, s31;
	s1 =	sadd.s32 s1, s30  }
0xba: {  	s0 =	sor.u32 s3, s0;
	s1 =	sshll.u32 s1, $0x11  }
0xbb: {  	s0 =	sor.u32 s1, s0  }
0xbc: {  	s0 =	sadd.s32 $0x8F2B, s0  }
0xbd: {  	[sflag:s0] =	ssyncadd.remote.s32 $0x1  }
0xbe: {  	_ =	sfence.sel $0xFFFF  }
0xbf: {  	[dreg:$0x0] =	wrdreg $0xFFFFFFFF;
	(pc) =	sbr.abs _section_cstart, $3  }
0xc0: {  	[dreg:$0x1] =	wrdreg $0xFFFFFFFF  }
0xc1: {  	_ =	task.clear_ibuf [dreg:s6], $0x2FFFF;
	_ =	strace $0x9FFFFFFF  }
0xc2: {  	(tm) =	ssettm $0x7FFFFFFF  }
0xc3: {  	_ =	shalt  }
tec
execute0_lowered:
.L_overlay_start_1:
0x0: {  	(tag) =	ssettag $0x1  }
0x1: {  	s4 =	rddreg [dreg:$0x0]  }
0x2: {  	s2 =	rddreg [dreg:$0x1]  }
0x3: {  	s0 =	rddreg [dreg:$0x2];
	s3 =	srdreg.scid  }
0x4: {  	s1 =	stileid.u32;
	s17 =	simm.s32 $0x2;
	s18 =	simm.s32 $0x5C00  }
0x5: {  	s19 =	simm.s32 $0x80;
	s20 =	simm.s32 $0x5400;
	s21 =	simm.s32 $0x1  }
0x6: {  	s22 =	simm.s32 $0x0;
	s5 =	sand.u32 $0x1, s3;
	s7 =	smul.u32 $0x2800, s1  }
0x7: {  	s6 =	sshll.u32 s1, $0x1;
	s3 =	simm.s32 $0x0;
	s9 =	smul.u32 $0xA000, s1  }
0x8: {  	s6 =	sor.u32 s5, s6;
	s8 =	smul.u32 $0x28000, s5;
	[smem:$0x7FF] =	sst s3  }
0x9: {  	s5 =	ssub.s32 $0x2, s5;
	s6 =	smul.u32 $0xA80, s6;
	_ =	strace $0x80000047  }
0xa: {  	s30 =	sshrl.u32 s5, $0x1;
	s31 =	sshrl.u32 s9, $0x2;
	s8 =	sadd.s32 s7, s8  }
0xb: {  	s16 =	ssub.s32 s5, s30;
	s14 =	sadd.s32 s31, s2;
	s5 =	sadd.s32 s7, s2  }
0xc: {  	s6 =	sadd.s32 s6, s4;
	s8 =	sshrl.u32 s8, $0x3;
	s7 =	sadd.s32 $0x800, s14  }
0xd: {  	s9 =	sadd.s32 $0x1000, s14;
	s10 =	sadd.s32 $0x1400, s14;
	s11 =	sadd.s32 $0x1800, s14  }
0xe: {  	s12 =	sadd.s32 $0x1C00, s14;
	s13 =	sadd.s32 $0x2000, s14;
	s16 =	smax.u32 s16, $0x1  }
0xf: {  	s15 =	sadd.s32 s8, s4;
	s4 =	sadd.s32 $0x2200, s6;
	s6 =	sadd.s32 $0x400, s14  }
0x10: {  	v0 =	vimm.f32 $1.000000000e+00;
	v1 =	vimm.f32 $0.0e+00;
	s8 =	sadd.s32 $0xC00, s14;
	s14 =	sadd.s32 $0x2400, s14;
	s15 =	sadd.s32 $0x17200, s15  }
.LBB2_1:
0x11: {  	[tilespmem:s3], [sflag:$0x2] =	stream.linear.gather [hbm4b:s4+s3], $0x5400, $0x38;
	[tilespmem:$0x8800] =	vst v63  }
0x12: {  	_ =	swait.ge [sflag:s17], $0x5400  }
0x13: {  	[sflag:s17] =	ssyncset.done $0x0  }
0x14: {  	s23 =	simm.s32 $0x0;
	[sflag:s17] =	ssyncadd.s32 $0xFFFFAC00  }
.LBB2_2:
0x15: {  	p0 =	sne.s32 s23, $0x1FC0  }
.Ltmp0:
0x16: {  	_ = 	snop;
	(pc) =	sbr.rel @p0 .LBB2_2-.Ltmp0, $3  }
0x17: {  	_ =	sdelay $0x1  }
0x18: {  	s24 =	sshra.s32 s23, $0x2  }
0x19: {  	s23 =	sadd.s32 $0x40, s23;
	[tilespmem:s24+$0x5400] =	vst v0  }
0x1a: {  	s23 =	simm.s32 $0x40;
	s24 =	simm.s32 $0x0  }
.LBB2_4:
0x1b: {  	p0 =	sne.s32 s23, $0xFC0;
	[tilespmem:s24+$0x5C00] =	vst v1;
	s24 =	smov.u32 s23;
	s23 =	sadd.s32 $0x40, s23  }
.Ltmp1:
0x1c: {  	(pc) =	sbr.rel @p0 .LBB2_4-.Ltmp1, $2  }
0x1d: {  	_ =	sdelay $0x2  }
0x1e: {  	s24 =	sshra.s32 s24, $0x2  }
0x1f: {  	[tilespmem:s24+$0x5C00] =	vst v1  }
0x20: {  	[spmem:s5] =	stream.linear.scatter [tilespmem:s18], [sflag:$0x2], $0x400, $0x38;
	[tilespmem:$0x8800] =	vst v63  }
0x21: {  	_ =	swait.ge [sflag:s17], $0x400  }
0x22: {  	[sflag:s17] =	ssyncset.done $0x0  }
0x23: {  	[sflag:s17] =	ssyncadd.s32 $0xFFFFFC00  }
0x24: {  	[spmem:s6] =	stream.linear.scatter [tilespmem:s18], [sflag:$0x2], $0x400, $0x38;
	[tilespmem:$0x8800] =	vst v63  }
0x25: {  	_ =	swait.ge [sflag:s17], $0x400  }
0x26: {  	[sflag:s17] =	ssyncset.done $0x0  }
0x27: {  	[sflag:s17] =	ssyncadd.s32 $0xFFFFFC00  }
0x28: {  	[spmem:s7] =	stream.linear.scatter [tilespmem:s18], [sflag:$0x2], $0x400, $0x38;
	[tilespmem:$0x8800] =	vst v63  }
0x29: {  	_ =	swait.ge [sflag:s17], $0x400  }
0x2a: {  	[sflag:s17] =	ssyncset.done $0x0  }
0x2b: {  	[sflag:s17] =	ssyncadd.s32 $0xFFFFFC00  }
0x2c: {  	[spmem:s8] =	stream.linear.scatter [tilespmem:s18], [sflag:$0x2], $0x400, $0x38;
	[tilespmem:$0x8800] =	vst v63  }
0x2d: {  	_ =	swait.ge [sflag:s17], $0x400  }
0x2e: {  	[sflag:s17] =	ssyncset.done $0x0  }
0x2f: {  	[sflag:s17] =	ssyncadd.s32 $0xFFFFFC00  }
0x30: {  	[spmem:s9] =	stream.linear.scatter [tilespmem:s18], [sflag:$0x2], $0x400, $0x38;
	[tilespmem:$0x8800] =	vst v63  }
0x31: {  	_ =	swait.ge [sflag:s17], $0x400  }
0x32: {  	[sflag:s17] =	ssyncset.done $0x0  }
0x33: {  	[sflag:s17] =	ssyncadd.s32 $0xFFFFFC00  }
0x34: {  	[spmem:s10] =	stream.linear.scatter [tilespmem:s18], [sflag:$0x2], $0x400, $0x38;
	[tilespmem:$0x8800] =	vst v63  }
0x35: {  	_ =	swait.ge [sflag:s17], $0x400  }
0x36: {  	[sflag:s17] =	ssyncset.done $0x0  }
0x37: {  	[sflag:s17] =	ssyncadd.s32 $0xFFFFFC00  }
0x38: {  	[spmem:s11] =	stream.linear.scatter [tilespmem:s18], [sflag:$0x2], $0x400, $0x38;
	[tilespmem:$0x8800] =	vst v63  }
0x39: {  	_ =	swait.ge [sflag:s17], $0x400  }
0x3a: {  	[sflag:s17] =	ssyncset.done $0x0  }
0x3b: {  	[sflag:s17] =	ssyncadd.s32 $0xFFFFFC00  }
0x3c: {  	[spmem:s12] =	stream.linear.scatter [tilespmem:s18], [sflag:$0x2], $0x400, $0x38;
	[tilespmem:$0x8800] =	vst v63  }
0x3d: {  	_ =	swait.ge [sflag:s17], $0x400  }
0x3e: {  	[sflag:s17] =	ssyncset.done $0x0  }
0x3f: {  	[sflag:s17] =	ssyncadd.s32 $0xFFFFFC00  }
0x40: {  	[spmem:s13] =	stream.linear.scatter [tilespmem:s18], [sflag:$0x2], $0x400, $0x38;
	[tilespmem:$0x8800] =	vst v63  }
0x41: {  	_ =	swait.ge [sflag:s17], $0x400  }
0x42: {  	[sflag:s17] =	ssyncset.done $0x0  }
0x43: {  	[sflag:s17] =	ssyncadd.s32 $0xFFFFFC00  }
0x44: {  	[spmem:s14] =	stream.linear.scatter [tilespmem:s18], [sflag:$0x2], $0x400, $0x38;
	[tilespmem:$0x8800] =	vst v63  }
0x45: {  	_ =	swait.ge [sflag:s17], $0x400  }
0x46: {  	[sflag:s17] =	ssyncset.done $0x0  }
0x47: {  	p0 =	por $0x1, $0x1;
	[sflag:s17] =	ssyncadd.s32 $0xFFFFFC00  }
0x48: {  	s23 =	simm.s32 $0x80;
	s25 =	simm.s32 @!p0 $0x1;
	[bflag:$0x0] =	sbarrier.arrive $0xFFFF  }
0x49: {  	[spmem:s2] =	stream.indirect.scatter.add.f32 [tilespmem:s20], [sflag:$0x1], $0x10, s23, s19, $0xb8;
	[tilespmem:$0x8800] =	vst v63  }
0x4a: {  	_ =	swait.ge @!p0 [sflag:s25], $0x800  }
0x4b: {  	s24 =	simm.s32 $0x1;
	[sflag:s25] =	ssyncset.done @!p0 $0x0  }
.LBB2_6:
0x4c: {  	[sflag:s25] =	ssyncadd.s32 @!p0 $0xFFFFF800  }
0x4d: {  	s23 =	sadd.s32 $0x100, s23;
	s25 =	smov.u32 s24;
	s24 =	sadd.s32 $0x1, s24  }
0x4e: {  	p1 =	sne.s32 s24, $0x54  }
0x4f: {  	[spmem:s2] =	stream.indirect.scatter.add.f32 [tilespmem:s20], [sflag:$0x1], $0x10, s23, s19, $0xb8;
	[tilespmem:$0x8800] =	vst v63  }
.Ltmp2:
0x50: {  	_ = 	snop;
	(pc) =	sbr.rel @p1 .LBB2_6-.Ltmp2, $4  }
0x51: {  	p0 =	slt.u32 s25, $0x8  }
0x52: {  	s25 =	simm.s32 @!p0 $0x1  }
0x53: {  	_ =	swait.ge @!p0 [sflag:s25], $0x800  }
0x54: {  	[sflag:s25] =	ssyncset.done @!p0 $0x0  }
0x55: {  	[sflag:s25] =	ssyncadd.s32 @!p0 $0xFFFFF800  }
0x56: {  	_ =	swait.ge [sflag:s21], $0x800  }
0x57: {  	[sflag:s21] =	ssyncset.done $0x0  }
0x58: {  	[sflag:s21] =	ssyncadd.s32 $0xFFFFF800  }
0x59: {  	_ =	swait.ge [sflag:s21], $0x800  }
0x5a: {  	[sflag:s21] =	ssyncset.done $0x0  }
0x5b: {  	[sflag:s21] =	ssyncadd.s32 $0xFFFFF800  }
0x5c: {  	_ =	swait.ge [sflag:s21], $0x800  }
0x5d: {  	[sflag:s21] =	ssyncset.done $0x0  }
0x5e: {  	[sflag:s21] =	ssyncadd.s32 $0xFFFFF800  }
0x5f: {  	_ =	swait.ge [sflag:s21], $0x800  }
0x60: {  	[sflag:s21] =	ssyncset.done $0x0  }
0x61: {  	[sflag:s21] =	ssyncadd.s32 $0xFFFFF800  }
0x62: {  	_ =	swait.ge [sflag:s21], $0x800  }
0x63: {  	[sflag:s21] =	ssyncset.done $0x0  }
0x64: {  	[sflag:s21] =	ssyncadd.s32 $0xFFFFF800  }
0x65: {  	_ =	swait.ge [sflag:s21], $0x800  }
0x66: {  	[sflag:s21] =	ssyncset.done $0x0  }
0x67: {  	[sflag:s21] =	ssyncadd.s32 $0xFFFFF800  }
0x68: {  	_ =	swait.ge [sflag:s21], $0x800  }
0x69: {  	[sflag:s21] =	ssyncset.done $0x0  }
0x6a: {  	[sflag:s21] =	ssyncadd.s32 $0xFFFFF800  }
0x6b: {  	_ =	swait.ge [sflag:s21], $0x800  }
0x6c: {  	s23 =	sshll.u32 s1, $0x6;
	s22 =	sadd.s32 $0x1, s22;
	[sflag:s21] =	ssyncset.done $0x0  }
0x6d: {  	s24 =	sshrl.u32 s5, $0x3;
	p0 =	sne.s32 s22, s16;
	[sflag:s21] =	ssyncadd.s32 $0xFFFFF800  }
.Ltmp3:
0x6e: {  	s23 =	sor.u32 $0x1C02, s23;
	[bflag:$0x0] =	sbarrier.arrive $0xFFFF;
	(pc) =	sbr.rel @p0 .LBB2_1-.Ltmp3, $4  }
0x6f: {  	[hbm:s15], [sflag:s23] =	dma.local [spmem:s24], $0x500  }
0x70: {  	_ =	swait.ge [sflag:s17], $0x500  }
0x71: {  	[sflag:s17] =	ssyncset.done $0x0  }
0x72: {  	[sflag:s17] =	ssyncadd.s32 $0xFFFFFB00  }
0x73: {  	_ =	sfence.sel $0x180000  }
0x74: {  	[bflag:$0x0] =	sbarrier.arrive $0xFFFF  }
0x75: {  	p0 =	sne.s32 s1, $0x0;
	_ =	strace $0x90000047  }
0x76: {  	s0 =	sadd.s32 @!p0 $0x100000, s0;
	[bflag:$0x2] =	sbarrier.arrive $0xFFFF  }
0x77: {  	[sflag:s0] =	ssyncadd.tile.s32 @!p0 $0x1;
	_ =	shalt  }
.Lfunc_end2:
_tile_overlayer_lowered:
.L_overlay_start_2:
0x78: {  	(tag) =	ssettag $0x2  }
0x79: {  	s0 =	rddreg [dreg:$0x0];
	s2 =	stileid.u32  }
0x7a: {  	s1 =	rddreg [dreg:$0x1];
	p0 =	sne.s32 s2, $0x0  }
0x7b: {  	s3 =	rddreg [dreg:$0x2];
	[bflag:$0x3] =	sbarrier.arrive $0xFFFF;
	s2 =	simm.s32 @!p0 $0x1C02  }
0x7c: {  	[timem:s3], [sflag:s2] =	dma.local @!p0 [hbm:s0], s1  }
0x7d: {  	s0 =	simm.s32 @!p0 $0x2  }
0x7e: {  	_ =	swait.ge @!p0 [sflag:s0], s1  }
0x7f: {  	s1 =	ssub.s32 @!p0 $0x0, s1;
	[sflag:s0] =	ssyncset.done @!p0 $0x0  }
0x80: {  	[sflag:s0] =	ssyncadd.s32 @!p0 s1  }
0x81: {  	[bflag:$0x3] =	sbarrier.arrive $0xFFFF  }
0x82: {  	_ =	shalt  }

// kernel: kernel.14.cloned.1.call-start
scs
__scs_entry_jumppad:
0x0: {  	(pc) =	sbr.rel $0x88, $3  }
0x1: {  	(tag) =	ssettag $0x0;
	lr =	simm.s32 $0x1  }
0x2: {  	[smem:$0x3F94] =	sst lr;
	_ =	strace $0xD0000000  }
0x3: {  	_ = 	snop  }
0x4: {  	_ = 	snop  }
0x5: {  	_ = 	snop  }
0x6: {  	_ = 	snop  }
0x7: {  	_ = 	snop  }
__scs_overlays_trampoline_lowered:
0x8: {  	[smem:$0x3FA3] =	sst s0  }
0x9: {  	[smem:$0x3FA4] =	sst s1  }
0xa: {  	[smem:$0x3FA5] =	sst s2  }
0xb: {  	[smem:$0x3FA6] =	sst s3  }
0xc: {  	[smem:$0x3FA7] =	sst s4  }
0xd: {  	[smem:$0x3FA8] =	sst s5  }
0xe: {  	[smem:$0x3FA9] =	sst s6  }
0xf: {  	[smem:$0x3FAA] =	sst s7  }
0x10: {  	[smem:$0x3FAB] =	sst s8  }
0x11: {  	[smem:$0x3FAC] =	sst s9;
	s0 =	simm.s32 @!p0 $0x0  }
0x12: {  	s1 =	sld [smem:$0x3F92];
	s0 =	simm.s32 @p0 $0x1  }
0x13: {  	[smem:$0x3FAD] =	sst s0;
	s0 =	simm.s32 @!p1 $0x0  }
0x14: {  	s2 =	sld [smem:$0x3F91];
	s0 =	simm.s32 @p1 $0x1  }
0x15: {  	[smem:$0x3FAE] =	sst s0;
	s0 =	simm.s32 @!p2 $0x0  }
0x16: {  	s3 =	sld [smem:$0x3FDB];
	s0 =	simm.s32 @p2 $0x1  }
0x17: {  	s4 =	simm.s32 $0x1BF5;
	[smem:$0x3FB0] =	sst s0  }
0x18: {  	s0 =	sld [smem:$0x3F93];
	_ =	swait.ge [sflag:s4], $0x0  }
0x19: {  	s7 =	sld [smem:$0x3F94]  }
0x1a: {  	s8 =	sadd.s32 $0xFFFFE003, lr  }
0x1b: {  	s9 =	sadd.s32 $0xFFFFFEF7, lr;
	s5 =	simm.s32 $0xFFFFFFFF;
	p2 =	slt.u32 s8, $0xFFFFF086  }
0x1c: {  	p1 =	slt.u32 s9, $0xF7A;
	s5 =	simm.s32 @!p2 $0x0  }
0x1d: {  	s5 =	simm.s32 @p1 $0x1;
	p0 =	seq.s32 s7, s2  }
0x1e: {  	s7 =	smul.u32 @!p0 $0xF7A, s2;
	p2 =	seq.s32 @!p0 s5, $0x0  }
0x1f: {  	s9 =	smul.u32 $0xF7A, s1;
	s8 =	simm.s32 @!p0 $0x1BF5;
	p2 =	por !p2, p0  }
0x20: {  	[sflag:s8] =	ssyncset.s32 @!p0 $0xFFFFF086;
	s6 =	sadd.s32 @!p0 s3, s7;
	s7 =	simm.s32 @!p0 $0x108  }
0x21: {  	s3 =	sadd.s32 s3, s9;
	s6 =	sadd.s32 @!p0 $0x88, s6;
	s7 =	simm.s32 @p2 $0x1082  }
0x22: {  	[simem:s7], [sflag:s8] =	dma.local @!p0 [hbm:s6], $0xF7A  }
0x23: {  	s9 =	sor.u32 $0xD0000000, s2;
	s6 =	simm.s32 $0x108;
	_ =	swait.ge @!p0 [sflag:s8], $0x0  }
0x24: {  	s3 =	sadd.s32 $0x88, s3;
	s6 =	simm.s32 @!p1 $0x1082;
	[sflag:s4] =	ssyncset.s32 $0xFFFFF086  }
0x25: {  	[simem:s6], [sflag:s4] =	dma.local [hbm:s3], $0xF7A  }
0x26: {  	[smem:$0x3F94] =	sst s1;
	(tag) =	ssettag s2;
	_ =	strace s9  }
0x27: {  	s1 =	sld [smem:$0x3FA4]  }
0x28: {  	s2 =	sld [smem:$0x3FA5]  }
0x29: {  	s4 =	sld [smem:$0x3FA7]  }
0x2a: {  	p0 =	seq.s32 s5, $0x0;
	s5 =	sld [smem:$0x3FA8]  }
0x2b: {  	s6 =	sld [smem:$0x3FA9]  }
0x2c: {  	s7 =	sld [smem:$0x3FAA]  }
0x2d: {  	s3 =	simm.s32 $0x108;
	s8 =	sld [smem:$0x3FAB]  }
0x2e: {  	s3 =	simm.s32 @!p0 $0x1082;
	s9 =	sld [smem:$0x3FAC]  }
0x2f: {  	lr =	sadd.s32 s0, s3;
	s0 =	sld [smem:$0x3FA3]  }
0x30: {  	s3 =	sld [smem:$0x3FA6]  }
0x31: {  	[smem:$0x3FAF] =	sst s10  }
0x32: {  	s10 =	sld [smem:$0x3FAD];
	_ =	sdelay $0x3  }
0x33: {  	p0 =	seq.s32 s10, $0x1;
	s10 =	sld [smem:$0x3FAF];
	_ =	sdelay $0x3  }
0x34: {  	[smem:$0x3FAF] =	sst s10  }
0x35: {  	s10 =	sld [smem:$0x3FAE];
	_ =	sdelay $0x3  }
0x36: {  	p1 =	seq.s32 s10, $0x1;
	s10 =	sld [smem:$0x3FAF];
	_ =	sdelay $0x3  }
0x37: {  	[smem:$0x3FAF] =	sst s10  }
0x38: {  	s10 =	sld [smem:$0x3FB0]  }
0x39: {  	_ = 	snop;
	(pc) =	sbr.ind lr, $3  }
0x3a: {  	_ = 	snop  }
0x3b: {  	_ = 	snop  }
0x3c: {  	p2 =	seq.s32 s10, $0x1;
	s10 =	sld [smem:$0x3FAF]  }
0x3d: {  	_ =	shalt  }
0x3e: {  	_ =	shalt  }
0x3f: {  	_ =	shalt  }
0x40: {  	_ =	shalt  }
0x41: {  	_ =	shalt  }
0x42: {  	_ =	shalt  }
0x43: {  	_ =	shalt  }
0x44: {  	_ =	shalt  }
0x45: {  	_ =	shalt  }
0x46: {  	_ =	shalt  }
0x47: {  	_ =	shalt  }
0x48: {  	_ =	shalt  }
0x49: {  	_ =	shalt  }
0x4a: {  	_ =	shalt  }
0x4b: {  	_ =	shalt  }
0x4c: {  	_ =	shalt  }
0x4d: {  	_ =	shalt  }
0x4e: {  	_ =	shalt  }
0x4f: {  	_ =	shalt  }
0x50: {  	_ =	shalt  }
0x51: {  	_ =	shalt  }
0x52: {  	_ =	shalt  }
0x53: {  	_ =	shalt  }
0x54: {  	_ =	shalt  }
0x55: {  	_ =	shalt  }
0x56: {  	_ =	shalt  }
0x57: {  	_ =	shalt  }
0x58: {  	_ =	shalt  }
0x59: {  	_ =	shalt  }
0x5a: {  	_ =	shalt  }
0x5b: {  	_ =	shalt  }
0x5c: {  	_ =	shalt  }
0x5d: {  	_ =	shalt  }
0x5e: {  	_ =	shalt  }
0x5f: {  	_ =	shalt  }
0x60: {  	_ =	shalt  }
0x61: {  	_ =	shalt  }
0x62: {  	_ =	shalt  }
0x63: {  	_ =	shalt  }
0x64: {  	_ =	shalt  }
0x65: {  	_ =	shalt  }
0x66: {  	_ =	shalt  }
0x67: {  	_ =	shalt  }
0x68: {  	_ =	shalt  }
0x69: {  	_ =	shalt  }
0x6a: {  	_ =	shalt  }
0x6b: {  	_ =	shalt  }
0x6c: {  	_ =	shalt  }
0x6d: {  	_ =	shalt  }
0x6e: {  	_ =	shalt  }
0x6f: {  	_ =	shalt  }
0x70: {  	_ =	shalt  }
0x71: {  	_ =	shalt  }
0x72: {  	_ =	shalt  }
0x73: {  	_ =	shalt  }
0x74: {  	_ =	shalt  }
0x75: {  	_ =	shalt  }
0x76: {  	_ =	shalt  }
0x77: {  	_ =	shalt  }
0x78: {  	_ =	shalt  }
0x79: {  	_ =	shalt  }
0x7a: {  	_ =	shalt  }
0x7b: {  	_ =	shalt  }
0x7c: {  	_ =	shalt  }
0x7d: {  	_ =	shalt  }
0x7e: {  	_ =	shalt  }
0x7f: {  	_ =	shalt  }
0x80: {  	_ =	shalt  }
0x81: {  	_ =	shalt  }
0x82: {  	_ =	shalt  }
0x83: {  	_ =	shalt  }
0x84: {  	_ =	shalt  }
0x85: {  	_ =	shalt  }
0x86: {  	_ =	shalt  }
0x87: {  	_ =	shalt  }
.Lfunc_end0:
.L_simem_size_0:
called_computation.1_lowered:
.L_overlay_start_0:
0x88: {  	s2 =	sld [smem:$0x3FD9]  }
0x89: {  	s3 =	sld [smem:$0x3FFE];
	_ =	sdelay $0x1  }
0x8a: {  	s1 =	srdreg.scid  }
0x8b: {  	s0 =	sand.u32 $0x1, s1  }
0x8c: {  	s16 =	sshll.u32 s0, $0xA;
	s2 =	sadd.s32 s3, s2  }
0x8d: {  	s2 =	sadd.s32 s2, s16  }
0x8e: {  	[smem:$0x3FBB] =	sst s2  }
0x8f: {  	_ = 	snop  }
0x90: {  	(tm) =	ssettm $0x1  }
0x91: {  	s17 =	sld [smem:$0x3FFB];
	_ =	sdelay $0x3  }
0x92: {  	_ =	strace s17  }
0x93: {  	s2 =	sld [smem:$0x3FFC];
	_ =	sdelay $0x3  }
0x94: {  	_ =	strace s2  }
0x95: {  	s2 =	sld [smem:$0x3FFD];
	_ =	sdelay $0x3  }
0x96: {  	_ =	strace s2  }
0x97: {  	_ =	strace $0x8FFFFFFF  }
0x98: {  	s18 =	sld [smem:$0x3FDB];
	_ =	sdelay $0x1  }
0x99: {  	s19 =	simm.s32 $_scs_section_size  }
0x9a: {  	s4 =	simm.s32 $_size__tile_overlayer_lowered;
	s5 =	simm.s32 $_tile_overlayer_lowered  }
0x9b: {  	s22 =	simm.s32 $0x1BFF;
	s21 =	sshll.u32 s5, $0x1;
	s2 =	sadd.s32 s19, s18  }
0x9c: {  	s6 =	simm.s32 $0x0;
	s20 =	sshll.u32 s4, $0x1;
	s4 =	sadd.s32 s21, s2  }
0x9d: {  	[timem:s6], [sflag:s22] =	dma.local [hbm:s4], s20  }
0x9e: {  	_ =	swait.ge [sflag:s22], s20  }
0x9f: {  	s3 =	ssub.s32 $0x0, s20;
	[sflag:s22] =	ssyncset.done $0x0  }
0xa0: {  	[sflag:s22] =	ssyncadd.s32 s3;
	_ =	sdelay $0x1  }
0xa1: {  	s23 =	simm.s32 $0x1B8B  }
0xa2: {  	_ =	swait.ge [sflag:s23], $0x1  }
0xa3: {  	[sflag:s23] =	ssyncset.done $0x0  }
0xa4: {  	s25 =	simm.s32 $0x1B8E;
	s24 =	sld [smem:$0x3FFE];
	[sflag:s23] =	ssyncadd.s32 $0xFFFFFFFF  }
0xa5: {  	s26 =	simm.s32 $execute0_lowered;
	[smem:$0x3FD2] =	sst s25  }
0xa6: {  	s4 =	sshll.u32 s26, $0x1;
	_ =	strace $0x80000049;
	[dreg:$0x1] =	wrdreg $0xFFFFFFFF  }
0xa7: {  	s28 =	simm.s32 $_size_execute0_lowered;
	s2 =	sadd.s32 s2, s4;
	[dreg:$0x0] =	wrdreg $0x0  }
0xa8: {  	s4 =	sshll.u32 s28, $0x1;
	[dreg:$0x2] =	wrdreg s2  }
0xa9: {  	[dreg:$0x3] =	wrdreg s4  }
0xaa: {  	[dreg:$0x4] =	wrdreg $0xC0  }
0xab: {  	_ =	task [dreg:s6], $0x5FFFF  }
0xac: {  	[dreg:$0x1] =	wrdreg $0xFFFFFFFF  }
0xad: {  	[dreg:$0x0] =	wrdreg $0x60  }
0xae: {  	[dreg:$0x2] =	wrdreg s24  }
0xaf: {  	[dreg:$0x3] =	wrdreg $0xE4000  }
0xb0: {  	[dreg:$0x4] =	wrdreg $0x9  }
0xb1: {  	_ =	task.clear_ibuf [dreg:s6], $0x5FFFF;
	_ =	strace $0x90000049  }
0xb2: {  	s29 =	simm.s32 $0x9;
	_ =	strace $0x8000004B  }
0xb3: {  	_ =	swait.ge [sflag:s29], $0x1  }
0xb4: {  	[sflag:s29] =	ssyncadd.s32 $0xFFFFFFFF  }
0xb5: {  	_ =	strace $0x9000004B  }
0xb6: {  	_ =	sfence  }
0xb7: {  	s30 =	sld [smem:$0x0];
	_ =	sdelay $0x2  }
0xb8: {  	s31 =	sshll.u32 s1, $0xD;
	s1 =	sshrl.u32 s1, $0x2  }
0xb9: {  	s3 =	sand.u32 $0x4000, s31;
	s1 =	sadd.s32 s1, s30  }
0xba: {  	s0 =	sor.u32 s3, s0;
	s1 =	sshll.u32 s1, $0x11  }
0xbb: {  	s0 =	sor.u32 s1, s0  }
0xbc: {  	s0 =	sadd.s32 $0x8F2B, s0  }
0xbd: {  	[sflag:s0] =	ssyncadd.remote.s32 $0x1  }
0xbe: {  	_ =	sfence.sel $0xFFFF  }
0xbf: {  	[dreg:$0x0] =	wrdreg $0xFFFFFFFF;
	(pc) =	sbr.abs _section_cstart, $3  }
0xc0: {  	[dreg:$0x1] =	wrdreg $0xFFFFFFFF  }
0xc1: {  	_ =	task.clear_ibuf [dreg:s6], $0x2FFFF;
	_ =	strace $0x9FFFFFFF  }
0xc2: {  	(tm) =	ssettm $0x7FFFFFFF  }
0xc3: {  	_ =	shalt  }
tec
execute0_lowered:
.L_overlay_start_1:
0x0: {  	(tag) =	ssettag $0x1  }
0x1: {  	s0 =	rddreg [dreg:$0x0]  }
0x2: {  	s2 =	rddreg [dreg:$0x1];
	s4 =	simm.s32 $0x0;
	s1 =	srdreg.scid  }
0x3: {  	s7 =	stileid.u32;
	s18 =	simm.s32 $0x9;
	s19 =	simm.s32 $0xD400  }
0x4: {  	s20 =	simm.s32 $0x80;
	s21 =	simm.s32 $0x5400;
	s28 =	simm.s32 $0x2  }
0x5: {  	s31 =	simm.s32 $0xB400;
	s30 =	simm.s32 $0x6;
	s29 =	simm.s32 $0x8  }
0x6: {  	s1 =	sand.u32 $0x1, s1;
	s3 =	sshll.u32 s7, $0x1;
	s5 =	smul.u32 $0xA000, s7  }
0x7: {  	[smem:$0x7FF] =	sst s4;
	s4 =	sadd.s32 $0x67200, s0;
	s7 =	smul.u32 $0x28000, s7  }
0x8: {  	s3 =	sor.u32 s1, s3;
	s6 =	smul.u32 $0xA0000, s1;
	s1 =	ssub.s32 $0x2, s1  }
0x9: {  	_ =	strace $0x8000004A;
	s3 =	smul.u32 $0xA80, s3;
	s22 =	sshrl.u32 s1, $0x1  }
0xa: {  	s7 =	sshrl.u32 s7, $0x2;
	s6 =	sadd.s32 s5, s6;
	s1 =	ssub.s32 s1, s22  }
0xb: {  	s23 =	sadd.s32 s7, s2;
	s22 =	simm.s32 $0x7;
	s3 =	sadd.s32 s3, s0  }
0xc: {  	s6 =	sshrl.u32 s6, $0x3;
	s24 =	sadd.s32 $0x1000, s23;
	s25 =	sadd.s32 $0x2000, s23  }
0xd: {  	s26 =	sadd.s32 $0x3000, s23;
	s10 =	sadd.s32 $0x4000, s23;
	s11 =	sadd.s32 $0x5000, s23  }
0xe: {  	s12 =	sadd.s32 $0x6000, s23;
	s13 =	sadd.s32 $0x7000, s23;
	s14 =	sadd.s32 $0x8000, s23  }
0xf: {  	s15 =	sadd.s32 $0x9000, s23;
	s17 =	smax.u32 s1, $0x1;
	s23 =	simm.s32 $0x7400  }
.Ltmp0:
0x10: {  	s1 =	simm.s32 $0x5;
	[dreg:$0x4] =	wrdreg s24;
	(pc) =	sbr.rel .LBB2_1-.Ltmp0, $4  }
0x11: {  	s0 =	sadd.s32 s6, s0;
	s3 =	sadd.s32 $0x2200, s3;
	[dreg:$0x5] =	wrdreg s25  }
0x12: {  	s6 =	sadd.s32 s5, s2;
	[dreg:$0x6] =	wrdreg s26;
	s24 =	simm.s32 $0x1  }
0x13: {  	s26 =	simm.s32 $0x9400;
	s25 =	simm.s32 $0x4;
	[dreg:$0x3] =	wrdreg s3  }
0x14: {  	v0 =	vimm.f32 $0.0e+00;
	s16 =	sadd.s32 $0x7B200, s0;
	s0 =	simm.s32 $0x3;
	s3 =	simm.s32 $0x0  }
.LBB2_6:
0x15: {  	_ =	swait.ge [sflag:s25], $0x2000  }
0x16: {  	[sflag:s25] =	ssyncset.done $0x0  }
0x17: {  	[sflag:s25] =	ssyncadd.s32 $0xFFFFE000  }
0x18: {  	[spmem:s2] =	stream.indirect.scatter.add.f32 [tilespmem:s31], [sflag:$0x8], $0x40, s8, s20, $0xb8;
	[tilespmem:$0x18400] =	vst v63  }
0x19: {  	_ =	swait.ge [sflag:s30], $0x2000  }
0x1a: {  	[sflag:s30] =	ssyncset.done $0x0  }
0x1b: {  	[sflag:s30] =	ssyncadd.s32 $0xFFFFE000  }
0x1c: {  	_ =	swait.ge [sflag:s22], $0x2000  }
0x1d: {  	[sflag:s22] =	ssyncset.done $0x0  }
0x1e: {  	[sflag:s22] =	ssyncadd.s32 $0xFFFFE000  }
0x1f: {  	s5 =	stileid.u32;
	_ =	swait.ge [sflag:s29], $0x2000  }
0x20: {  	s7 =	sshrl.u32 s6, $0x3;
	s3 =	sadd.s32 $0x1, s3;
	[sflag:s29] =	ssyncset.done $0x0  }
0x21: {  	s5 =	sshll.u32 s5, $0x6;
	p0 =	sne.s32 s3, s17;
	[sflag:s29] =	ssyncadd.s32 $0xFFFFE000  }
.Ltmp1:
0x22: {  	s5 =	sor.u32 $0x1C09, s5;
	[bflag:$0x0] =	sbarrier.arrive $0xFFFF;
	(pc) =	sbr.rel @!p0 .LBB2_7-.Ltmp1, $4  }
0x23: {  	[hbm:s16], [sflag:s5] =	dma.local [spmem:s7], $0x1400  }
0x24: {  	_ =	swait.ge [sflag:s18], $0x1400  }
0x25: {  	[sflag:s18] =	ssyncset.done $0x0  }
0x26: {  	[sflag:s18] =	ssyncadd.s32 $0xFFFFEC00  }
.LBB2_1:
0x27: {  	s5 =	simm.s32 $0x0;
	s7 =	rddreg [dreg:$0x3]  }
0x28: {  	[tilespmem:s5], [sflag:$0x9] =	stream.linear.gather [hbm4b:s7+s5], $0x5400, $0x38;
	[tilespmem:$0x18400] =	vst v63  }
0x29: {  	_ =	swait.ge [sflag:s18], $0x5400  }
0x2a: {  	[sflag:s18] =	ssyncset.done $0x0  }
0x2b: {  	s7 =	simm.s32 $0x100;
	s5 =	simm.s32 $0x0;
	[sflag:s18] =	ssyncadd.s32 $0xFFFFAC00  }
.LBB2_2:
0x2c: {  	p0 =	sne.s32 s7, $0x3F00;
	[tilespmem:s5+$0xD430] =	vst v0;
	s8 =	smov.u32 s7;
	s7 =	sadd.s32 $0x100, s7  }
.Ltmp2:
0x2d: {  	[tilespmem:s5+$0xD420] =	vst v0;
	(pc) =	sbr.rel @p0 .LBB2_2-.Ltmp2, $3  }
0x2e: {  	[tilespmem:s5+$0xD400] =	vst v0  }
0x2f: {  	[tilespmem:s5+$0xD410] =	vst v0;
	_ =	sdelay $0x1  }
0x30: {  	s5 =	sshra.s32 s8, $0x2  }
0x31: {  	[tilespmem:s5+$0xD430] =	vst v0  }
0x32: {  	[tilespmem:s5+$0xD420] =	vst v0  }
0x33: {  	[tilespmem:s5+$0xD400] =	vst v0  }
0x34: {  	[tilespmem:s5+$0xD410] =	vst v0  }
0x35: {  	[spmem:s6] =	stream.linear.scatter [tilespmem:s19], [sflag:$0x9], $0x1000, $0x38;
	[tilespmem:$0x18400] =	vst v63  }
0x36: {  	_ =	swait.ge [sflag:s18], $0x1000  }
0x37: {  	[sflag:s18] =	ssyncset.done $0x0  }
0x38: {  	s9 =	rddreg [dreg:$0x4];
	[sflag:s18] =	ssyncadd.s32 $0xFFFFF000  }
0x39: {  	[spmem:s9] =	stream.linear.scatter [tilespmem:s19], [sflag:$0x9], $0x1000, $0x38;
	[tilespmem:$0x18400] =	vst v63  }
0x3a: {  	_ =	swait.ge [sflag:s18], $0x1000  }
0x3b: {  	[sflag:s18] =	ssyncset.done $0x0  }
0x3c: {  	s7 =	rddreg [dreg:$0x5];
	[sflag:s18] =	ssyncadd.s32 $0xFFFFF000  }
0x3d: {  	[spmem:s7] =	stream.linear.scatter [tilespmem:s19], [sflag:$0x9], $0x1000, $0x38;
	[tilespmem:$0x18400] =	vst v63  }
0x3e: {  	_ =	swait.ge [sflag:s18], $0x1000  }
0x3f: {  	[sflag:s18] =	ssyncset.done $0x0  }
0x40: {  	s8 =	rddreg [dreg:$0x6];
	[sflag:s18] =	ssyncadd.s32 $0xFFFFF000  }
0x41: {  	[spmem:s8] =	stream.linear.scatter [tilespmem:s19], [sflag:$0x9], $0x1000, $0x38;
	[tilespmem:$0x18400] =	vst v63  }
0x42: {  	_ =	swait.ge [sflag:s18], $0x1000  }
0x43: {  	[sflag:s18] =	ssyncset.done $0x0  }
0x44: {  	[sflag:s18] =	ssyncadd.s32 $0xFFFFF000  }
0x45: {  	[spmem:s10] =	stream.linear.scatter [tilespmem:s19], [sflag:$0x9], $0x1000, $0x38;
	[tilespmem:$0x18400] =	vst v63  }
0x46: {  	_ =	swait.ge [sflag:s18], $0x1000  }
0x47: {  	[sflag:s18] =	ssyncset.done $0x0  }
0x48: {  	[sflag:s18] =	ssyncadd.s32 $0xFFFFF000  }
0x49: {  	[spmem:s11] =	stream.linear.scatter [tilespmem:s19], [sflag:$0x9], $0x1000, $0x38;
	[tilespmem:$0x18400] =	vst v63  }
0x4a: {  	_ =	swait.ge [sflag:s18], $0x1000  }
0x4b: {  	[sflag:s18] =	ssyncset.done $0x0  }
0x4c: {  	[sflag:s18] =	ssyncadd.s32 $0xFFFFF000  }
0x4d: {  	[spmem:s12] =	stream.linear.scatter [tilespmem:s19], [sflag:$0x9], $0x1000, $0x38;
	[tilespmem:$0x18400] =	vst v63  }
0x4e: {  	_ =	swait.ge [sflag:s18], $0x1000  }
0x4f: {  	[sflag:s18] =	ssyncset.done $0x0  }
0x50: {  	[sflag:s18] =	ssyncadd.s32 $0xFFFFF000  }
0x51: {  	[spmem:s13] =	stream.linear.scatter [tilespmem:s19], [sflag:$0x9], $0x1000, $0x38;
	[tilespmem:$0x18400] =	vst v63  }
0x52: {  	_ =	swait.ge [sflag:s18], $0x1000  }
0x53: {  	[sflag:s18] =	ssyncset.done $0x0  }
0x54: {  	[sflag:s18] =	ssyncadd.s32 $0xFFFFF000  }
0x55: {  	[spmem:s14] =	stream.linear.scatter [tilespmem:s19], [sflag:$0x9], $0x1000, $0x38;
	[tilespmem:$0x18400] =	vst v63  }
0x56: {  	_ =	swait.ge [sflag:s18], $0x1000  }
0x57: {  	[sflag:s18] =	ssyncset.done $0x0  }
0x58: {  	[sflag:s18] =	ssyncadd.s32 $0xFFFFF000  }
0x59: {  	[spmem:s15] =	stream.linear.scatter [tilespmem:s19], [sflag:$0x9], $0x1000, $0x38;
	[tilespmem:$0x18400] =	vst v63  }
0x5a: {  	_ =	swait.ge [sflag:s18], $0x1000  }
0x5b: {  	[sflag:s18] =	ssyncset.done $0x0  }
0x5c: {  	[sflag:s18] =	ssyncadd.s32 $0xFFFFF000  }
0x5d: {  	s5 =	simm.s32 $0x0;
	[bflag:$0x0] =	sbarrier.arrive $0xFFFF  }
0x5e: {  	[tilespmem:s21], [sflag:$0x1] =	stream.indirect.gather [hbm4b:s4+s20], $0x40, s5, s20, $0xb8;
	[tilespmem:$0x18400] =	vst v63  }
0x5f: {  	s7 =	simm.s32 $0x100  }
0x60: {  	[tilespmem:s23], [sflag:$0x2] =	stream.indirect.gather [hbm4b:s4+s20], $0x40, s7, s20, $0xb8;
	[tilespmem:$0x18400] =	vst v63  }
0x61: {  	_ =	swait.ge [sflag:s24], $0x2000  }
0x62: {  	[sflag:s24] =	ssyncset.done $0x0  }
0x63: {  	[sflag:s24] =	ssyncadd.s32 $0xFFFFE000  }
0x64: {  	[spmem:s2] =	stream.indirect.scatter.add.f32 [tilespmem:s21], [sflag:$0x5], $0x40, s20, s20, $0xb8;
	[tilespmem:$0x18400] =	vst v63  }
0x65: {  	s9 =	simm.s32 $0x200  }
0x66: {  	[tilespmem:s26], [sflag:$0x3] =	stream.indirect.gather [hbm4b:s4+s20], $0x40, s9, s20, $0xb8;
	[tilespmem:$0x18400] =	vst v63  }
0x67: {  	_ =	swait.ge [sflag:s28], $0x2000  }
0x68: {  	[sflag:s28] =	ssyncset.done $0x0  }
0x69: {  	s8 =	simm.s32 $0x180;
	[sflag:s28] =	ssyncadd.s32 $0xFFFFE000  }
0x6a: {  	[spmem:s2] =	stream.indirect.scatter.add.f32 [tilespmem:s23], [sflag:$0x6], $0x40, s8, s20, $0xb8;
	[tilespmem:$0x18400] =	vst v63  }
0x6b: {  	s9 =	simm.s32 $0x300  }
0x6c: {  	[tilespmem:s31], [sflag:$0x4] =	stream.indirect.gather [hbm4b:s4+s20], $0x40, s9, s20, $0xb8;
	[tilespmem:$0x18400] =	vst v63  }
0x6d: {  	_ =	swait.ge [sflag:s0], $0x2000  }
0x6e: {  	[sflag:s0] =	ssyncset.done $0x0  }
0x6f: {  	s8 =	simm.s32 $0x280;
	[sflag:s0] =	ssyncadd.s32 $0xFFFFE000  }
0x70: {  	[spmem:s2] =	stream.indirect.scatter.add.f32 [tilespmem:s26], [sflag:$0x7], $0x40, s8, s20, $0xb8;
	[tilespmem:$0x18400] =	vst v63  }
0x71: {  	_ =	swait.ge [sflag:s1], $0x2000  }
0x72: {  	[sflag:s1] =	ssyncset.done $0x0  }
0x73: {  	s9 =	simm.s32 $0x400;
	[sflag:s1] =	ssyncadd.s32 $0xFFFFE000  }
0x74: {  	[tilespmem:s21], [sflag:$0x1] =	stream.indirect.gather [hbm4b:s4+s20], $0x40, s9, s20, $0xb8;
	[tilespmem:$0x18400] =	vst v63  }
0x75: {  	_ =	swait.ge [sflag:s25], $0x2000  }
0x76: {  	[sflag:s25] =	ssyncset.done $0x0  }
0x77: {  	s8 =	simm.s32 $0x380;
	[sflag:s25] =	ssyncadd.s32 $0xFFFFE000  }
0x78: {  	[spmem:s2] =	stream.indirect.scatter.add.f32 [tilespmem:s31], [sflag:$0x8], $0x40, s8, s20, $0xb8;
	[tilespmem:$0x18400] =	vst v63  }
0x79: {  	_ =	swait.ge [sflag:s30], $0x2000  }
0x7a: {  	[sflag:s30] =	ssyncset.done $0x0  }
0x7b: {  	s9 =	simm.s32 $0x500;
	[sflag:s30] =	ssyncadd.s32 $0xFFFFE000  }
0x7c: {  	[tilespmem:s23], [sflag:$0x2] =	stream.indirect.gather [hbm4b:s4+s20], $0x40, s9, s20, $0xb8;
	[tilespmem:$0x18400] =	vst v63  }
.LBB2_4:
0x7d: {  	_ =	swait.ge [sflag:s24], $0x2000  }
0x7e: {  	s7 =	sshra.s32 s5, $0x2;
	[sflag:s24] =	ssyncset.done $0x0  }
0x7f: {  	s8 =	sadd.s32 $0x480, s7;
	[sflag:s24] =	ssyncadd.s32 $0xFFFFE000  }
0x80: {  	[spmem:s2] =	stream.indirect.scatter.add.f32 [tilespmem:s21], [sflag:$0x5], $0x40, s8, s20, $0xb8;
	[tilespmem:$0x18400] =	vst v63  }
0x81: {  	_ =	swait.ge [sflag:s22], $0x2000  }
0x82: {  	[sflag:s22] =	ssyncset.done $0x0  }
0x83: {  	s9 =	sadd.s32 $0x600, s7;
	[sflag:s22] =	ssyncadd.s32 $0xFFFFE000  }
0x84: {  	[tilespmem:s26], [sflag:$0x3] =	stream.indirect.gather [hbm4b:s4+s20], $0x40, s9, s20, $0xb8;
	[tilespmem:$0x18400] =	vst v63  }
0x85: {  	_ =	swait.ge [sflag:s28], $0x2000  }
0x86: {  	[sflag:s28] =	ssyncset.done $0x0  }
0x87: {  	s9 =	sadd.s32 $0x580, s7;
	[sflag:s28] =	ssyncadd.s32 $0xFFFFE000  }
0x88: {  	[spmem:s2] =	stream.indirect.scatter.add.f32 [tilespmem:s23], [sflag:$0x6], $0x40, s9, s20, $0xb8;
	[tilespmem:$0x18400] =	vst v63  }
0x89: {  	_ =	swait.ge [sflag:s29], $0x2000  }
0x8a: {  	[sflag:s29] =	ssyncset.done $0x0  }
0x8b: {  	s9 =	sadd.s32 $0x700, s7;
	[sflag:s29] =	ssyncadd.s32 $0xFFFFE000  }
0x8c: {  	[tilespmem:s31], [sflag:$0x4] =	stream.indirect.gather [hbm4b:s4+s20], $0x40, s9, s20, $0xb8;
	[tilespmem:$0x18400] =	vst v63  }
0x8d: {  	_ =	swait.ge [sflag:s0], $0x2000  }
0x8e: {  	p0 =	seq.s32 s5, $0x13000;
	[sflag:s0] =	ssyncset.done $0x0  }
.Ltmp3:
0x8f: {  	s9 =	sadd.s32 $0x680, s7;
	[sflag:s0] =	ssyncadd.s32 $0xFFFFE000;
	(pc) =	sbr.rel @p0 .LBB2_6-.Ltmp3, $4  }
0x90: {  	[spmem:s2] =	stream.indirect.scatter.add.f32 [tilespmem:s26], [sflag:$0x7], $0x40, s9, s20, $0xb8;
	[tilespmem:$0x18400] =	vst v63  }
0x91: {  	_ =	swait.ge [sflag:s1], $0x2000  }
0x92: {  	[sflag:s1] =	ssyncset.done $0x0  }
0x93: {  	s8 =	sadd.s32 $0x780, s7;
	[sflag:s1] =	ssyncadd.s32 $0xFFFFE000  }
0x94: {  	s9 =	sadd.s32 $0x800, s7  }
0x95: {  	[tilespmem:s21], [sflag:$0x1] =	stream.indirect.gather [hbm4b:s4+s20], $0x40, s9, s20, $0xb8;
	[tilespmem:$0x18400] =	vst v63  }
0x96: {  	_ =	swait.ge [sflag:s25], $0x2000  }
0x97: {  	[sflag:s25] =	ssyncset.done $0x0  }
0x98: {  	[sflag:s25] =	ssyncadd.s32 $0xFFFFE000  }
0x99: {  	[spmem:s2] =	stream.indirect.scatter.add.f32 [tilespmem:s31], [sflag:$0x8], $0x40, s8, s20, $0xb8;
	[tilespmem:$0x18400] =	vst v63  }
.Ltmp4:
0x9a: {  	_ = 	snop;
	(pc) =	sbr.rel .LBB2_4-.Ltmp4, $4  }
0x9b: {  	_ =	swait.ge [sflag:s30], $0x2000  }
0x9c: {  	[sflag:s30] =	ssyncset.done $0x0  }
0x9d: {  	s5 =	sadd.s32 $0x1000, s5;
	s9 =	sadd.s32 $0x900, s7;
	[sflag:s30] =	ssyncadd.s32 $0xFFFFE000  }
0x9e: {  	[tilespmem:s23], [sflag:$0x2] =	stream.indirect.gather [hbm4b:s4+s20], $0x40, s9, s20, $0xb8;
	[tilespmem:$0x18400] =	vst v63  }
.LBB2_7:
0x9f: {  	_ =	sfence.sel $0x180000  }
0xa0: {  	[bflag:$0x0] =	sbarrier.arrive $0xFFFF  }
0xa1: {  	_ =	strace $0x9000004A  }
0xa2: {  	s0 =	stileid.u32;
	[bflag:$0x2] =	sbarrier.arrive $0xFFFF  }
0xa3: {  	p0 =	sne.s32 s0, $0x0;
	s0 =	rddreg [dreg:$0x2]  }
0xa4: {  	s0 =	sadd.s32 @!p0 $0x100000, s0  }
0xa5: {  	[sflag:s0] =	ssyncadd.tile.s32 @!p0 $0x1;
	_ =	shalt  }
.Lfunc_end2:
_tile_overlayer_lowered:
.L_overlay_start_2:
0xa6: {  	(tag) =	ssettag $0x2  }
0xa7: {  	s0 =	rddreg [dreg:$0x0];
	s2 =	stileid.u32  }
0xa8: {  	s1 =	rddreg [dreg:$0x1];
	p0 =	sne.s32 s2, $0x0  }
0xa9: {  	s3 =	rddreg [dreg:$0x2];
	[bflag:$0x3] =	sbarrier.arrive $0xFFFF;
	s2 =	simm.s32 @!p0 $0x1C09  }
0xaa: {  	[timem:s3], [sflag:s2] =	dma.local @!p0 [hbm:s0], s1  }
0xab: {  	s0 =	simm.s32 @!p0 $0x9  }
0xac: {  	_ =	swait.ge @!p0 [sflag:s0], s1  }
0xad: {  	s1 =	ssub.s32 @!p0 $0x0, s1;
	[sflag:s0] =	ssyncset.done @!p0 $0x0  }
0xae: {  	[sflag:s0] =	ssyncadd.s32 @!p0 s1  }
0xaf: {  	[bflag:$0x3] =	sbarrier.arrive $0xFFFF  }
0xb0: {  	_ =	shalt  }

// kernel: kernel.17.cloned.1.call-start
scs
__scs_entry_jumppad:
0x0: {  	(pc) =	sbr.rel $0x88, $3  }
0x1: {  	(tag) =	ssettag $0x0;
	lr =	simm.s32 $0x1  }
0x2: {  	[smem:$0x3F94] =	sst lr;
	_ =	strace $0xD0000000  }
0x3: {  	_ = 	snop  }
0x4: {  	_ = 	snop  }
0x5: {  	_ = 	snop  }
0x6: {  	_ = 	snop  }
0x7: {  	_ = 	snop  }
__scs_overlays_trampoline_lowered:
0x8: {  	[smem:$0x3FA3] =	sst s0  }
0x9: {  	[smem:$0x3FA4] =	sst s1  }
0xa: {  	[smem:$0x3FA5] =	sst s2  }
0xb: {  	[smem:$0x3FA6] =	sst s3  }
0xc: {  	[smem:$0x3FA7] =	sst s4  }
0xd: {  	[smem:$0x3FA8] =	sst s5  }
0xe: {  	[smem:$0x3FA9] =	sst s6  }
0xf: {  	[smem:$0x3FAA] =	sst s7  }
0x10: {  	[smem:$0x3FAB] =	sst s8  }
0x11: {  	[smem:$0x3FAC] =	sst s9;
	s0 =	simm.s32 @!p0 $0x0  }
0x12: {  	s1 =	sld [smem:$0x3F92];
	s0 =	simm.s32 @p0 $0x1  }
0x13: {  	[smem:$0x3FAD] =	sst s0;
	s0 =	simm.s32 @!p1 $0x0  }
0x14: {  	s2 =	sld [smem:$0x3F91];
	s0 =	simm.s32 @p1 $0x1  }
0x15: {  	[smem:$0x3FAE] =	sst s0;
	s0 =	simm.s32 @!p2 $0x0  }
0x16: {  	s3 =	sld [smem:$0x3FDB];
	s0 =	simm.s32 @p2 $0x1  }
0x17: {  	s4 =	simm.s32 $0x1BF5;
	[smem:$0x3FB0] =	sst s0  }
0x18: {  	s0 =	sld [smem:$0x3F93];
	_ =	swait.ge [sflag:s4], $0x0  }
0x19: {  	s7 =	sld [smem:$0x3F94]  }
0x1a: {  	s8 =	sadd.s32 $0xFFFFE003, lr  }
0x1b: {  	s9 =	sadd.s32 $0xFFFFFEF7, lr;
	s5 =	simm.s32 $0xFFFFFFFF;
	p2 =	slt.u32 s8, $0xFFFFF086  }
0x1c: {  	p1 =	slt.u32 s9, $0xF7A;
	s5 =	simm.s32 @!p2 $0x0  }
0x1d: {  	s5 =	simm.s32 @p1 $0x1;
	p0 =	seq.s32 s7, s2  }
0x1e: {  	s7 =	smul.u32 @!p0 $0xF7A, s2;
	p2 =	seq.s32 @!p0 s5, $0x0  }
0x1f: {  	s9 =	smul.u32 $0xF7A, s1;
	s8 =	simm.s32 @!p0 $0x1BF5;
	p2 =	por !p2, p0  }
0x20: {  	[sflag:s8] =	ssyncset.s32 @!p0 $0xFFFFF086;
	s6 =	sadd.s32 @!p0 s3, s7;
	s7 =	simm.s32 @!p0 $0x108  }
0x21: {  	s3 =	sadd.s32 s3, s9;
	s6 =	sadd.s32 @!p0 $0x88, s6;
	s7 =	simm.s32 @p2 $0x1082  }
0x22: {  	[simem:s7], [sflag:s8] =	dma.local @!p0 [hbm:s6], $0xF7A  }
0x23: {  	s9 =	sor.u32 $0xD0000000, s2;
	s6 =	simm.s32 $0x108;
	_ =	swait.ge @!p0 [sflag:s8], $0x0  }
0x24: {  	s3 =	sadd.s32 $0x88, s3;
	s6 =	simm.s32 @!p1 $0x1082;
	[sflag:s4] =	ssyncset.s32 $0xFFFFF086  }
0x25: {  	[simem:s6], [sflag:s4] =	dma.local [hbm:s3], $0xF7A  }
0x26: {  	[smem:$0x3F94] =	sst s1;
	(tag) =	ssettag s2;
	_ =	strace s9  }
0x27: {  	s1 =	sld [smem:$0x3FA4]  }
0x28: {  	s2 =	sld [smem:$0x3FA5]  }
0x29: {  	s4 =	sld [smem:$0x3FA7]  }
0x2a: {  	p0 =	seq.s32 s5, $0x0;
	s5 =	sld [smem:$0x3FA8]  }
0x2b: {  	s6 =	sld [smem:$0x3FA9]  }
0x2c: {  	s7 =	sld [smem:$0x3FAA]  }
0x2d: {  	s3 =	simm.s32 $0x108;
	s8 =	sld [smem:$0x3FAB]  }
0x2e: {  	s3 =	simm.s32 @!p0 $0x1082;
	s9 =	sld [smem:$0x3FAC]  }
0x2f: {  	lr =	sadd.s32 s0, s3;
	s0 =	sld [smem:$0x3FA3]  }
0x30: {  	s3 =	sld [smem:$0x3FA6]  }
0x31: {  	[smem:$0x3FAF] =	sst s10  }
0x32: {  	s10 =	sld [smem:$0x3FAD];
	_ =	sdelay $0x3  }
0x33: {  	p0 =	seq.s32 s10, $0x1;
	s10 =	sld [smem:$0x3FAF];
	_ =	sdelay $0x3  }
0x34: {  	[smem:$0x3FAF] =	sst s10  }
0x35: {  	s10 =	sld [smem:$0x3FAE];
	_ =	sdelay $0x3  }
0x36: {  	p1 =	seq.s32 s10, $0x1;
	s10 =	sld [smem:$0x3FAF];
	_ =	sdelay $0x3  }
0x37: {  	[smem:$0x3FAF] =	sst s10  }
0x38: {  	s10 =	sld [smem:$0x3FB0]  }
0x39: {  	_ = 	snop;
	(pc) =	sbr.ind lr, $3  }
0x3a: {  	_ = 	snop  }
0x3b: {  	_ = 	snop  }
0x3c: {  	p2 =	seq.s32 s10, $0x1;
	s10 =	sld [smem:$0x3FAF]  }
0x3d: {  	_ =	shalt  }
0x3e: {  	_ =	shalt  }
0x3f: {  	_ =	shalt  }
0x40: {  	_ =	shalt  }
0x41: {  	_ =	shalt  }
0x42: {  	_ =	shalt  }
0x43: {  	_ =	shalt  }
0x44: {  	_ =	shalt  }
0x45: {  	_ =	shalt  }
0x46: {  	_ =	shalt  }
0x47: {  	_ =	shalt  }
0x48: {  	_ =	shalt  }
0x49: {  	_ =	shalt  }
0x4a: {  	_ =	shalt  }
0x4b: {  	_ =	shalt  }
0x4c: {  	_ =	shalt  }
0x4d: {  	_ =	shalt  }
0x4e: {  	_ =	shalt  }
0x4f: {  	_ =	shalt  }
0x50: {  	_ =	shalt  }
0x51: {  	_ =	shalt  }
0x52: {  	_ =	shalt  }
0x53: {  	_ =	shalt  }
0x54: {  	_ =	shalt  }
0x55: {  	_ =	shalt  }
0x56: {  	_ =	shalt  }
0x57: {  	_ =	shalt  }
0x58: {  	_ =	shalt  }
0x59: {  	_ =	shalt  }
0x5a: {  	_ =	shalt  }
0x5b: {  	_ =	shalt  }
0x5c: {  	_ =	shalt  }
0x5d: {  	_ =	shalt  }
0x5e: {  	_ =	shalt  }
0x5f: {  	_ =	shalt  }
0x60: {  	_ =	shalt  }
0x61: {  	_ =	shalt  }
0x62: {  	_ =	shalt  }
0x63: {  	_ =	shalt  }
0x64: {  	_ =	shalt  }
0x65: {  	_ =	shalt  }
0x66: {  	_ =	shalt  }
0x67: {  	_ =	shalt  }
0x68: {  	_ =	shalt  }
0x69: {  	_ =	shalt  }
0x6a: {  	_ =	shalt  }
0x6b: {  	_ =	shalt  }
0x6c: {  	_ =	shalt  }
0x6d: {  	_ =	shalt  }
0x6e: {  	_ =	shalt  }
0x6f: {  	_ =	shalt  }
0x70: {  	_ =	shalt  }
0x71: {  	_ =	shalt  }
0x72: {  	_ =	shalt  }
0x73: {  	_ =	shalt  }
0x74: {  	_ =	shalt  }
0x75: {  	_ =	shalt  }
0x76: {  	_ =	shalt  }
0x77: {  	_ =	shalt  }
0x78: {  	_ =	shalt  }
0x79: {  	_ =	shalt  }
0x7a: {  	_ =	shalt  }
0x7b: {  	_ =	shalt  }
0x7c: {  	_ =	shalt  }
0x7d: {  	_ =	shalt  }
0x7e: {  	_ =	shalt  }
0x7f: {  	_ =	shalt  }
0x80: {  	_ =	shalt  }
0x81: {  	_ =	shalt  }
0x82: {  	_ =	shalt  }
0x83: {  	_ =	shalt  }
0x84: {  	_ =	shalt  }
0x85: {  	_ =	shalt  }
0x86: {  	_ =	shalt  }
0x87: {  	_ =	shalt  }
.Lfunc_end0:
.L_simem_size_0:
called_computation.2_lowered:
.L_overlay_start_0:
0x88: {  	s2 =	sld [smem:$0x3FD9]  }
0x89: {  	s3 =	sld [smem:$0x3FFE];
	_ =	sdelay $0x1  }
0x8a: {  	s1 =	srdreg.scid  }
0x8b: {  	s0 =	sand.u32 $0x1, s1  }
0x8c: {  	s16 =	sshll.u32 s0, $0xA;
	s2 =	sadd.s32 s3, s2  }
0x8d: {  	s2 =	sadd.s32 s2, s16  }
0x8e: {  	[smem:$0x3FBB] =	sst s2  }
0x8f: {  	_ = 	snop  }
0x90: {  	(tm) =	ssettm $0x1  }
0x91: {  	s17 =	sld [smem:$0x3FFB];
	_ =	sdelay $0x3  }
0x92: {  	_ =	strace s17  }
0x93: {  	s2 =	sld [smem:$0x3FFC];
	_ =	sdelay $0x3  }
0x94: {  	_ =	strace s2  }
0x95: {  	s2 =	sld [smem:$0x3FFD];
	_ =	sdelay $0x3  }
0x96: {  	_ =	strace s2  }
0x97: {  	_ =	strace $0x8FFFFFFF  }
0x98: {  	s18 =	sld [smem:$0x3FDB];
	_ =	sdelay $0x1  }
0x99: {  	s19 =	simm.s32 $_scs_section_size  }
0x9a: {  	s4 =	simm.s32 $_size__tile_overlayer_lowered;
	s5 =	simm.s32 $_tile_overlayer_lowered  }
0x9b: {  	s22 =	simm.s32 $0x1BFF;
	s21 =	sshll.u32 s5, $0x1;
	s2 =	sadd.s32 s19, s18  }
0x9c: {  	s6 =	simm.s32 $0x0;
	s20 =	sshll.u32 s4, $0x1;
	s4 =	sadd.s32 s21, s2  }
0x9d: {  	[timem:s6], [sflag:s22] =	dma.local [hbm:s4], s20  }
0x9e: {  	_ =	swait.ge [sflag:s22], s20  }
0x9f: {  	s3 =	ssub.s32 $0x0, s20;
	[sflag:s22] =	ssyncset.done $0x0  }
0xa0: {  	[sflag:s22] =	ssyncadd.s32 s3;
	_ =	sdelay $0x1  }
0xa1: {  	s23 =	simm.s32 $0x1B8B  }
0xa2: {  	_ =	swait.ge [sflag:s23], $0x1  }
0xa3: {  	[sflag:s23] =	ssyncset.done $0x0  }
0xa4: {  	s25 =	simm.s32 $0x1B8E;
	s24 =	sld [smem:$0x3FFE];
	[sflag:s23] =	ssyncadd.s32 $0xFFFFFFFF  }
0xa5: {  	s26 =	simm.s32 $execute0_lowered;
	[smem:$0x3FD2] =	sst s25  }
0xa6: {  	s4 =	sshll.u32 s26, $0x1;
	_ =	strace $0x8000004C;
	[dreg:$0x1] =	wrdreg $0xFFFFFFFF  }
0xa7: {  	s28 =	simm.s32 $_size_execute0_lowered;
	s2 =	sadd.s32 s2, s4;
	[dreg:$0x0] =	wrdreg $0x0  }
0xa8: {  	s4 =	sshll.u32 s28, $0x1;
	[dreg:$0x2] =	wrdreg s2  }
0xa9: {  	[dreg:$0x3] =	wrdreg s4  }
0xaa: {  	[dreg:$0x4] =	wrdreg $0xC0  }
0xab: {  	_ =	task [dreg:s6], $0x5FFFF  }
0xac: {  	[dreg:$0x1] =	wrdreg $0xFFFFFFFF  }
0xad: {  	[dreg:$0x0] =	wrdreg $0x60  }
0xae: {  	[dreg:$0x2] =	wrdreg s24  }
0xaf: {  	[dreg:$0x3] =	wrdreg $0xE4000  }
0xb0: {  	[dreg:$0x4] =	wrdreg $0x9  }
0xb1: {  	_ =	task.clear_ibuf [dreg:s6], $0x5FFFF;
	_ =	strace $0x9000004C  }
0xb2: {  	s29 =	simm.s32 $0x9;
	_ =	strace $0x8000004E  }
0xb3: {  	_ =	swait.ge [sflag:s29], $0x1  }
0xb4: {  	[sflag:s29] =	ssyncadd.s32 $0xFFFFFFFF  }
0xb5: {  	_ =	strace $0x9000004E  }
0xb6: {  	_ =	sfence  }
0xb7: {  	s30 =	sld [smem:$0x0];
	_ =	sdelay $0x2  }
0xb8: {  	s31 =	sshll.u32 s1, $0xD;
	s1 =	sshrl.u32 s1, $0x2  }
0xb9: {  	s3 =	sand.u32 $0x4000, s31;
	s1 =	sadd.s32 s1, s30  }
0xba: {  	s0 =	sor.u32 s3, s0;
	s1 =	sshll.u32 s1, $0x11  }
0xbb: {  	s0 =	sor.u32 s1, s0  }
0xbc: {  	s0 =	sadd.s32 $0x8F2B, s0  }
0xbd: {  	[sflag:s0] =	ssyncadd.remote.s32 $0x1  }
0xbe: {  	_ =	sfence.sel $0xFFFF  }
0xbf: {  	[dreg:$0x0] =	wrdreg $0xFFFFFFFF;
	(pc) =	sbr.abs _section_cstart, $3  }
0xc0: {  	[dreg:$0x1] =	wrdreg $0xFFFFFFFF  }
0xc1: {  	_ =	task.clear_ibuf [dreg:s6], $0x2FFFF;
	_ =	strace $0x9FFFFFFF  }
0xc2: {  	(tm) =	ssettm $0x7FFFFFFF  }
0xc3: {  	_ =	shalt  }
tec
execute0_lowered:
.L_overlay_start_1:
0x0: {  	(tag) =	ssettag $0x1  }
0x1: {  	s0 =	rddreg [dreg:$0x0]  }
0x2: {  	s2 =	rddreg [dreg:$0x1];
	s4 =	simm.s32 $0x0;
	s1 =	srdreg.scid  }
0x3: {  	s7 =	stileid.u32;
	s18 =	simm.s32 $0x9;
	s19 =	simm.s32 $0xD400  }
0x4: {  	s20 =	simm.s32 $0x80;
	s21 =	simm.s32 $0x5400;
	s28 =	simm.s32 $0x2  }
0x5: {  	s31 =	simm.s32 $0xB400;
	s30 =	simm.s32 $0x6;
	s29 =	simm.s32 $0x8  }
0x6: {  	s1 =	sand.u32 $0x1, s1;
	s3 =	sshll.u32 s7, $0x1;
	s5 =	smul.u32 $0xA000, s7  }
0x7: {  	[smem:$0x7FF] =	sst s4;
	s4 =	sadd.s32 $0x67200, s0;
	s7 =	smul.u32 $0x28000, s7  }
0x8: {  	s3 =	sor.u32 s1, s3;
	s6 =	smul.u32 $0xA0000, s1;
	s1 =	ssub.s32 $0x2, s1  }
0x9: {  	_ =	strace $0x8000004D;
	s3 =	smul.u32 $0xA80, s3;
	s22 =	sshrl.u32 s1, $0x1  }
0xa: {  	s7 =	sshrl.u32 s7, $0x2;
	s6 =	sadd.s32 s5, s6;
	s1 =	ssub.s32 s1, s22  }
0xb: {  	s23 =	sadd.s32 s7, s2;
	s22 =	simm.s32 $0x7;
	s3 =	sadd.s32 s3, s0  }
0xc: {  	s6 =	sshrl.u32 s6, $0x3;
	s24 =	sadd.s32 $0x1000, s23;
	s25 =	sadd.s32 $0x2000, s23  }
0xd: {  	s26 =	sadd.s32 $0x3000, s23;
	s10 =	sadd.s32 $0x4000, s23;
	s11 =	sadd.s32 $0x5000, s23  }
0xe: {  	s12 =	sadd.s32 $0x6000, s23;
	s13 =	sadd.s32 $0x7000, s23;
	s14 =	sadd.s32 $0x8000, s23  }
0xf: {  	s15 =	sadd.s32 $0x9000, s23;
	s17 =	smax.u32 s1, $0x1;
	s23 =	simm.s32 $0x7400  }
.Ltmp0:
0x10: {  	s1 =	simm.s32 $0x5;
	[dreg:$0x4] =	wrdreg s24;
	(pc) =	sbr.rel .LBB2_1-.Ltmp0, $4  }
0x11: {  	s0 =	sadd.s32 s6, s0;
	s3 =	sadd.s32 $0x2200, s3;
	[dreg:$0x5] =	wrdreg s25  }
0x12: {  	s6 =	sadd.s32 s5, s2;
	[dreg:$0x6] =	wrdreg s26;
	s24 =	simm.s32 $0x1  }
0x13: {  	s26 =	simm.s32 $0x9400;
	s25 =	simm.s32 $0x4;
	[dreg:$0x3] =	wrdreg s3  }
0x14: {  	v0 =	vimm.f32 $0.0e+00;
	s16 =	sadd.s32 $0x7B200, s0;
	s0 =	simm.s32 $0x3;
	s3 =	simm.s32 $0x0  }
.LBB2_6:
0x15: {  	_ =	swait.ge [sflag:s25], $0x2000  }
0x16: {  	[sflag:s25] =	ssyncset.done $0x0  }
0x17: {  	[sflag:s25] =	ssyncadd.s32 $0xFFFFE000  }
0x18: {  	[spmem:s2] =	stream.indirect.scatter.add.f32 [tilespmem:s31], [sflag:$0x8], $0x40, s8, s20, $0xb8;
	[tilespmem:$0x18400] =	vst v63  }
0x19: {  	_ =	swait.ge [sflag:s30], $0x2000  }
0x1a: {  	[sflag:s30] =	ssyncset.done $0x0  }
0x1b: {  	[sflag:s30] =	ssyncadd.s32 $0xFFFFE000  }
0x1c: {  	_ =	swait.ge [sflag:s22], $0x2000  }
0x1d: {  	[sflag:s22] =	ssyncset.done $0x0  }
0x1e: {  	[sflag:s22] =	ssyncadd.s32 $0xFFFFE000  }
0x1f: {  	s5 =	stileid.u32;
	_ =	swait.ge [sflag:s29], $0x2000  }
0x20: {  	s7 =	sshrl.u32 s6, $0x3;
	s3 =	sadd.s32 $0x1, s3;
	[sflag:s29] =	ssyncset.done $0x0  }
0x21: {  	s5 =	sshll.u32 s5, $0x6;
	p0 =	sne.s32 s3, s17;
	[sflag:s29] =	ssyncadd.s32 $0xFFFFE000  }
.Ltmp1:
0x22: {  	s5 =	sor.u32 $0x1C09, s5;
	[bflag:$0x0] =	sbarrier.arrive $0xFFFF;
	(pc) =	sbr.rel @!p0 .LBB2_7-.Ltmp1, $4  }
0x23: {  	[hbm:s16], [sflag:s5] =	dma.local [spmem:s7], $0x1400  }
0x24: {  	_ =	swait.ge [sflag:s18], $0x1400  }
0x25: {  	[sflag:s18] =	ssyncset.done $0x0  }
0x26: {  	[sflag:s18] =	ssyncadd.s32 $0xFFFFEC00  }
.LBB2_1:
0x27: {  	s5 =	simm.s32 $0x0;
	s7 =	rddreg [dreg:$0x3]  }
0x28: {  	[tilespmem:s5], [sflag:$0x9] =	stream.linear.gather [hbm4b:s7+s5], $0x5400, $0x38;
	[tilespmem:$0x18400] =	vst v63  }
0x29: {  	_ =	swait.ge [sflag:s18], $0x5400  }
0x2a: {  	[sflag:s18] =	ssyncset.done $0x0  }
0x2b: {  	s7 =	simm.s32 $0x100;
	s5 =	simm.s32 $0x0;
	[sflag:s18] =	ssyncadd.s32 $0xFFFFAC00  }
.LBB2_2:
0x2c: {  	p0 =	sne.s32 s7, $0x3F00;
	[tilespmem:s5+$0xD430] =	vst v0;
	s8 =	smov.u32 s7;
	s7 =	sadd.s32 $0x100, s7  }
.Ltmp2:
0x2d: {  	[tilespmem:s5+$0xD420] =	vst v0;
	(pc) =	sbr.rel @p0 .LBB2_2-.Ltmp2, $3  }
0x2e: {  	[tilespmem:s5+$0xD400] =	vst v0  }
0x2f: {  	[tilespmem:s5+$0xD410] =	vst v0;
	_ =	sdelay $0x1  }
0x30: {  	s5 =	sshra.s32 s8, $0x2  }
0x31: {  	[tilespmem:s5+$0xD430] =	vst v0  }
0x32: {  	[tilespmem:s5+$0xD420] =	vst v0  }
0x33: {  	[tilespmem:s5+$0xD400] =	vst v0  }
0x34: {  	[tilespmem:s5+$0xD410] =	vst v0  }
0x35: {  	[spmem:s6] =	stream.linear.scatter [tilespmem:s19], [sflag:$0x9], $0x1000, $0x38;
	[tilespmem:$0x18400] =	vst v63  }
0x36: {  	_ =	swait.ge [sflag:s18], $0x1000  }
0x37: {  	[sflag:s18] =	ssyncset.done $0x0  }
0x38: {  	s9 =	rddreg [dreg:$0x4];
	[sflag:s18] =	ssyncadd.s32 $0xFFFFF000  }
0x39: {  	[spmem:s9] =	stream.linear.scatter [tilespmem:s19], [sflag:$0x9], $0x1000, $0x38;
	[tilespmem:$0x18400] =	vst v63  }
0x3a: {  	_ =	swait.ge [sflag:s18], $0x1000  }
0x3b: {  	[sflag:s18] =	ssyncset.done $0x0  }
0x3c: {  	s7 =	rddreg [dreg:$0x5];
	[sflag:s18] =	ssyncadd.s32 $0xFFFFF000  }
0x3d: {  	[spmem:s7] =	stream.linear.scatter [tilespmem:s19], [sflag:$0x9], $0x1000, $0x38;
	[tilespmem:$0x18400] =	vst v63  }
0x3e: {  	_ =	swait.ge [sflag:s18], $0x1000  }
0x3f: {  	[sflag:s18] =	ssyncset.done $0x0  }
0x40: {  	s8 =	rddreg [dreg:$0x6];
	[sflag:s18] =	ssyncadd.s32 $0xFFFFF000  }
0x41: {  	[spmem:s8] =	stream.linear.scatter [tilespmem:s19], [sflag:$0x9], $0x1000, $0x38;
	[tilespmem:$0x18400] =	vst v63  }
0x42: {  	_ =	swait.ge [sflag:s18], $0x1000  }
0x43: {  	[sflag:s18] =	ssyncset.done $0x0  }
0x44: {  	[sflag:s18] =	ssyncadd.s32 $0xFFFFF000  }
0x45: {  	[spmem:s10] =	stream.linear.scatter [tilespmem:s19], [sflag:$0x9], $0x1000, $0x38;
	[tilespmem:$0x18400] =	vst v63  }
0x46: {  	_ =	swait.ge [sflag:s18], $0x1000  }
0x47: {  	[sflag:s18] =	ssyncset.done $0x0  }
0x48: {  	[sflag:s18] =	ssyncadd.s32 $0xFFFFF000  }
0x49: {  	[spmem:s11] =	stream.linear.scatter [tilespmem:s19], [sflag:$0x9], $0x1000, $0x38;
	[tilespmem:$0x18400] =	vst v63  }
0x4a: {  	_ =	swait.ge [sflag:s18], $0x1000  }
0x4b: {  	[sflag:s18] =	ssyncset.done $0x0  }
0x4c: {  	[sflag:s18] =	ssyncadd.s32 $0xFFFFF000  }
0x4d: {  	[spmem:s12] =	stream.linear.scatter [tilespmem:s19], [sflag:$0x9], $0x1000, $0x38;
	[tilespmem:$0x18400] =	vst v63  }
0x4e: {  	_ =	swait.ge [sflag:s18], $0x1000  }
0x4f: {  	[sflag:s18] =	ssyncset.done $0x0  }
0x50: {  	[sflag:s18] =	ssyncadd.s32 $0xFFFFF000  }
0x51: {  	[spmem:s13] =	stream.linear.scatter [tilespmem:s19], [sflag:$0x9], $0x1000, $0x38;
	[tilespmem:$0x18400] =	vst v63  }
0x52: {  	_ =	swait.ge [sflag:s18], $0x1000  }
0x53: {  	[sflag:s18] =	ssyncset.done $0x0  }
0x54: {  	[sflag:s18] =	ssyncadd.s32 $0xFFFFF000  }
0x55: {  	[spmem:s14] =	stream.linear.scatter [tilespmem:s19], [sflag:$0x9], $0x1000, $0x38;
	[tilespmem:$0x18400] =	vst v63  }
0x56: {  	_ =	swait.ge [sflag:s18], $0x1000  }
0x57: {  	[sflag:s18] =	ssyncset.done $0x0  }
0x58: {  	[sflag:s18] =	ssyncadd.s32 $0xFFFFF000  }
0x59: {  	[spmem:s15] =	stream.linear.scatter [tilespmem:s19], [sflag:$0x9], $0x1000, $0x38;
	[tilespmem:$0x18400] =	vst v63  }
0x5a: {  	_ =	swait.ge [sflag:s18], $0x1000  }
0x5b: {  	[sflag:s18] =	ssyncset.done $0x0  }
0x5c: {  	[sflag:s18] =	ssyncadd.s32 $0xFFFFF000  }
0x5d: {  	s5 =	simm.s32 $0x0;
	[bflag:$0x0] =	sbarrier.arrive $0xFFFF  }
0x5e: {  	[tilespmem:s21], [sflag:$0x1] =	stream.indirect.gather [hbm4b:s4+s20], $0x40, s5, s20, $0xb8;
	[tilespmem:$0x18400] =	vst v63  }
0x5f: {  	s7 =	simm.s32 $0x100  }
0x60: {  	[tilespmem:s23], [sflag:$0x2] =	stream.indirect.gather [hbm4b:s4+s20], $0x40, s7, s20, $0xb8;
	[tilespmem:$0x18400] =	vst v63  }
0x61: {  	_ =	swait.ge [sflag:s24], $0x2000  }
0x62: {  	[sflag:s24] =	ssyncset.done $0x0  }
0x63: {  	[sflag:s24] =	ssyncadd.s32 $0xFFFFE000  }
0x64: {  	[spmem:s2] =	stream.indirect.scatter.add.f32 [tilespmem:s21], [sflag:$0x5], $0x40, s20, s20, $0xb8;
	[tilespmem:$0x18400] =	vst v63  }
0x65: {  	s9 =	simm.s32 $0x200  }
0x66: {  	[tilespmem:s26], [sflag:$0x3] =	stream.indirect.gather [hbm4b:s4+s20], $0x40, s9, s20, $0xb8;
	[tilespmem:$0x18400] =	vst v63  }
0x67: {  	_ =	swait.ge [sflag:s28], $0x2000  }
0x68: {  	[sflag:s28] =	ssyncset.done $0x0  }
0x69: {  	s8 =	simm.s32 $0x180;
	[sflag:s28] =	ssyncadd.s32 $0xFFFFE000  }
0x6a: {  	[spmem:s2] =	stream.indirect.scatter.add.f32 [tilespmem:s23], [sflag:$0x6], $0x40, s8, s20, $0xb8;
	[tilespmem:$0x18400] =	vst v63  }
0x6b: {  	s9 =	simm.s32 $0x300  }
0x6c: {  	[tilespmem:s31], [sflag:$0x4] =	stream.indirect.gather [hbm4b:s4+s20], $0x40, s9, s20, $0xb8;
	[tilespmem:$0x18400] =	vst v63  }
0x6d: {  	_ =	swait.ge [sflag:s0], $0x2000  }
0x6e: {  	[sflag:s0] =	ssyncset.done $0x0  }
0x6f: {  	s8 =	simm.s32 $0x280;
	[sflag:s0] =	ssyncadd.s32 $0xFFFFE000  }
0x70: {  	[spmem:s2] =	stream.indirect.scatter.add.f32 [tilespmem:s26], [sflag:$0x7], $0x40, s8, s20, $0xb8;
	[tilespmem:$0x18400] =	vst v63  }
0x71: {  	_ =	swait.ge [sflag:s1], $0x2000  }
0x72: {  	[sflag:s1] =	ssyncset.done $0x0  }
0x73: {  	s9 =	simm.s32 $0x400;
	[sflag:s1] =	ssyncadd.s32 $0xFFFFE000  }
0x74: {  	[tilespmem:s21], [sflag:$0x1] =	stream.indirect.gather [hbm4b:s4+s20], $0x40, s9, s20, $0xb8;
	[tilespmem:$0x18400] =	vst v63  }
0x75: {  	_ =	swait.ge [sflag:s25], $0x2000  }
0x76: {  	[sflag:s25] =	ssyncset.done $0x0  }
0x77: {  	s8 =	simm.s32 $0x380;
	[sflag:s25] =	ssyncadd.s32 $0xFFFFE000  }
0x78: {  	[spmem:s2] =	stream.indirect.scatter.add.f32 [tilespmem:s31], [sflag:$0x8], $0x40, s8, s20, $0xb8;
	[tilespmem:$0x18400] =	vst v63  }
0x79: {  	_ =	swait.ge [sflag:s30], $0x2000  }
0x7a: {  	[sflag:s30] =	ssyncset.done $0x0  }
0x7b: {  	s9 =	simm.s32 $0x500;
	[sflag:s30] =	ssyncadd.s32 $0xFFFFE000  }
0x7c: {  	[tilespmem:s23], [sflag:$0x2] =	stream.indirect.gather [hbm4b:s4+s20], $0x40, s9, s20, $0xb8;
	[tilespmem:$0x18400] =	vst v63  }
.LBB2_4:
0x7d: {  	_ =	swait.ge [sflag:s24], $0x2000  }
0x7e: {  	s7 =	sshra.s32 s5, $0x2;
	[sflag:s24] =	ssyncset.done $0x0  }
0x7f: {  	s8 =	sadd.s32 $0x480, s7;
	[sflag:s24] =	ssyncadd.s32 $0xFFFFE000  }
0x80: {  	[spmem:s2] =	stream.indirect.scatter.add.f32 [tilespmem:s21], [sflag:$0x5], $0x40, s8, s20, $0xb8;
	[tilespmem:$0x18400] =	vst v63  }
0x81: {  	_ =	swait.ge [sflag:s22], $0x2000  }
0x82: {  	[sflag:s22] =	ssyncset.done $0x0  }
0x83: {  	s9 =	sadd.s32 $0x600, s7;
	[sflag:s22] =	ssyncadd.s32 $0xFFFFE000  }
0x84: {  	[tilespmem:s26], [sflag:$0x3] =	stream.indirect.gather [hbm4b:s4+s20], $0x40, s9, s20, $0xb8;
	[tilespmem:$0x18400] =	vst v63  }
0x85: {  	_ =	swait.ge [sflag:s28], $0x2000  }
0x86: {  	[sflag:s28] =	ssyncset.done $0x0  }
0x87: {  	s9 =	sadd.s32 $0x580, s7;
	[sflag:s28] =	ssyncadd.s32 $0xFFFFE000  }
0x88: {  	[spmem:s2] =	stream.indirect.scatter.add.f32 [tilespmem:s23], [sflag:$0x6], $0x40, s9, s20, $0xb8;
	[tilespmem:$0x18400] =	vst v63  }
0x89: {  	_ =	swait.ge [sflag:s29], $0x2000  }
0x8a: {  	[sflag:s29] =	ssyncset.done $0x0  }
0x8b: {  	s9 =	sadd.s32 $0x700, s7;
	[sflag:s29] =	ssyncadd.s32 $0xFFFFE000  }
0x8c: {  	[tilespmem:s31], [sflag:$0x4] =	stream.indirect.gather [hbm4b:s4+s20], $0x40, s9, s20, $0xb8;
	[tilespmem:$0x18400] =	vst v63  }
0x8d: {  	_ =	swait.ge [sflag:s0], $0x2000  }
0x8e: {  	p0 =	seq.s32 s5, $0x13000;
	[sflag:s0] =	ssyncset.done $0x0  }
.Ltmp3:
0x8f: {  	s9 =	sadd.s32 $0x680, s7;
	[sflag:s0] =	ssyncadd.s32 $0xFFFFE000;
	(pc) =	sbr.rel @p0 .LBB2_6-.Ltmp3, $4  }
0x90: {  	[spmem:s2] =	stream.indirect.scatter.add.f32 [tilespmem:s26], [sflag:$0x7], $0x40, s9, s20, $0xb8;
	[tilespmem:$0x18400] =	vst v63  }
0x91: {  	_ =	swait.ge [sflag:s1], $0x2000  }
0x92: {  	[sflag:s1] =	ssyncset.done $0x0  }
0x93: {  	s8 =	sadd.s32 $0x780, s7;
	[sflag:s1] =	ssyncadd.s32 $0xFFFFE000  }
0x94: {  	s9 =	sadd.s32 $0x800, s7  }
0x95: {  	[tilespmem:s21], [sflag:$0x1] =	stream.indirect.gather [hbm4b:s4+s20], $0x40, s9, s20, $0xb8;
	[tilespmem:$0x18400] =	vst v63  }
0x96: {  	_ =	swait.ge [sflag:s25], $0x2000  }
0x97: {  	[sflag:s25] =	ssyncset.done $0x0  }
0x98: {  	[sflag:s25] =	ssyncadd.s32 $0xFFFFE000  }
0x99: {  	[spmem:s2] =	stream.indirect.scatter.add.f32 [tilespmem:s31], [sflag:$0x8], $0x40, s8, s20, $0xb8;
	[tilespmem:$0x18400] =	vst v63  }
.Ltmp4:
0x9a: {  	_ = 	snop;
	(pc) =	sbr.rel .LBB2_4-.Ltmp4, $4  }
0x9b: {  	_ =	swait.ge [sflag:s30], $0x2000  }
0x9c: {  	[sflag:s30] =	ssyncset.done $0x0  }
0x9d: {  	s5 =	sadd.s32 $0x1000, s5;
	s9 =	sadd.s32 $0x900, s7;
	[sflag:s30] =	ssyncadd.s32 $0xFFFFE000  }
0x9e: {  	[tilespmem:s23], [sflag:$0x2] =	stream.indirect.gather [hbm4b:s4+s20], $0x40, s9, s20, $0xb8;
	[tilespmem:$0x18400] =	vst v63  }
.LBB2_7:
0x9f: {  	_ =	sfence.sel $0x180000  }
0xa0: {  	[bflag:$0x0] =	sbarrier.arrive $0xFFFF  }
0xa1: {  	_ =	strace $0x9000004D  }
0xa2: {  	s0 =	stileid.u32;
	[bflag:$0x2] =	sbarrier.arrive $0xFFFF  }
0xa3: {  	p0 =	sne.s32 s0, $0x0;
	s0 =	rddreg [dreg:$0x2]  }
0xa4: {  	s0 =	sadd.s32 @!p0 $0x100000, s0  }
0xa5: {  	[sflag:s0] =	ssyncadd.tile.s32 @!p0 $0x1;
	_ =	shalt  }
.Lfunc_end2:
_tile_overlayer_lowered:
.L_overlay_start_2:
0xa6: {  	(tag) =	ssettag $0x2  }
0xa7: {  	s0 =	rddreg [dreg:$0x0];
	s2 =	stileid.u32  }
0xa8: {  	s1 =	rddreg [dreg:$0x1];
	p0 =	sne.s32 s2, $0x0  }
0xa9: {  	s3 =	rddreg [dreg:$0x2];
	[bflag:$0x3] =	sbarrier.arrive $0xFFFF;
	s2 =	simm.s32 @!p0 $0x1C09  }
0xaa: {  	[timem:s3], [sflag:s2] =	dma.local @!p0 [hbm:s0], s1  }
0xab: {  	s0 =	simm.s32 @!p0 $0x9  }
0xac: {  	_ =	swait.ge @!p0 [sflag:s0], s1  }
0xad: {  	s1 =	ssub.s32 @!p0 $0x0, s1;
	[sflag:s0] =	ssyncset.done @!p0 $0x0  }
0xae: {  	[sflag:s0] =	ssyncadd.s32 @!p0 s1  }
0xaf: {  	[bflag:$0x3] =	sbarrier.arrive $0xFFFF  }
0xb0: {  	_ =	shalt  }

// kernel: kernel.20.cloned.1.call-start
scs
__scs_entry_jumppad:
0x0: {  	(pc) =	sbr.rel $0x88, $3  }
0x1: {  	(tag) =	ssettag $0x0;
	lr =	simm.s32 $0x1  }
0x2: {  	[smem:$0x3F94] =	sst lr;
	_ =	strace $0xD0000000  }
0x3: {  	_ = 	snop  }
0x4: {  	_ = 	snop  }
0x5: {  	_ = 	snop  }
0x6: {  	_ = 	snop  }
0x7: {  	_ = 	snop  }
__scs_overlays_trampoline_lowered:
0x8: {  	[smem:$0x3FA3] =	sst s0  }
0x9: {  	[smem:$0x3FA4] =	sst s1  }
0xa: {  	[smem:$0x3FA5] =	sst s2  }
0xb: {  	[smem:$0x3FA6] =	sst s3  }
0xc: {  	[smem:$0x3FA7] =	sst s4  }
0xd: {  	[smem:$0x3FA8] =	sst s5  }
0xe: {  	[smem:$0x3FA9] =	sst s6  }
0xf: {  	[smem:$0x3FAA] =	sst s7  }
0x10: {  	[smem:$0x3FAB] =	sst s8  }
0x11: {  	[smem:$0x3FAC] =	sst s9;
	s0 =	simm.s32 @!p0 $0x0  }
0x12: {  	s1 =	sld [smem:$0x3F92];
	s0 =	simm.s32 @p0 $0x1  }
0x13: {  	[smem:$0x3FAD] =	sst s0;
	s0 =	simm.s32 @!p1 $0x0  }
0x14: {  	s2 =	sld [smem:$0x3F91];
	s0 =	simm.s32 @p1 $0x1  }
0x15: {  	[smem:$0x3FAE] =	sst s0;
	s0 =	simm.s32 @!p2 $0x0  }
0x16: {  	s3 =	sld [smem:$0x3FDB];
	s0 =	simm.s32 @p2 $0x1  }
0x17: {  	s4 =	simm.s32 $0x1BF5;
	[smem:$0x3FB0] =	sst s0  }
0x18: {  	s0 =	sld [smem:$0x3F93];
	_ =	swait.ge [sflag:s4], $0x0  }
0x19: {  	s7 =	sld [smem:$0x3F94]  }
0x1a: {  	s8 =	sadd.s32 $0xFFFFE003, lr  }
0x1b: {  	s9 =	sadd.s32 $0xFFFFFEF7, lr;
	s5 =	simm.s32 $0xFFFFFFFF;
	p2 =	slt.u32 s8, $0xFFFFF086  }
0x1c: {  	p1 =	slt.u32 s9, $0xF7A;
	s5 =	simm.s32 @!p2 $0x0  }
0x1d: {  	s5 =	simm.s32 @p1 $0x1;
	p0 =	seq.s32 s7, s2  }
0x1e: {  	s7 =	smul.u32 @!p0 $0xF7A, s2;
	p2 =	seq.s32 @!p0 s5, $0x0  }
0x1f: {  	s9 =	smul.u32 $0xF7A, s1;
	s8 =	simm.s32 @!p0 $0x1BF5;
	p2 =	por !p2, p0  }
0x20: {  	[sflag:s8] =	ssyncset.s32 @!p0 $0xFFFFF086;
	s6 =	sadd.s32 @!p0 s3, s7;
	s7 =	simm.s32 @!p0 $0x108  }
0x21: {  	s3 =	sadd.s32 s3, s9;
	s6 =	sadd.s32 @!p0 $0x88, s6;
	s7 =	simm.s32 @p2 $0x1082  }
0x22: {  	[simem:s7], [sflag:s8] =	dma.local @!p0 [hbm:s6], $0xF7A  }
0x23: {  	s9 =	sor.u32 $0xD0000000, s2;
	s6 =	simm.s32 $0x108;
	_ =	swait.ge @!p0 [sflag:s8], $0x0  }
0x24: {  	s3 =	sadd.s32 $0x88, s3;
	s6 =	simm.s32 @!p1 $0x1082;
	[sflag:s4] =	ssyncset.s32 $0xFFFFF086  }
0x25: {  	[simem:s6], [sflag:s4] =	dma.local [hbm:s3], $0xF7A  }
0x26: {  	[smem:$0x3F94] =	sst s1;
	(tag) =	ssettag s2;
	_ =	strace s9  }
0x27: {  	s1 =	sld [smem:$0x3FA4]  }
0x28: {  	s2 =	sld [smem:$0x3FA5]  }
0x29: {  	s4 =	sld [smem:$0x3FA7]  }
0x2a: {  	p0 =	seq.s32 s5, $0x0;
	s5 =	sld [smem:$0x3FA8]  }
0x2b: {  	s6 =	sld [smem:$0x3FA9]  }
0x2c: {  	s7 =	sld [smem:$0x3FAA]  }
0x2d: {  	s3 =	simm.s32 $0x108;
	s8 =	sld [smem:$0x3FAB]  }
0x2e: {  	s3 =	simm.s32 @!p0 $0x1082;
	s9 =	sld [smem:$0x3FAC]  }
0x2f: {  	lr =	sadd.s32 s0, s3;
	s0 =	sld [smem:$0x3FA3]  }
0x30: {  	s3 =	sld [smem:$0x3FA6]  }
0x31: {  	[smem:$0x3FAF] =	sst s10  }
0x32: {  	s10 =	sld [smem:$0x3FAD];
	_ =	sdelay $0x3  }
0x33: {  	p0 =	seq.s32 s10, $0x1;
	s10 =	sld [smem:$0x3FAF];
	_ =	sdelay $0x3  }
0x34: {  	[smem:$0x3FAF] =	sst s10  }
0x35: {  	s10 =	sld [smem:$0x3FAE];
	_ =	sdelay $0x3  }
0x36: {  	p1 =	seq.s32 s10, $0x1;
	s10 =	sld [smem:$0x3FAF];
	_ =	sdelay $0x3  }
0x37: {  	[smem:$0x3FAF] =	sst s10  }
0x38: {  	s10 =	sld [smem:$0x3FB0]  }
0x39: {  	_ = 	snop;
	(pc) =	sbr.ind lr, $3  }
0x3a: {  	_ = 	snop  }
0x3b: {  	_ = 	snop  }
0x3c: {  	p2 =	seq.s32 s10, $0x1;
	s10 =	sld [smem:$0x3FAF]  }
0x3d: {  	_ =	shalt  }
0x3e: {  	_ =	shalt  }
0x3f: {  	_ =	shalt  }
0x40: {  	_ =	shalt  }
0x41: {  	_ =	shalt  }
0x42: {  	_ =	shalt  }
0x43: {  	_ =	shalt  }
0x44: {  	_ =	shalt  }
0x45: {  	_ =	shalt  }
0x46: {  	_ =	shalt  }
0x47: {  	_ =	shalt  }
0x48: {  	_ =	shalt  }
0x49: {  	_ =	shalt  }
0x4a: {  	_ =	shalt  }
0x4b: {  	_ =	shalt  }
0x4c: {  	_ =	shalt  }
0x4d: {  	_ =	shalt  }
0x4e: {  	_ =	shalt  }
0x4f: {  	_ =	shalt  }
0x50: {  	_ =	shalt  }
0x51: {  	_ =	shalt  }
0x52: {  	_ =	shalt  }
0x53: {  	_ =	shalt  }
0x54: {  	_ =	shalt  }
0x55: {  	_ =	shalt  }
0x56: {  	_ =	shalt  }
0x57: {  	_ =	shalt  }
0x58: {  	_ =	shalt  }
0x59: {  	_ =	shalt  }
0x5a: {  	_ =	shalt  }
0x5b: {  	_ =	shalt  }
0x5c: {  	_ =	shalt  }
0x5d: {  	_ =	shalt  }
0x5e: {  	_ =	shalt  }
0x5f: {  	_ =	shalt  }
0x60: {  	_ =	shalt  }
0x61: {  	_ =	shalt  }
0x62: {  	_ =	shalt  }
0x63: {  	_ =	shalt  }
0x64: {  	_ =	shalt  }
0x65: {  	_ =	shalt  }
0x66: {  	_ =	shalt  }
0x67: {  	_ =	shalt  }
0x68: {  	_ =	shalt  }
0x69: {  	_ =	shalt  }
0x6a: {  	_ =	shalt  }
0x6b: {  	_ =	shalt  }
0x6c: {  	_ =	shalt  }
0x6d: {  	_ =	shalt  }
0x6e: {  	_ =	shalt  }
0x6f: {  	_ =	shalt  }
0x70: {  	_ =	shalt  }
0x71: {  	_ =	shalt  }
0x72: {  	_ =	shalt  }
0x73: {  	_ =	shalt  }
0x74: {  	_ =	shalt  }
0x75: {  	_ =	shalt  }
0x76: {  	_ =	shalt  }
0x77: {  	_ =	shalt  }
0x78: {  	_ =	shalt  }
0x79: {  	_ =	shalt  }
0x7a: {  	_ =	shalt  }
0x7b: {  	_ =	shalt  }
0x7c: {  	_ =	shalt  }
0x7d: {  	_ =	shalt  }
0x7e: {  	_ =	shalt  }
0x7f: {  	_ =	shalt  }
0x80: {  	_ =	shalt  }
0x81: {  	_ =	shalt  }
0x82: {  	_ =	shalt  }
0x83: {  	_ =	shalt  }
0x84: {  	_ =	shalt  }
0x85: {  	_ =	shalt  }
0x86: {  	_ =	shalt  }
0x87: {  	_ =	shalt  }
.Lfunc_end0:
.L_simem_size_0:
called_computation.3_lowered:
.L_overlay_start_0:
0x88: {  	s2 =	sld [smem:$0x3FD9]  }
0x89: {  	s3 =	sld [smem:$0x3FFE];
	_ =	sdelay $0x1  }
0x8a: {  	s1 =	srdreg.scid  }
0x8b: {  	s0 =	sand.u32 $0x1, s1  }
0x8c: {  	s16 =	sshll.u32 s0, $0xA;
	s2 =	sadd.s32 s3, s2  }
0x8d: {  	s2 =	sadd.s32 s2, s16  }
0x8e: {  	[smem:$0x3FBB] =	sst s2  }
0x8f: {  	_ = 	snop  }
0x90: {  	(tm) =	ssettm $0x1  }
0x91: {  	s17 =	sld [smem:$0x3FFB];
	_ =	sdelay $0x3  }
0x92: {  	_ =	strace s17  }
0x93: {  	s2 =	sld [smem:$0x3FFC];
	_ =	sdelay $0x3  }
0x94: {  	_ =	strace s2  }
0x95: {  	s2 =	sld [smem:$0x3FFD];
	_ =	sdelay $0x3  }
0x96: {  	_ =	strace s2  }
0x97: {  	_ =	strace $0x8FFFFFFF  }
0x98: {  	s18 =	sld [smem:$0x3FDB];
	_ =	sdelay $0x1  }
0x99: {  	s19 =	simm.s32 $_scs_section_size  }
0x9a: {  	s4 =	simm.s32 $_size__tile_overlayer_lowered;
	s5 =	simm.s32 $_tile_overlayer_lowered  }
0x9b: {  	s22 =	simm.s32 $0x1BFF;
	s21 =	sshll.u32 s5, $0x1;
	s2 =	sadd.s32 s19, s18  }
0x9c: {  	s6 =	simm.s32 $0x0;
	s20 =	sshll.u32 s4, $0x1;
	s4 =	sadd.s32 s21, s2  }
0x9d: {  	[timem:s6], [sflag:s22] =	dma.local [hbm:s4], s20  }
0x9e: {  	_ =	swait.ge [sflag:s22], s20  }
0x9f: {  	s3 =	ssub.s32 $0x0, s20;
	[sflag:s22] =	ssyncset.done $0x0  }
0xa0: {  	[sflag:s22] =	ssyncadd.s32 s3;
	_ =	sdelay $0x1  }
0xa1: {  	s23 =	simm.s32 $0x1B8B  }
0xa2: {  	_ =	swait.ge [sflag:s23], $0x1  }
0xa3: {  	[sflag:s23] =	ssyncset.done $0x0  }
0xa4: {  	s25 =	simm.s32 $0x1B8E;
	s24 =	sld [smem:$0x3FFE];
	[sflag:s23] =	ssyncadd.s32 $0xFFFFFFFF  }
0xa5: {  	s26 =	simm.s32 $execute0_lowered;
	[smem:$0x3FD2] =	sst s25  }
0xa6: {  	s4 =	sshll.u32 s26, $0x1;
	_ =	strace $0x8000004F;
	[dreg:$0x1] =	wrdreg $0xFFFFFFFF  }
0xa7: {  	s28 =	simm.s32 $_size_execute0_lowered;
	s2 =	sadd.s32 s2, s4;
	[dreg:$0x0] =	wrdreg $0x0  }
0xa8: {  	s4 =	sshll.u32 s28, $0x1;
	[dreg:$0x2] =	wrdreg s2  }
0xa9: {  	[dreg:$0x3] =	wrdreg s4  }
0xaa: {  	[dreg:$0x4] =	wrdreg $0xC0  }
0xab: {  	_ =	task [dreg:s6], $0x5FFFF  }
0xac: {  	[dreg:$0x1] =	wrdreg $0xFFFFFFFF  }
0xad: {  	[dreg:$0x0] =	wrdreg $0x60  }
0xae: {  	[dreg:$0x2] =	wrdreg s24  }
0xaf: {  	[dreg:$0x3] =	wrdreg $0xE4000  }
0xb0: {  	[dreg:$0x4] =	wrdreg $0x9  }
0xb1: {  	_ =	task.clear_ibuf [dreg:s6], $0x5FFFF;
	_ =	strace $0x9000004F  }
0xb2: {  	s29 =	simm.s32 $0x9;
	_ =	strace $0x80000051  }
0xb3: {  	_ =	swait.ge [sflag:s29], $0x1  }
0xb4: {  	[sflag:s29] =	ssyncadd.s32 $0xFFFFFFFF  }
0xb5: {  	_ =	strace $0x90000051  }
0xb6: {  	_ =	sfence  }
0xb7: {  	s30 =	sld [smem:$0x0];
	_ =	sdelay $0x2  }
0xb8: {  	s31 =	sshll.u32 s1, $0xD;
	s1 =	sshrl.u32 s1, $0x2  }
0xb9: {  	s3 =	sand.u32 $0x4000, s31;
	s1 =	sadd.s32 s1, s30  }
0xba: {  	s0 =	sor.u32 s3, s0;
	s1 =	sshll.u32 s1, $0x11  }
0xbb: {  	s0 =	sor.u32 s1, s0  }
0xbc: {  	s0 =	sadd.s32 $0x8F2B, s0  }
0xbd: {  	[sflag:s0] =	ssyncadd.remote.s32 $0x1  }
0xbe: {  	_ =	sfence.sel $0xFFFF  }
0xbf: {  	[dreg:$0x0] =	wrdreg $0xFFFFFFFF;
	(pc) =	sbr.abs _section_cstart, $3  }
0xc0: {  	[dreg:$0x1] =	wrdreg $0xFFFFFFFF  }
0xc1: {  	_ =	task.clear_ibuf [dreg:s6], $0x2FFFF;
	_ =	strace $0x9FFFFFFF  }
0xc2: {  	(tm) =	ssettm $0x7FFFFFFF  }
0xc3: {  	_ =	shalt  }
tec
execute0_lowered:
.L_overlay_start_1:
0x0: {  	(tag) =	ssettag $0x1  }
0x1: {  	s0 =	rddreg [dreg:$0x0]  }
0x2: {  	s2 =	rddreg [dreg:$0x1];
	s4 =	simm.s32 $0x0;
	s1 =	srdreg.scid  }
0x3: {  	s7 =	stileid.u32;
	s18 =	simm.s32 $0x9;
	s19 =	simm.s32 $0xD400  }
0x4: {  	s20 =	simm.s32 $0x80;
	s21 =	simm.s32 $0x5400;
	s28 =	simm.s32 $0x2  }
0x5: {  	s31 =	simm.s32 $0xB400;
	s30 =	simm.s32 $0x6;
	s29 =	simm.s32 $0x8  }
0x6: {  	s1 =	sand.u32 $0x1, s1;
	s3 =	sshll.u32 s7, $0x1;
	s5 =	smul.u32 $0xA000, s7  }
0x7: {  	[smem:$0x7FF] =	sst s4;
	s4 =	sadd.s32 $0x67200, s0;
	s7 =	smul.u32 $0x28000, s7  }
0x8: {  	s3 =	sor.u32 s1, s3;
	s6 =	smul.u32 $0xA0000, s1;
	s1 =	ssub.s32 $0x2, s1  }
0x9: {  	_ =	strace $0x80000050;
	s3 =	smul.u32 $0xA80, s3;
	s22 =	sshrl.u32 s1, $0x1  }
0xa: {  	s7 =	sshrl.u32 s7, $0x2;
	s6 =	sadd.s32 s5, s6;
	s1 =	ssub.s32 s1, s22  }
0xb: {  	s23 =	sadd.s32 s7, s2;
	s22 =	simm.s32 $0x7;
	s3 =	sadd.s32 s3, s0  }
0xc: {  	s6 =	sshrl.u32 s6, $0x3;
	s24 =	sadd.s32 $0x1000, s23;
	s25 =	sadd.s32 $0x2000, s23  }
0xd: {  	s26 =	sadd.s32 $0x3000, s23;
	s10 =	sadd.s32 $0x4000, s23;
	s11 =	sadd.s32 $0x5000, s23  }
0xe: {  	s12 =	sadd.s32 $0x6000, s23;
	s13 =	sadd.s32 $0x7000, s23;
	s14 =	sadd.s32 $0x8000, s23  }
0xf: {  	s15 =	sadd.s32 $0x9000, s23;
	s17 =	smax.u32 s1, $0x1;
	s23 =	simm.s32 $0x7400  }
.Ltmp0:
0x10: {  	s1 =	simm.s32 $0x5;
	[dreg:$0x4] =	wrdreg s24;
	(pc) =	sbr.rel .LBB2_1-.Ltmp0, $4  }
0x11: {  	s0 =	sadd.s32 s6, s0;
	s3 =	sadd.s32 $0x2200, s3;
	[dreg:$0x5] =	wrdreg s25  }
0x12: {  	s6 =	sadd.s32 s5, s2;
	[dreg:$0x6] =	wrdreg s26;
	s24 =	simm.s32 $0x1  }
0x13: {  	s26 =	simm.s32 $0x9400;
	s25 =	simm.s32 $0x4;
	[dreg:$0x3] =	wrdreg s3  }
0x14: {  	v0 =	vimm.f32 $0.0e+00;
	s16 =	sadd.s32 $0x7B200, s0;
	s0 =	simm.s32 $0x3;
	s3 =	simm.s32 $0x0  }
.LBB2_6:
0x15: {  	_ =	swait.ge [sflag:s25], $0x2000  }
0x16: {  	[sflag:s25] =	ssyncset.done $0x0  }
0x17: {  	[sflag:s25] =	ssyncadd.s32 $0xFFFFE000  }
0x18: {  	[spmem:s2] =	stream.indirect.scatter.add.f32 [tilespmem:s31], [sflag:$0x8], $0x40, s8, s20, $0xb8;
	[tilespmem:$0x18400] =	vst v63  }
0x19: {  	_ =	swait.ge [sflag:s30], $0x2000  }
0x1a: {  	[sflag:s30] =	ssyncset.done $0x0  }
0x1b: {  	[sflag:s30] =	ssyncadd.s32 $0xFFFFE000  }
0x1c: {  	_ =	swait.ge [sflag:s22], $0x2000  }
0x1d: {  	[sflag:s22] =	ssyncset.done $0x0  }
0x1e: {  	[sflag:s22] =	ssyncadd.s32 $0xFFFFE000  }
0x1f: {  	s5 =	stileid.u32;
	_ =	swait.ge [sflag:s29], $0x2000  }
0x20: {  	s7 =	sshrl.u32 s6, $0x3;
	s3 =	sadd.s32 $0x1, s3;
	[sflag:s29] =	ssyncset.done $0x0  }
0x21: {  	s5 =	sshll.u32 s5, $0x6;
	p0 =	sne.s32 s3, s17;
	[sflag:s29] =	ssyncadd.s32 $0xFFFFE000  }
.Ltmp1:
0x22: {  	s5 =	sor.u32 $0x1C09, s5;
	[bflag:$0x0] =	sbarrier.arrive $0xFFFF;
	(pc) =	sbr.rel @!p0 .LBB2_7-.Ltmp1, $4  }
0x23: {  	[hbm:s16], [sflag:s5] =	dma.local [spmem:s7], $0x1400  }
0x24: {  	_ =	swait.ge [sflag:s18], $0x1400  }
0x25: {  	[sflag:s18] =	ssyncset.done $0x0  }
0x26: {  	[sflag:s18] =	ssyncadd.s32 $0xFFFFEC00  }
.LBB2_1:
0x27: {  	s5 =	simm.s32 $0x0;
	s7 =	rddreg [dreg:$0x3]  }
0x28: {  	[tilespmem:s5], [sflag:$0x9] =	stream.linear.gather [hbm4b:s7+s5], $0x5400, $0x38;
	[tilespmem:$0x18400] =	vst v63  }
0x29: {  	_ =	swait.ge [sflag:s18], $0x5400  }
0x2a: {  	[sflag:s18] =	ssyncset.done $0x0  }
0x2b: {  	s7 =	simm.s32 $0x100;
	s5 =	simm.s32 $0x0;
	[sflag:s18] =	ssyncadd.s32 $0xFFFFAC00  }
.LBB2_2:
0x2c: {  	p0 =	sne.s32 s7, $0x3F00;
	[tilespmem:s5+$0xD430] =	vst v0;
	s8 =	smov.u32 s7;
	s7 =	sadd.s32 $0x100, s7  }
.Ltmp2:
0x2d: {  	[tilespmem:s5+$0xD420] =	vst v0;
	(pc) =	sbr.rel @p0 .LBB2_2-.Ltmp2, $3  }
0x2e: {  	[tilespmem:s5+$0xD400] =	vst v0  }
0x2f: {  	[tilespmem:s5+$0xD410] =	vst v0;
	_ =	sdelay $0x1  }
0x30: {  	s5 =	sshra.s32 s8, $0x2  }
0x31: {  	[tilespmem:s5+$0xD430] =	vst v0  }
0x32: {  	[tilespmem:s5+$0xD420] =	vst v0  }
0x33: {  	[tilespmem:s5+$0xD400] =	vst v0  }
0x34: {  	[tilespmem:s5+$0xD410] =	vst v0  }
0x35: {  	[spmem:s6] =	stream.linear.scatter [tilespmem:s19], [sflag:$0x9], $0x1000, $0x38;
	[tilespmem:$0x18400] =	vst v63  }
0x36: {  	_ =	swait.ge [sflag:s18], $0x1000  }
0x37: {  	[sflag:s18] =	ssyncset.done $0x0  }
0x38: {  	s9 =	rddreg [dreg:$0x4];
	[sflag:s18] =	ssyncadd.s32 $0xFFFFF000  }
0x39: {  	[spmem:s9] =	stream.linear.scatter [tilespmem:s19], [sflag:$0x9], $0x1000, $0x38;
	[tilespmem:$0x18400] =	vst v63  }
0x3a: {  	_ =	swait.ge [sflag:s18], $0x1000  }
0x3b: {  	[sflag:s18] =	ssyncset.done $0x0  }
0x3c: {  	s7 =	rddreg [dreg:$0x5];
	[sflag:s18] =	ssyncadd.s32 $0xFFFFF000  }
0x3d: {  	[spmem:s7] =	stream.linear.scatter [tilespmem:s19], [sflag:$0x9], $0x1000, $0x38;
	[tilespmem:$0x18400] =	vst v63  }
0x3e: {  	_ =	swait.ge [sflag:s18], $0x1000  }
0x3f: {  	[sflag:s18] =	ssyncset.done $0x0  }
0x40: {  	s8 =	rddreg [dreg:$0x6];
	[sflag:s18] =	ssyncadd.s32 $0xFFFFF000  }
0x41: {  	[spmem:s8] =	stream.linear.scatter [tilespmem:s19], [sflag:$0x9], $0x1000, $0x38;
	[tilespmem:$0x18400] =	vst v63  }
0x42: {  	_ =	swait.ge [sflag:s18], $0x1000  }
0x43: {  	[sflag:s18] =	ssyncset.done $0x0  }
0x44: {  	[sflag:s18] =	ssyncadd.s32 $0xFFFFF000  }
0x45: {  	[spmem:s10] =	stream.linear.scatter [tilespmem:s19], [sflag:$0x9], $0x1000, $0x38;
	[tilespmem:$0x18400] =	vst v63  }
0x46: {  	_ =	swait.ge [sflag:s18], $0x1000  }
0x47: {  	[sflag:s18] =	ssyncset.done $0x0  }
0x48: {  	[sflag:s18] =	ssyncadd.s32 $0xFFFFF000  }
0x49: {  	[spmem:s11] =	stream.linear.scatter [tilespmem:s19], [sflag:$0x9], $0x1000, $0x38;
	[tilespmem:$0x18400] =	vst v63  }
0x4a: {  	_ =	swait.ge [sflag:s18], $0x1000  }
0x4b: {  	[sflag:s18] =	ssyncset.done $0x0  }
0x4c: {  	[sflag:s18] =	ssyncadd.s32 $0xFFFFF000  }
0x4d: {  	[spmem:s12] =	stream.linear.scatter [tilespmem:s19], [sflag:$0x9], $0x1000, $0x38;
	[tilespmem:$0x18400] =	vst v63  }
0x4e: {  	_ =	swait.ge [sflag:s18], $0x1000  }
0x4f: {  	[sflag:s18] =	ssyncset.done $0x0  }
0x50: {  	[sflag:s18] =	ssyncadd.s32 $0xFFFFF000  }
0x51: {  	[spmem:s13] =	stream.linear.scatter [tilespmem:s19], [sflag:$0x9], $0x1000, $0x38;
	[tilespmem:$0x18400] =	vst v63  }
0x52: {  	_ =	swait.ge [sflag:s18], $0x1000  }
0x53: {  	[sflag:s18] =	ssyncset.done $0x0  }
0x54: {  	[sflag:s18] =	ssyncadd.s32 $0xFFFFF000  }
0x55: {  	[spmem:s14] =	stream.linear.scatter [tilespmem:s19], [sflag:$0x9], $0x1000, $0x38;
	[tilespmem:$0x18400] =	vst v63  }
0x56: {  	_ =	swait.ge [sflag:s18], $0x1000  }
0x57: {  	[sflag:s18] =	ssyncset.done $0x0  }
0x58: {  	[sflag:s18] =	ssyncadd.s32 $0xFFFFF000  }
0x59: {  	[spmem:s15] =	stream.linear.scatter [tilespmem:s19], [sflag:$0x9], $0x1000, $0x38;
	[tilespmem:$0x18400] =	vst v63  }
0x5a: {  	_ =	swait.ge [sflag:s18], $0x1000  }
0x5b: {  	[sflag:s18] =	ssyncset.done $0x0  }
0x5c: {  	[sflag:s18] =	ssyncadd.s32 $0xFFFFF000  }
0x5d: {  	s5 =	simm.s32 $0x0;
	[bflag:$0x0] =	sbarrier.arrive $0xFFFF  }
0x5e: {  	[tilespmem:s21], [sflag:$0x1] =	stream.indirect.gather [hbm4b:s4+s20], $0x40, s5, s20, $0xb8;
	[tilespmem:$0x18400] =	vst v63  }
0x5f: {  	s7 =	simm.s32 $0x100  }
0x60: {  	[tilespmem:s23], [sflag:$0x2] =	stream.indirect.gather [hbm4b:s4+s20], $0x40, s7, s20, $0xb8;
	[tilespmem:$0x18400] =	vst v63  }
0x61: {  	_ =	swait.ge [sflag:s24], $0x2000  }
0x62: {  	[sflag:s24] =	ssyncset.done $0x0  }
0x63: {  	[sflag:s24] =	ssyncadd.s32 $0xFFFFE000  }
0x64: {  	[spmem:s2] =	stream.indirect.scatter.add.f32 [tilespmem:s21], [sflag:$0x5], $0x40, s20, s20, $0xb8;
	[tilespmem:$0x18400] =	vst v63  }
0x65: {  	s9 =	simm.s32 $0x200  }
0x66: {  	[tilespmem:s26], [sflag:$0x3] =	stream.indirect.gather [hbm4b:s4+s20], $0x40, s9, s20, $0xb8;
	[tilespmem:$0x18400] =	vst v63  }
0x67: {  	_ =	swait.ge [sflag:s28], $0x2000  }
0x68: {  	[sflag:s28] =	ssyncset.done $0x0  }
0x69: {  	s8 =	simm.s32 $0x180;
	[sflag:s28] =	ssyncadd.s32 $0xFFFFE000  }
0x6a: {  	[spmem:s2] =	stream.indirect.scatter.add.f32 [tilespmem:s23], [sflag:$0x6], $0x40, s8, s20, $0xb8;
	[tilespmem:$0x18400] =	vst v63  }
0x6b: {  	s9 =	simm.s32 $0x300  }
0x6c: {  	[tilespmem:s31], [sflag:$0x4] =	stream.indirect.gather [hbm4b:s4+s20], $0x40, s9, s20, $0xb8;
	[tilespmem:$0x18400] =	vst v63  }
0x6d: {  	_ =	swait.ge [sflag:s0], $0x2000  }
0x6e: {  	[sflag:s0] =	ssyncset.done $0x0  }
0x6f: {  	s8 =	simm.s32 $0x280;
	[sflag:s0] =	ssyncadd.s32 $0xFFFFE000  }
0x70: {  	[spmem:s2] =	stream.indirect.scatter.add.f32 [tilespmem:s26], [sflag:$0x7], $0x40, s8, s20, $0xb8;
	[tilespmem:$0x18400] =	vst v63  }
0x71: {  	_ =	swait.ge [sflag:s1], $0x2000  }
0x72: {  	[sflag:s1] =	ssyncset.done $0x0  }
0x73: {  	s9 =	simm.s32 $0x400;
	[sflag:s1] =	ssyncadd.s32 $0xFFFFE000  }
0x74: {  	[tilespmem:s21], [sflag:$0x1] =	stream.indirect.gather [hbm4b:s4+s20], $0x40, s9, s20, $0xb8;
	[tilespmem:$0x18400] =	vst v63  }
0x75: {  	_ =	swait.ge [sflag:s25], $0x2000  }
0x76: {  	[sflag:s25] =	ssyncset.done $0x0  }
0x77: {  	s8 =	simm.s32 $0x380;
	[sflag:s25] =	ssyncadd.s32 $0xFFFFE000  }
0x78: {  	[spmem:s2] =	stream.indirect.scatter.add.f32 [tilespmem:s31], [sflag:$0x8], $0x40, s8, s20, $0xb8;
	[tilespmem:$0x18400] =	vst v63  }
0x79: {  	_ =	swait.ge [sflag:s30], $0x2000  }
0x7a: {  	[sflag:s30] =	ssyncset.done $0x0  }
0x7b: {  	s9 =	simm.s32 $0x500;
	[sflag:s30] =	ssyncadd.s32 $0xFFFFE000  }
0x7c: {  	[tilespmem:s23], [sflag:$0x2] =	stream.indirect.gather [hbm4b:s4+s20], $0x40, s9, s20, $0xb8;
	[tilespmem:$0x18400] =	vst v63  }
.LBB2_4:
0x7d: {  	_ =	swait.ge [sflag:s24], $0x2000  }
0x7e: {  	s7 =	sshra.s32 s5, $0x2;
	[sflag:s24] =	ssyncset.done $0x0  }
0x7f: {  	s8 =	sadd.s32 $0x480, s7;
	[sflag:s24] =	ssyncadd.s32 $0xFFFFE000  }
0x80: {  	[spmem:s2] =	stream.indirect.scatter.add.f32 [tilespmem:s21], [sflag:$0x5], $0x40, s8, s20, $0xb8;
	[tilespmem:$0x18400] =	vst v63  }
0x81: {  	_ =	swait.ge [sflag:s22], $0x2000  }
0x82: {  	[sflag:s22] =	ssyncset.done $0x0  }
0x83: {  	s9 =	sadd.s32 $0x600, s7;
	[sflag:s22] =	ssyncadd.s32 $0xFFFFE000  }
0x84: {  	[tilespmem:s26], [sflag:$0x3] =	stream.indirect.gather [hbm4b:s4+s20], $0x40, s9, s20, $0xb8;
	[tilespmem:$0x18400] =	vst v63  }
0x85: {  	_ =	swait.ge [sflag:s28], $0x2000  }
0x86: {  	[sflag:s28] =	ssyncset.done $0x0  }
0x87: {  	s9 =	sadd.s32 $0x580, s7;
	[sflag:s28] =	ssyncadd.s32 $0xFFFFE000  }
0x88: {  	[spmem:s2] =	stream.indirect.scatter.add.f32 [tilespmem:s23], [sflag:$0x6], $0x40, s9, s20, $0xb8;
	[tilespmem:$0x18400] =	vst v63  }
0x89: {  	_ =	swait.ge [sflag:s29], $0x2000  }
0x8a: {  	[sflag:s29] =	ssyncset.done $0x0  }
0x8b: {  	s9 =	sadd.s32 $0x700, s7;
	[sflag:s29] =	ssyncadd.s32 $0xFFFFE000  }
0x8c: {  	[tilespmem:s31], [sflag:$0x4] =	stream.indirect.gather [hbm4b:s4+s20], $0x40, s9, s20, $0xb8;
	[tilespmem:$0x18400] =	vst v63  }
0x8d: {  	_ =	swait.ge [sflag:s0], $0x2000  }
0x8e: {  	p0 =	seq.s32 s5, $0x13000;
	[sflag:s0] =	ssyncset.done $0x0  }
.Ltmp3:
0x8f: {  	s9 =	sadd.s32 $0x680, s7;
	[sflag:s0] =	ssyncadd.s32 $0xFFFFE000;
	(pc) =	sbr.rel @p0 .LBB2_6-.Ltmp3, $4  }
0x90: {  	[spmem:s2] =	stream.indirect.scatter.add.f32 [tilespmem:s26], [sflag:$0x7], $0x40, s9, s20, $0xb8;
	[tilespmem:$0x18400] =	vst v63  }
0x91: {  	_ =	swait.ge [sflag:s1], $0x2000  }
0x92: {  	[sflag:s1] =	ssyncset.done $0x0  }
0x93: {  	s8 =	sadd.s32 $0x780, s7;
	[sflag:s1] =	ssyncadd.s32 $0xFFFFE000  }
0x94: {  	s9 =	sadd.s32 $0x800, s7  }
0x95: {  	[tilespmem:s21], [sflag:$0x1] =	stream.indirect.gather [hbm4b:s4+s20], $0x40, s9, s20, $0xb8;
	[tilespmem:$0x18400] =	vst v63  }
0x96: {  	_ =	swait.ge [sflag:s25], $0x2000  }
0x97: {  	[sflag:s25] =	ssyncset.done $0x0  }
0x98: {  	[sflag:s25] =	ssyncadd.s32 $0xFFFFE000  }
0x99: {  	[spmem:s2] =	stream.indirect.scatter.add.f32 [tilespmem:s31], [sflag:$0x8], $0x40, s8, s20, $0xb8;
	[tilespmem:$0x18400] =	vst v63  }
.Ltmp4:
0x9a: {  	_ = 	snop;
	(pc) =	sbr.rel .LBB2_4-.Ltmp4, $4  }
0x9b: {  	_ =	swait.ge [sflag:s30], $0x2000  }
0x9c: {  	[sflag:s30] =	ssyncset.done $0x0  }
0x9d: {  	s5 =	sadd.s32 $0x1000, s5;
	s9 =	sadd.s32 $0x900, s7;
	[sflag:s30] =	ssyncadd.s32 $0xFFFFE000  }
0x9e: {  	[tilespmem:s23], [sflag:$0x2] =	stream.indirect.gather [hbm4b:s4+s20], $0x40, s9, s20, $0xb8;
	[tilespmem:$0x18400] =	vst v63  }
.LBB2_7:
0x9f: {  	_ =	sfence.sel $0x180000  }
0xa0: {  	[bflag:$0x0] =	sbarrier.arrive $0xFFFF  }
0xa1: {  	_ =	strace $0x90000050  }
0xa2: {  	s0 =	stileid.u32;
	[bflag:$0x2] =	sbarrier.arrive $0xFFFF  }
0xa3: {  	p0 =	sne.s32 s0, $0x0;
	s0 =	rddreg [dreg:$0x2]  }
0xa4: {  	s0 =	sadd.s32 @!p0 $0x100000, s0  }
0xa5: {  	[sflag:s0] =	ssyncadd.tile.s32 @!p0 $0x1;
	_ =	shalt  }
.Lfunc_end2:
_tile_overlayer_lowered:
.L_overlay_start_2:
0xa6: {  	(tag) =	ssettag $0x2  }
0xa7: {  	s0 =	rddreg [dreg:$0x0];
	s2 =	stileid.u32  }
0xa8: {  	s1 =	rddreg [dreg:$0x1];
	p0 =	sne.s32 s2, $0x0  }
0xa9: {  	s3 =	rddreg [dreg:$0x2];
	[bflag:$0x3] =	sbarrier.arrive $0xFFFF;
	s2 =	simm.s32 @!p0 $0x1C09  }
0xaa: {  	[timem:s3], [sflag:s2] =	dma.local @!p0 [hbm:s0], s1  }
0xab: {  	s0 =	simm.s32 @!p0 $0x9  }
0xac: {  	_ =	swait.ge @!p0 [sflag:s0], s1  }
0xad: {  	s1 =	ssub.s32 @!p0 $0x0, s1;
	[sflag:s0] =	ssyncset.done @!p0 $0x0  }
0xae: {  	[sflag:s0] =	ssyncadd.s32 @!p0 s1  }
0xaf: {  	[bflag:$0x3] =	sbarrier.arrive $0xFFFF  }
0xb0: {  	_ =	shalt  }

</sc_bundles>
